<compile_context>
chip_gen: v7x
topology: tpu7x:2x2x1
jax: 0.10.2.dev20260603
libtpu: 0.0.44.dev20260713+nightly
codegen_flags: <defaults>
</compile_context>

<pallas_src>
import functools

import jax
import jax.numpy as jnp
from jax import lax
from jax.experimental import pallas as pl
from jax.experimental.pallas import tpu as pltpu
from jax.experimental.pallas import tpu_sc as plsc

_HIDDEN = 32
_ROWS = 1024
_GROUPS = 32
_BLK = 128
_GPB = _BLK // _HIDDEN
_NCB = _GROUPS // _GPB
_NRS = 32 // _NCB
_RSEG = _ROWS // _NRS
_RCHUNK = 32
_NCHUNK = _RSEG // _RCHUNK
_NBUF = 5

_BLKQ = (0, 7, 15, 23)
_OFFQ = (0, 96, 64, 32)


@functools.partial(
    pl.kernel,
    mesh=plsc.VectorSubcoreMesh(core_axis_name="c", subcore_axis_name="s"),
    out_type=jax.ShapeDtypeStruct((_ROWS, _GROUPS * _HIDDEN), jnp.float32),
    scratch_types=[
        pltpu.VMEM((_NBUF, _GPB, _RCHUNK, _BLK), jnp.float32),
        pltpu.VMEM((_NBUF, _RCHUNK, _BLK), jnp.float32),
        pltpu.SemaphoreType.DMA,
        pltpu.SemaphoreType.DMA,
    ],
)
def _gather_kernel(in_hbm, out_hbm, inb_v, outb_v, insem, outsem):
    wid = lax.axis_index("s") * 2 + lax.axis_index("c")
    t = wid % _NCB
    rbase = (wid // _NCB) * _RSEG
    tcol = pl.multiple_of(t * _BLK, _BLK)
    zscale = jnp.broadcast_to(
        jnp.where(t == 0, jnp.float32(0.0), jnp.float32(1.0)), (16,))

    def fire_in(c, slot):
        r0 = pl.multiple_of(rbase + c * _RCHUNK, _RCHUNK)
        cps = []
        for q in range(_GPB):
            col = pl.multiple_of((31 * t + _BLKQ[q]) * _BLK, _BLK)
            cps.append(pltpu.async_copy(
                in_hbm.at[pl.ds(r0, _RCHUNK), pl.ds(col, _BLK)],
                inb_v.at[slot, q], insem))
        return cps

    in_cps = [None] * _NBUF
    out_cps = [None] * _NBUF
    for p in range(_NBUF - 1):
        in_cps[p] = fire_in(p, p)
    for c in range(_NCHUNK):
        slot = c % _NBUF
        for cp in in_cps[slot]:
            cp.wait()
        if c + _NBUF - 1 < _NCHUNK:
            nxt = (c + _NBUF - 1) % _NBUF
            in_cps[nxt] = fire_in(c + _NBUF - 1, nxt)
        if out_cps[slot] is not None:
            out_cps[slot].wait()

        @plsc.parallel_loop(0, _RCHUNK, 1, unroll=4)
        def _row(i, slot=slot):
            for q in range(_GPB):
                off = _OFFQ[q]
                lo = inb_v[slot, q, i, pl.ds(off, 16)]
                hi = inb_v[slot, q, i, pl.ds(off + 16, 16)]
                if q == 0:
                    lo = lo * zscale
                    hi = hi * zscale
                outb_v[slot, i, pl.ds(q * _HIDDEN, 16)] = lo
                outb_v[slot, i, pl.ds(q * _HIDDEN + 16, 16)] = hi

        r0 = pl.multiple_of(rbase + c * _RCHUNK, _RCHUNK)
        out_cps[slot] = pltpu.async_copy(
            outb_v.at[slot],
            out_hbm.at[pl.ds(r0, _RCHUNK), pl.ds(tcol, _BLK)], outsem)
    for cp in out_cps:
        if cp is not None:
            cp.wait()


def kernel(inputs):
    return _gather_kernel(inputs)

# --- scband reference (transcript-rebuilt; emitter-appended) ---
"""Pipeline reference for scband-intermediate-action-input-layer-56556129353906 (READ-ONLY COPY).

The authoritative reference and input builder live on the scoring server;
editing this copy changes nothing except your own understanding.
"""

import jax, jax.numpy as jnp
import numpy as np

HIDDEN = 32
REL_IDS = [-1, 31, 62, 93, 124, 155, 186, 217, 248, 279, 310, 341, 372, 403, 434, 465, 496, 527, 558, 589, 620, 651, 682, 713, 744, 775, 806, 837, 868, 899, 930, 961]


def setup_inputs(seed: int = 0) -> dict:
    key = jax.random.key(seed)
    inputs = jax.random.normal(key, (1024, 32000), dtype=jnp.float32)
    return {"inputs": inputs}


def reference(inputs):
    related_outputs = []
    for index in REL_IDS:
        if index == -1:
            shape_like = inputs[:, 0:HIDDEN]
            related_outputs.append(jnp.zeros_like(shape_like))
        else:
            related_outputs.append(inputs[:, HIDDEN * index:HIDDEN * (index + 1)])
    if len(related_outputs) > 1:
        return jnp.concatenate(related_outputs, axis=-1)
    else:
        return related_outputs[0]

if __name__ == "__main__":
    import jax
    _d = setup_inputs()
    print(jax.jit(kernel)(*tuple(_d.values())))

</pallas_src>

<mosaic_0001>
#map = affine_map<(d0, d1) -> (0, 0)>
module attributes {stable_mosaic.version = 14 : i64} {
  func.func @_gather_kernel(%arg0: i32, %arg1: i32, %arg2: memref<1024x32000xf32, #tpu.memory_space<hbm>>, %arg3: memref<1024x1024xf32, #tpu.memory_space<hbm>>, %arg4: memref<5x4x32x128xf32, #tpu.memory_space<vmem>>, %arg5: memref<5x32x128xf32, #tpu.memory_space<vmem>>, %arg6: memref<!tpu.dma_semaphore, #tpu.memory_space<semaphore_mem>>, %arg7: memref<!tpu.dma_semaphore, #tpu.memory_space<semaphore_mem>>) attributes {dimension_semantics = [#tpu.dimension_semantics<core_parallel>, #tpu.dimension_semantics<subcore_parallel>], iteration_bounds = array<i64: 2, 16>, scalar_prefetch = 0 : i64, scratch_operands = 4 : i64, tpu.core_type = #tpu.core_type<sc_vector_subcore>, window_params = [{transform_indices = #map}, {transform_indices = #map}]} {
    %mul3A = arith.constant 2 : i32
    %mul3A_0 = arith.muli %arg1, %mul3A : i32
    %add3A = arith.addi %mul3A_0, %arg0 : i32
    %jit3A = arith.constant 8 : i32
    %eq3A = arith.constant 0 : i32
    %eq3A_1 = arith.cmpi eq, %jit3A, %eq3A : i32
    %jit3A_2 = arith.constant 1 : i32
    %select_n3A = arith.select %eq3A_1, %jit3A_2, %jit3A : i32
    %rem3A = arith.remsi %add3A, %select_n3A : i32
    %ne3A = arith.constant 0 : i32
    %ne3A_3 = arith.cmpi ne, %rem3A, %ne3A : i32
    %lt3A = arith.constant 0 : i32
    %lt3A_4 = arith.cmpi slt, %rem3A, %lt3A : i32
    %lt3A_5 = arith.constant 0 : i32
    %lt3A_6 = arith.cmpi slt, %select_n3A, %lt3A_5 : i32
    %ne3A_7 = arith.xori %lt3A_4, %lt3A_6 : i1
    %and3A = arith.andi %ne3A_7, %ne3A_3 : i1
    %add3A_8 = arith.addi %rem3A, %select_n3A : i32
    %select_n3A_9 = arith.select %and3A, %add3A_8, %rem3A : i32
    %jit3A_10 = arith.constant 8 : i32
    %div3A = arith.divsi %add3A, %jit3A_10 : i32
    %sign3A = arith.constant 0 : i32
    %sign3A_11 = arith.cmpi sgt, %add3A, %sign3A : i32
    %sign3A_12 = arith.extui %sign3A_11 : i1 to i32
    %sign3A_13 = arith.constant 0 : i32
    %sign3A_14 = arith.cmpi slt, %add3A, %sign3A_13 : i32
    %sign3A_15 = arith.extui %sign3A_14 : i1 to i32
    %sign3A_16 = arith.subi %sign3A_12, %sign3A_15 : i32
    %sign3A_17 = arith.constant 0 : i32
    %sign3A_18 = arith.cmpi sgt, %jit3A_10, %sign3A_17 : i32
    %sign3A_19 = arith.extui %sign3A_18 : i1 to i32
    %sign3A_20 = arith.constant 0 : i32
    %sign3A_21 = arith.cmpi slt, %jit3A_10, %sign3A_20 : i32
    %sign3A_22 = arith.extui %sign3A_21 : i1 to i32
    %sign3A_23 = arith.subi %sign3A_19, %sign3A_22 : i32
    %ne3A_24 = arith.cmpi ne, %sign3A_16, %sign3A_23 : i32
    %rem3A_25 = arith.remsi %add3A, %jit3A_10 : i32
    %ne3A_26 = arith.constant 0 : i32
    %ne3A_27 = arith.cmpi ne, %rem3A_25, %ne3A_26 : i32
    %and3A_28 = arith.andi %ne3A_24, %ne3A_27 : i1
    %sub3A = arith.constant 1 : i32
    %sub3A_29 = arith.subi %div3A, %sub3A : i32
    %select_n3A_30 = arith.select %and3A_28, %sub3A_29, %div3A : i32
    %mul3A_31 = arith.constant 256 : i32
    %mul3A_32 = arith.muli %select_n3A_30, %mul3A_31 : i32
    %mul3A_33 = arith.constant 128 : i32
    %mul3A_34 = arith.muli %select_n3A_9, %mul3A_33 : i32
    %multiple_of3A = tpu.assume_multiple %mul3A_34, 128 : i32
    %eq3A_35 = arith.constant 0 : i32
    %eq3A_36 = arith.cmpi eq, %select_n3A_9, %eq3A_35 : i32
    %jit3A_37 = arith.constant 0.000000e+00 : f32
    %jit3A_38 = arith.constant 1.000000e+00 : f32
    %select_n3A_39 = arith.select %eq3A_36, %jit3A_37, %jit3A_38 : f32
    %broadcast_in_dim3A = vector.broadcast %select_n3A_39 : f32 to vector<16xf32>
    %add3A_40 = arith.constant 0 : i32
    %add3A_41 = arith.addi %mul3A_32, %add3A_40 : i32
    %multiple_of3A_42 = tpu.assume_multiple %add3A_41, 32 : i32
    %mul3A_43 = arith.constant 31 : i32
    %mul3A_44 = arith.muli %mul3A_43, %select_n3A_9 : i32
    %add3A_45 = arith.constant 0 : i32
    %add3A_46 = arith.addi %mul3A_44, %add3A_45 : i32
    %mul3A_47 = arith.constant 128 : i32
    %mul3A_48 = arith.muli %add3A_46, %mul3A_47 : i32
    %multiple_of3A_49 = tpu.assume_multiple %mul3A_48, 128 : i32
    %dma_start3A = arith.constant 0 : i32
    %dma_start3A_50 = arith.constant 0 : i32
    %dma_start3A_51 = arith.constant 0 : i32
    %dma_start3A_52 = arith.constant 0 : i32
    %dma_start3A_53 = tpu.memref_slice %arg4[%dma_start3A, %dma_start3A_50, %dma_start3A_51, %dma_start3A_52] : memref<5x4x32x128xf32, #tpu.memory_space<vmem>> -> memref<1x1x32x128xf32, #tpu.memory_space<vmem>>
    %dma_start3A_54 = tpu.memref_squeeze %dma_start3A_53 : memref<1x1x32x128xf32, #tpu.memory_space<vmem>> -> memref<32x128xf32, #tpu.memory_space<vmem>>
    %dma_start3A_55 = tpu.memref_slice %arg2[%multiple_of3A_42, %multiple_of3A_49] : memref<1024x32000xf32, #tpu.memory_space<hbm>> -> memref<32x128xf32, #tpu.memory_space<hbm>>
    %dma_start3A_56 = arith.constant 0 : i32
    %dma_start3A_57 = arith.constant 0 : i32
    %dma_start3A_58 = tpu.memref_slice %arg4[%dma_start3A, %dma_start3A_50, %dma_start3A_56, %dma_start3A_57] : memref<5x4x32x128xf32, #tpu.memory_space<vmem>> -> memref<1x1x32x128xf32, #tpu.memory_space<vmem>>
    %dma_start3A_59 = tpu.memref_squeeze %dma_start3A_58 : memref<1x1x32x128xf32, #tpu.memory_space<vmem>> -> memref<32x128xf32, #tpu.memory_space<vmem>>
    %dma_start3A_60 = tpu.memref_slice %arg2[%multiple_of3A_42, %multiple_of3A_49] : memref<1024x32000xf32, #tpu.memory_space<hbm>> -> memref<32x128xf32, #tpu.memory_space<hbm>>
    tpu.enqueue_dma source(%dma_start3A_60 : memref<32x128xf32, #tpu.memory_space<hbm>>) target(%dma_start3A_59 : memref<32x128xf32, #tpu.memory_space<vmem>>) target_semaphore(%arg6 : memref<!tpu.dma_semaphore, #tpu.memory_space<semaphore_mem>>)
    %mul3A_61 = arith.constant 31 : i32
    %mul3A_62 = arith.muli %mul3A_61, %select_n3A_9 : i32
    %add3A_63 = arith.constant 7 : i32
    %add3A_64 = arith.addi %mul3A_62, %add3A_63 : i32
    %mul3A_65 = arith.constant 128 : i32
    %mul3A_66 = arith.muli %add3A_64, %mul3A_65 : i32
    %multiple_of3A_67 = tpu.assume_multiple %mul3A_66, 128 : i32
    %dma_start3A_68 = arith.constant 0 : i32
    %dma_start3A_69 = arith.constant 1 : i32
    %dma_start3A_70 = arith.constant 0 : i32
    %dma_start3A_71 = arith.constant 0 : i32
    %dma_start3A_72 = tpu.memref_slice %arg4[%dma_start3A_68, %dma_start3A_69, %dma_start3A_70, %dma_start3A_71] : memref<5x4x32x128xf32, #tpu.memory_space<vmem>> -> memref<1x1x32x128xf32, #tpu.memory_space<vmem>>
    %dma_start3A_73 = tpu.memref_squeeze %dma_start3A_72 : memref<1x1x32x128xf32, #tpu.memory_space<vmem>> -> memref<32x128xf32, #tpu.memory_space<vmem>>
    %dma_start3A_74 = tpu.memref_slice %arg2[%multiple_of3A_42, %multiple_of3A_67] : memref<1024x32000xf32, #tpu.memory_space<hbm>> -> memref<32x128xf32, #tpu.memory_space<hbm>>
    %dma_start3A_75 = arith.constant 0 : i32
    %dma_start3A_76 = arith.constant 0 : i32
    %dma_start3A_77 = tpu.memref_slice %arg4[%dma_start3A_68, %dma_start3A_69, %dma_start3A_75, %dma_start3A_76] : memref<5x4x32x128xf32, #tpu.memory_space<vmem>> -> memref<1x1x32x128xf32, #tpu.memory_space<vmem>>
    %dma_start3A_78 = tpu.memref_squeeze %dma_start3A_77 : memref<1x1x32x128xf32, #tpu.memory_space<vmem>> -> memref<32x128xf32, #tpu.memory_space<vmem>>
    %dma_start3A_79 = tpu.memref_slice %arg2[%multiple_of3A_42, %multiple_of3A_67] : memref<1024x32000xf32, #tpu.memory_space<hbm>> -> memref<32x128xf32, #tpu.memory_space<hbm>>
    tpu.enqueue_dma source(%dma_start3A_79 : memref<32x128xf32, #tpu.memory_space<hbm>>) target(%dma_start3A_78 : memref<32x128xf32, #tpu.memory_space<vmem>>) target_semaphore(%arg6 : memref<!tpu.dma_semaphore, #tpu.memory_space<semaphore_mem>>)
    %mul3A_80 = arith.constant 31 : i32
    %mul3A_81 = arith.muli %mul3A_80, %select_n3A_9 : i32
    %add3A_82 = arith.constant 15 : i32
    %add3A_83 = arith.addi %mul3A_81, %add3A_82 : i32
    %mul3A_84 = arith.constant 128 : i32
    %mul3A_85 = arith.muli %add3A_83, %mul3A_84 : i32
    %multiple_of3A_86 = tpu.assume_multiple %mul3A_85, 128 : i32
    %dma_start3A_87 = arith.constant 0 : i32
    %dma_start3A_88 = arith.constant 2 : i32
    %dma_start3A_89 = arith.constant 0 : i32
    %dma_start3A_90 = arith.constant 0 : i32
    %dma_start3A_91 = tpu.memref_slice %arg4[%dma_start3A_87, %dma_start3A_88, %dma_start3A_89, %dma_start3A_90] : memref<5x4x32x128xf32, #tpu.memory_space<vmem>> -> memref<1x1x32x128xf32, #tpu.memory_space<vmem>>
    %dma_start3A_92 = tpu.memref_squeeze %dma_start3A_91 : memref<1x1x32x128xf32, #tpu.memory_space<vmem>> -> memref<32x128xf32, #tpu.memory_space<vmem>>
    %dma_start3A_93 = tpu.memref_slice %arg2[%multiple_of3A_42, %multiple_of3A_86] : memref<1024x32000xf32, #tpu.memory_space<hbm>> -> memref<32x128xf32, #tpu.memory_space<hbm>>
    %dma_start3A_94 = arith.constant 0 : i32
    %dma_start3A_95 = arith.constant 0 : i32
    %dma_start3A_96 = tpu.memref_slice %arg4[%dma_start3A_87, %dma_start3A_88, %dma_start3A_94, %dma_start3A_95] : memref<5x4x32x128xf32, #tpu.memory_space<vmem>> -> memref<1x1x32x128xf32, #tpu.memory_space<vmem>>
    %dma_start3A_97 = tpu.memref_squeeze %dma_start3A_96 : memref<1x1x32x128xf32, #tpu.memory_space<vmem>> -> memref<32x128xf32, #tpu.memory_space<vmem>>
    %dma_start3A_98 = tpu.memref_slice %arg2[%multiple_of3A_42, %multiple_of3A_86] : memref<1024x32000xf32, #tpu.memory_space<hbm>> -> memref<32x128xf32, #tpu.memory_space<hbm>>
    tpu.enqueue_dma source(%dma_start3A_98 : memref<32x128xf32, #tpu.memory_space<hbm>>) target(%dma_start3A_97 : memref<32x128xf32, #tpu.memory_space<vmem>>) target_semaphore(%arg6 : memref<!tpu.dma_semaphore, #tpu.memory_space<semaphore_mem>>)
    %mul3A_99 = arith.constant 31 : i32
    %mul3A_100 = arith.muli %mul3A_99, %select_n3A_9 : i32
    %add3A_101 = arith.constant 23 : i32
    %add3A_102 = arith.addi %mul3A_100, %add3A_101 : i32
    %mul3A_103 = arith.constant 128 : i32
    %mul3A_104 = arith.muli %add3A_102, %mul3A_103 : i32
    %multiple_of3A_105 = tpu.assume_multiple %mul3A_104, 128 : i32
    %dma_start3A_106 = arith.constant 0 : i32
    %dma_start3A_107 = arith.constant 3 : i32
    %dma_start3A_108 = arith.constant 0 : i32
    %dma_start3A_109 = arith.constant 0 : i32
    %dma_start3A_110 = tpu.memref_slice %arg4[%dma_start3A_106, %dma_start3A_107, %dma_start3A_108, %dma_start3A_109] : memref<5x4x32x128xf32, #tpu.memory_space<vmem>> -> memref<1x1x32x128xf32, #tpu.memory_space<vmem>>
    %dma_start3A_111 = tpu.memref_squeeze %dma_start3A_110 : memref<1x1x32x128xf32, #tpu.memory_space<vmem>> -> memref<32x128xf32, #tpu.memory_space<vmem>>
    %dma_start3A_112 = tpu.memref_slice %arg2[%multiple_of3A_42, %multiple_of3A_105] : memref<1024x32000xf32, #tpu.memory_space<hbm>> -> memref<32x128xf32, #tpu.memory_space<hbm>>
    %dma_start3A_113 = arith.constant 0 : i32
    %dma_start3A_114 = arith.constant 0 : i32
    %dma_start3A_115 = tpu.memref_slice %arg4[%dma_start3A_106, %dma_start3A_107, %dma_start3A_113, %dma_start3A_114] : memref<5x4x32x128xf32, #tpu.memory_space<vmem>> -> memref<1x1x32x128xf32, #tpu.memory_space<vmem>>
    %dma_start3A_116 = tpu.memref_squeeze %dma_start3A_115 : memref<1x1x32x128xf32, #tpu.memory_space<vmem>> -> memref<32x128xf32, #tpu.memory_space<vmem>>
    %dma_start3A_117 = tpu.memref_slice %arg2[%multiple_of3A_42, %multiple_of3A_105] : memref<1024x32000xf32, #tpu.memory_space<hbm>> -> memref<32x128xf32, #tpu.memory_space<hbm>>
    tpu.enqueue_dma source(%dma_start3A_117 : memref<32x128xf32, #tpu.memory_space<hbm>>) target(%dma_start3A_116 : memref<32x128xf32, #tpu.memory_space<vmem>>) target_semaphore(%arg6 : memref<!tpu.dma_semaphore, #tpu.memory_space<semaphore_mem>>)
    %add3A_118 = arith.constant 32 : i32
    %add3A_119 = arith.addi %mul3A_32, %add3A_118 : i32
    %multiple_of3A_120 = tpu.assume_multiple %add3A_119, 32 : i32
    %mul3A_121 = arith.constant 31 : i32
    %mul3A_122 = arith.muli %mul3A_121, %select_n3A_9 : i32
    %add3A_123 = arith.constant 0 : i32
    %add3A_124 = arith.addi %mul3A_122, %add3A_123 : i32
    %mul3A_125 = arith.constant 128 : i32
    %mul3A_126 = arith.muli %add3A_124, %mul3A_125 : i32
    %multiple_of3A_127 = tpu.assume_multiple %mul3A_126, 128 : i32
    %dma_start3A_128 = arith.constant 1 : i32
    %dma_start3A_129 = arith.constant 0 : i32
    %dma_start3A_130 = arith.constant 0 : i32
    %dma_start3A_131 = arith.constant 0 : i32
    %dma_start3A_132 = tpu.memref_slice %arg4[%dma_start3A_128, %dma_start3A_129, %dma_start3A_130, %dma_start3A_131] : memref<5x4x32x128xf32, #tpu.memory_space<vmem>> -> memref<1x1x32x128xf32, #tpu.memory_space<vmem>>
    %dma_start3A_133 = tpu.memref_squeeze %dma_start3A_132 : memref<1x1x32x128xf32, #tpu.memory_space<vmem>> -> memref<32x128xf32, #tpu.memory_space<vmem>>
    %dma_start3A_134 = tpu.memref_slice %arg2[%multiple_of3A_120, %multiple_of3A_127] : memref<1024x32000xf32, #tpu.memory_space<hbm>> -> memref<32x128xf32, #tpu.memory_space<hbm>>
    %dma_start3A_135 = arith.constant 0 : i32
    %dma_start3A_136 = arith.constant 0 : i32
    %dma_start3A_137 = tpu.memref_slice %arg4[%dma_start3A_128, %dma_start3A_129, %dma_start3A_135, %dma_start3A_136] : memref<5x4x32x128xf32, #tpu.memory_space<vmem>> -> memref<1x1x32x128xf32, #tpu.memory_space<vmem>>
    %dma_start3A_138 = tpu.memref_squeeze %dma_start3A_137 : memref<1x1x32x128xf32, #tpu.memory_space<vmem>> -> memref<32x128xf32, #tpu.memory_space<vmem>>
    %dma_start3A_139 = tpu.memref_slice %arg2[%multiple_of3A_120, %multiple_of3A_127] : memref<1024x32000xf32, #tpu.memory_space<hbm>> -> memref<32x128xf32, #tpu.memory_space<hbm>>
    tpu.enqueue_dma source(%dma_start3A_139 : memref<32x128xf32, #tpu.memory_space<hbm>>) target(%dma_start3A_138 : memref<32x128xf32, #tpu.memory_space<vmem>>) target_semaphore(%arg6 : memref<!tpu.dma_semaphore, #tpu.memory_space<semaphore_mem>>)
    %mul3A_140 = arith.constant 31 : i32
    %mul3A_141 = arith.muli %mul3A_140, %select_n3A_9 : i32
    %add3A_142 = arith.constant 7 : i32
    %add3A_143 = arith.addi %mul3A_141, %add3A_142 : i32
    %mul3A_144 = arith.constant 128 : i32
    %mul3A_145 = arith.muli %add3A_143, %mul3A_144 : i32
    %multiple_of3A_146 = tpu.assume_multiple %mul3A_145, 128 : i32
    %dma_start3A_147 = arith.constant 1 : i32
    %dma_start3A_148 = arith.constant 1 : i32
    %dma_start3A_149 = arith.constant 0 : i32
    %dma_start3A_150 = arith.constant 0 : i32
    %dma_start3A_151 = tpu.memref_slice %arg4[%dma_start3A_147, %dma_start3A_148, %dma_start3A_149, %dma_start3A_150] : memref<5x4x32x128xf32, #tpu.memory_space<vmem>> -> memref<1x1x32x128xf32, #tpu.memory_space<vmem>>
    %dma_start3A_152 = tpu.memref_squeeze %dma_start3A_151 : memref<1x1x32x128xf32, #tpu.memory_space<vmem>> -> memref<32x128xf32, #tpu.memory_space<vmem>>
    %dma_start3A_153 = tpu.memref_slice %arg2[%multiple_of3A_120, %multiple_of3A_146] : memref<1024x32000xf32, #tpu.memory_space<hbm>> -> memref<32x128xf32, #tpu.memory_space<hbm>>
    %dma_start3A_154 = arith.constant 0 : i32
    %dma_start3A_155 = arith.constant 0 : i32
    %dma_start3A_156 = tpu.memref_slice %arg4[%dma_start3A_147, %dma_start3A_148, %dma_start3A_154, %dma_start3A_155] : memref<5x4x32x128xf32, #tpu.memory_space<vmem>> -> memref<1x1x32x128xf32, #tpu.memory_space<vmem>>
    %dma_start3A_157 = tpu.memref_squeeze %dma_start3A_156 : memref<1x1x32x128xf32, #tpu.memory_space<vmem>> -> memref<32x128xf32, #tpu.memory_space<vmem>>
    %dma_start3A_158 = tpu.memref_slice %arg2[%multiple_of3A_120, %multiple_of3A_146] : memref<1024x32000xf32, #tpu.memory_space<hbm>> -> memref<32x128xf32, #tpu.memory_space<hbm>>
    tpu.enqueue_dma source(%dma_start3A_158 : memref<32x128xf32, #tpu.memory_space<hbm>>) target(%dma_start3A_157 : memref<32x128xf32, #tpu.memory_space<vmem>>) target_semaphore(%arg6 : memref<!tpu.dma_semaphore, #tpu.memory_space<semaphore_mem>>)
    %mul3A_159 = arith.constant 31 : i32
    %mul3A_160 = arith.muli %mul3A_159, %select_n3A_9 : i32
    %add3A_161 = arith.constant 15 : i32
    %add3A_162 = arith.addi %mul3A_160, %add3A_161 : i32
    %mul3A_163 = arith.constant 128 : i32
    %mul3A_164 = arith.muli %add3A_162, %mul3A_163 : i32
    %multiple_of3A_165 = tpu.assume_multiple %mul3A_164, 128 : i32
    %dma_start3A_166 = arith.constant 1 : i32
    %dma_start3A_167 = arith.constant 2 : i32
    %dma_start3A_168 = arith.constant 0 : i32
    %dma_start3A_169 = arith.constant 0 : i32
    %dma_start3A_170 = tpu.memref_slice %arg4[%dma_start3A_166, %dma_start3A_167, %dma_start3A_168, %dma_start3A_169] : memref<5x4x32x128xf32, #tpu.memory_space<vmem>> -> memref<1x1x32x128xf32, #tpu.memory_space<vmem>>
    %dma_start3A_171 = tpu.memref_squeeze %dma_start3A_170 : memref<1x1x32x128xf32, #tpu.memory_space<vmem>> -> memref<32x128xf32, #tpu.memory_space<vmem>>
    %dma_start3A_172 = tpu.memref_slice %arg2[%multiple_of3A_120, %multiple_of3A_165] : memref<1024x32000xf32, #tpu.memory_space<hbm>> -> memref<32x128xf32, #tpu.memory_space<hbm>>
    %dma_start3A_173 = arith.constant 0 : i32
    %dma_start3A_174 = arith.constant 0 : i32
    %dma_start3A_175 = tpu.memref_slice %arg4[%dma_start3A_166, %dma_start3A_167, %dma_start3A_173, %dma_start3A_174] : memref<5x4x32x128xf32, #tpu.memory_space<vmem>> -> memref<1x1x32x128xf32, #tpu.memory_space<vmem>>
    %dma_start3A_176 = tpu.memref_squeeze %dma_start3A_175 : memref<1x1x32x128xf32, #tpu.memory_space<vmem>> -> memref<32x128xf32, #tpu.memory_space<vmem>>
    %dma_start3A_177 = tpu.memref_slice %arg2[%multiple_of3A_120, %multiple_of3A_165] : memref<1024x32000xf32, #tpu.memory_space<hbm>> -> memref<32x128xf32, #tpu.memory_space<hbm>>
    tpu.enqueue_dma source(%dma_start3A_177 : memref<32x128xf32, #tpu.memory_space<hbm>>) target(%dma_start3A_176 : memref<32x128xf32, #tpu.memory_space<vmem>>) target_semaphore(%arg6 : memref<!tpu.dma_semaphore, #tpu.memory_space<semaphore_mem>>)
    %mul3A_178 = arith.constant 31 : i32
    %mul3A_179 = arith.muli %mul3A_178, %select_n3A_9 : i32
    %add3A_180 = arith.constant 23 : i32
    %add3A_181 = arith.addi %mul3A_179, %add3A_180 : i32
    %mul3A_182 = arith.constant 128 : i32
    %mul3A_183 = arith.muli %add3A_181, %mul3A_182 : i32
    %multiple_of3A_184 = tpu.assume_multiple %mul3A_183, 128 : i32
    %dma_start3A_185 = arith.constant 1 : i32
    %dma_start3A_186 = arith.constant 3 : i32
    %dma_start3A_187 = arith.constant 0 : i32
    %dma_start3A_188 = arith.constant 0 : i32
    %dma_start3A_189 = tpu.memref_slice %arg4[%dma_start3A_185, %dma_start3A_186, %dma_start3A_187, %dma_start3A_188] : memref<5x4x32x128xf32, #tpu.memory_space<vmem>> -> memref<1x1x32x128xf32, #tpu.memory_space<vmem>>
    %dma_start3A_190 = tpu.memref_squeeze %dma_start3A_189 : memref<1x1x32x128xf32, #tpu.memory_space<vmem>> -> memref<32x128xf32, #tpu.memory_space<vmem>>
    %dma_start3A_191 = tpu.memref_slice %arg2[%multiple_of3A_120, %multiple_of3A_184] : memref<1024x32000xf32, #tpu.memory_space<hbm>> -> memref<32x128xf32, #tpu.memory_space<hbm>>
    %dma_start3A_192 = arith.constant 0 : i32
    %dma_start3A_193 = arith.constant 0 : i32
    %dma_start3A_194 = tpu.memref_slice %arg4[%dma_start3A_185, %dma_start3A_186, %dma_start3A_192, %dma_start3A_193] : memref<5x4x32x128xf32, #tpu.memory_space<vmem>> -> memref<1x1x32x128xf32, #tpu.memory_space<vmem>>
    %dma_start3A_195 = tpu.memref_squeeze %dma_start3A_194 : memref<1x1x32x128xf32, #tpu.memory_space<vmem>> -> memref<32x128xf32, #tpu.memory_space<vmem>>
    %dma_start3A_196 = tpu.memref_slice %arg2[%multiple_of3A_120, %multiple_of3A_184] : memref<1024x32000xf32, #tpu.memory_space<hbm>> -> memref<32x128xf32, #tpu.memory_space<hbm>>
    tpu.enqueue_dma source(%dma_start3A_196 : memref<32x128xf32, #tpu.memory_space<hbm>>) target(%dma_start3A_195 : memref<32x128xf32, #tpu.memory_space<vmem>>) target_semaphore(%arg6 : memref<!tpu.dma_semaphore, #tpu.memory_space<semaphore_mem>>)
    %add3A_197 = arith.constant 64 : i32
    %add3A_198 = arith.addi %mul3A_32, %add3A_197 : i32
    %multiple_of3A_199 = tpu.assume_multiple %add3A_198, 32 : i32
    %mul3A_200 = arith.constant 31 : i32
    %mul3A_201 = arith.muli %mul3A_200, %select_n3A_9 : i32
    %add3A_202 = arith.constant 0 : i32
    %add3A_203 = arith.addi %mul3A_201, %add3A_202 : i32
    %mul3A_204 = arith.constant 128 : i32
    %mul3A_205 = arith.muli %add3A_203, %mul3A_204 : i32
    %multiple_of3A_206 = tpu.assume_multiple %mul3A_205, 128 : i32
    %dma_start3A_207 = arith.constant 2 : i32
    %dma_start3A_208 = arith.constant 0 : i32
    %dma_start3A_209 = arith.constant 0 : i32
    %dma_start3A_210 = arith.constant 0 : i32
    %dma_start3A_211 = tpu.memref_slice %arg4[%dma_start3A_207, %dma_start3A_208, %dma_start3A_209, %dma_start3A_210] : memref<5x4x32x128xf32, #tpu.memory_space<vmem>> -> memref<1x1x32x128xf32, #tpu.memory_space<vmem>>
    %dma_start3A_212 = tpu.memref_squeeze %dma_start3A_211 : memref<1x1x32x128xf32, #tpu.memory_space<vmem>> -> memref<32x128xf32, #tpu.memory_space<vmem>>
    %dma_start3A_213 = tpu.memref_slice %arg2[%multiple_of3A_199, %multiple_of3A_206] : memref<1024x32000xf32, #tpu.memory_space<hbm>> -> memref<32x128xf32, #tpu.memory_space<hbm>>
    %dma_start3A_214 = arith.constant 0 : i32
    %dma_start3A_215 = arith.constant 0 : i32
    %dma_start3A_216 = tpu.memref_slice %arg4[%dma_start3A_207, %dma_start3A_208, %dma_start3A_214, %dma_start3A_215] : memref<5x4x32x128xf32, #tpu.memory_space<vmem>> -> memref<1x1x32x128xf32, #tpu.memory_space<vmem>>
    %dma_start3A_217 = tpu.memref_squeeze %dma_start3A_216 : memref<1x1x32x128xf32, #tpu.memory_space<vmem>> -> memref<32x128xf32, #tpu.memory_space<vmem>>
    %dma_start3A_218 = tpu.memref_slice %arg2[%multiple_of3A_199, %multiple_of3A_206] : memref<1024x32000xf32, #tpu.memory_space<hbm>> -> memref<32x128xf32, #tpu.memory_space<hbm>>
    tpu.enqueue_dma source(%dma_start3A_218 : memref<32x128xf32, #tpu.memory_space<hbm>>) target(%dma_start3A_217 : memref<32x128xf32, #tpu.memory_space<vmem>>) target_semaphore(%arg6 : memref<!tpu.dma_semaphore, #tpu.memory_space<semaphore_mem>>)
    %mul3A_219 = arith.constant 31 : i32
    %mul3A_220 = arith.muli %mul3A_219, %select_n3A_9 : i32
    %add3A_221 = arith.constant 7 : i32
    %add3A_222 = arith.addi %mul3A_220, %add3A_221 : i32
    %mul3A_223 = arith.constant 128 : i32
    %mul3A_224 = arith.muli %add3A_222, %mul3A_223 : i32
    %multiple_of3A_225 = tpu.assume_multiple %mul3A_224, 128 : i32
    %dma_start3A_226 = arith.constant 2 : i32
    %dma_start3A_227 = arith.constant 1 : i32
    %dma_start3A_228 = arith.constant 0 : i32
    %dma_start3A_229 = arith.constant 0 : i32
    %dma_start3A_230 = tpu.memref_slice %arg4[%dma_start3A_226, %dma_start3A_227, %dma_start3A_228, %dma_start3A_229] : memref<5x4x32x128xf32, #tpu.memory_space<vmem>> -> memref<1x1x32x128xf32, #tpu.memory_space<vmem>>
    %dma_start3A_231 = tpu.memref_squeeze %dma_start3A_230 : memref<1x1x32x128xf32, #tpu.memory_space<vmem>> -> memref<32x128xf32, #tpu.memory_space<vmem>>
    %dma_start3A_232 = tpu.memref_slice %arg2[%multiple_of3A_199, %multiple_of3A_225] : memref<1024x32000xf32, #tpu.memory_space<hbm>> -> memref<32x128xf32, #tpu.memory_space<hbm>>
    %dma_start3A_233 = arith.constant 0 : i32
    %dma_start3A_234 = arith.constant 0 : i32
    %dma_start3A_235 = tpu.memref_slice %arg4[%dma_start3A_226, %dma_start3A_227, %dma_start3A_233, %dma_start3A_234] : memref<5x4x32x128xf32, #tpu.memory_space<vmem>> -> memref<1x1x32x128xf32, #tpu.memory_space<vmem>>
    %dma_start3A_236 = tpu.memref_squeeze %dma_start3A_235 : memref<1x1x32x128xf32, #tpu.memory_space<vmem>> -> memref<32x128xf32, #tpu.memory_space<vmem>>
    %dma_start3A_237 = tpu.memref_slice %arg2[%multiple_of3A_199, %multiple_of3A_225] : memref<1024x32000xf32, #tpu.memory_space<hbm>> -> memref<32x128xf32, #tpu.memory_space<hbm>>
    tpu.enqueue_dma source(%dma_start3A_237 : memref<32x128xf32, #tpu.memory_space<hbm>>) target(%dma_start3A_236 : memref<32x128xf32, #tpu.memory_space<vmem>>) target_semaphore(%arg6 : memref<!tpu.dma_semaphore, #tpu.memory_space<semaphore_mem>>)
    %mul3A_238 = arith.constant 31 : i32
    %mul3A_239 = arith.muli %mul3A_238, %select_n3A_9 : i32
    %add3A_240 = arith.constant 15 : i32
    %add3A_241 = arith.addi %mul3A_239, %add3A_240 : i32
    %mul3A_242 = arith.constant 128 : i32
    %mul3A_243 = arith.muli %add3A_241, %mul3A_242 : i32
    %multiple_of3A_244 = tpu.assume_multiple %mul3A_243, 128 : i32
    %dma_start3A_245 = arith.constant 2 : i32
    %dma_start3A_246 = arith.constant 2 : i32
    %dma_start3A_247 = arith.constant 0 : i32
    %dma_start3A_248 = arith.constant 0 : i32
    %dma_start3A_249 = tpu.memref_slice %arg4[%dma_start3A_245, %dma_start3A_246, %dma_start3A_247, %dma_start3A_248] : memref<5x4x32x128xf32, #tpu.memory_space<vmem>> -> memref<1x1x32x128xf32, #tpu.memory_space<vmem>>
    %dma_start3A_250 = tpu.memref_squeeze %dma_start3A_249 : memref<1x1x32x128xf32, #tpu.memory_space<vmem>> -> memref<32x128xf32, #tpu.memory_space<vmem>>
    %dma_start3A_251 = tpu.memref_slice %arg2[%multiple_of3A_199, %multiple_of3A_244] : memref<1024x32000xf32, #tpu.memory_space<hbm>> -> memref<32x128xf32, #tpu.memory_space<hbm>>
    %dma_start3A_252 = arith.constant 0 : i32
    %dma_start3A_253 = arith.constant 0 : i32
    %dma_start3A_254 = tpu.memref_slice %arg4[%dma_start3A_245, %dma_start3A_246, %dma_start3A_252, %dma_start3A_253] : memref<5x4x32x128xf32, #tpu.memory_space<vmem>> -> memref<1x1x32x128xf32, #tpu.memory_space<vmem>>
    %dma_start3A_255 = tpu.memref_squeeze %dma_start3A_254 : memref<1x1x32x128xf32, #tpu.memory_space<vmem>> -> memref<32x128xf32, #tpu.memory_space<vmem>>
    %dma_start3A_256 = tpu.memref_slice %arg2[%multiple_of3A_199, %multiple_of3A_244] : memref<1024x32000xf32, #tpu.memory_space<hbm>> -> memref<32x128xf32, #tpu.memory_space<hbm>>
    tpu.enqueue_dma source(%dma_start3A_256 : memref<32x128xf32, #tpu.memory_space<hbm>>) target(%dma_start3A_255 : memref<32x128xf32, #tpu.memory_space<vmem>>) target_semaphore(%arg6 : memref<!tpu.dma_semaphore, #tpu.memory_space<semaphore_mem>>)
    %mul3A_257 = arith.constant 31 : i32
    %mul3A_258 = arith.muli %mul3A_257, %select_n3A_9 : i32
    %add3A_259 = arith.constant 23 : i32
    %add3A_260 = arith.addi %mul3A_258, %add3A_259 : i32
    %mul3A_261 = arith.constant 128 : i32
    %mul3A_262 = arith.muli %add3A_260, %mul3A_261 : i32
    %multiple_of3A_263 = tpu.assume_multiple %mul3A_262, 128 : i32
    %dma_start3A_264 = arith.constant 2 : i32
    %dma_start3A_265 = arith.constant 3 : i32
    %dma_start3A_266 = arith.constant 0 : i32
    %dma_start3A_267 = arith.constant 0 : i32
    %dma_start3A_268 = tpu.memref_slice %arg4[%dma_start3A_264, %dma_start3A_265, %dma_start3A_266, %dma_start3A_267] : memref<5x4x32x128xf32, #tpu.memory_space<vmem>> -> memref<1x1x32x128xf32, #tpu.memory_space<vmem>>
    %dma_start3A_269 = tpu.memref_squeeze %dma_start3A_268 : memref<1x1x32x128xf32, #tpu.memory_space<vmem>> -> memref<32x128xf32, #tpu.memory_space<vmem>>
    %dma_start3A_270 = tpu.memref_slice %arg2[%multiple_of3A_199, %multiple_of3A_263] : memref<1024x32000xf32, #tpu.memory_space<hbm>> -> memref<32x128xf32, #tpu.memory_space<hbm>>
    %dma_start3A_271 = arith.constant 0 : i32
    %dma_start3A_272 = arith.constant 0 : i32
    %dma_start3A_273 = tpu.memref_slice %arg4[%dma_start3A_264, %dma_start3A_265, %dma_start3A_271, %dma_start3A_272] : memref<5x4x32x128xf32, #tpu.memory_space<vmem>> -> memref<1x1x32x128xf32, #tpu.memory_space<vmem>>
    %dma_start3A_274 = tpu.memref_squeeze %dma_start3A_273 : memref<1x1x32x128xf32, #tpu.memory_space<vmem>> -> memref<32x128xf32, #tpu.memory_space<vmem>>
    %dma_start3A_275 = tpu.memref_slice %arg2[%multiple_of3A_199, %multiple_of3A_263] : memref<1024x32000xf32, #tpu.memory_space<hbm>> -> memref<32x128xf32, #tpu.memory_space<hbm>>
    tpu.enqueue_dma source(%dma_start3A_275 : memref<32x128xf32, #tpu.memory_space<hbm>>) target(%dma_start3A_274 : memref<32x128xf32, #tpu.memory_space<vmem>>) target_semaphore(%arg6 : memref<!tpu.dma_semaphore, #tpu.memory_space<semaphore_mem>>)
    %add3A_276 = arith.constant 96 : i32
    %add3A_277 = arith.addi %mul3A_32, %add3A_276 : i32
    %multiple_of3A_278 = tpu.assume_multiple %add3A_277, 32 : i32
    %mul3A_279 = arith.constant 31 : i32
    %mul3A_280 = arith.muli %mul3A_279, %select_n3A_9 : i32
    %add3A_281 = arith.constant 0 : i32
    %add3A_282 = arith.addi %mul3A_280, %add3A_281 : i32
    %mul3A_283 = arith.constant 128 : i32
    %mul3A_284 = arith.muli %add3A_282, %mul3A_283 : i32
    %multiple_of3A_285 = tpu.assume_multiple %mul3A_284, 128 : i32
    %dma_start3A_286 = arith.constant 3 : i32
    %dma_start3A_287 = arith.constant 0 : i32
    %dma_start3A_288 = arith.constant 0 : i32
    %dma_start3A_289 = arith.constant 0 : i32
    %dma_start3A_290 = tpu.memref_slice %arg4[%dma_start3A_286, %dma_start3A_287, %dma_start3A_288, %dma_start3A_289] : memref<5x4x32x128xf32, #tpu.memory_space<vmem>> -> memref<1x1x32x128xf32, #tpu.memory_space<vmem>>
    %dma_start3A_291 = tpu.memref_squeeze %dma_start3A_290 : memref<1x1x32x128xf32, #tpu.memory_space<vmem>> -> memref<32x128xf32, #tpu.memory_space<vmem>>
    %dma_start3A_292 = tpu.memref_slice %arg2[%multiple_of3A_278, %multiple_of3A_285] : memref<1024x32000xf32, #tpu.memory_space<hbm>> -> memref<32x128xf32, #tpu.memory_space<hbm>>
    %dma_start3A_293 = arith.constant 0 : i32
    %dma_start3A_294 = arith.constant 0 : i32
    %dma_start3A_295 = tpu.memref_slice %arg4[%dma_start3A_286, %dma_start3A_287, %dma_start3A_293, %dma_start3A_294] : memref<5x4x32x128xf32, #tpu.memory_space<vmem>> -> memref<1x1x32x128xf32, #tpu.memory_space<vmem>>
    %dma_start3A_296 = tpu.memref_squeeze %dma_start3A_295 : memref<1x1x32x128xf32, #tpu.memory_space<vmem>> -> memref<32x128xf32, #tpu.memory_space<vmem>>
    %dma_start3A_297 = tpu.memref_slice %arg2[%multiple_of3A_278, %multiple_of3A_285] : memref<1024x32000xf32, #tpu.memory_space<hbm>> -> memref<32x128xf32, #tpu.memory_space<hbm>>
    tpu.enqueue_dma source(%dma_start3A_297 : memref<32x128xf32, #tpu.memory_space<hbm>>) target(%dma_start3A_296 : memref<32x128xf32, #tpu.memory_space<vmem>>) target_semaphore(%arg6 : memref<!tpu.dma_semaphore, #tpu.memory_space<semaphore_mem>>)
    %mul3A_298 = arith.constant 31 : i32
    %mul3A_299 = arith.muli %mul3A_298, %select_n3A_9 : i32
    %add3A_300 = arith.constant 7 : i32
    %add3A_301 = arith.addi %mul3A_299, %add3A_300 : i32
    %mul3A_302 = arith.constant 128 : i32
    %mul3A_303 = arith.muli %add3A_301, %mul3A_302 : i32
    %multiple_of3A_304 = tpu.assume_multiple %mul3A_303, 128 : i32
    %dma_start3A_305 = arith.constant 3 : i32
    %dma_start3A_306 = arith.constant 1 : i32
    %dma_start3A_307 = arith.constant 0 : i32
    %dma_start3A_308 = arith.constant 0 : i32
    %dma_start3A_309 = tpu.memref_slice %arg4[%dma_start3A_305, %dma_start3A_306, %dma_start3A_307, %dma_start3A_308] : memref<5x4x32x128xf32, #tpu.memory_space<vmem>> -> memref<1x1x32x128xf32, #tpu.memory_space<vmem>>
    %dma_start3A_310 = tpu.memref_squeeze %dma_start3A_309 : memref<1x1x32x128xf32, #tpu.memory_space<vmem>> -> memref<32x128xf32, #tpu.memory_space<vmem>>
    %dma_start3A_311 = tpu.memref_slice %arg2[%multiple_of3A_278, %multiple_of3A_304] : memref<1024x32000xf32, #tpu.memory_space<hbm>> -> memref<32x128xf32, #tpu.memory_space<hbm>>
    %dma_start3A_312 = arith.constant 0 : i32
    %dma_start3A_313 = arith.constant 0 : i32
    %dma_start3A_314 = tpu.memref_slice %arg4[%dma_start3A_305, %dma_start3A_306, %dma_start3A_312, %dma_start3A_313] : memref<5x4x32x128xf32, #tpu.memory_space<vmem>> -> memref<1x1x32x128xf32, #tpu.memory_space<vmem>>
    %dma_start3A_315 = tpu.memref_squeeze %dma_start3A_314 : memref<1x1x32x128xf32, #tpu.memory_space<vmem>> -> memref<32x128xf32, #tpu.memory_space<vmem>>
    %dma_start3A_316 = tpu.memref_slice %arg2[%multiple_of3A_278, %multiple_of3A_304] : memref<1024x32000xf32, #tpu.memory_space<hbm>> -> memref<32x128xf32, #tpu.memory_space<hbm>>
    tpu.enqueue_dma source(%dma_start3A_316 : memref<32x128xf32, #tpu.memory_space<hbm>>) target(%dma_start3A_315 : memref<32x128xf32, #tpu.memory_space<vmem>>) target_semaphore(%arg6 : memref<!tpu.dma_semaphore, #tpu.memory_space<semaphore_mem>>)
    %mul3A_317 = arith.constant 31 : i32
    %mul3A_318 = arith.muli %mul3A_317, %select_n3A_9 : i32
    %add3A_319 = arith.constant 15 : i32
    %add3A_320 = arith.addi %mul3A_318, %add3A_319 : i32
    %mul3A_321 = arith.constant 128 : i32
    %mul3A_322 = arith.muli %add3A_320, %mul3A_321 : i32
    %multiple_of3A_323 = tpu.assume_multiple %mul3A_322, 128 : i32
    %dma_start3A_324 = arith.constant 3 : i32
    %dma_start3A_325 = arith.constant 2 : i32
    %dma_start3A_326 = arith.constant 0 : i32
    %dma_start3A_327 = arith.constant 0 : i32
    %dma_start3A_328 = tpu.memref_slice %arg4[%dma_start3A_324, %dma_start3A_325, %dma_start3A_326, %dma_start3A_327] : memref<5x4x32x128xf32, #tpu.memory_space<vmem>> -> memref<1x1x32x128xf32, #tpu.memory_space<vmem>>
    %dma_start3A_329 = tpu.memref_squeeze %dma_start3A_328 : memref<1x1x32x128xf32, #tpu.memory_space<vmem>> -> memref<32x128xf32, #tpu.memory_space<vmem>>
    %dma_start3A_330 = tpu.memref_slice %arg2[%multiple_of3A_278, %multiple_of3A_323] : memref<1024x32000xf32, #tpu.memory_space<hbm>> -> memref<32x128xf32, #tpu.memory_space<hbm>>
    %dma_start3A_331 = arith.constant 0 : i32
    %dma_start3A_332 = arith.constant 0 : i32
    %dma_start3A_333 = tpu.memref_slice %arg4[%dma_start3A_324, %dma_start3A_325, %dma_start3A_331, %dma_start3A_332] : memref<5x4x32x128xf32, #tpu.memory_space<vmem>> -> memref<1x1x32x128xf32, #tpu.memory_space<vmem>>
    %dma_start3A_334 = tpu.memref_squeeze %dma_start3A_333 : memref<1x1x32x128xf32, #tpu.memory_space<vmem>> -> memref<32x128xf32, #tpu.memory_space<vmem>>
    %dma_start3A_335 = tpu.memref_slice %arg2[%multiple_of3A_278, %multiple_of3A_323] : memref<1024x32000xf32, #tpu.memory_space<hbm>> -> memref<32x128xf32, #tpu.memory_space<hbm>>
    tpu.enqueue_dma source(%dma_start3A_335 : memref<32x128xf32, #tpu.memory_space<hbm>>) target(%dma_start3A_334 : memref<32x128xf32, #tpu.memory_space<vmem>>) target_semaphore(%arg6 : memref<!tpu.dma_semaphore, #tpu.memory_space<semaphore_mem>>)
    %mul3A_336 = arith.constant 31 : i32
    %mul3A_337 = arith.muli %mul3A_336, %select_n3A_9 : i32
    %add3A_338 = arith.constant 23 : i32
    %add3A_339 = arith.addi %mul3A_337, %add3A_338 : i32
    %mul3A_340 = arith.constant 128 : i32
    %mul3A_341 = arith.muli %add3A_339, %mul3A_340 : i32
    %multiple_of3A_342 = tpu.assume_multiple %mul3A_341, 128 : i32
    %dma_start3A_343 = arith.constant 3 : i32
    %dma_start3A_344 = arith.constant 3 : i32
    %dma_start3A_345 = arith.constant 0 : i32
    %dma_start3A_346 = arith.constant 0 : i32
    %dma_start3A_347 = tpu.memref_slice %arg4[%dma_start3A_343, %dma_start3A_344, %dma_start3A_345, %dma_start3A_346] : memref<5x4x32x128xf32, #tpu.memory_space<vmem>> -> memref<1x1x32x128xf32, #tpu.memory_space<vmem>>
    %dma_start3A_348 = tpu.memref_squeeze %dma_start3A_347 : memref<1x1x32x128xf32, #tpu.memory_space<vmem>> -> memref<32x128xf32, #tpu.memory_space<vmem>>
    %dma_start3A_349 = tpu.memref_slice %arg2[%multiple_of3A_278, %multiple_of3A_342] : memref<1024x32000xf32, #tpu.memory_space<hbm>> -> memref<32x128xf32, #tpu.memory_space<hbm>>
    %dma_start3A_350 = arith.constant 0 : i32
    %dma_start3A_351 = arith.constant 0 : i32
    %dma_start3A_352 = tpu.memref_slice %arg4[%dma_start3A_343, %dma_start3A_344, %dma_start3A_350, %dma_start3A_351] : memref<5x4x32x128xf32, #tpu.memory_space<vmem>> -> memref<1x1x32x128xf32, #tpu.memory_space<vmem>>
    %dma_start3A_353 = tpu.memref_squeeze %dma_start3A_352 : memref<1x1x32x128xf32, #tpu.memory_space<vmem>> -> memref<32x128xf32, #tpu.memory_space<vmem>>
    %dma_start3A_354 = tpu.memref_slice %arg2[%multiple_of3A_278, %multiple_of3A_342] : memref<1024x32000xf32, #tpu.memory_space<hbm>> -> memref<32x128xf32, #tpu.memory_space<hbm>>
    tpu.enqueue_dma source(%dma_start3A_354 : memref<32x128xf32, #tpu.memory_space<hbm>>) target(%dma_start3A_353 : memref<32x128xf32, #tpu.memory_space<vmem>>) target_semaphore(%arg6 : memref<!tpu.dma_semaphore, #tpu.memory_space<semaphore_mem>>)
    %dma_wait3A = arith.constant 0 : i32
    %dma_wait3A_355 = arith.constant 0 : i32
    %dma_wait3A_356 = arith.constant 0 : i32
    %dma_wait3A_357 = arith.constant 0 : i32
    %dma_wait3A_358 = tpu.memref_slice %arg4[%dma_wait3A, %dma_wait3A_355, %dma_wait3A_356, %dma_wait3A_357] : memref<5x4x32x128xf32, #tpu.memory_space<vmem>> -> memref<1x1x32x128xf32, #tpu.memory_space<vmem>>
    %dma_wait3A_359 = tpu.memref_squeeze %dma_wait3A_358 : memref<1x1x32x128xf32, #tpu.memory_space<vmem>> -> memref<32x128xf32, #tpu.memory_space<vmem>>
    %dma_wait3A_360 = tpu.memref_slice %arg2[%multiple_of3A_42, %multiple_of3A_49] : memref<1024x32000xf32, #tpu.memory_space<hbm>> -> memref<32x128xf32, #tpu.memory_space<hbm>>
    %dma_wait3A_361 = arith.constant 0 : i32
    %dma_wait3A_362 = arith.constant 0 : i32
    %dma_wait3A_363 = tpu.memref_slice %arg4[%dma_wait3A, %dma_wait3A_355, %dma_wait3A_361, %dma_wait3A_362] : memref<5x4x32x128xf32, #tpu.memory_space<vmem>> -> memref<1x1x32x128xf32, #tpu.memory_space<vmem>>
    %dma_wait3A_364 = tpu.memref_squeeze %dma_wait3A_363 : memref<1x1x32x128xf32, #tpu.memory_space<vmem>> -> memref<32x128xf32, #tpu.memory_space<vmem>>
    %dma_wait3A_365 = tpu.memref_slice %arg2[%multiple_of3A_42, %multiple_of3A_49] : memref<1024x32000xf32, #tpu.memory_space<hbm>> -> memref<32x128xf32, #tpu.memory_space<hbm>>
    tpu.wait_dma2 semaphore(%arg6 : memref<!tpu.dma_semaphore, #tpu.memory_space<semaphore_mem>>) src(%dma_wait3A_365 : memref<32x128xf32, #tpu.memory_space<hbm>>) dst(%dma_wait3A_364 : memref<32x128xf32, #tpu.memory_space<vmem>>)
    %dma_wait3A_366 = arith.constant 0 : i32
    %dma_wait3A_367 = arith.constant 1 : i32
    %dma_wait3A_368 = arith.constant 0 : i32
    %dma_wait3A_369 = arith.constant 0 : i32
    %dma_wait3A_370 = tpu.memref_slice %arg4[%dma_wait3A_366, %dma_wait3A_367, %dma_wait3A_368, %dma_wait3A_369] : memref<5x4x32x128xf32, #tpu.memory_space<vmem>> -> memref<1x1x32x128xf32, #tpu.memory_space<vmem>>
    %dma_wait3A_371 = tpu.memref_squeeze %dma_wait3A_370 : memref<1x1x32x128xf32, #tpu.memory_space<vmem>> -> memref<32x128xf32, #tpu.memory_space<vmem>>
    %dma_wait3A_372 = tpu.memref_slice %arg2[%multiple_of3A_42, %multiple_of3A_67] : memref<1024x32000xf32, #tpu.memory_space<hbm>> -> memref<32x128xf32, #tpu.memory_space<hbm>>
    %dma_wait3A_373 = arith.constant 0 : i32
    %dma_wait3A_374 = arith.constant 0 : i32
    %dma_wait3A_375 = tpu.memref_slice %arg4[%dma_wait3A_366, %dma_wait3A_367, %dma_wait3A_373, %dma_wait3A_374] : memref<5x4x32x128xf32, #tpu.memory_space<vmem>> -> memref<1x1x32x128xf32, #tpu.memory_space<vmem>>
    %dma_wait3A_376 = tpu.memref_squeeze %dma_wait3A_375 : memref<1x1x32x128xf32, #tpu.memory_space<vmem>> -> memref<32x128xf32, #tpu.memory_space<vmem>>
    %dma_wait3A_377 = tpu.memref_slice %arg2[%multiple_of3A_42, %multiple_of3A_67] : memref<1024x32000xf32, #tpu.memory_space<hbm>> -> memref<32x128xf32, #tpu.memory_space<hbm>>
    tpu.wait_dma2 semaphore(%arg6 : memref<!tpu.dma_semaphore, #tpu.memory_space<semaphore_mem>>) src(%dma_wait3A_377 : memref<32x128xf32, #tpu.memory_space<hbm>>) dst(%dma_wait3A_376 : memref<32x128xf32, #tpu.memory_space<vmem>>)
    %dma_wait3A_378 = arith.constant 0 : i32
    %dma_wait3A_379 = arith.constant 2 : i32
    %dma_wait3A_380 = arith.constant 0 : i32
    %dma_wait3A_381 = arith.constant 0 : i32
    %dma_wait3A_382 = tpu.memref_slice %arg4[%dma_wait3A_378, %dma_wait3A_379, %dma_wait3A_380, %dma_wait3A_381] : memref<5x4x32x128xf32, #tpu.memory_space<vmem>> -> memref<1x1x32x128xf32, #tpu.memory_space<vmem>>
    %dma_wait3A_383 = tpu.memref_squeeze %dma_wait3A_382 : memref<1x1x32x128xf32, #tpu.memory_space<vmem>> -> memref<32x128xf32, #tpu.memory_space<vmem>>
    %dma_wait3A_384 = tpu.memref_slice %arg2[%multiple_of3A_42, %multiple_of3A_86] : memref<1024x32000xf32, #tpu.memory_space<hbm>> -> memref<32x128xf32, #tpu.memory_space<hbm>>
    %dma_wait3A_385 = arith.constant 0 : i32
    %dma_wait3A_386 = arith.constant 0 : i32
    %dma_wait3A_387 = tpu.memref_slice %arg4[%dma_wait3A_378, %dma_wait3A_379, %dma_wait3A_385, %dma_wait3A_386] : memref<5x4x32x128xf32, #tpu.memory_space<vmem>> -> memref<1x1x32x128xf32, #tpu.memory_space<vmem>>
    %dma_wait3A_388 = tpu.memref_squeeze %dma_wait3A_387 : memref<1x1x32x128xf32, #tpu.memory_space<vmem>> -> memref<32x128xf32, #tpu.memory_space<vmem>>
    %dma_wait3A_389 = tpu.memref_slice %arg2[%multiple_of3A_42, %multiple_of3A_86] : memref<1024x32000xf32, #tpu.memory_space<hbm>> -> memref<32x128xf32, #tpu.memory_space<hbm>>
    tpu.wait_dma2 semaphore(%arg6 : memref<!tpu.dma_semaphore, #tpu.memory_space<semaphore_mem>>) src(%dma_wait3A_389 : memref<32x128xf32, #tpu.memory_space<hbm>>) dst(%dma_wait3A_388 : memref<32x128xf32, #tpu.memory_space<vmem>>)
    %dma_wait3A_390 = arith.constant 0 : i32
    %dma_wait3A_391 = arith.constant 3 : i32
    %dma_wait3A_392 = arith.constant 0 : i32
    %dma_wait3A_393 = arith.constant 0 : i32
    %dma_wait3A_394 = tpu.memref_slice %arg4[%dma_wait3A_390, %dma_wait3A_391, %dma_wait3A_392, %dma_wait3A_393] : memref<5x4x32x128xf32, #tpu.memory_space<vmem>> -> memref<1x1x32x128xf32, #tpu.memory_space<vmem>>
    %dma_wait3A_395 = tpu.memref_squeeze %dma_wait3A_394 : memref<1x1x32x128xf32, #tpu.memory_space<vmem>> -> memref<32x128xf32, #tpu.memory_space<vmem>>
    %dma_wait3A_396 = tpu.memref_slice %arg2[%multiple_of3A_42, %multiple_of3A_105] : memref<1024x32000xf32, #tpu.memory_space<hbm>> -> memref<32x128xf32, #tpu.memory_space<hbm>>
    %dma_wait3A_397 = arith.constant 0 : i32
    %dma_wait3A_398 = arith.constant 0 : i32
    %dma_wait3A_399 = tpu.memref_slice %arg4[%dma_wait3A_390, %dma_wait3A_391, %dma_wait3A_397, %dma_wait3A_398] : memref<5x4x32x128xf32, #tpu.memory_space<vmem>> -> memref<1x1x32x128xf32, #tpu.memory_space<vmem>>
    %dma_wait3A_400 = tpu.memref_squeeze %dma_wait3A_399 : memref<1x1x32x128xf32, #tpu.memory_space<vmem>> -> memref<32x128xf32, #tpu.memory_space<vmem>>
    %dma_wait3A_401 = tpu.memref_slice %arg2[%multiple_of3A_42, %multiple_of3A_105] : memref<1024x32000xf32, #tpu.memory_space<hbm>> -> memref<32x128xf32, #tpu.memory_space<hbm>>
    tpu.wait_dma2 semaphore(%arg6 : memref<!tpu.dma_semaphore, #tpu.memory_space<semaphore_mem>>) src(%dma_wait3A_401 : memref<32x128xf32, #tpu.memory_space<hbm>>) dst(%dma_wait3A_400 : memref<32x128xf32, #tpu.memory_space<vmem>>)
    %add3A_402 = arith.constant 128 : i32
    %add3A_403 = arith.addi %mul3A_32, %add3A_402 : i32
    %multiple_of3A_404 = tpu.assume_multiple %add3A_403, 32 : i32
    %mul3A_405 = arith.constant 31 : i32
    %mul3A_406 = arith.muli %mul3A_405, %select_n3A_9 : i32
    %add3A_407 = arith.constant 0 : i32
    %add3A_408 = arith.addi %mul3A_406, %add3A_407 : i32
    %mul3A_409 = arith.constant 128 : i32
    %mul3A_410 = arith.muli %add3A_408, %mul3A_409 : i32
    %multiple_of3A_411 = tpu.assume_multiple %mul3A_410, 128 : i32
    %dma_start3A_412 = arith.constant 4 : i32
    %dma_start3A_413 = arith.constant 0 : i32
    %dma_start3A_414 = arith.constant 0 : i32
    %dma_start3A_415 = arith.constant 0 : i32
    %dma_start3A_416 = tpu.memref_slice %arg4[%dma_start3A_412, %dma_start3A_413, %dma_start3A_414, %dma_start3A_415] : memref<5x4x32x128xf32, #tpu.memory_space<vmem>> -> memref<1x1x32x128xf32, #tpu.memory_space<vmem>>
    %dma_start3A_417 = tpu.memref_squeeze %dma_start3A_416 : memref<1x1x32x128xf32, #tpu.memory_space<vmem>> -> memref<32x128xf32, #tpu.memory_space<vmem>>
    %dma_start3A_418 = tpu.memref_slice %arg2[%multiple_of3A_404, %multiple_of3A_411] : memref<1024x32000xf32, #tpu.memory_space<hbm>> -> memref<32x128xf32, #tpu.memory_space<hbm>>
    %dma_start3A_419 = arith.constant 0 : i32
    %dma_start3A_420 = arith.constant 0 : i32
    %dma_start3A_421 = tpu.memref_slice %arg4[%dma_start3A_412, %dma_start3A_413, %dma_start3A_419, %dma_start3A_420] : memref<5x4x32x128xf32, #tpu.memory_space<vmem>> -> memref<1x1x32x128xf32, #tpu.memory_space<vmem>>
    %dma_start3A_422 = tpu.memref_squeeze %dma_start3A_421 : memref<1x1x32x128xf32, #tpu.memory_space<vmem>> -> memref<32x128xf32, #tpu.memory_space<vmem>>
    %dma_start3A_423 = tpu.memref_slice %arg2[%multiple_of3A_404, %multiple_of3A_411] : memref<1024x32000xf32, #tpu.memory_space<hbm>> -> memref<32x128xf32, #tpu.memory_space<hbm>>
    tpu.enqueue_dma source(%dma_start3A_423 : memref<32x128xf32, #tpu.memory_space<hbm>>) target(%dma_start3A_422 : memref<32x128xf32, #tpu.memory_space<vmem>>) target_semaphore(%arg6 : memref<!tpu.dma_semaphore, #tpu.memory_space<semaphore_mem>>)
    %mul3A_424 = arith.constant 31 : i32
    %mul3A_425 = arith.muli %mul3A_424, %select_n3A_9 : i32
    %add3A_426 = arith.constant 7 : i32
    %add3A_427 = arith.addi %mul3A_425, %add3A_426 : i32
    %mul3A_428 = arith.constant 128 : i32
    %mul3A_429 = arith.muli %add3A_427, %mul3A_428 : i32
    %multiple_of3A_430 = tpu.assume_multiple %mul3A_429, 128 : i32
    %dma_start3A_431 = arith.constant 4 : i32
    %dma_start3A_432 = arith.constant 1 : i32
    %dma_start3A_433 = arith.constant 0 : i32
    %dma_start3A_434 = arith.constant 0 : i32
    %dma_start3A_435 = tpu.memref_slice %arg4[%dma_start3A_431, %dma_start3A_432, %dma_start3A_433, %dma_start3A_434] : memref<5x4x32x128xf32, #tpu.memory_space<vmem>> -> memref<1x1x32x128xf32, #tpu.memory_space<vmem>>
    %dma_start3A_436 = tpu.memref_squeeze %dma_start3A_435 : memref<1x1x32x128xf32, #tpu.memory_space<vmem>> -> memref<32x128xf32, #tpu.memory_space<vmem>>
    %dma_start3A_437 = tpu.memref_slice %arg2[%multiple_of3A_404, %multiple_of3A_430] : memref<1024x32000xf32, #tpu.memory_space<hbm>> -> memref<32x128xf32, #tpu.memory_space<hbm>>
    %dma_start3A_438 = arith.constant 0 : i32
    %dma_start3A_439 = arith.constant 0 : i32
    %dma_start3A_440 = tpu.memref_slice %arg4[%dma_start3A_431, %dma_start3A_432, %dma_start3A_438, %dma_start3A_439] : memref<5x4x32x128xf32, #tpu.memory_space<vmem>> -> memref<1x1x32x128xf32, #tpu.memory_space<vmem>>
    %dma_start3A_441 = tpu.memref_squeeze %dma_start3A_440 : memref<1x1x32x128xf32, #tpu.memory_space<vmem>> -> memref<32x128xf32, #tpu.memory_space<vmem>>
    %dma_start3A_442 = tpu.memref_slice %arg2[%multiple_of3A_404, %multiple_of3A_430] : memref<1024x32000xf32, #tpu.memory_space<hbm>> -> memref<32x128xf32, #tpu.memory_space<hbm>>
    tpu.enqueue_dma source(%dma_start3A_442 : memref<32x128xf32, #tpu.memory_space<hbm>>) target(%dma_start3A_441 : memref<32x128xf32, #tpu.memory_space<vmem>>) target_semaphore(%arg6 : memref<!tpu.dma_semaphore, #tpu.memory_space<semaphore_mem>>)
    %mul3A_443 = arith.constant 31 : i32
    %mul3A_444 = arith.muli %mul3A_443, %select_n3A_9 : i32
    %add3A_445 = arith.constant 15 : i32
    %add3A_446 = arith.addi %mul3A_444, %add3A_445 : i32
    %mul3A_447 = arith.constant 128 : i32
    %mul3A_448 = arith.muli %add3A_446, %mul3A_447 : i32
    %multiple_of3A_449 = tpu.assume_multiple %mul3A_448, 128 : i32
    %dma_start3A_450 = arith.constant 4 : i32
    %dma_start3A_451 = arith.constant 2 : i32
    %dma_start3A_452 = arith.constant 0 : i32
    %dma_start3A_453 = arith.constant 0 : i32
    %dma_start3A_454 = tpu.memref_slice %arg4[%dma_start3A_450, %dma_start3A_451, %dma_start3A_452, %dma_start3A_453] : memref<5x4x32x128xf32, #tpu.memory_space<vmem>> -> memref<1x1x32x128xf32, #tpu.memory_space<vmem>>
    %dma_start3A_455 = tpu.memref_squeeze %dma_start3A_454 : memref<1x1x32x128xf32, #tpu.memory_space<vmem>> -> memref<32x128xf32, #tpu.memory_space<vmem>>
    %dma_start3A_456 = tpu.memref_slice %arg2[%multiple_of3A_404, %multiple_of3A_449] : memref<1024x32000xf32, #tpu.memory_space<hbm>> -> memref<32x128xf32, #tpu.memory_space<hbm>>
    %dma_start3A_457 = arith.constant 0 : i32
    %dma_start3A_458 = arith.constant 0 : i32
    %dma_start3A_459 = tpu.memref_slice %arg4[%dma_start3A_450, %dma_start3A_451, %dma_start3A_457, %dma_start3A_458] : memref<5x4x32x128xf32, #tpu.memory_space<vmem>> -> memref<1x1x32x128xf32, #tpu.memory_space<vmem>>
    %dma_start3A_460 = tpu.memref_squeeze %dma_start3A_459 : memref<1x1x32x128xf32, #tpu.memory_space<vmem>> -> memref<32x128xf32, #tpu.memory_space<vmem>>
    %dma_start3A_461 = tpu.memref_slice %arg2[%multiple_of3A_404, %multiple_of3A_449] : memref<1024x32000xf32, #tpu.memory_space<hbm>> -> memref<32x128xf32, #tpu.memory_space<hbm>>
    tpu.enqueue_dma source(%dma_start3A_461 : memref<32x128xf32, #tpu.memory_space<hbm>>) target(%dma_start3A_460 : memref<32x128xf32, #tpu.memory_space<vmem>>) target_semaphore(%arg6 : memref<!tpu.dma_semaphore, #tpu.memory_space<semaphore_mem>>)
    %mul3A_462 = arith.constant 31 : i32
    %mul3A_463 = arith.muli %mul3A_462, %select_n3A_9 : i32
    %add3A_464 = arith.constant 23 : i32
    %add3A_465 = arith.addi %mul3A_463, %add3A_464 : i32
    %mul3A_466 = arith.constant 128 : i32
    %mul3A_467 = arith.muli %add3A_465, %mul3A_466 : i32
    %multiple_of3A_468 = tpu.assume_multiple %mul3A_467, 128 : i32
    %dma_start3A_469 = arith.constant 4 : i32
    %dma_start3A_470 = arith.constant 3 : i32
    %dma_start3A_471 = arith.constant 0 : i32
    %dma_start3A_472 = arith.constant 0 : i32
    %dma_start3A_473 = tpu.memref_slice %arg4[%dma_start3A_469, %dma_start3A_470, %dma_start3A_471, %dma_start3A_472] : memref<5x4x32x128xf32, #tpu.memory_space<vmem>> -> memref<1x1x32x128xf32, #tpu.memory_space<vmem>>
    %dma_start3A_474 = tpu.memref_squeeze %dma_start3A_473 : memref<1x1x32x128xf32, #tpu.memory_space<vmem>> -> memref<32x128xf32, #tpu.memory_space<vmem>>
    %dma_start3A_475 = tpu.memref_slice %arg2[%multiple_of3A_404, %multiple_of3A_468] : memref<1024x32000xf32, #tpu.memory_space<hbm>> -> memref<32x128xf32, #tpu.memory_space<hbm>>
    %dma_start3A_476 = arith.constant 0 : i32
    %dma_start3A_477 = arith.constant 0 : i32
    %dma_start3A_478 = tpu.memref_slice %arg4[%dma_start3A_469, %dma_start3A_470, %dma_start3A_476, %dma_start3A_477] : memref<5x4x32x128xf32, #tpu.memory_space<vmem>> -> memref<1x1x32x128xf32, #tpu.memory_space<vmem>>
    %dma_start3A_479 = tpu.memref_squeeze %dma_start3A_478 : memref<1x1x32x128xf32, #tpu.memory_space<vmem>> -> memref<32x128xf32, #tpu.memory_space<vmem>>
    %dma_start3A_480 = tpu.memref_slice %arg2[%multiple_of3A_404, %multiple_of3A_468] : memref<1024x32000xf32, #tpu.memory_space<hbm>> -> memref<32x128xf32, #tpu.memory_space<hbm>>
    tpu.enqueue_dma source(%dma_start3A_480 : memref<32x128xf32, #tpu.memory_space<hbm>>) target(%dma_start3A_479 : memref<32x128xf32, #tpu.memory_space<vmem>>) target_semaphore(%arg6 : memref<!tpu.dma_semaphore, #tpu.memory_space<semaphore_mem>>)
    %parallel_loop3A = arith.constant 0 : i32
    %parallel_loop3A_481 = arith.constant 32 : i32
    %parallel_loop3A_482 = arith.constant 1 : i32
    scf.for %parallel_loop3A_1277 = %parallel_loop3A to %parallel_loop3A_481 step %parallel_loop3A_482  : i32 {
      %parallel_loop3A_1278 = arith.constant 0 : i32
      %parallel_loop3A_1279 = arith.constant 0 : i32
      %parallel_loop3A_1280 = arith.index_cast %parallel_loop3A_1278 : i32 to index
      %parallel_loop3A_1281 = arith.index_cast %parallel_loop3A_1279 : i32 to index
      %parallel_loop3A_1282 = arith.index_cast %parallel_loop3A_1277 : i32 to index
      %parallel_loop3A_1283 = arith.constant 0 : index
      %parallel_loop3A_1284 = tpu.vector_load %arg4[%parallel_loop3A_1280, %parallel_loop3A_1281, %parallel_loop3A_1282, %parallel_loop3A_1283] {strides = array<i32>} : memref<5x4x32x128xf32, #tpu.memory_space<vmem>>, vector<1x1x1x16xf32>,
      %parallel_loop3A_1285 = vector.shape_cast %parallel_loop3A_1284 : vector<1x1x1x16xf32> to vector<16xf32>
      %parallel_loop3A_1286 = arith.constant 0 : i32
      %parallel_loop3A_1287 = arith.constant 0 : i32
      %parallel_loop3A_1288 = arith.index_cast %parallel_loop3A_1286 : i32 to index
      %parallel_loop3A_1289 = arith.index_cast %parallel_loop3A_1287 : i32 to index
      %parallel_loop3A_1290 = arith.index_cast %parallel_loop3A_1277 : i32 to index
      %parallel_loop3A_1291 = arith.constant 16 : index
      %parallel_loop3A_1292 = tpu.vector_load %arg4[%parallel_loop3A_1288, %parallel_loop3A_1289, %parallel_loop3A_1290, %parallel_loop3A_1291] {strides = array<i32>} : memref<5x4x32x128xf32, #tpu.memory_space<vmem>>, vector<1x1x1x16xf32>,
      %parallel_loop3A_1293 = vector.shape_cast %parallel_loop3A_1292 : vector<1x1x1x16xf32> to vector<16xf32>
      %parallel_loop3A_1294 = arith.mulf %parallel_loop3A_1285, %broadcast_in_dim3A : vector<16xf32>
      %parallel_loop3A_1295 = arith.mulf %parallel_loop3A_1293, %broadcast_in_dim3A : vector<16xf32>
      %parallel_loop3A_1296 = arith.constant 0 : i32
      %parallel_loop3A_1297 = arith.index_cast %parallel_loop3A_1296 : i32 to index
      %parallel_loop3A_1298 = arith.index_cast %parallel_loop3A_1277 : i32 to index
      %parallel_loop3A_1299 = arith.constant 0 : index
      %parallel_loop3A_1300 = tpu.vector_load %arg5[%parallel_loop3A_1297, %parallel_loop3A_1298, %parallel_loop3A_1299] {strides = array<i32>} : memref<5x32x128xf32, #tpu.memory_space<vmem>>, vector<1x1x16xf32>,
      %parallel_loop3A_1301 = vector.shape_cast %parallel_loop3A_1300 : vector<1x1x16xf32> to vector<16xf32>
      %parallel_loop3A_1302 = vector.shape_cast %parallel_loop3A_1294 : vector<16xf32> to vector<1x1x16xf32>
      tpu.vector_store %arg5[%parallel_loop3A_1297, %parallel_loop3A_1298, %parallel_loop3A_1299], %parallel_loop3A_1302 {strides = array<i32>} : memref<5x32x128xf32, #tpu.memory_space<vmem>>, vector<1x1x16xf32>,
      %parallel_loop3A_1303 = arith.constant 0 : i32
      %parallel_loop3A_1304 = arith.index_cast %parallel_loop3A_1303 : i32 to index
      %parallel_loop3A_1305 = arith.index_cast %parallel_loop3A_1277 : i32 to index
      %parallel_loop3A_1306 = arith.constant 16 : index
      %parallel_loop3A_1307 = tpu.vector_load %arg5[%parallel_loop3A_1304, %parallel_loop3A_1305, %parallel_loop3A_1306] {strides = array<i32>} : memref<5x32x128xf32, #tpu.memory_space<vmem>>, vector<1x1x16xf32>,
      %parallel_loop3A_1308 = vector.shape_cast %parallel_loop3A_1307 : vector<1x1x16xf32> to vector<16xf32>
      %parallel_loop3A_1309 = vector.shape_cast %parallel_loop3A_1295 : vector<16xf32> to vector<1x1x16xf32>
      tpu.vector_store %arg5[%parallel_loop3A_1304, %parallel_loop3A_1305, %parallel_loop3A_1306], %parallel_loop3A_1309 {strides = array<i32>} : memref<5x32x128xf32, #tpu.memory_space<vmem>>, vector<1x1x16xf32>,
      %parallel_loop3A_1310 = arith.constant 0 : i32
      %parallel_loop3A_1311 = arith.constant 1 : i32
      %parallel_loop3A_1312 = arith.index_cast %parallel_loop3A_1310 : i32 to index
      %parallel_loop3A_1313 = arith.index_cast %parallel_loop3A_1311 : i32 to index
      %parallel_loop3A_1314 = arith.index_cast %parallel_loop3A_1277 : i32 to index
      %parallel_loop3A_1315 = arith.constant 96 : index
      %parallel_loop3A_1316 = tpu.vector_load %arg4[%parallel_loop3A_1312, %parallel_loop3A_1313, %parallel_loop3A_1314, %parallel_loop3A_1315] {strides = array<i32>} : memref<5x4x32x128xf32, #tpu.memory_space<vmem>>, vector<1x1x1x16xf32>,
      %parallel_loop3A_1317 = vector.shape_cast %parallel_loop3A_1316 : vector<1x1x1x16xf32> to vector<16xf32>
      %parallel_loop3A_1318 = arith.constant 0 : i32
      %parallel_loop3A_1319 = arith.constant 1 : i32
      %parallel_loop3A_1320 = arith.index_cast %parallel_loop3A_1318 : i32 to index
      %parallel_loop3A_1321 = arith.index_cast %parallel_loop3A_1319 : i32 to index
      %parallel_loop3A_1322 = arith.index_cast %parallel_loop3A_1277 : i32 to index
      %parallel_loop3A_1323 = arith.constant 112 : index
      %parallel_loop3A_1324 = tpu.vector_load %arg4[%parallel_loop3A_1320, %parallel_loop3A_1321, %parallel_loop3A_1322, %parallel_loop3A_1323] {strides = array<i32>} : memref<5x4x32x128xf32, #tpu.memory_space<vmem>>, vector<1x1x1x16xf32>,
      %parallel_loop3A_1325 = vector.shape_cast %parallel_loop3A_1324 : vector<1x1x1x16xf32> to vector<16xf32>
      %parallel_loop3A_1326 = arith.constant 0 : i32
      %parallel_loop3A_1327 = arith.index_cast %parallel_loop3A_1326 : i32 to index
      %parallel_loop3A_1328 = arith.index_cast %parallel_loop3A_1277 : i32 to index
      %parallel_loop3A_1329 = arith.constant 32 : index
      %parallel_loop3A_1330 = tpu.vector_load %arg5[%parallel_loop3A_1327, %parallel_loop3A_1328, %parallel_loop3A_1329] {strides = array<i32>} : memref<5x32x128xf32, #tpu.memory_space<vmem>>, vector<1x1x16xf32>,
      %parallel_loop3A_1331 = vector.shape_cast %parallel_loop3A_1330 : vector<1x1x16xf32> to vector<16xf32>
      %parallel_loop3A_1332 = vector.shape_cast %parallel_loop3A_1317 : vector<16xf32> to vector<1x1x16xf32>
      tpu.vector_store %arg5[%parallel_loop3A_1327, %parallel_loop3A_1328, %parallel_loop3A_1329], %parallel_loop3A_1332 {strides = array<i32>} : memref<5x32x128xf32, #tpu.memory_space<vmem>>, vector<1x1x16xf32>,
      %parallel_loop3A_1333 = arith.constant 0 : i32
      %parallel_loop3A_1334 = arith.index_cast %parallel_loop3A_1333 : i32 to index
      %parallel_loop3A_1335 = arith.index_cast %parallel_loop3A_1277 : i32 to index
      %parallel_loop3A_1336 = arith.constant 48 : index
      %parallel_loop3A_1337 = tpu.vector_load %arg5[%parallel_loop3A_1334, %parallel_loop3A_1335, %parallel_loop3A_1336] {strides = array<i32>} : memref<5x32x128xf32, #tpu.memory_space<vmem>>, vector<1x1x16xf32>,
      %parallel_loop3A_1338 = vector.shape_cast %parallel_loop3A_1337 : vector<1x1x16xf32> to vector<16xf32>
      %parallel_loop3A_1339 = vector.shape_cast %parallel_loop3A_1325 : vector<16xf32> to vector<1x1x16xf32>
      tpu.vector_store %arg5[%parallel_loop3A_1334, %parallel_loop3A_1335, %parallel_loop3A_1336], %parallel_loop3A_1339 {strides = array<i32>} : memref<5x32x128xf32, #tpu.memory_space<vmem>>, vector<1x1x16xf32>,
      %parallel_loop3A_1340 = arith.constant 0 : i32
      %parallel_loop3A_1341 = arith.constant 2 : i32
      %parallel_loop3A_1342 = arith.index_cast %parallel_loop3A_1340 : i32 to index
      %parallel_loop3A_1343 = arith.index_cast %parallel_loop3A_1341 : i32 to index
      %parallel_loop3A_1344 = arith.index_cast %parallel_loop3A_1277 : i32 to index
      %parallel_loop3A_1345 = arith.constant 64 : index
      %parallel_loop3A_1346 = tpu.vector_load %arg4[%parallel_loop3A_1342, %parallel_loop3A_1343, %parallel_loop3A_1344, %parallel_loop3A_1345] {strides = array<i32>} : memref<5x4x32x128xf32, #tpu.memory_space<vmem>>, vector<1x1x1x16xf32>,
      %parallel_loop3A_1347 = vector.shape_cast %parallel_loop3A_1346 : vector<1x1x1x16xf32> to vector<16xf32>
      %parallel_loop3A_1348 = arith.constant 0 : i32
      %parallel_loop3A_1349 = arith.constant 2 : i32
      %parallel_loop3A_1350 = arith.index_cast %parallel_loop3A_1348 : i32 to index
      %parallel_loop3A_1351 = arith.index_cast %parallel_loop3A_1349 : i32 to index
      %parallel_loop3A_1352 = arith.index_cast %parallel_loop3A_1277 : i32 to index
      %parallel_loop3A_1353 = arith.constant 80 : index
      %parallel_loop3A_1354 = tpu.vector_load %arg4[%parallel_loop3A_1350, %parallel_loop3A_1351, %parallel_loop3A_1352, %parallel_loop3A_1353] {strides = array<i32>} : memref<5x4x32x128xf32, #tpu.memory_space<vmem>>, vector<1x1x1x16xf32>,
      %parallel_loop3A_1355 = vector.shape_cast %parallel_loop3A_1354 : vector<1x1x1x16xf32> to vector<16xf32>
      %parallel_loop3A_1356 = arith.constant 0 : i32
      %parallel_loop3A_1357 = arith.index_cast %parallel_loop3A_1356 : i32 to index
      %parallel_loop3A_1358 = arith.index_cast %parallel_loop3A_1277 : i32 to index
      %parallel_loop3A_1359 = arith.constant 64 : index
      %parallel_loop3A_1360 = tpu.vector_load %arg5[%parallel_loop3A_1357, %parallel_loop3A_1358, %parallel_loop3A_1359] {strides = array<i32>} : memref<5x32x128xf32, #tpu.memory_space<vmem>>, vector<1x1x16xf32>,
      %parallel_loop3A_1361 = vector.shape_cast %parallel_loop3A_1360 : vector<1x1x16xf32> to vector<16xf32>
      %parallel_loop3A_1362 = vector.shape_cast %parallel_loop3A_1347 : vector<16xf32> to vector<1x1x16xf32>
      tpu.vector_store %arg5[%parallel_loop3A_1357, %parallel_loop3A_1358, %parallel_loop3A_1359], %parallel_loop3A_1362 {strides = array<i32>} : memref<5x32x128xf32, #tpu.memory_space<vmem>>, vector<1x1x16xf32>,
      %parallel_loop3A_1363 = arith.constant 0 : i32
      %parallel_loop3A_1364 = arith.index_cast %parallel_loop3A_1363 : i32 to index
      %parallel_loop3A_1365 = arith.index_cast %parallel_loop3A_1277 : i32 to index
      %parallel_loop3A_1366 = arith.constant 80 : index
      %parallel_loop3A_1367 = tpu.vector_load %arg5[%parallel_loop3A_1364, %parallel_loop3A_1365, %parallel_loop3A_1366] {strides = array<i32>} : memref<5x32x128xf32, #tpu.memory_space<vmem>>, vector<1x1x16xf32>,
      %parallel_loop3A_1368 = vector.shape_cast %parallel_loop3A_1367 : vector<1x1x16xf32> to vector<16xf32>
      %parallel_loop3A_1369 = vector.shape_cast %parallel_loop3A_1355 : vector<16xf32> to vector<1x1x16xf32>
      tpu.vector_store %arg5[%parallel_loop3A_1364, %parallel_loop3A_1365, %parallel_loop3A_1366], %parallel_loop3A_1369 {strides = array<i32>} : memref<5x32x128xf32, #tpu.memory_space<vmem>>, vector<1x1x16xf32>,
      %parallel_loop3A_1370 = arith.constant 0 : i32
      %parallel_loop3A_1371 = arith.constant 3 : i32
      %parallel_loop3A_1372 = arith.index_cast %parallel_loop3A_1370 : i32 to index
      %parallel_loop3A_1373 = arith.index_cast %parallel_loop3A_1371 : i32 to index
      %parallel_loop3A_1374 = arith.index_cast %parallel_loop3A_1277 : i32 to index
      %parallel_loop3A_1375 = arith.constant 32 : index
      %parallel_loop3A_1376 = tpu.vector_load %arg4[%parallel_loop3A_1372, %parallel_loop3A_1373, %parallel_loop3A_1374, %parallel_loop3A_1375] {strides = array<i32>} : memref<5x4x32x128xf32, #tpu.memory_space<vmem>>, vector<1x1x1x16xf32>,
      %parallel_loop3A_1377 = vector.shape_cast %parallel_loop3A_1376 : vector<1x1x1x16xf32> to vector<16xf32>
      %parallel_loop3A_1378 = arith.constant 0 : i32
      %parallel_loop3A_1379 = arith.constant 3 : i32
      %parallel_loop3A_1380 = arith.index_cast %parallel_loop3A_1378 : i32 to index
      %parallel_loop3A_1381 = arith.index_cast %parallel_loop3A_1379 : i32 to index
      %parallel_loop3A_1382 = arith.index_cast %parallel_loop3A_1277 : i32 to index
      %parallel_loop3A_1383 = arith.constant 48 : index
      %parallel_loop3A_1384 = tpu.vector_load %arg4[%parallel_loop3A_1380, %parallel_loop3A_1381, %parallel_loop3A_1382, %parallel_loop3A_1383] {strides = array<i32>} : memref<5x4x32x128xf32, #tpu.memory_space<vmem>>, vector<1x1x1x16xf32>,
      %parallel_loop3A_1385 = vector.shape_cast %parallel_loop3A_1384 : vector<1x1x1x16xf32> to vector<16xf32>
      %parallel_loop3A_1386 = arith.constant 0 : i32
      %parallel_loop3A_1387 = arith.index_cast %parallel_loop3A_1386 : i32 to index
      %parallel_loop3A_1388 = arith.index_cast %parallel_loop3A_1277 : i32 to index
      %parallel_loop3A_1389 = arith.constant 96 : index
      %parallel_loop3A_1390 = tpu.vector_load %arg5[%parallel_loop3A_1387, %parallel_loop3A_1388, %parallel_loop3A_1389] {strides = array<i32>} : memref<5x32x128xf32, #tpu.memory_space<vmem>>, vector<1x1x16xf32>,
      %parallel_loop3A_1391 = vector.shape_cast %parallel_loop3A_1390 : vector<1x1x16xf32> to vector<16xf32>
      %parallel_loop3A_1392 = vector.shape_cast %parallel_loop3A_1377 : vector<16xf32> to vector<1x1x16xf32>
      tpu.vector_store %arg5[%parallel_loop3A_1387, %parallel_loop3A_1388, %parallel_loop3A_1389], %parallel_loop3A_1392 {strides = array<i32>} : memref<5x32x128xf32, #tpu.memory_space<vmem>>, vector<1x1x16xf32>,
      %parallel_loop3A_1393 = arith.constant 0 : i32
      %parallel_loop3A_1394 = arith.index_cast %parallel_loop3A_1393 : i32 to index
      %parallel_loop3A_1395 = arith.index_cast %parallel_loop3A_1277 : i32 to index
      %parallel_loop3A_1396 = arith.constant 112 : index
      %parallel_loop3A_1397 = tpu.vector_load %arg5[%parallel_loop3A_1394, %parallel_loop3A_1395, %parallel_loop3A_1396] {strides = array<i32>} : memref<5x32x128xf32, #tpu.memory_space<vmem>>, vector<1x1x16xf32>,
      %parallel_loop3A_1398 = vector.shape_cast %parallel_loop3A_1397 : vector<1x1x16xf32> to vector<16xf32>
      %parallel_loop3A_1399 = vector.shape_cast %parallel_loop3A_1385 : vector<16xf32> to vector<1x1x16xf32>
      tpu.vector_store %arg5[%parallel_loop3A_1394, %parallel_loop3A_1395, %parallel_loop3A_1396], %parallel_loop3A_1399 {strides = array<i32>} : memref<5x32x128xf32, #tpu.memory_space<vmem>>, vector<1x1x16xf32>,
    } {sc.loop_unroll_factor = 4 : i64, sc.parallel_access}
    %add3A_483 = arith.constant 0 : i32
    %add3A_484 = arith.addi %mul3A_32, %add3A_483 : i32
    %multiple_of3A_485 = tpu.assume_multiple %add3A_484, 32 : i32
    %dma_start3A_486 = arith.constant 0 : i32
    %dma_start3A_487 = arith.constant 0 : i32
    %dma_start3A_488 = arith.constant 0 : i32
    %dma_start3A_489 = tpu.memref_slice %arg5[%dma_start3A_486, %dma_start3A_487, %dma_start3A_488] : memref<5x32x128xf32, #tpu.memory_space<vmem>> -> memref<1x32x128xf32, #tpu.memory_space<vmem>>
    %dma_start3A_490 = tpu.memref_squeeze %dma_start3A_489 : memref<1x32x128xf32, #tpu.memory_space<vmem>> -> memref<32x128xf32, #tpu.memory_space<vmem>>
    %dma_start3A_491 = tpu.memref_slice %arg3[%multiple_of3A_485, %multiple_of3A] : memref<1024x1024xf32, #tpu.memory_space<hbm>> -> memref<32x128xf32, #tpu.memory_space<hbm>>
    %dma_start3A_492 = tpu.memref_slice %arg3[%multiple_of3A_485, %multiple_of3A] : memref<1024x1024xf32, #tpu.memory_space<hbm>> -> memref<32x128xf32, #tpu.memory_space<hbm>>
    %dma_start3A_493 = arith.constant 0 : i32
    %dma_start3A_494 = arith.constant 0 : i32
    %dma_start3A_495 = tpu.memref_slice %arg5[%dma_start3A_486, %dma_start3A_493, %dma_start3A_494] : memref<5x32x128xf32, #tpu.memory_space<vmem>> -> memref<1x32x128xf32, #tpu.memory_space<vmem>>
    %dma_start3A_496 = tpu.memref_squeeze %dma_start3A_495 : memref<1x32x128xf32, #tpu.memory_space<vmem>> -> memref<32x128xf32, #tpu.memory_space<vmem>>
    tpu.enqueue_dma source(%dma_start3A_496 : memref<32x128xf32, #tpu.memory_space<vmem>>) target(%dma_start3A_492 : memref<32x128xf32, #tpu.memory_space<hbm>>) target_semaphore(%arg7 : memref<!tpu.dma_semaphore, #tpu.memory_space<semaphore_mem>>)
    %dma_wait3A_497 = arith.constant 1 : i32
    %dma_wait3A_498 = arith.constant 0 : i32
    %dma_wait3A_499 = arith.constant 0 : i32
    %dma_wait3A_500 = arith.constant 0 : i32
    %dma_wait3A_501 = tpu.memref_slice %arg4[%dma_wait3A_497, %dma_wait3A_498, %dma_wait3A_499, %dma_wait3A_500] : memref<5x4x32x128xf32, #tpu.memory_space<vmem>> -> memref<1x1x32x128xf32, #tpu.memory_space<vmem>>
    %dma_wait3A_502 = tpu.memref_squeeze %dma_wait3A_501 : memref<1x1x32x128xf32, #tpu.memory_space<vmem>> -> memref<32x128xf32, #tpu.memory_space<vmem>>
    %dma_wait3A_503 = tpu.memref_slice %arg2[%multiple_of3A_120, %multiple_of3A_127] : memref<1024x32000xf32, #tpu.memory_space<hbm>> -> memref<32x128xf32, #tpu.memory_space<hbm>>
    %dma_wait3A_504 = arith.constant 0 : i32
    %dma_wait3A_505 = arith.constant 0 : i32
    %dma_wait3A_506 = tpu.memref_slice %arg4[%dma_wait3A_497, %dma_wait3A_498, %dma_wait3A_504, %dma_wait3A_505] : memref<5x4x32x128xf32, #tpu.memory_space<vmem>> -> memref<1x1x32x128xf32, #tpu.memory_space<vmem>>
    %dma_wait3A_507 = tpu.memref_squeeze %dma_wait3A_506 : memref<1x1x32x128xf32, #tpu.memory_space<vmem>> -> memref<32x128xf32, #tpu.memory_space<vmem>>
    %dma_wait3A_508 = tpu.memref_slice %arg2[%multiple_of3A_120, %multiple_of3A_127] : memref<1024x32000xf32, #tpu.memory_space<hbm>> -> memref<32x128xf32, #tpu.memory_space<hbm>>
    tpu.wait_dma2 semaphore(%arg6 : memref<!tpu.dma_semaphore, #tpu.memory_space<semaphore_mem>>) src(%dma_wait3A_508 : memref<32x128xf32, #tpu.memory_space<hbm>>) dst(%dma_wait3A_507 : memref<32x128xf32, #tpu.memory_space<vmem>>)
    %dma_wait3A_509 = arith.constant 1 : i32
    %dma_wait3A_510 = arith.constant 1 : i32
    %dma_wait3A_511 = arith.constant 0 : i32
    %dma_wait3A_512 = arith.constant 0 : i32
    %dma_wait3A_513 = tpu.memref_slice %arg4[%dma_wait3A_509, %dma_wait3A_510, %dma_wait3A_511, %dma_wait3A_512] : memref<5x4x32x128xf32, #tpu.memory_space<vmem>> -> memref<1x1x32x128xf32, #tpu.memory_space<vmem>>
    %dma_wait3A_514 = tpu.memref_squeeze %dma_wait3A_513 : memref<1x1x32x128xf32, #tpu.memory_space<vmem>> -> memref<32x128xf32, #tpu.memory_space<vmem>>
    %dma_wait3A_515 = tpu.memref_slice %arg2[%multiple_of3A_120, %multiple_of3A_146] : memref<1024x32000xf32, #tpu.memory_space<hbm>> -> memref<32x128xf32, #tpu.memory_space<hbm>>
    %dma_wait3A_516 = arith.constant 0 : i32
    %dma_wait3A_517 = arith.constant 0 : i32
    %dma_wait3A_518 = tpu.memref_slice %arg4[%dma_wait3A_509, %dma_wait3A_510, %dma_wait3A_516, %dma_wait3A_517] : memref<5x4x32x128xf32, #tpu.memory_space<vmem>> -> memref<1x1x32x128xf32, #tpu.memory_space<vmem>>
    %dma_wait3A_519 = tpu.memref_squeeze %dma_wait3A_518 : memref<1x1x32x128xf32, #tpu.memory_space<vmem>> -> memref<32x128xf32, #tpu.memory_space<vmem>>
    %dma_wait3A_520 = tpu.memref_slice %arg2[%multiple_of3A_120, %multiple_of3A_146] : memref<1024x32000xf32, #tpu.memory_space<hbm>> -> memref<32x128xf32, #tpu.memory_space<hbm>>
    tpu.wait_dma2 semaphore(%arg6 : memref<!tpu.dma_semaphore, #tpu.memory_space<semaphore_mem>>) src(%dma_wait3A_520 : memref<32x128xf32, #tpu.memory_space<hbm>>) dst(%dma_wait3A_519 : memref<32x128xf32, #tpu.memory_space<vmem>>)
    %dma_wait3A_521 = arith.constant 1 : i32
    %dma_wait3A_522 = arith.constant 2 : i32
    %dma_wait3A_523 = arith.constant 0 : i32
    %dma_wait3A_524 = arith.constant 0 : i32
    %dma_wait3A_525 = tpu.memref_slice %arg4[%dma_wait3A_521, %dma_wait3A_522, %dma_wait3A_523, %dma_wait3A_524] : memref<5x4x32x128xf32, #tpu.memory_space<vmem>> -> memref<1x1x32x128xf32, #tpu.memory_space<vmem>>
    %dma_wait3A_526 = tpu.memref_squeeze %dma_wait3A_525 : memref<1x1x32x128xf32, #tpu.memory_space<vmem>> -> memref<32x128xf32, #tpu.memory_space<vmem>>
    %dma_wait3A_527 = tpu.memref_slice %arg2[%multiple_of3A_120, %multiple_of3A_165] : memref<1024x32000xf32, #tpu.memory_space<hbm>> -> memref<32x128xf32, #tpu.memory_space<hbm>>
    %dma_wait3A_528 = arith.constant 0 : i32
    %dma_wait3A_529 = arith.constant 0 : i32
    %dma_wait3A_530 = tpu.memref_slice %arg4[%dma_wait3A_521, %dma_wait3A_522, %dma_wait3A_528, %dma_wait3A_529] : memref<5x4x32x128xf32, #tpu.memory_space<vmem>> -> memref<1x1x32x128xf32, #tpu.memory_space<vmem>>
    %dma_wait3A_531 = tpu.memref_squeeze %dma_wait3A_530 : memref<1x1x32x128xf32, #tpu.memory_space<vmem>> -> memref<32x128xf32, #tpu.memory_space<vmem>>
    %dma_wait3A_532 = tpu.memref_slice %arg2[%multiple_of3A_120, %multiple_of3A_165] : memref<1024x32000xf32, #tpu.memory_space<hbm>> -> memref<32x128xf32, #tpu.memory_space<hbm>>
    tpu.wait_dma2 semaphore(%arg6 : memref<!tpu.dma_semaphore, #tpu.memory_space<semaphore_mem>>) src(%dma_wait3A_532 : memref<32x128xf32, #tpu.memory_space<hbm>>) dst(%dma_wait3A_531 : memref<32x128xf32, #tpu.memory_space<vmem>>)
    %dma_wait3A_533 = arith.constant 1 : i32
    %dma_wait3A_534 = arith.constant 3 : i32
    %dma_wait3A_535 = arith.constant 0 : i32
    %dma_wait3A_536 = arith.constant 0 : i32
    %dma_wait3A_537 = tpu.memref_slice %arg4[%dma_wait3A_533, %dma_wait3A_534, %dma_wait3A_535, %dma_wait3A_536] : memref<5x4x32x128xf32, #tpu.memory_space<vmem>> -> memref<1x1x32x128xf32, #tpu.memory_space<vmem>>
    %dma_wait3A_538 = tpu.memref_squeeze %dma_wait3A_537 : memref<1x1x32x128xf32, #tpu.memory_space<vmem>> -> memref<32x128xf32, #tpu.memory_space<vmem>>
    %dma_wait3A_539 = tpu.memref_slice %arg2[%multiple_of3A_120, %multiple_of3A_184] : memref<1024x32000xf32, #tpu.memory_space<hbm>> -> memref<32x128xf32, #tpu.memory_space<hbm>>
    %dma_wait3A_540 = arith.constant 0 : i32
    %dma_wait3A_541 = arith.constant 0 : i32
    %dma_wait3A_542 = tpu.memref_slice %arg4[%dma_wait3A_533, %dma_wait3A_534, %dma_wait3A_540, %dma_wait3A_541] : memref<5x4x32x128xf32, #tpu.memory_space<vmem>> -> memref<1x1x32x128xf32, #tpu.memory_space<vmem>>
    %dma_wait3A_543 = tpu.memref_squeeze %dma_wait3A_542 : memref<1x1x32x128xf32, #tpu.memory_space<vmem>> -> memref<32x128xf32, #tpu.memory_space<vmem>>
    %dma_wait3A_544 = tpu.memref_slice %arg2[%multiple_of3A_120, %multiple_of3A_184] : memref<1024x32000xf32, #tpu.memory_space<hbm>> -> memref<32x128xf32, #tpu.memory_space<hbm>>
    tpu.wait_dma2 semaphore(%arg6 : memref<!tpu.dma_semaphore, #tpu.memory_space<semaphore_mem>>) src(%dma_wait3A_544 : memref<32x128xf32, #tpu.memory_space<hbm>>) dst(%dma_wait3A_543 : memref<32x128xf32, #tpu.memory_space<vmem>>)
    %add3A_545 = arith.constant 160 : i32
    %add3A_546 = arith.addi %mul3A_32, %add3A_545 : i32
    %multiple_of3A_547 = tpu.assume_multiple %add3A_546, 32 : i32
    %mul3A_548 = arith.constant 31 : i32
    %mul3A_549 = arith.muli %mul3A_548, %select_n3A_9 : i32
    %add3A_550 = arith.constant 0 : i32
    %add3A_551 = arith.addi %mul3A_549, %add3A_550 : i32
    %mul3A_552 = arith.constant 128 : i32
    %mul3A_553 = arith.muli %add3A_551, %mul3A_552 : i32
    %multiple_of3A_554 = tpu.assume_multiple %mul3A_553, 128 : i32
    %dma_start3A_555 = arith.constant 0 : i32
    %dma_start3A_556 = arith.constant 0 : i32
    %dma_start3A_557 = arith.constant 0 : i32
    %dma_start3A_558 = arith.constant 0 : i32
    %dma_start3A_559 = tpu.memref_slice %arg4[%dma_start3A_555, %dma_start3A_556, %dma_start3A_557, %dma_start3A_558] : memref<5x4x32x128xf32, #tpu.memory_space<vmem>> -> memref<1x1x32x128xf32, #tpu.memory_space<vmem>>
    %dma_start3A_560 = tpu.memref_squeeze %dma_start3A_559 : memref<1x1x32x128xf32, #tpu.memory_space<vmem>> -> memref<32x128xf32, #tpu.memory_space<vmem>>
    %dma_start3A_561 = tpu.memref_slice %arg2[%multiple_of3A_547, %multiple_of3A_554] : memref<1024x32000xf32, #tpu.memory_space<hbm>> -> memref<32x128xf32, #tpu.memory_space<hbm>>
    %dma_start3A_562 = arith.constant 0 : i32
    %dma_start3A_563 = arith.constant 0 : i32
    %dma_start3A_564 = tpu.memref_slice %arg4[%dma_start3A_555, %dma_start3A_556, %dma_start3A_562, %dma_start3A_563] : memref<5x4x32x128xf32, #tpu.memory_space<vmem>> -> memref<1x1x32x128xf32, #tpu.memory_space<vmem>>
    %dma_start3A_565 = tpu.memref_squeeze %dma_start3A_564 : memref<1x1x32x128xf32, #tpu.memory_space<vmem>> -> memref<32x128xf32, #tpu.memory_space<vmem>>
    %dma_start3A_566 = tpu.memref_slice %arg2[%multiple_of3A_547, %multiple_of3A_554] : memref<1024x32000xf32, #tpu.memory_space<hbm>> -> memref<32x128xf32, #tpu.memory_space<hbm>>
    tpu.enqueue_dma source(%dma_start3A_566 : memref<32x128xf32, #tpu.memory_space<hbm>>) target(%dma_start3A_565 : memref<32x128xf32, #tpu.memory_space<vmem>>) target_semaphore(%arg6 : memref<!tpu.dma_semaphore, #tpu.memory_space<semaphore_mem>>)
    %mul3A_567 = arith.constant 31 : i32
    %mul3A_568 = arith.muli %mul3A_567, %select_n3A_9 : i32
    %add3A_569 = arith.constant 7 : i32
    %add3A_570 = arith.addi %mul3A_568, %add3A_569 : i32
    %mul3A_571 = arith.constant 128 : i32
    %mul3A_572 = arith.muli %add3A_570, %mul3A_571 : i32
    %multiple_of3A_573 = tpu.assume_multiple %mul3A_572, 128 : i32
    %dma_start3A_574 = arith.constant 0 : i32
    %dma_start3A_575 = arith.constant 1 : i32
    %dma_start3A_576 = arith.constant 0 : i32
    %dma_start3A_577 = arith.constant 0 : i32
    %dma_start3A_578 = tpu.memref_slice %arg4[%dma_start3A_574, %dma_start3A_575, %dma_start3A_576, %dma_start3A_577] : memref<5x4x32x128xf32, #tpu.memory_space<vmem>> -> memref<1x1x32x128xf32, #tpu.memory_space<vmem>>
    %dma_start3A_579 = tpu.memref_squeeze %dma_start3A_578 : memref<1x1x32x128xf32, #tpu.memory_space<vmem>> -> memref<32x128xf32, #tpu.memory_space<vmem>>
    %dma_start3A_580 = tpu.memref_slice %arg2[%multiple_of3A_547, %multiple_of3A_573] : memref<1024x32000xf32, #tpu.memory_space<hbm>> -> memref<32x128xf32, #tpu.memory_space<hbm>>
    %dma_start3A_581 = arith.constant 0 : i32
    %dma_start3A_582 = arith.constant 0 : i32
    %dma_start3A_583 = tpu.memref_slice %arg4[%dma_start3A_574, %dma_start3A_575, %dma_start3A_581, %dma_start3A_582] : memref<5x4x32x128xf32, #tpu.memory_space<vmem>> -> memref<1x1x32x128xf32, #tpu.memory_space<vmem>>
    %dma_start3A_584 = tpu.memref_squeeze %dma_start3A_583 : memref<1x1x32x128xf32, #tpu.memory_space<vmem>> -> memref<32x128xf32, #tpu.memory_space<vmem>>
    %dma_start3A_585 = tpu.memref_slice %arg2[%multiple_of3A_547, %multiple_of3A_573] : memref<1024x32000xf32, #tpu.memory_space<hbm>> -> memref<32x128xf32, #tpu.memory_space<hbm>>
    tpu.enqueue_dma source(%dma_start3A_585 : memref<32x128xf32, #tpu.memory_space<hbm>>) target(%dma_start3A_584 : memref<32x128xf32, #tpu.memory_space<vmem>>) target_semaphore(%arg6 : memref<!tpu.dma_semaphore, #tpu.memory_space<semaphore_mem>>)
    %mul3A_586 = arith.constant 31 : i32
    %mul3A_587 = arith.muli %mul3A_586, %select_n3A_9 : i32
    %add3A_588 = arith.constant 15 : i32
    %add3A_589 = arith.addi %mul3A_587, %add3A_588 : i32
    %mul3A_590 = arith.constant 128 : i32
    %mul3A_591 = arith.muli %add3A_589, %mul3A_590 : i32
    %multiple_of3A_592 = tpu.assume_multiple %mul3A_591, 128 : i32
    %dma_start3A_593 = arith.constant 0 : i32
    %dma_start3A_594 = arith.constant 2 : i32
    %dma_start3A_595 = arith.constant 0 : i32
    %dma_start3A_596 = arith.constant 0 : i32
    %dma_start3A_597 = tpu.memref_slice %arg4[%dma_start3A_593, %dma_start3A_594, %dma_start3A_595, %dma_start3A_596] : memref<5x4x32x128xf32, #tpu.memory_space<vmem>> -> memref<1x1x32x128xf32, #tpu.memory_space<vmem>>
    %dma_start3A_598 = tpu.memref_squeeze %dma_start3A_597 : memref<1x1x32x128xf32, #tpu.memory_space<vmem>> -> memref<32x128xf32, #tpu.memory_space<vmem>>
    %dma_start3A_599 = tpu.memref_slice %arg2[%multiple_of3A_547, %multiple_of3A_592] : memref<1024x32000xf32, #tpu.memory_space<hbm>> -> memref<32x128xf32, #tpu.memory_space<hbm>>
    %dma_start3A_600 = arith.constant 0 : i32
    %dma_start3A_601 = arith.constant 0 : i32
    %dma_start3A_602 = tpu.memref_slice %arg4[%dma_start3A_593, %dma_start3A_594, %dma_start3A_600, %dma_start3A_601] : memref<5x4x32x128xf32, #tpu.memory_space<vmem>> -> memref<1x1x32x128xf32, #tpu.memory_space<vmem>>
    %dma_start3A_603 = tpu.memref_squeeze %dma_start3A_602 : memref<1x1x32x128xf32, #tpu.memory_space<vmem>> -> memref<32x128xf32, #tpu.memory_space<vmem>>
    %dma_start3A_604 = tpu.memref_slice %arg2[%multiple_of3A_547, %multiple_of3A_592] : memref<1024x32000xf32, #tpu.memory_space<hbm>> -> memref<32x128xf32, #tpu.memory_space<hbm>>
    tpu.enqueue_dma source(%dma_start3A_604 : memref<32x128xf32, #tpu.memory_space<hbm>>) target(%dma_start3A_603 : memref<32x128xf32, #tpu.memory_space<vmem>>) target_semaphore(%arg6 : memref<!tpu.dma_semaphore, #tpu.memory_space<semaphore_mem>>)
    %mul3A_605 = arith.constant 31 : i32
    %mul3A_606 = arith.muli %mul3A_605, %select_n3A_9 : i32
    %add3A_607 = arith.constant 23 : i32
    %add3A_608 = arith.addi %mul3A_606, %add3A_607 : i32
    %mul3A_609 = arith.constant 128 : i32
    %mul3A_610 = arith.muli %add3A_608, %mul3A_609 : i32
    %multiple_of3A_611 = tpu.assume_multiple %mul3A_610, 128 : i32
    %dma_start3A_612 = arith.constant 0 : i32
    %dma_start3A_613 = arith.constant 3 : i32
    %dma_start3A_614 = arith.constant 0 : i32
    %dma_start3A_615 = arith.constant 0 : i32
    %dma_start3A_616 = tpu.memref_slice %arg4[%dma_start3A_612, %dma_start3A_613, %dma_start3A_614, %dma_start3A_615] : memref<5x4x32x128xf32, #tpu.memory_space<vmem>> -> memref<1x1x32x128xf32, #tpu.memory_space<vmem>>
    %dma_start3A_617 = tpu.memref_squeeze %dma_start3A_616 : memref<1x1x32x128xf32, #tpu.memory_space<vmem>> -> memref<32x128xf32, #tpu.memory_space<vmem>>
    %dma_start3A_618 = tpu.memref_slice %arg2[%multiple_of3A_547, %multiple_of3A_611] : memref<1024x32000xf32, #tpu.memory_space<hbm>> -> memref<32x128xf32, #tpu.memory_space<hbm>>
    %dma_start3A_619 = arith.constant 0 : i32
    %dma_start3A_620 = arith.constant 0 : i32
    %dma_start3A_621 = tpu.memref_slice %arg4[%dma_start3A_612, %dma_start3A_613, %dma_start3A_619, %dma_start3A_620] : memref<5x4x32x128xf32, #tpu.memory_space<vmem>> -> memref<1x1x32x128xf32, #tpu.memory_space<vmem>>
    %dma_start3A_622 = tpu.memref_squeeze %dma_start3A_621 : memref<1x1x32x128xf32, #tpu.memory_space<vmem>> -> memref<32x128xf32, #tpu.memory_space<vmem>>
    %dma_start3A_623 = tpu.memref_slice %arg2[%multiple_of3A_547, %multiple_of3A_611] : memref<1024x32000xf32, #tpu.memory_space<hbm>> -> memref<32x128xf32, #tpu.memory_space<hbm>>
    tpu.enqueue_dma source(%dma_start3A_623 : memref<32x128xf32, #tpu.memory_space<hbm>>) target(%dma_start3A_622 : memref<32x128xf32, #tpu.memory_space<vmem>>) target_semaphore(%arg6 : memref<!tpu.dma_semaphore, #tpu.memory_space<semaphore_mem>>)
    %parallel_loop3A_624 = arith.constant 0 : i32
    %parallel_loop3A_625 = arith.constant 32 : i32
    %parallel_loop3A_626 = arith.constant 1 : i32
    scf.for %parallel_loop3A_1277 = %parallel_loop3A_624 to %parallel_loop3A_625 step %parallel_loop3A_626  : i32 {
      %parallel_loop3A_1278 = arith.constant 1 : i32
      %parallel_loop3A_1279 = arith.constant 0 : i32
      %parallel_loop3A_1280 = arith.index_cast %parallel_loop3A_1278 : i32 to index
      %parallel_loop3A_1281 = arith.index_cast %parallel_loop3A_1279 : i32 to index
      %parallel_loop3A_1282 = arith.index_cast %parallel_loop3A_1277 : i32 to index
      %parallel_loop3A_1283 = arith.constant 0 : index
      %parallel_loop3A_1284 = tpu.vector_load %arg4[%parallel_loop3A_1280, %parallel_loop3A_1281, %parallel_loop3A_1282, %parallel_loop3A_1283] {strides = array<i32>} : memref<5x4x32x128xf32, #tpu.memory_space<vmem>>, vector<1x1x1x16xf32>,
      %parallel_loop3A_1285 = vector.shape_cast %parallel_loop3A_1284 : vector<1x1x1x16xf32> to vector<16xf32>
      %parallel_loop3A_1286 = arith.constant 1 : i32
      %parallel_loop3A_1287 = arith.constant 0 : i32
      %parallel_loop3A_1288 = arith.index_cast %parallel_loop3A_1286 : i32 to index
      %parallel_loop3A_1289 = arith.index_cast %parallel_loop3A_1287 : i32 to index
      %parallel_loop3A_1290 = arith.index_cast %parallel_loop3A_1277 : i32 to index
      %parallel_loop3A_1291 = arith.constant 16 : index
      %parallel_loop3A_1292 = tpu.vector_load %arg4[%parallel_loop3A_1288, %parallel_loop3A_1289, %parallel_loop3A_1290, %parallel_loop3A_1291] {strides = array<i32>} : memref<5x4x32x128xf32, #tpu.memory_space<vmem>>, vector<1x1x1x16xf32>,
      %parallel_loop3A_1293 = vector.shape_cast %parallel_loop3A_1292 : vector<1x1x1x16xf32> to vector<16xf32>
      %parallel_loop3A_1294 = arith.mulf %parallel_loop3A_1285, %broadcast_in_dim3A : vector<16xf32>
      %parallel_loop3A_1295 = arith.mulf %parallel_loop3A_1293, %broadcast_in_dim3A : vector<16xf32>
      %parallel_loop3A_1296 = arith.constant 1 : i32
      %parallel_loop3A_1297 = arith.index_cast %parallel_loop3A_1296 : i32 to index
      %parallel_loop3A_1298 = arith.index_cast %parallel_loop3A_1277 : i32 to index
      %parallel_loop3A_1299 = arith.constant 0 : index
      %parallel_loop3A_1300 = tpu.vector_load %arg5[%parallel_loop3A_1297, %parallel_loop3A_1298, %parallel_loop3A_1299] {strides = array<i32>} : memref<5x32x128xf32, #tpu.memory_space<vmem>>, vector<1x1x16xf32>,
      %parallel_loop3A_1301 = vector.shape_cast %parallel_loop3A_1300 : vector<1x1x16xf32> to vector<16xf32>
      %parallel_loop3A_1302 = vector.shape_cast %parallel_loop3A_1294 : vector<16xf32> to vector<1x1x16xf32>
      tpu.vector_store %arg5[%parallel_loop3A_1297, %parallel_loop3A_1298, %parallel_loop3A_1299], %parallel_loop3A_1302 {strides = array<i32>} : memref<5x32x128xf32, #tpu.memory_space<vmem>>, vector<1x1x16xf32>,
      %parallel_loop3A_1303 = arith.constant 1 : i32
      %parallel_loop3A_1304 = arith.index_cast %parallel_loop3A_1303 : i32 to index
      %parallel_loop3A_1305 = arith.index_cast %parallel_loop3A_1277 : i32 to index
      %parallel_loop3A_1306 = arith.constant 16 : index
      %parallel_loop3A_1307 = tpu.vector_load %arg5[%parallel_loop3A_1304, %parallel_loop3A_1305, %parallel_loop3A_1306] {strides = array<i32>} : memref<5x32x128xf32, #tpu.memory_space<vmem>>, vector<1x1x16xf32>,
      %parallel_loop3A_1308 = vector.shape_cast %parallel_loop3A_1307 : vector<1x1x16xf32> to vector<16xf32>
      %parallel_loop3A_1309 = vector.shape_cast %parallel_loop3A_1295 : vector<16xf32> to vector<1x1x16xf32>
      tpu.vector_store %arg5[%parallel_loop3A_1304, %parallel_loop3A_1305, %parallel_loop3A_1306], %parallel_loop3A_1309 {strides = array<i32>} : memref<5x32x128xf32, #tpu.memory_space<vmem>>, vector<1x1x16xf32>,
      %parallel_loop3A_1310 = arith.constant 1 : i32
      %parallel_loop3A_1311 = arith.constant 1 : i32
      %parallel_loop3A_1312 = arith.index_cast %parallel_loop3A_1310 : i32 to index
      %parallel_loop3A_1313 = arith.index_cast %parallel_loop3A_1311 : i32 to index
      %parallel_loop3A_1314 = arith.index_cast %parallel_loop3A_1277 : i32 to index
      %parallel_loop3A_1315 = arith.constant 96 : index
      %parallel_loop3A_1316 = tpu.vector_load %arg4[%parallel_loop3A_1312, %parallel_loop3A_1313, %parallel_loop3A_1314, %parallel_loop3A_1315] {strides = array<i32>} : memref<5x4x32x128xf32, #tpu.memory_space<vmem>>, vector<1x1x1x16xf32>,
      %parallel_loop3A_1317 = vector.shape_cast %parallel_loop3A_1316 : vector<1x1x1x16xf32> to vector<16xf32>
      %parallel_loop3A_1318 = arith.constant 1 : i32
      %parallel_loop3A_1319 = arith.constant 1 : i32
      %parallel_loop3A_1320 = arith.index_cast %parallel_loop3A_1318 : i32 to index
      %parallel_loop3A_1321 = arith.index_cast %parallel_loop3A_1319 : i32 to index
      %parallel_loop3A_1322 = arith.index_cast %parallel_loop3A_1277 : i32 to index
      %parallel_loop3A_1323 = arith.constant 112 : index
      %parallel_loop3A_1324 = tpu.vector_load %arg4[%parallel_loop3A_1320, %parallel_loop3A_1321, %parallel_loop3A_1322, %parallel_loop3A_1323] {strides = array<i32>} : memref<5x4x32x128xf32, #tpu.memory_space<vmem>>, vector<1x1x1x16xf32>,
      %parallel_loop3A_1325 = vector.shape_cast %parallel_loop3A_1324 : vector<1x1x1x16xf32> to vector<16xf32>
      %parallel_loop3A_1326 = arith.constant 1 : i32
      %parallel_loop3A_1327 = arith.index_cast %parallel_loop3A_1326 : i32 to index
      %parallel_loop3A_1328 = arith.index_cast %parallel_loop3A_1277 : i32 to index
      %parallel_loop3A_1329 = arith.constant 32 : index
      %parallel_loop3A_1330 = tpu.vector_load %arg5[%parallel_loop3A_1327, %parallel_loop3A_1328, %parallel_loop3A_1329] {strides = array<i32>} : memref<5x32x128xf32, #tpu.memory_space<vmem>>, vector<1x1x16xf32>,
      %parallel_loop3A_1331 = vector.shape_cast %parallel_loop3A_1330 : vector<1x1x16xf32> to vector<16xf32>
      %parallel_loop3A_1332 = vector.shape_cast %parallel_loop3A_1317 : vector<16xf32> to vector<1x1x16xf32>
      tpu.vector_store %arg5[%parallel_loop3A_1327, %parallel_loop3A_1328, %parallel_loop3A_1329], %parallel_loop3A_1332 {strides = array<i32>} : memref<5x32x128xf32, #tpu.memory_space<vmem>>, vector<1x1x16xf32>,
      %parallel_loop3A_1333 = arith.constant 1 : i32
      %parallel_loop3A_1334 = arith.index_cast %parallel_loop3A_1333 : i32 to index
      %parallel_loop3A_1335 = arith.index_cast %parallel_loop3A_1277 : i32 to index
      %parallel_loop3A_1336 = arith.constant 48 : index
      %parallel_loop3A_1337 = tpu.vector_load %arg5[%parallel_loop3A_1334, %parallel_loop3A_1335, %parallel_loop3A_1336] {strides = array<i32>} : memref<5x32x128xf32, #tpu.memory_space<vmem>>, vector<1x1x16xf32>,
      %parallel_loop3A_1338 = vector.shape_cast %parallel_loop3A_1337 : vector<1x1x16xf32> to vector<16xf32>
      %parallel_loop3A_1339 = vector.shape_cast %parallel_loop3A_1325 : vector<16xf32> to vector<1x1x16xf32>
      tpu.vector_store %arg5[%parallel_loop3A_1334, %parallel_loop3A_1335, %parallel_loop3A_1336], %parallel_loop3A_1339 {strides = array<i32>} : memref<5x32x128xf32, #tpu.memory_space<vmem>>, vector<1x1x16xf32>,
      %parallel_loop3A_1340 = arith.constant 1 : i32
      %parallel_loop3A_1341 = arith.constant 2 : i32
      %parallel_loop3A_1342 = arith.index_cast %parallel_loop3A_1340 : i32 to index
      %parallel_loop3A_1343 = arith.index_cast %parallel_loop3A_1341 : i32 to index
      %parallel_loop3A_1344 = arith.index_cast %parallel_loop3A_1277 : i32 to index
      %parallel_loop3A_1345 = arith.constant 64 : index
      %parallel_loop3A_1346 = tpu.vector_load %arg4[%parallel_loop3A_1342, %parallel_loop3A_1343, %parallel_loop3A_1344, %parallel_loop3A_1345] {strides = array<i32>} : memref<5x4x32x128xf32, #tpu.memory_space<vmem>>, vector<1x1x1x16xf32>,
      %parallel_loop3A_1347 = vector.shape_cast %parallel_loop3A_1346 : vector<1x1x1x16xf32> to vector<16xf32>
      %parallel_loop3A_1348 = arith.constant 1 : i32
      %parallel_loop3A_1349 = arith.constant 2 : i32
      %parallel_loop3A_1350 = arith.index_cast %parallel_loop3A_1348 : i32 to index
      %parallel_loop3A_1351 = arith.index_cast %parallel_loop3A_1349 : i32 to index
      %parallel_loop3A_1352 = arith.index_cast %parallel_loop3A_1277 : i32 to index
      %parallel_loop3A_1353 = arith.constant 80 : index
      %parallel_loop3A_1354 = tpu.vector_load %arg4[%parallel_loop3A_1350, %parallel_loop3A_1351, %parallel_loop3A_1352, %parallel_loop3A_1353] {strides = array<i32>} : memref<5x4x32x128xf32, #tpu.memory_space<vmem>>, vector<1x1x1x16xf32>,
      %parallel_loop3A_1355 = vector.shape_cast %parallel_loop3A_1354 : vector<1x1x1x16xf32> to vector<16xf32>
      %parallel_loop3A_1356 = arith.constant 1 : i32
      %parallel_loop3A_1357 = arith.index_cast %parallel_loop3A_1356 : i32 to index
      %parallel_loop3A_1358 = arith.index_cast %parallel_loop3A_1277 : i32 to index
      %parallel_loop3A_1359 = arith.constant 64 : index
      %parallel_loop3A_1360 = tpu.vector_load %arg5[%parallel_loop3A_1357, %parallel_loop3A_1358, %parallel_loop3A_1359] {strides = array<i32>} : memref<5x32x128xf32, #tpu.memory_space<vmem>>, vector<1x1x16xf32>,
      %parallel_loop3A_1361 = vector.shape_cast %parallel_loop3A_1360 : vector<1x1x16xf32> to vector<16xf32>
      %parallel_loop3A_1362 = vector.shape_cast %parallel_loop3A_1347 : vector<16xf32> to vector<1x1x16xf32>
      tpu.vector_store %arg5[%parallel_loop3A_1357, %parallel_loop3A_1358, %parallel_loop3A_1359], %parallel_loop3A_1362 {strides = array<i32>} : memref<5x32x128xf32, #tpu.memory_space<vmem>>, vector<1x1x16xf32>,
      %parallel_loop3A_1363 = arith.constant 1 : i32
      %parallel_loop3A_1364 = arith.index_cast %parallel_loop3A_1363 : i32 to index
      %parallel_loop3A_1365 = arith.index_cast %parallel_loop3A_1277 : i32 to index
      %parallel_loop3A_1366 = arith.constant 80 : index
      %parallel_loop3A_1367 = tpu.vector_load %arg5[%parallel_loop3A_1364, %parallel_loop3A_1365, %parallel_loop3A_1366] {strides = array<i32>} : memref<5x32x128xf32, #tpu.memory_space<vmem>>, vector<1x1x16xf32>,
      %parallel_loop3A_1368 = vector.shape_cast %parallel_loop3A_1367 : vector<1x1x16xf32> to vector<16xf32>
      %parallel_loop3A_1369 = vector.shape_cast %parallel_loop3A_1355 : vector<16xf32> to vector<1x1x16xf32>
      tpu.vector_store %arg5[%parallel_loop3A_1364, %parallel_loop3A_1365, %parallel_loop3A_1366], %parallel_loop3A_1369 {strides = array<i32>} : memref<5x32x128xf32, #tpu.memory_space<vmem>>, vector<1x1x16xf32>,
      %parallel_loop3A_1370 = arith.constant 1 : i32
      %parallel_loop3A_1371 = arith.constant 3 : i32
      %parallel_loop3A_1372 = arith.index_cast %parallel_loop3A_1370 : i32 to index
      %parallel_loop3A_1373 = arith.index_cast %parallel_loop3A_1371 : i32 to index
      %parallel_loop3A_1374 = arith.index_cast %parallel_loop3A_1277 : i32 to index
      %parallel_loop3A_1375 = arith.constant 32 : index
      %parallel_loop3A_1376 = tpu.vector_load %arg4[%parallel_loop3A_1372, %parallel_loop3A_1373, %parallel_loop3A_1374, %parallel_loop3A_1375] {strides = array<i32>} : memref<5x4x32x128xf32, #tpu.memory_space<vmem>>, vector<1x1x1x16xf32>,
      %parallel_loop3A_1377 = vector.shape_cast %parallel_loop3A_1376 : vector<1x1x1x16xf32> to vector<16xf32>
      %parallel_loop3A_1378 = arith.constant 1 : i32
      %parallel_loop3A_1379 = arith.constant 3 : i32
      %parallel_loop3A_1380 = arith.index_cast %parallel_loop3A_1378 : i32 to index
      %parallel_loop3A_1381 = arith.index_cast %parallel_loop3A_1379 : i32 to index
      %parallel_loop3A_1382 = arith.index_cast %parallel_loop3A_1277 : i32 to index
      %parallel_loop3A_1383 = arith.constant 48 : index
      %parallel_loop3A_1384 = tpu.vector_load %arg4[%parallel_loop3A_1380, %parallel_loop3A_1381, %parallel_loop3A_1382, %parallel_loop3A_1383] {strides = array<i32>} : memref<5x4x32x128xf32, #tpu.memory_space<vmem>>, vector<1x1x1x16xf32>,
      %parallel_loop3A_1385 = vector.shape_cast %parallel_loop3A_1384 : vector<1x1x1x16xf32> to vector<16xf32>
      %parallel_loop3A_1386 = arith.constant 1 : i32
      %parallel_loop3A_1387 = arith.index_cast %parallel_loop3A_1386 : i32 to index
      %parallel_loop3A_1388 = arith.index_cast %parallel_loop3A_1277 : i32 to index
      %parallel_loop3A_1389 = arith.constant 96 : index
      %parallel_loop3A_1390 = tpu.vector_load %arg5[%parallel_loop3A_1387, %parallel_loop3A_1388, %parallel_loop3A_1389] {strides = array<i32>} : memref<5x32x128xf32, #tpu.memory_space<vmem>>, vector<1x1x16xf32>,
      %parallel_loop3A_1391 = vector.shape_cast %parallel_loop3A_1390 : vector<1x1x16xf32> to vector<16xf32>
      %parallel_loop3A_1392 = vector.shape_cast %parallel_loop3A_1377 : vector<16xf32> to vector<1x1x16xf32>
      tpu.vector_store %arg5[%parallel_loop3A_1387, %parallel_loop3A_1388, %parallel_loop3A_1389], %parallel_loop3A_1392 {strides = array<i32>} : memref<5x32x128xf32, #tpu.memory_space<vmem>>, vector<1x1x16xf32>,
      %parallel_loop3A_1393 = arith.constant 1 : i32
      %parallel_loop3A_1394 = arith.index_cast %parallel_loop3A_1393 : i32 to index
      %parallel_loop3A_1395 = arith.index_cast %parallel_loop3A_1277 : i32 to index
      %parallel_loop3A_1396 = arith.constant 112 : index
      %parallel_loop3A_1397 = tpu.vector_load %arg5[%parallel_loop3A_1394, %parallel_loop3A_1395, %parallel_loop3A_1396] {strides = array<i32>} : memref<5x32x128xf32, #tpu.memory_space<vmem>>, vector<1x1x16xf32>,
      %parallel_loop3A_1398 = vector.shape_cast %parallel_loop3A_1397 : vector<1x1x16xf32> to vector<16xf32>
      %parallel_loop3A_1399 = vector.shape_cast %parallel_loop3A_1385 : vector<16xf32> to vector<1x1x16xf32>
      tpu.vector_store %arg5[%parallel_loop3A_1394, %parallel_loop3A_1395, %parallel_loop3A_1396], %parallel_loop3A_1399 {strides = array<i32>} : memref<5x32x128xf32, #tpu.memory_space<vmem>>, vector<1x1x16xf32>,
    } {sc.loop_unroll_factor = 4 : i64, sc.parallel_access}
    %add3A_627 = arith.constant 32 : i32
    %add3A_628 = arith.addi %mul3A_32, %add3A_627 : i32
    %multiple_of3A_629 = tpu.assume_multiple %add3A_628, 32 : i32
    %dma_start3A_630 = arith.constant 1 : i32
    %dma_start3A_631 = arith.constant 0 : i32
    %dma_start3A_632 = arith.constant 0 : i32
    %dma_start3A_633 = tpu.memref_slice %arg5[%dma_start3A_630, %dma_start3A_631, %dma_start3A_632] : memref<5x32x128xf32, #tpu.memory_space<vmem>> -> memref<1x32x128xf32, #tpu.memory_space<vmem>>
    %dma_start3A_634 = tpu.memref_squeeze %dma_start3A_633 : memref<1x32x128xf32, #tpu.memory_space<vmem>> -> memref<32x128xf32, #tpu.memory_space<vmem>>
    %dma_start3A_635 = tpu.memref_slice %arg3[%multiple_of3A_629, %multiple_of3A] : memref<1024x1024xf32, #tpu.memory_space<hbm>> -> memref<32x128xf32, #tpu.memory_space<hbm>>
    %dma_start3A_636 = tpu.memref_slice %arg3[%multiple_of3A_629, %multiple_of3A] : memref<1024x1024xf32, #tpu.memory_space<hbm>> -> memref<32x128xf32, #tpu.memory_space<hbm>>
    %dma_start3A_637 = arith.constant 0 : i32
    %dma_start3A_638 = arith.constant 0 : i32
    %dma_start3A_639 = tpu.memref_slice %arg5[%dma_start3A_630, %dma_start3A_637, %dma_start3A_638] : memref<5x32x128xf32, #tpu.memory_space<vmem>> -> memref<1x32x128xf32, #tpu.memory_space<vmem>>
    %dma_start3A_640 = tpu.memref_squeeze %dma_start3A_639 : memref<1x32x128xf32, #tpu.memory_space<vmem>> -> memref<32x128xf32, #tpu.memory_space<vmem>>
    tpu.enqueue_dma source(%dma_start3A_640 : memref<32x128xf32, #tpu.memory_space<vmem>>) target(%dma_start3A_636 : memref<32x128xf32, #tpu.memory_space<hbm>>) target_semaphore(%arg7 : memref<!tpu.dma_semaphore, #tpu.memory_space<semaphore_mem>>)
    %dma_wait3A_641 = arith.constant 2 : i32
    %dma_wait3A_642 = arith.constant 0 : i32
    %dma_wait3A_643 = arith.constant 0 : i32
    %dma_wait3A_644 = arith.constant 0 : i32
    %dma_wait3A_645 = tpu.memref_slice %arg4[%dma_wait3A_641, %dma_wait3A_642, %dma_wait3A_643, %dma_wait3A_644] : memref<5x4x32x128xf32, #tpu.memory_space<vmem>> -> memref<1x1x32x128xf32, #tpu.memory_space<vmem>>
    %dma_wait3A_646 = tpu.memref_squeeze %dma_wait3A_645 : memref<1x1x32x128xf32, #tpu.memory_space<vmem>> -> memref<32x128xf32, #tpu.memory_space<vmem>>
    %dma_wait3A_647 = tpu.memref_slice %arg2[%multiple_of3A_199, %multiple_of3A_206] : memref<1024x32000xf32, #tpu.memory_space<hbm>> -> memref<32x128xf32, #tpu.memory_space<hbm>>
    %dma_wait3A_648 = arith.constant 0 : i32
    %dma_wait3A_649 = arith.constant 0 : i32
    %dma_wait3A_650 = tpu.memref_slice %arg4[%dma_wait3A_641, %dma_wait3A_642, %dma_wait3A_648, %dma_wait3A_649] : memref<5x4x32x128xf32, #tpu.memory_space<vmem>> -> memref<1x1x32x128xf32, #tpu.memory_space<vmem>>
    %dma_wait3A_651 = tpu.memref_squeeze %dma_wait3A_650 : memref<1x1x32x128xf32, #tpu.memory_space<vmem>> -> memref<32x128xf32, #tpu.memory_space<vmem>>
    %dma_wait3A_652 = tpu.memref_slice %arg2[%multiple_of3A_199, %multiple_of3A_206] : memref<1024x32000xf32, #tpu.memory_space<hbm>> -> memref<32x128xf32, #tpu.memory_space<hbm>>
    tpu.wait_dma2 semaphore(%arg6 : memref<!tpu.dma_semaphore, #tpu.memory_space<semaphore_mem>>) src(%dma_wait3A_652 : memref<32x128xf32, #tpu.memory_space<hbm>>) dst(%dma_wait3A_651 : memref<32x128xf32, #tpu.memory_space<vmem>>)
    %dma_wait3A_653 = arith.constant 2 : i32
    %dma_wait3A_654 = arith.constant 1 : i32
    %dma_wait3A_655 = arith.constant 0 : i32
    %dma_wait3A_656 = arith.constant 0 : i32
    %dma_wait3A_657 = tpu.memref_slice %arg4[%dma_wait3A_653, %dma_wait3A_654, %dma_wait3A_655, %dma_wait3A_656] : memref<5x4x32x128xf32, #tpu.memory_space<vmem>> -> memref<1x1x32x128xf32, #tpu.memory_space<vmem>>
    %dma_wait3A_658 = tpu.memref_squeeze %dma_wait3A_657 : memref<1x1x32x128xf32, #tpu.memory_space<vmem>> -> memref<32x128xf32, #tpu.memory_space<vmem>>
    %dma_wait3A_659 = tpu.memref_slice %arg2[%multiple_of3A_199, %multiple_of3A_225] : memref<1024x32000xf32, #tpu.memory_space<hbm>> -> memref<32x128xf32, #tpu.memory_space<hbm>>
    %dma_wait3A_660 = arith.constant 0 : i32
    %dma_wait3A_661 = arith.constant 0 : i32
    %dma_wait3A_662 = tpu.memref_slice %arg4[%dma_wait3A_653, %dma_wait3A_654, %dma_wait3A_660, %dma_wait3A_661] : memref<5x4x32x128xf32, #tpu.memory_space<vmem>> -> memref<1x1x32x128xf32, #tpu.memory_space<vmem>>
    %dma_wait3A_663 = tpu.memref_squeeze %dma_wait3A_662 : memref<1x1x32x128xf32, #tpu.memory_space<vmem>> -> memref<32x128xf32, #tpu.memory_space<vmem>>
    %dma_wait3A_664 = tpu.memref_slice %arg2[%multiple_of3A_199, %multiple_of3A_225] : memref<1024x32000xf32, #tpu.memory_space<hbm>> -> memref<32x128xf32, #tpu.memory_space<hbm>>
    tpu.wait_dma2 semaphore(%arg6 : memref<!tpu.dma_semaphore, #tpu.memory_space<semaphore_mem>>) src(%dma_wait3A_664 : memref<32x128xf32, #tpu.memory_space<hbm>>) dst(%dma_wait3A_663 : memref<32x128xf32, #tpu.memory_space<vmem>>)
    %dma_wait3A_665 = arith.constant 2 : i32
    %dma_wait3A_666 = arith.constant 2 : i32
    %dma_wait3A_667 = arith.constant 0 : i32
    %dma_wait3A_668 = arith.constant 0 : i32
    %dma_wait3A_669 = tpu.memref_slice %arg4[%dma_wait3A_665, %dma_wait3A_666, %dma_wait3A_667, %dma_wait3A_668] : memref<5x4x32x128xf32, #tpu.memory_space<vmem>> -> memref<1x1x32x128xf32, #tpu.memory_space<vmem>>
    %dma_wait3A_670 = tpu.memref_squeeze %dma_wait3A_669 : memref<1x1x32x128xf32, #tpu.memory_space<vmem>> -> memref<32x128xf32, #tpu.memory_space<vmem>>
    %dma_wait3A_671 = tpu.memref_slice %arg2[%multiple_of3A_199, %multiple_of3A_244] : memref<1024x32000xf32, #tpu.memory_space<hbm>> -> memref<32x128xf32, #tpu.memory_space<hbm>>
    %dma_wait3A_672 = arith.constant 0 : i32
    %dma_wait3A_673 = arith.constant 0 : i32
    %dma_wait3A_674 = tpu.memref_slice %arg4[%dma_wait3A_665, %dma_wait3A_666, %dma_wait3A_672, %dma_wait3A_673] : memref<5x4x32x128xf32, #tpu.memory_space<vmem>> -> memref<1x1x32x128xf32, #tpu.memory_space<vmem>>
    %dma_wait3A_675 = tpu.memref_squeeze %dma_wait3A_674 : memref<1x1x32x128xf32, #tpu.memory_space<vmem>> -> memref<32x128xf32, #tpu.memory_space<vmem>>
    %dma_wait3A_676 = tpu.memref_slice %arg2[%multiple_of3A_199, %multiple_of3A_244] : memref<1024x32000xf32, #tpu.memory_space<hbm>> -> memref<32x128xf32, #tpu.memory_space<hbm>>
    tpu.wait_dma2 semaphore(%arg6 : memref<!tpu.dma_semaphore, #tpu.memory_space<semaphore_mem>>) src(%dma_wait3A_676 : memref<32x128xf32, #tpu.memory_space<hbm>>) dst(%dma_wait3A_675 : memref<32x128xf32, #tpu.memory_space<vmem>>)
    %dma_wait3A_677 = arith.constant 2 : i32
    %dma_wait3A_678 = arith.constant 3 : i32
    %dma_wait3A_679 = arith.constant 0 : i32
    %dma_wait3A_680 = arith.constant 0 : i32
    %dma_wait3A_681 = tpu.memref_slice %arg4[%dma_wait3A_677, %dma_wait3A_678, %dma_wait3A_679, %dma_wait3A_680] : memref<5x4x32x128xf32, #tpu.memory_space<vmem>> -> memref<1x1x32x128xf32, #tpu.memory_space<vmem>>
    %dma_wait3A_682 = tpu.memref_squeeze %dma_wait3A_681 : memref<1x1x32x128xf32, #tpu.memory_space<vmem>> -> memref<32x128xf32, #tpu.memory_space<vmem>>
    %dma_wait3A_683 = tpu.memref_slice %arg2[%multiple_of3A_199, %multiple_of3A_263] : memref<1024x32000xf32, #tpu.memory_space<hbm>> -> memref<32x128xf32, #tpu.memory_space<hbm>>
    %dma_wait3A_684 = arith.constant 0 : i32
    %dma_wait3A_685 = arith.constant 0 : i32
    %dma_wait3A_686 = tpu.memref_slice %arg4[%dma_wait3A_677, %dma_wait3A_678, %dma_wait3A_684, %dma_wait3A_685] : memref<5x4x32x128xf32, #tpu.memory_space<vmem>> -> memref<1x1x32x128xf32, #tpu.memory_space<vmem>>
    %dma_wait3A_687 = tpu.memref_squeeze %dma_wait3A_686 : memref<1x1x32x128xf32, #tpu.memory_space<vmem>> -> memref<32x128xf32, #tpu.memory_space<vmem>>
    %dma_wait3A_688 = tpu.memref_slice %arg2[%multiple_of3A_199, %multiple_of3A_263] : memref<1024x32000xf32, #tpu.memory_space<hbm>> -> memref<32x128xf32, #tpu.memory_space<hbm>>
    tpu.wait_dma2 semaphore(%arg6 : memref<!tpu.dma_semaphore, #tpu.memory_space<semaphore_mem>>) src(%dma_wait3A_688 : memref<32x128xf32, #tpu.memory_space<hbm>>) dst(%dma_wait3A_687 : memref<32x128xf32, #tpu.memory_space<vmem>>)
    %add3A_689 = arith.constant 192 : i32
    %add3A_690 = arith.addi %mul3A_32, %add3A_689 : i32
    %multiple_of3A_691 = tpu.assume_multiple %add3A_690, 32 : i32
    %mul3A_692 = arith.constant 31 : i32
    %mul3A_693 = arith.muli %mul3A_692, %select_n3A_9 : i32
    %add3A_694 = arith.constant 0 : i32
    %add3A_695 = arith.addi %mul3A_693, %add3A_694 : i32
    %mul3A_696 = arith.constant 128 : i32
    %mul3A_697 = arith.muli %add3A_695, %mul3A_696 : i32
    %multiple_of3A_698 = tpu.assume_multiple %mul3A_697, 128 : i32
    %dma_start3A_699 = arith.constant 1 : i32
    %dma_start3A_700 = arith.constant 0 : i32
    %dma_start3A_701 = arith.constant 0 : i32
    %dma_start3A_702 = arith.constant 0 : i32
    %dma_start3A_703 = tpu.memref_slice %arg4[%dma_start3A_699, %dma_start3A_700, %dma_start3A_701, %dma_start3A_702] : memref<5x4x32x128xf32, #tpu.memory_space<vmem>> -> memref<1x1x32x128xf32, #tpu.memory_space<vmem>>
    %dma_start3A_704 = tpu.memref_squeeze %dma_start3A_703 : memref<1x1x32x128xf32, #tpu.memory_space<vmem>> -> memref<32x128xf32, #tpu.memory_space<vmem>>
    %dma_start3A_705 = tpu.memref_slice %arg2[%multiple_of3A_691, %multiple_of3A_698] : memref<1024x32000xf32, #tpu.memory_space<hbm>> -> memref<32x128xf32, #tpu.memory_space<hbm>>
    %dma_start3A_706 = arith.constant 0 : i32
    %dma_start3A_707 = arith.constant 0 : i32
    %dma_start3A_708 = tpu.memref_slice %arg4[%dma_start3A_699, %dma_start3A_700, %dma_start3A_706, %dma_start3A_707] : memref<5x4x32x128xf32, #tpu.memory_space<vmem>> -> memref<1x1x32x128xf32, #tpu.memory_space<vmem>>
    %dma_start3A_709 = tpu.memref_squeeze %dma_start3A_708 : memref<1x1x32x128xf32, #tpu.memory_space<vmem>> -> memref<32x128xf32, #tpu.memory_space<vmem>>
    %dma_start3A_710 = tpu.memref_slice %arg2[%multiple_of3A_691, %multiple_of3A_698] : memref<1024x32000xf32, #tpu.memory_space<hbm>> -> memref<32x128xf32, #tpu.memory_space<hbm>>
    tpu.enqueue_dma source(%dma_start3A_710 : memref<32x128xf32, #tpu.memory_space<hbm>>) target(%dma_start3A_709 : memref<32x128xf32, #tpu.memory_space<vmem>>) target_semaphore(%arg6 : memref<!tpu.dma_semaphore, #tpu.memory_space<semaphore_mem>>)
    %mul3A_711 = arith.constant 31 : i32
    %mul3A_712 = arith.muli %mul3A_711, %select_n3A_9 : i32
    %add3A_713 = arith.constant 7 : i32
    %add3A_714 = arith.addi %mul3A_712, %add3A_713 : i32
    %mul3A_715 = arith.constant 128 : i32
    %mul3A_716 = arith.muli %add3A_714, %mul3A_715 : i32
    %multiple_of3A_717 = tpu.assume_multiple %mul3A_716, 128 : i32
    %dma_start3A_718 = arith.constant 1 : i32
    %dma_start3A_719 = arith.constant 1 : i32
    %dma_start3A_720 = arith.constant 0 : i32
    %dma_start3A_721 = arith.constant 0 : i32
    %dma_start3A_722 = tpu.memref_slice %arg4[%dma_start3A_718, %dma_start3A_719, %dma_start3A_720, %dma_start3A_721] : memref<5x4x32x128xf32, #tpu.memory_space<vmem>> -> memref<1x1x32x128xf32, #tpu.memory_space<vmem>>
    %dma_start3A_723 = tpu.memref_squeeze %dma_start3A_722 : memref<1x1x32x128xf32, #tpu.memory_space<vmem>> -> memref<32x128xf32, #tpu.memory_space<vmem>>
    %dma_start3A_724 = tpu.memref_slice %arg2[%multiple_of3A_691, %multiple_of3A_717] : memref<1024x32000xf32, #tpu.memory_space<hbm>> -> memref<32x128xf32, #tpu.memory_space<hbm>>
    %dma_start3A_725 = arith.constant 0 : i32
    %dma_start3A_726 = arith.constant 0 : i32
    %dma_start3A_727 = tpu.memref_slice %arg4[%dma_start3A_718, %dma_start3A_719, %dma_start3A_725, %dma_start3A_726] : memref<5x4x32x128xf32, #tpu.memory_space<vmem>> -> memref<1x1x32x128xf32, #tpu.memory_space<vmem>>
    %dma_start3A_728 = tpu.memref_squeeze %dma_start3A_727 : memref<1x1x32x128xf32, #tpu.memory_space<vmem>> -> memref<32x128xf32, #tpu.memory_space<vmem>>
    %dma_start3A_729 = tpu.memref_slice %arg2[%multiple_of3A_691, %multiple_of3A_717] : memref<1024x32000xf32, #tpu.memory_space<hbm>> -> memref<32x128xf32, #tpu.memory_space<hbm>>
    tpu.enqueue_dma source(%dma_start3A_729 : memref<32x128xf32, #tpu.memory_space<hbm>>) target(%dma_start3A_728 : memref<32x128xf32, #tpu.memory_space<vmem>>) target_semaphore(%arg6 : memref<!tpu.dma_semaphore, #tpu.memory_space<semaphore_mem>>)
    %mul3A_730 = arith.constant 31 : i32
    %mul3A_731 = arith.muli %mul3A_730, %select_n3A_9 : i32
    %add3A_732 = arith.constant 15 : i32
    %add3A_733 = arith.addi %mul3A_731, %add3A_732 : i32
    %mul3A_734 = arith.constant 128 : i32
    %mul3A_735 = arith.muli %add3A_733, %mul3A_734 : i32
    %multiple_of3A_736 = tpu.assume_multiple %mul3A_735, 128 : i32
    %dma_start3A_737 = arith.constant 1 : i32
    %dma_start3A_738 = arith.constant 2 : i32
    %dma_start3A_739 = arith.constant 0 : i32
    %dma_start3A_740 = arith.constant 0 : i32
    %dma_start3A_741 = tpu.memref_slice %arg4[%dma_start3A_737, %dma_start3A_738, %dma_start3A_739, %dma_start3A_740] : memref<5x4x32x128xf32, #tpu.memory_space<vmem>> -> memref<1x1x32x128xf32, #tpu.memory_space<vmem>>
    %dma_start3A_742 = tpu.memref_squeeze %dma_start3A_741 : memref<1x1x32x128xf32, #tpu.memory_space<vmem>> -> memref<32x128xf32, #tpu.memory_space<vmem>>
    %dma_start3A_743 = tpu.memref_slice %arg2[%multiple_of3A_691, %multiple_of3A_736] : memref<1024x32000xf32, #tpu.memory_space<hbm>> -> memref<32x128xf32, #tpu.memory_space<hbm>>
    %dma_start3A_744 = arith.constant 0 : i32
    %dma_start3A_745 = arith.constant 0 : i32
    %dma_start3A_746 = tpu.memref_slice %arg4[%dma_start3A_737, %dma_start3A_738, %dma_start3A_744, %dma_start3A_745] : memref<5x4x32x128xf32, #tpu.memory_space<vmem>> -> memref<1x1x32x128xf32, #tpu.memory_space<vmem>>
    %dma_start3A_747 = tpu.memref_squeeze %dma_start3A_746 : memref<1x1x32x128xf32, #tpu.memory_space<vmem>> -> memref<32x128xf32, #tpu.memory_space<vmem>>
    %dma_start3A_748 = tpu.memref_slice %arg2[%multiple_of3A_691, %multiple_of3A_736] : memref<1024x32000xf32, #tpu.memory_space<hbm>> -> memref<32x128xf32, #tpu.memory_space<hbm>>
    tpu.enqueue_dma source(%dma_start3A_748 : memref<32x128xf32, #tpu.memory_space<hbm>>) target(%dma_start3A_747 : memref<32x128xf32, #tpu.memory_space<vmem>>) target_semaphore(%arg6 : memref<!tpu.dma_semaphore, #tpu.memory_space<semaphore_mem>>)
    %mul3A_749 = arith.constant 31 : i32
    %mul3A_750 = arith.muli %mul3A_749, %select_n3A_9 : i32
    %add3A_751 = arith.constant 23 : i32
    %add3A_752 = arith.addi %mul3A_750, %add3A_751 : i32
    %mul3A_753 = arith.constant 128 : i32
    %mul3A_754 = arith.muli %add3A_752, %mul3A_753 : i32
    %multiple_of3A_755 = tpu.assume_multiple %mul3A_754, 128 : i32
    %dma_start3A_756 = arith.constant 1 : i32
    %dma_start3A_757 = arith.constant 3 : i32
    %dma_start3A_758 = arith.constant 0 : i32
    %dma_start3A_759 = arith.constant 0 : i32
    %dma_start3A_760 = tpu.memref_slice %arg4[%dma_start3A_756, %dma_start3A_757, %dma_start3A_758, %dma_start3A_759] : memref<5x4x32x128xf32, #tpu.memory_space<vmem>> -> memref<1x1x32x128xf32, #tpu.memory_space<vmem>>
    %dma_start3A_761 = tpu.memref_squeeze %dma_start3A_760 : memref<1x1x32x128xf32, #tpu.memory_space<vmem>> -> memref<32x128xf32, #tpu.memory_space<vmem>>
    %dma_start3A_762 = tpu.memref_slice %arg2[%multiple_of3A_691, %multiple_of3A_755] : memref<1024x32000xf32, #tpu.memory_space<hbm>> -> memref<32x128xf32, #tpu.memory_space<hbm>>
    %dma_start3A_763 = arith.constant 0 : i32
    %dma_start3A_764 = arith.constant 0 : i32
    %dma_start3A_765 = tpu.memref_slice %arg4[%dma_start3A_756, %dma_start3A_757, %dma_start3A_763, %dma_start3A_764] : memref<5x4x32x128xf32, #tpu.memory_space<vmem>> -> memref<1x1x32x128xf32, #tpu.memory_space<vmem>>
    %dma_start3A_766 = tpu.memref_squeeze %dma_start3A_765 : memref<1x1x32x128xf32, #tpu.memory_space<vmem>> -> memref<32x128xf32, #tpu.memory_space<vmem>>
    %dma_start3A_767 = tpu.memref_slice %arg2[%multiple_of3A_691, %multiple_of3A_755] : memref<1024x32000xf32, #tpu.memory_space<hbm>> -> memref<32x128xf32, #tpu.memory_space<hbm>>
    tpu.enqueue_dma source(%dma_start3A_767 : memref<32x128xf32, #tpu.memory_space<hbm>>) target(%dma_start3A_766 : memref<32x128xf32, #tpu.memory_space<vmem>>) target_semaphore(%arg6 : memref<!tpu.dma_semaphore, #tpu.memory_space<semaphore_mem>>)
    %parallel_loop3A_768 = arith.constant 0 : i32
    %parallel_loop3A_769 = arith.constant 32 : i32
    %parallel_loop3A_770 = arith.constant 1 : i32
    scf.for %parallel_loop3A_1277 = %parallel_loop3A_768 to %parallel_loop3A_769 step %parallel_loop3A_770  : i32 {
      %parallel_loop3A_1278 = arith.constant 2 : i32
      %parallel_loop3A_1279 = arith.constant 0 : i32
      %parallel_loop3A_1280 = arith.index_cast %parallel_loop3A_1278 : i32 to index
      %parallel_loop3A_1281 = arith.index_cast %parallel_loop3A_1279 : i32 to index
      %parallel_loop3A_1282 = arith.index_cast %parallel_loop3A_1277 : i32 to index
      %parallel_loop3A_1283 = arith.constant 0 : index
      %parallel_loop3A_1284 = tpu.vector_load %arg4[%parallel_loop3A_1280, %parallel_loop3A_1281, %parallel_loop3A_1282, %parallel_loop3A_1283] {strides = array<i32>} : memref<5x4x32x128xf32, #tpu.memory_space<vmem>>, vector<1x1x1x16xf32>,
      %parallel_loop3A_1285 = vector.shape_cast %parallel_loop3A_1284 : vector<1x1x1x16xf32> to vector<16xf32>
      %parallel_loop3A_1286 = arith.constant 2 : i32
      %parallel_loop3A_1287 = arith.constant 0 : i32
      %parallel_loop3A_1288 = arith.index_cast %parallel_loop3A_1286 : i32 to index
      %parallel_loop3A_1289 = arith.index_cast %parallel_loop3A_1287 : i32 to index
      %parallel_loop3A_1290 = arith.index_cast %parallel_loop3A_1277 : i32 to index
      %parallel_loop3A_1291 = arith.constant 16 : index
      %parallel_loop3A_1292 = tpu.vector_load %arg4[%parallel_loop3A_1288, %parallel_loop3A_1289, %parallel_loop3A_1290, %parallel_loop3A_1291] {strides = array<i32>} : memref<5x4x32x128xf32, #tpu.memory_space<vmem>>, vector<1x1x1x16xf32>,
      %parallel_loop3A_1293 = vector.shape_cast %parallel_loop3A_1292 : vector<1x1x1x16xf32> to vector<16xf32>
      %parallel_loop3A_1294 = arith.mulf %parallel_loop3A_1285, %broadcast_in_dim3A : vector<16xf32>
      %parallel_loop3A_1295 = arith.mulf %parallel_loop3A_1293, %broadcast_in_dim3A : vector<16xf32>
      %parallel_loop3A_1296 = arith.constant 2 : i32
      %parallel_loop3A_1297 = arith.index_cast %parallel_loop3A_1296 : i32 to index
      %parallel_loop3A_1298 = arith.index_cast %parallel_loop3A_1277 : i32 to index
      %parallel_loop3A_1299 = arith.constant 0 : index
      %parallel_loop3A_1300 = tpu.vector_load %arg5[%parallel_loop3A_1297, %parallel_loop3A_1298, %parallel_loop3A_1299] {strides = array<i32>} : memref<5x32x128xf32, #tpu.memory_space<vmem>>, vector<1x1x16xf32>,
      %parallel_loop3A_1301 = vector.shape_cast %parallel_loop3A_1300 : vector<1x1x16xf32> to vector<16xf32>
      %parallel_loop3A_1302 = vector.shape_cast %parallel_loop3A_1294 : vector<16xf32> to vector<1x1x16xf32>
      tpu.vector_store %arg5[%parallel_loop3A_1297, %parallel_loop3A_1298, %parallel_loop3A_1299], %parallel_loop3A_1302 {strides = array<i32>} : memref<5x32x128xf32, #tpu.memory_space<vmem>>, vector<1x1x16xf32>,
      %parallel_loop3A_1303 = arith.constant 2 : i32
      %parallel_loop3A_1304 = arith.index_cast %parallel_loop3A_1303 : i32 to index
      %parallel_loop3A_1305 = arith.index_cast %parallel_loop3A_1277 : i32 to index
      %parallel_loop3A_1306 = arith.constant 16 : index
      %parallel_loop3A_1307 = tpu.vector_load %arg5[%parallel_loop3A_1304, %parallel_loop3A_1305, %parallel_loop3A_1306] {strides = array<i32>} : memref<5x32x128xf32, #tpu.memory_space<vmem>>, vector<1x1x16xf32>,
      %parallel_loop3A_1308 = vector.shape_cast %parallel_loop3A_1307 : vector<1x1x16xf32> to vector<16xf32>
      %parallel_loop3A_1309 = vector.shape_cast %parallel_loop3A_1295 : vector<16xf32> to vector<1x1x16xf32>
      tpu.vector_store %arg5[%parallel_loop3A_1304, %parallel_loop3A_1305, %parallel_loop3A_1306], %parallel_loop3A_1309 {strides = array<i32>} : memref<5x32x128xf32, #tpu.memory_space<vmem>>, vector<1x1x16xf32>,
      %parallel_loop3A_1310 = arith.constant 2 : i32
      %parallel_loop3A_1311 = arith.constant 1 : i32
      %parallel_loop3A_1312 = arith.index_cast %parallel_loop3A_1310 : i32 to index
      %parallel_loop3A_1313 = arith.index_cast %parallel_loop3A_1311 : i32 to index
      %parallel_loop3A_1314 = arith.index_cast %parallel_loop3A_1277 : i32 to index
      %parallel_loop3A_1315 = arith.constant 96 : index
      %parallel_loop3A_1316 = tpu.vector_load %arg4[%parallel_loop3A_1312, %parallel_loop3A_1313, %parallel_loop3A_1314, %parallel_loop3A_1315] {strides = array<i32>} : memref<5x4x32x128xf32, #tpu.memory_space<vmem>>, vector<1x1x1x16xf32>,
      %parallel_loop3A_1317 = vector.shape_cast %parallel_loop3A_1316 : vector<1x1x1x16xf32> to vector<16xf32>
      %parallel_loop3A_1318 = arith.constant 2 : i32
      %parallel_loop3A_1319 = arith.constant 1 : i32
      %parallel_loop3A_1320 = arith.index_cast %parallel_loop3A_1318 : i32 to index
      %parallel_loop3A_1321 = arith.index_cast %parallel_loop3A_1319 : i32 to index
      %parallel_loop3A_1322 = arith.index_cast %parallel_loop3A_1277 : i32 to index
      %parallel_loop3A_1323 = arith.constant 112 : index
      %parallel_loop3A_1324 = tpu.vector_load %arg4[%parallel_loop3A_1320, %parallel_loop3A_1321, %parallel_loop3A_1322, %parallel_loop3A_1323] {strides = array<i32>} : memref<5x4x32x128xf32, #tpu.memory_space<vmem>>, vector<1x1x1x16xf32>,
      %parallel_loop3A_1325 = vector.shape_cast %parallel_loop3A_1324 : vector<1x1x1x16xf32> to vector<16xf32>
      %parallel_loop3A_1326 = arith.constant 2 : i32
      %parallel_loop3A_1327 = arith.index_cast %parallel_loop3A_1326 : i32 to index
      %parallel_loop3A_1328 = arith.index_cast %parallel_loop3A_1277 : i32 to index
      %parallel_loop3A_1329 = arith.constant 32 : index
      %parallel_loop3A_1330 = tpu.vector_load %arg5[%parallel_loop3A_1327, %parallel_loop3A_1328, %parallel_loop3A_1329] {strides = array<i32>} : memref<5x32x128xf32, #tpu.memory_space<vmem>>, vector<1x1x16xf32>,
      %parallel_loop3A_1331 = vector.shape_cast %parallel_loop3A_1330 : vector<1x1x16xf32> to vector<16xf32>
      %parallel_loop3A_1332 = vector.shape_cast %parallel_loop3A_1317 : vector<16xf32> to vector<1x1x16xf32>
      tpu.vector_store %arg5[%parallel_loop3A_1327, %parallel_loop3A_1328, %parallel_loop3A_1329], %parallel_loop3A_1332 {strides = array<i32>} : memref<5x32x128xf32, #tpu.memory_space<vmem>>, vector<1x1x16xf32>,
      %parallel_loop3A_1333 = arith.constant 2 : i32
      %parallel_loop3A_1334 = arith.index_cast %parallel_loop3A_1333 : i32 to index
      %parallel_loop3A_1335 = arith.index_cast %parallel_loop3A_1277 : i32 to index
      %parallel_loop3A_1336 = arith.constant 48 : index
      %parallel_loop3A_1337 = tpu.vector_load %arg5[%parallel_loop3A_1334, %parallel_loop3A_1335, %parallel_loop3A_1336] {strides = array<i32>} : memref<5x32x128xf32, #tpu.memory_space<vmem>>, vector<1x1x16xf32>,
      %parallel_loop3A_1338 = vector.shape_cast %parallel_loop3A_1337 : vector<1x1x16xf32> to vector<16xf32>
      %parallel_loop3A_1339 = vector.shape_cast %parallel_loop3A_1325 : vector<16xf32> to vector<1x1x16xf32>
      tpu.vector_store %arg5[%parallel_loop3A_1334, %parallel_loop3A_1335, %parallel_loop3A_1336], %parallel_loop3A_1339 {strides = array<i32>} : memref<5x32x128xf32, #tpu.memory_space<vmem>>, vector<1x1x16xf32>,
      %parallel_loop3A_1340 = arith.constant 2 : i32
      %parallel_loop3A_1341 = arith.constant 2 : i32
      %parallel_loop3A_1342 = arith.index_cast %parallel_loop3A_1340 : i32 to index
      %parallel_loop3A_1343 = arith.index_cast %parallel_loop3A_1341 : i32 to index
      %parallel_loop3A_1344 = arith.index_cast %parallel_loop3A_1277 : i32 to index
      %parallel_loop3A_1345 = arith.constant 64 : index
      %parallel_loop3A_1346 = tpu.vector_load %arg4[%parallel_loop3A_1342, %parallel_loop3A_1343, %parallel_loop3A_1344, %parallel_loop3A_1345] {strides = array<i32>} : memref<5x4x32x128xf32, #tpu.memory_space<vmem>>, vector<1x1x1x16xf32>,
      %parallel_loop3A_1347 = vector.shape_cast %parallel_loop3A_1346 : vector<1x1x1x16xf32> to vector<16xf32>
      %parallel_loop3A_1348 = arith.constant 2 : i32
      %parallel_loop3A_1349 = arith.constant 2 : i32
      %parallel_loop3A_1350 = arith.index_cast %parallel_loop3A_1348 : i32 to index
      %parallel_loop3A_1351 = arith.index_cast %parallel_loop3A_1349 : i32 to index
      %parallel_loop3A_1352 = arith.index_cast %parallel_loop3A_1277 : i32 to index
      %parallel_loop3A_1353 = arith.constant 80 : index
      %parallel_loop3A_1354 = tpu.vector_load %arg4[%parallel_loop3A_1350, %parallel_loop3A_1351, %parallel_loop3A_1352, %parallel_loop3A_1353] {strides = array<i32>} : memref<5x4x32x128xf32, #tpu.memory_space<vmem>>, vector<1x1x1x16xf32>,
      %parallel_loop3A_1355 = vector.shape_cast %parallel_loop3A_1354 : vector<1x1x1x16xf32> to vector<16xf32>
      %parallel_loop3A_1356 = arith.constant 2 : i32
      %parallel_loop3A_1357 = arith.index_cast %parallel_loop3A_1356 : i32 to index
      %parallel_loop3A_1358 = arith.index_cast %parallel_loop3A_1277 : i32 to index
      %parallel_loop3A_1359 = arith.constant 64 : index
      %parallel_loop3A_1360 = tpu.vector_load %arg5[%parallel_loop3A_1357, %parallel_loop3A_1358, %parallel_loop3A_1359] {strides = array<i32>} : memref<5x32x128xf32, #tpu.memory_space<vmem>>, vector<1x1x16xf32>,
      %parallel_loop3A_1361 = vector.shape_cast %parallel_loop3A_1360 : vector<1x1x16xf32> to vector<16xf32>
      %parallel_loop3A_1362 = vector.shape_cast %parallel_loop3A_1347 : vector<16xf32> to vector<1x1x16xf32>
      tpu.vector_store %arg5[%parallel_loop3A_1357, %parallel_loop3A_1358, %parallel_loop3A_1359], %parallel_loop3A_1362 {strides = array<i32>} : memref<5x32x128xf32, #tpu.memory_space<vmem>>, vector<1x1x16xf32>,
      %parallel_loop3A_1363 = arith.constant 2 : i32
      %parallel_loop3A_1364 = arith.index_cast %parallel_loop3A_1363 : i32 to index
      %parallel_loop3A_1365 = arith.index_cast %parallel_loop3A_1277 : i32 to index
      %parallel_loop3A_1366 = arith.constant 80 : index
      %parallel_loop3A_1367 = tpu.vector_load %arg5[%parallel_loop3A_1364, %parallel_loop3A_1365, %parallel_loop3A_1366] {strides = array<i32>} : memref<5x32x128xf32, #tpu.memory_space<vmem>>, vector<1x1x16xf32>,
      %parallel_loop3A_1368 = vector.shape_cast %parallel_loop3A_1367 : vector<1x1x16xf32> to vector<16xf32>
      %parallel_loop3A_1369 = vector.shape_cast %parallel_loop3A_1355 : vector<16xf32> to vector<1x1x16xf32>
      tpu.vector_store %arg5[%parallel_loop3A_1364, %parallel_loop3A_1365, %parallel_loop3A_1366], %parallel_loop3A_1369 {strides = array<i32>} : memref<5x32x128xf32, #tpu.memory_space<vmem>>, vector<1x1x16xf32>,
      %parallel_loop3A_1370 = arith.constant 2 : i32
      %parallel_loop3A_1371 = arith.constant 3 : i32
      %parallel_loop3A_1372 = arith.index_cast %parallel_loop3A_1370 : i32 to index
      %parallel_loop3A_1373 = arith.index_cast %parallel_loop3A_1371 : i32 to index
      %parallel_loop3A_1374 = arith.index_cast %parallel_loop3A_1277 : i32 to index
      %parallel_loop3A_1375 = arith.constant 32 : index
      %parallel_loop3A_1376 = tpu.vector_load %arg4[%parallel_loop3A_1372, %parallel_loop3A_1373, %parallel_loop3A_1374, %parallel_loop3A_1375] {strides = array<i32>} : memref<5x4x32x128xf32, #tpu.memory_space<vmem>>, vector<1x1x1x16xf32>,
      %parallel_loop3A_1377 = vector.shape_cast %parallel_loop3A_1376 : vector<1x1x1x16xf32> to vector<16xf32>
      %parallel_loop3A_1378 = arith.constant 2 : i32
      %parallel_loop3A_1379 = arith.constant 3 : i32
      %parallel_loop3A_1380 = arith.index_cast %parallel_loop3A_1378 : i32 to index
      %parallel_loop3A_1381 = arith.index_cast %parallel_loop3A_1379 : i32 to index
      %parallel_loop3A_1382 = arith.index_cast %parallel_loop3A_1277 : i32 to index
      %parallel_loop3A_1383 = arith.constant 48 : index
      %parallel_loop3A_1384 = tpu.vector_load %arg4[%parallel_loop3A_1380, %parallel_loop3A_1381, %parallel_loop3A_1382, %parallel_loop3A_1383] {strides = array<i32>} : memref<5x4x32x128xf32, #tpu.memory_space<vmem>>, vector<1x1x1x16xf32>,
      %parallel_loop3A_1385 = vector.shape_cast %parallel_loop3A_1384 : vector<1x1x1x16xf32> to vector<16xf32>
      %parallel_loop3A_1386 = arith.constant 2 : i32
      %parallel_loop3A_1387 = arith.index_cast %parallel_loop3A_1386 : i32 to index
      %parallel_loop3A_1388 = arith.index_cast %parallel_loop3A_1277 : i32 to index
      %parallel_loop3A_1389 = arith.constant 96 : index
      %parallel_loop3A_1390 = tpu.vector_load %arg5[%parallel_loop3A_1387, %parallel_loop3A_1388, %parallel_loop3A_1389] {strides = array<i32>} : memref<5x32x128xf32, #tpu.memory_space<vmem>>, vector<1x1x16xf32>,
      %parallel_loop3A_1391 = vector.shape_cast %parallel_loop3A_1390 : vector<1x1x16xf32> to vector<16xf32>
      %parallel_loop3A_1392 = vector.shape_cast %parallel_loop3A_1377 : vector<16xf32> to vector<1x1x16xf32>
      tpu.vector_store %arg5[%parallel_loop3A_1387, %parallel_loop3A_1388, %parallel_loop3A_1389], %parallel_loop3A_1392 {strides = array<i32>} : memref<5x32x128xf32, #tpu.memory_space<vmem>>, vector<1x1x16xf32>,
      %parallel_loop3A_1393 = arith.constant 2 : i32
      %parallel_loop3A_1394 = arith.index_cast %parallel_loop3A_1393 : i32 to index
      %parallel_loop3A_1395 = arith.index_cast %parallel_loop3A_1277 : i32 to index
      %parallel_loop3A_1396 = arith.constant 112 : index
      %parallel_loop3A_1397 = tpu.vector_load %arg5[%parallel_loop3A_1394, %parallel_loop3A_1395, %parallel_loop3A_1396] {strides = array<i32>} : memref<5x32x128xf32, #tpu.memory_space<vmem>>, vector<1x1x16xf32>,
      %parallel_loop3A_1398 = vector.shape_cast %parallel_loop3A_1397 : vector<1x1x16xf32> to vector<16xf32>
      %parallel_loop3A_1399 = vector.shape_cast %parallel_loop3A_1385 : vector<16xf32> to vector<1x1x16xf32>
      tpu.vector_store %arg5[%parallel_loop3A_1394, %parallel_loop3A_1395, %parallel_loop3A_1396], %parallel_loop3A_1399 {strides = array<i32>} : memref<5x32x128xf32, #tpu.memory_space<vmem>>, vector<1x1x16xf32>,
    } {sc.loop_unroll_factor = 4 : i64, sc.parallel_access}
    %add3A_771 = arith.constant 64 : i32
    %add3A_772 = arith.addi %mul3A_32, %add3A_771 : i32
    %multiple_of3A_773 = tpu.assume_multiple %add3A_772, 32 : i32
    %dma_start3A_774 = arith.constant 2 : i32
    %dma_start3A_775 = arith.constant 0 : i32
    %dma_start3A_776 = arith.constant 0 : i32
    %dma_start3A_777 = tpu.memref_slice %arg5[%dma_start3A_774, %dma_start3A_775, %dma_start3A_776] : memref<5x32x128xf32, #tpu.memory_space<vmem>> -> memref<1x32x128xf32, #tpu.memory_space<vmem>>
    %dma_start3A_778 = tpu.memref_squeeze %dma_start3A_777 : memref<1x32x128xf32, #tpu.memory_space<vmem>> -> memref<32x128xf32, #tpu.memory_space<vmem>>
    %dma_start3A_779 = tpu.memref_slice %arg3[%multiple_of3A_773, %multiple_of3A] : memref<1024x1024xf32, #tpu.memory_space<hbm>> -> memref<32x128xf32, #tpu.memory_space<hbm>>
    %dma_start3A_780 = tpu.memref_slice %arg3[%multiple_of3A_773, %multiple_of3A] : memref<1024x1024xf32, #tpu.memory_space<hbm>> -> memref<32x128xf32, #tpu.memory_space<hbm>>
    %dma_start3A_781 = arith.constant 0 : i32
    %dma_start3A_782 = arith.constant 0 : i32
    %dma_start3A_783 = tpu.memref_slice %arg5[%dma_start3A_774, %dma_start3A_781, %dma_start3A_782] : memref<5x32x128xf32, #tpu.memory_space<vmem>> -> memref<1x32x128xf32, #tpu.memory_space<vmem>>
    %dma_start3A_784 = tpu.memref_squeeze %dma_start3A_783 : memref<1x32x128xf32, #tpu.memory_space<vmem>> -> memref<32x128xf32, #tpu.memory_space<vmem>>
    tpu.enqueue_dma source(%dma_start3A_784 : memref<32x128xf32, #tpu.memory_space<vmem>>) target(%dma_start3A_780 : memref<32x128xf32, #tpu.memory_space<hbm>>) target_semaphore(%arg7 : memref<!tpu.dma_semaphore, #tpu.memory_space<semaphore_mem>>)
    %dma_wait3A_785 = arith.constant 3 : i32
    %dma_wait3A_786 = arith.constant 0 : i32
    %dma_wait3A_787 = arith.constant 0 : i32
    %dma_wait3A_788 = arith.constant 0 : i32
    %dma_wait3A_789 = tpu.memref_slice %arg4[%dma_wait3A_785, %dma_wait3A_786, %dma_wait3A_787, %dma_wait3A_788] : memref<5x4x32x128xf32, #tpu.memory_space<vmem>> -> memref<1x1x32x128xf32, #tpu.memory_space<vmem>>
    %dma_wait3A_790 = tpu.memref_squeeze %dma_wait3A_789 : memref<1x1x32x128xf32, #tpu.memory_space<vmem>> -> memref<32x128xf32, #tpu.memory_space<vmem>>
    %dma_wait3A_791 = tpu.memref_slice %arg2[%multiple_of3A_278, %multiple_of3A_285] : memref<1024x32000xf32, #tpu.memory_space<hbm>> -> memref<32x128xf32, #tpu.memory_space<hbm>>
    %dma_wait3A_792 = arith.constant 0 : i32
    %dma_wait3A_793 = arith.constant 0 : i32
    %dma_wait3A_794 = tpu.memref_slice %arg4[%dma_wait3A_785, %dma_wait3A_786, %dma_wait3A_792, %dma_wait3A_793] : memref<5x4x32x128xf32, #tpu.memory_space<vmem>> -> memref<1x1x32x128xf32, #tpu.memory_space<vmem>>
    %dma_wait3A_795 = tpu.memref_squeeze %dma_wait3A_794 : memref<1x1x32x128xf32, #tpu.memory_space<vmem>> -> memref<32x128xf32, #tpu.memory_space<vmem>>
    %dma_wait3A_796 = tpu.memref_slice %arg2[%multiple_of3A_278, %multiple_of3A_285] : memref<1024x32000xf32, #tpu.memory_space<hbm>> -> memref<32x128xf32, #tpu.memory_space<hbm>>
    tpu.wait_dma2 semaphore(%arg6 : memref<!tpu.dma_semaphore, #tpu.memory_space<semaphore_mem>>) src(%dma_wait3A_796 : memref<32x128xf32, #tpu.memory_space<hbm>>) dst(%dma_wait3A_795 : memref<32x128xf32, #tpu.memory_space<vmem>>)
    %dma_wait3A_797 = arith.constant 3 : i32
    %dma_wait3A_798 = arith.constant 1 : i32
    %dma_wait3A_799 = arith.constant 0 : i32
    %dma_wait3A_800 = arith.constant 0 : i32
    %dma_wait3A_801 = tpu.memref_slice %arg4[%dma_wait3A_797, %dma_wait3A_798, %dma_wait3A_799, %dma_wait3A_800] : memref<5x4x32x128xf32, #tpu.memory_space<vmem>> -> memref<1x1x32x128xf32, #tpu.memory_space<vmem>>
    %dma_wait3A_802 = tpu.memref_squeeze %dma_wait3A_801 : memref<1x1x32x128xf32, #tpu.memory_space<vmem>> -> memref<32x128xf32, #tpu.memory_space<vmem>>
    %dma_wait3A_803 = tpu.memref_slice %arg2[%multiple_of3A_278, %multiple_of3A_304] : memref<1024x32000xf32, #tpu.memory_space<hbm>> -> memref<32x128xf32, #tpu.memory_space<hbm>>
    %dma_wait3A_804 = arith.constant 0 : i32
    %dma_wait3A_805 = arith.constant 0 : i32
    %dma_wait3A_806 = tpu.memref_slice %arg4[%dma_wait3A_797, %dma_wait3A_798, %dma_wait3A_804, %dma_wait3A_805] : memref<5x4x32x128xf32, #tpu.memory_space<vmem>> -> memref<1x1x32x128xf32, #tpu.memory_space<vmem>>
    %dma_wait3A_807 = tpu.memref_squeeze %dma_wait3A_806 : memref<1x1x32x128xf32, #tpu.memory_space<vmem>> -> memref<32x128xf32, #tpu.memory_space<vmem>>
    %dma_wait3A_808 = tpu.memref_slice %arg2[%multiple_of3A_278, %multiple_of3A_304] : memref<1024x32000xf32, #tpu.memory_space<hbm>> -> memref<32x128xf32, #tpu.memory_space<hbm>>
    tpu.wait_dma2 semaphore(%arg6 : memref<!tpu.dma_semaphore, #tpu.memory_space<semaphore_mem>>) src(%dma_wait3A_808 : memref<32x128xf32, #tpu.memory_space<hbm>>) dst(%dma_wait3A_807 : memref<32x128xf32, #tpu.memory_space<vmem>>)
    %dma_wait3A_809 = arith.constant 3 : i32
    %dma_wait3A_810 = arith.constant 2 : i32
    %dma_wait3A_811 = arith.constant 0 : i32
    %dma_wait3A_812 = arith.constant 0 : i32
    %dma_wait3A_813 = tpu.memref_slice %arg4[%dma_wait3A_809, %dma_wait3A_810, %dma_wait3A_811, %dma_wait3A_812] : memref<5x4x32x128xf32, #tpu.memory_space<vmem>> -> memref<1x1x32x128xf32, #tpu.memory_space<vmem>>
    %dma_wait3A_814 = tpu.memref_squeeze %dma_wait3A_813 : memref<1x1x32x128xf32, #tpu.memory_space<vmem>> -> memref<32x128xf32, #tpu.memory_space<vmem>>
    %dma_wait3A_815 = tpu.memref_slice %arg2[%multiple_of3A_278, %multiple_of3A_323] : memref<1024x32000xf32, #tpu.memory_space<hbm>> -> memref<32x128xf32, #tpu.memory_space<hbm>>
    %dma_wait3A_816 = arith.constant 0 : i32
    %dma_wait3A_817 = arith.constant 0 : i32
    %dma_wait3A_818 = tpu.memref_slice %arg4[%dma_wait3A_809, %dma_wait3A_810, %dma_wait3A_816, %dma_wait3A_817] : memref<5x4x32x128xf32, #tpu.memory_space<vmem>> -> memref<1x1x32x128xf32, #tpu.memory_space<vmem>>
    %dma_wait3A_819 = tpu.memref_squeeze %dma_wait3A_818 : memref<1x1x32x128xf32, #tpu.memory_space<vmem>> -> memref<32x128xf32, #tpu.memory_space<vmem>>
    %dma_wait3A_820 = tpu.memref_slice %arg2[%multiple_of3A_278, %multiple_of3A_323] : memref<1024x32000xf32, #tpu.memory_space<hbm>> -> memref<32x128xf32, #tpu.memory_space<hbm>>
    tpu.wait_dma2 semaphore(%arg6 : memref<!tpu.dma_semaphore, #tpu.memory_space<semaphore_mem>>) src(%dma_wait3A_820 : memref<32x128xf32, #tpu.memory_space<hbm>>) dst(%dma_wait3A_819 : memref<32x128xf32, #tpu.memory_space<vmem>>)
    %dma_wait3A_821 = arith.constant 3 : i32
    %dma_wait3A_822 = arith.constant 3 : i32
    %dma_wait3A_823 = arith.constant 0 : i32
    %dma_wait3A_824 = arith.constant 0 : i32
    %dma_wait3A_825 = tpu.memref_slice %arg4[%dma_wait3A_821, %dma_wait3A_822, %dma_wait3A_823, %dma_wait3A_824] : memref<5x4x32x128xf32, #tpu.memory_space<vmem>> -> memref<1x1x32x128xf32, #tpu.memory_space<vmem>>
    %dma_wait3A_826 = tpu.memref_squeeze %dma_wait3A_825 : memref<1x1x32x128xf32, #tpu.memory_space<vmem>> -> memref<32x128xf32, #tpu.memory_space<vmem>>
    %dma_wait3A_827 = tpu.memref_slice %arg2[%multiple_of3A_278, %multiple_of3A_342] : memref<1024x32000xf32, #tpu.memory_space<hbm>> -> memref<32x128xf32, #tpu.memory_space<hbm>>
    %dma_wait3A_828 = arith.constant 0 : i32
    %dma_wait3A_829 = arith.constant 0 : i32
    %dma_wait3A_830 = tpu.memref_slice %arg4[%dma_wait3A_821, %dma_wait3A_822, %dma_wait3A_828, %dma_wait3A_829] : memref<5x4x32x128xf32, #tpu.memory_space<vmem>> -> memref<1x1x32x128xf32, #tpu.memory_space<vmem>>
    %dma_wait3A_831 = tpu.memref_squeeze %dma_wait3A_830 : memref<1x1x32x128xf32, #tpu.memory_space<vmem>> -> memref<32x128xf32, #tpu.memory_space<vmem>>
    %dma_wait3A_832 = tpu.memref_slice %arg2[%multiple_of3A_278, %multiple_of3A_342] : memref<1024x32000xf32, #tpu.memory_space<hbm>> -> memref<32x128xf32, #tpu.memory_space<hbm>>
    tpu.wait_dma2 semaphore(%arg6 : memref<!tpu.dma_semaphore, #tpu.memory_space<semaphore_mem>>) src(%dma_wait3A_832 : memref<32x128xf32, #tpu.memory_space<hbm>>) dst(%dma_wait3A_831 : memref<32x128xf32, #tpu.memory_space<vmem>>)
    %add3A_833 = arith.constant 224 : i32
    %add3A_834 = arith.addi %mul3A_32, %add3A_833 : i32
    %multiple_of3A_835 = tpu.assume_multiple %add3A_834, 32 : i32
    %mul3A_836 = arith.constant 31 : i32
    %mul3A_837 = arith.muli %mul3A_836, %select_n3A_9 : i32
    %add3A_838 = arith.constant 0 : i32
    %add3A_839 = arith.addi %mul3A_837, %add3A_838 : i32
    %mul3A_840 = arith.constant 128 : i32
    %mul3A_841 = arith.muli %add3A_839, %mul3A_840 : i32
    %multiple_of3A_842 = tpu.assume_multiple %mul3A_841, 128 : i32
    %dma_start3A_843 = arith.constant 2 : i32
    %dma_start3A_844 = arith.constant 0 : i32
    %dma_start3A_845 = arith.constant 0 : i32
    %dma_start3A_846 = arith.constant 0 : i32
    %dma_start3A_847 = tpu.memref_slice %arg4[%dma_start3A_843, %dma_start3A_844, %dma_start3A_845, %dma_start3A_846] : memref<5x4x32x128xf32, #tpu.memory_space<vmem>> -> memref<1x1x32x128xf32, #tpu.memory_space<vmem>>
    %dma_start3A_848 = tpu.memref_squeeze %dma_start3A_847 : memref<1x1x32x128xf32, #tpu.memory_space<vmem>> -> memref<32x128xf32, #tpu.memory_space<vmem>>
    %dma_start3A_849 = tpu.memref_slice %arg2[%multiple_of3A_835, %multiple_of3A_842] : memref<1024x32000xf32, #tpu.memory_space<hbm>> -> memref<32x128xf32, #tpu.memory_space<hbm>>
    %dma_start3A_850 = arith.constant 0 : i32
    %dma_start3A_851 = arith.constant 0 : i32
    %dma_start3A_852 = tpu.memref_slice %arg4[%dma_start3A_843, %dma_start3A_844, %dma_start3A_850, %dma_start3A_851] : memref<5x4x32x128xf32, #tpu.memory_space<vmem>> -> memref<1x1x32x128xf32, #tpu.memory_space<vmem>>
    %dma_start3A_853 = tpu.memref_squeeze %dma_start3A_852 : memref<1x1x32x128xf32, #tpu.memory_space<vmem>> -> memref<32x128xf32, #tpu.memory_space<vmem>>
    %dma_start3A_854 = tpu.memref_slice %arg2[%multiple_of3A_835, %multiple_of3A_842] : memref<1024x32000xf32, #tpu.memory_space<hbm>> -> memref<32x128xf32, #tpu.memory_space<hbm>>
    tpu.enqueue_dma source(%dma_start3A_854 : memref<32x128xf32, #tpu.memory_space<hbm>>) target(%dma_start3A_853 : memref<32x128xf32, #tpu.memory_space<vmem>>) target_semaphore(%arg6 : memref<!tpu.dma_semaphore, #tpu.memory_space<semaphore_mem>>)
    %mul3A_855 = arith.constant 31 : i32
    %mul3A_856 = arith.muli %mul3A_855, %select_n3A_9 : i32
    %add3A_857 = arith.constant 7 : i32
    %add3A_858 = arith.addi %mul3A_856, %add3A_857 : i32
    %mul3A_859 = arith.constant 128 : i32
    %mul3A_860 = arith.muli %add3A_858, %mul3A_859 : i32
    %multiple_of3A_861 = tpu.assume_multiple %mul3A_860, 128 : i32
    %dma_start3A_862 = arith.constant 2 : i32
    %dma_start3A_863 = arith.constant 1 : i32
    %dma_start3A_864 = arith.constant 0 : i32
    %dma_start3A_865 = arith.constant 0 : i32
    %dma_start3A_866 = tpu.memref_slice %arg4[%dma_start3A_862, %dma_start3A_863, %dma_start3A_864, %dma_start3A_865] : memref<5x4x32x128xf32, #tpu.memory_space<vmem>> -> memref<1x1x32x128xf32, #tpu.memory_space<vmem>>
    %dma_start3A_867 = tpu.memref_squeeze %dma_start3A_866 : memref<1x1x32x128xf32, #tpu.memory_space<vmem>> -> memref<32x128xf32, #tpu.memory_space<vmem>>
    %dma_start3A_868 = tpu.memref_slice %arg2[%multiple_of3A_835, %multiple_of3A_861] : memref<1024x32000xf32, #tpu.memory_space<hbm>> -> memref<32x128xf32, #tpu.memory_space<hbm>>
    %dma_start3A_869 = arith.constant 0 : i32
    %dma_start3A_870 = arith.constant 0 : i32
    %dma_start3A_871 = tpu.memref_slice %arg4[%dma_start3A_862, %dma_start3A_863, %dma_start3A_869, %dma_start3A_870] : memref<5x4x32x128xf32, #tpu.memory_space<vmem>> -> memref<1x1x32x128xf32, #tpu.memory_space<vmem>>
    %dma_start3A_872 = tpu.memref_squeeze %dma_start3A_871 : memref<1x1x32x128xf32, #tpu.memory_space<vmem>> -> memref<32x128xf32, #tpu.memory_space<vmem>>
    %dma_start3A_873 = tpu.memref_slice %arg2[%multiple_of3A_835, %multiple_of3A_861] : memref<1024x32000xf32, #tpu.memory_space<hbm>> -> memref<32x128xf32, #tpu.memory_space<hbm>>
    tpu.enqueue_dma source(%dma_start3A_873 : memref<32x128xf32, #tpu.memory_space<hbm>>) target(%dma_start3A_872 : memref<32x128xf32, #tpu.memory_space<vmem>>) target_semaphore(%arg6 : memref<!tpu.dma_semaphore, #tpu.memory_space<semaphore_mem>>)
    %mul3A_874 = arith.constant 31 : i32
    %mul3A_875 = arith.muli %mul3A_874, %select_n3A_9 : i32
    %add3A_876 = arith.constant 15 : i32
    %add3A_877 = arith.addi %mul3A_875, %add3A_876 : i32
    %mul3A_878 = arith.constant 128 : i32
    %mul3A_879 = arith.muli %add3A_877, %mul3A_878 : i32
    %multiple_of3A_880 = tpu.assume_multiple %mul3A_879, 128 : i32
    %dma_start3A_881 = arith.constant 2 : i32
    %dma_start3A_882 = arith.constant 2 : i32
    %dma_start3A_883 = arith.constant 0 : i32
    %dma_start3A_884 = arith.constant 0 : i32
    %dma_start3A_885 = tpu.memref_slice %arg4[%dma_start3A_881, %dma_start3A_882, %dma_start3A_883, %dma_start3A_884] : memref<5x4x32x128xf32, #tpu.memory_space<vmem>> -> memref<1x1x32x128xf32, #tpu.memory_space<vmem>>
    %dma_start3A_886 = tpu.memref_squeeze %dma_start3A_885 : memref<1x1x32x128xf32, #tpu.memory_space<vmem>> -> memref<32x128xf32, #tpu.memory_space<vmem>>
    %dma_start3A_887 = tpu.memref_slice %arg2[%multiple_of3A_835, %multiple_of3A_880] : memref<1024x32000xf32, #tpu.memory_space<hbm>> -> memref<32x128xf32, #tpu.memory_space<hbm>>
    %dma_start3A_888 = arith.constant 0 : i32
    %dma_start3A_889 = arith.constant 0 : i32
    %dma_start3A_890 = tpu.memref_slice %arg4[%dma_start3A_881, %dma_start3A_882, %dma_start3A_888, %dma_start3A_889] : memref<5x4x32x128xf32, #tpu.memory_space<vmem>> -> memref<1x1x32x128xf32, #tpu.memory_space<vmem>>
    %dma_start3A_891 = tpu.memref_squeeze %dma_start3A_890 : memref<1x1x32x128xf32, #tpu.memory_space<vmem>> -> memref<32x128xf32, #tpu.memory_space<vmem>>
    %dma_start3A_892 = tpu.memref_slice %arg2[%multiple_of3A_835, %multiple_of3A_880] : memref<1024x32000xf32, #tpu.memory_space<hbm>> -> memref<32x128xf32, #tpu.memory_space<hbm>>
    tpu.enqueue_dma source(%dma_start3A_892 : memref<32x128xf32, #tpu.memory_space<hbm>>) target(%dma_start3A_891 : memref<32x128xf32, #tpu.memory_space<vmem>>) target_semaphore(%arg6 : memref<!tpu.dma_semaphore, #tpu.memory_space<semaphore_mem>>)
    %mul3A_893 = arith.constant 31 : i32
    %mul3A_894 = arith.muli %mul3A_893, %select_n3A_9 : i32
    %add3A_895 = arith.constant 23 : i32
    %add3A_896 = arith.addi %mul3A_894, %add3A_895 : i32
    %mul3A_897 = arith.constant 128 : i32
    %mul3A_898 = arith.muli %add3A_896, %mul3A_897 : i32
    %multiple_of3A_899 = tpu.assume_multiple %mul3A_898, 128 : i32
    %dma_start3A_900 = arith.constant 2 : i32
    %dma_start3A_901 = arith.constant 3 : i32
    %dma_start3A_902 = arith.constant 0 : i32
    %dma_start3A_903 = arith.constant 0 : i32
    %dma_start3A_904 = tpu.memref_slice %arg4[%dma_start3A_900, %dma_start3A_901, %dma_start3A_902, %dma_start3A_903] : memref<5x4x32x128xf32, #tpu.memory_space<vmem>> -> memref<1x1x32x128xf32, #tpu.memory_space<vmem>>
    %dma_start3A_905 = tpu.memref_squeeze %dma_start3A_904 : memref<1x1x32x128xf32, #tpu.memory_space<vmem>> -> memref<32x128xf32, #tpu.memory_space<vmem>>
    %dma_start3A_906 = tpu.memref_slice %arg2[%multiple_of3A_835, %multiple_of3A_899] : memref<1024x32000xf32, #tpu.memory_space<hbm>> -> memref<32x128xf32, #tpu.memory_space<hbm>>
    %dma_start3A_907 = arith.constant 0 : i32
    %dma_start3A_908 = arith.constant 0 : i32
    %dma_start3A_909 = tpu.memref_slice %arg4[%dma_start3A_900, %dma_start3A_901, %dma_start3A_907, %dma_start3A_908] : memref<5x4x32x128xf32, #tpu.memory_space<vmem>> -> memref<1x1x32x128xf32, #tpu.memory_space<vmem>>
    %dma_start3A_910 = tpu.memref_squeeze %dma_start3A_909 : memref<1x1x32x128xf32, #tpu.memory_space<vmem>> -> memref<32x128xf32, #tpu.memory_space<vmem>>
    %dma_start3A_911 = tpu.memref_slice %arg2[%multiple_of3A_835, %multiple_of3A_899] : memref<1024x32000xf32, #tpu.memory_space<hbm>> -> memref<32x128xf32, #tpu.memory_space<hbm>>
    tpu.enqueue_dma source(%dma_start3A_911 : memref<32x128xf32, #tpu.memory_space<hbm>>) target(%dma_start3A_910 : memref<32x128xf32, #tpu.memory_space<vmem>>) target_semaphore(%arg6 : memref<!tpu.dma_semaphore, #tpu.memory_space<semaphore_mem>>)
    %parallel_loop3A_912 = arith.constant 0 : i32
    %parallel_loop3A_913 = arith.constant 32 : i32
    %parallel_loop3A_914 = arith.constant 1 : i32
    scf.for %parallel_loop3A_1277 = %parallel_loop3A_912 to %parallel_loop3A_913 step %parallel_loop3A_914  : i32 {
      %parallel_loop3A_1278 = arith.constant 3 : i32
      %parallel_loop3A_1279 = arith.constant 0 : i32
      %parallel_loop3A_1280 = arith.index_cast %parallel_loop3A_1278 : i32 to index
      %parallel_loop3A_1281 = arith.index_cast %parallel_loop3A_1279 : i32 to index
      %parallel_loop3A_1282 = arith.index_cast %parallel_loop3A_1277 : i32 to index
      %parallel_loop3A_1283 = arith.constant 0 : index
      %parallel_loop3A_1284 = tpu.vector_load %arg4[%parallel_loop3A_1280, %parallel_loop3A_1281, %parallel_loop3A_1282, %parallel_loop3A_1283] {strides = array<i32>} : memref<5x4x32x128xf32, #tpu.memory_space<vmem>>, vector<1x1x1x16xf32>,
      %parallel_loop3A_1285 = vector.shape_cast %parallel_loop3A_1284 : vector<1x1x1x16xf32> to vector<16xf32>
      %parallel_loop3A_1286 = arith.constant 3 : i32
      %parallel_loop3A_1287 = arith.constant 0 : i32
      %parallel_loop3A_1288 = arith.index_cast %parallel_loop3A_1286 : i32 to index
      %parallel_loop3A_1289 = arith.index_cast %parallel_loop3A_1287 : i32 to index
      %parallel_loop3A_1290 = arith.index_cast %parallel_loop3A_1277 : i32 to index
      %parallel_loop3A_1291 = arith.constant 16 : index
      %parallel_loop3A_1292 = tpu.vector_load %arg4[%parallel_loop3A_1288, %parallel_loop3A_1289, %parallel_loop3A_1290, %parallel_loop3A_1291] {strides = array<i32>} : memref<5x4x32x128xf32, #tpu.memory_space<vmem>>, vector<1x1x1x16xf32>,
      %parallel_loop3A_1293 = vector.shape_cast %parallel_loop3A_1292 : vector<1x1x1x16xf32> to vector<16xf32>
      %parallel_loop3A_1294 = arith.mulf %parallel_loop3A_1285, %broadcast_in_dim3A : vector<16xf32>
      %parallel_loop3A_1295 = arith.mulf %parallel_loop3A_1293, %broadcast_in_dim3A : vector<16xf32>
      %parallel_loop3A_1296 = arith.constant 3 : i32
      %parallel_loop3A_1297 = arith.index_cast %parallel_loop3A_1296 : i32 to index
      %parallel_loop3A_1298 = arith.index_cast %parallel_loop3A_1277 : i32 to index
      %parallel_loop3A_1299 = arith.constant 0 : index
      %parallel_loop3A_1300 = tpu.vector_load %arg5[%parallel_loop3A_1297, %parallel_loop3A_1298, %parallel_loop3A_1299] {strides = array<i32>} : memref<5x32x128xf32, #tpu.memory_space<vmem>>, vector<1x1x16xf32>,
      %parallel_loop3A_1301 = vector.shape_cast %parallel_loop3A_1300 : vector<1x1x16xf32> to vector<16xf32>
      %parallel_loop3A_1302 = vector.shape_cast %parallel_loop3A_1294 : vector<16xf32> to vector<1x1x16xf32>
      tpu.vector_store %arg5[%parallel_loop3A_1297, %parallel_loop3A_1298, %parallel_loop3A_1299], %parallel_loop3A_1302 {strides = array<i32>} : memref<5x32x128xf32, #tpu.memory_space<vmem>>, vector<1x1x16xf32>,
      %parallel_loop3A_1303 = arith.constant 3 : i32
      %parallel_loop3A_1304 = arith.index_cast %parallel_loop3A_1303 : i32 to index
      %parallel_loop3A_1305 = arith.index_cast %parallel_loop3A_1277 : i32 to index
      %parallel_loop3A_1306 = arith.constant 16 : index
      %parallel_loop3A_1307 = tpu.vector_load %arg5[%parallel_loop3A_1304, %parallel_loop3A_1305, %parallel_loop3A_1306] {strides = array<i32>} : memref<5x32x128xf32, #tpu.memory_space<vmem>>, vector<1x1x16xf32>,
      %parallel_loop3A_1308 = vector.shape_cast %parallel_loop3A_1307 : vector<1x1x16xf32> to vector<16xf32>
      %parallel_loop3A_1309 = vector.shape_cast %parallel_loop3A_1295 : vector<16xf32> to vector<1x1x16xf32>
      tpu.vector_store %arg5[%parallel_loop3A_1304, %parallel_loop3A_1305, %parallel_loop3A_1306], %parallel_loop3A_1309 {strides = array<i32>} : memref<5x32x128xf32, #tpu.memory_space<vmem>>, vector<1x1x16xf32>,
      %parallel_loop3A_1310 = arith.constant 3 : i32
      %parallel_loop3A_1311 = arith.constant 1 : i32
      %parallel_loop3A_1312 = arith.index_cast %parallel_loop3A_1310 : i32 to index
      %parallel_loop3A_1313 = arith.index_cast %parallel_loop3A_1311 : i32 to index
      %parallel_loop3A_1314 = arith.index_cast %parallel_loop3A_1277 : i32 to index
      %parallel_loop3A_1315 = arith.constant 96 : index
      %parallel_loop3A_1316 = tpu.vector_load %arg4[%parallel_loop3A_1312, %parallel_loop3A_1313, %parallel_loop3A_1314, %parallel_loop3A_1315] {strides = array<i32>} : memref<5x4x32x128xf32, #tpu.memory_space<vmem>>, vector<1x1x1x16xf32>,
      %parallel_loop3A_1317 = vector.shape_cast %parallel_loop3A_1316 : vector<1x1x1x16xf32> to vector<16xf32>
      %parallel_loop3A_1318 = arith.constant 3 : i32
      %parallel_loop3A_1319 = arith.constant 1 : i32
      %parallel_loop3A_1320 = arith.index_cast %parallel_loop3A_1318 : i32 to index
      %parallel_loop3A_1321 = arith.index_cast %parallel_loop3A_1319 : i32 to index
      %parallel_loop3A_1322 = arith.index_cast %parallel_loop3A_1277 : i32 to index
      %parallel_loop3A_1323 = arith.constant 112 : index
      %parallel_loop3A_1324 = tpu.vector_load %arg4[%parallel_loop3A_1320, %parallel_loop3A_1321, %parallel_loop3A_1322, %parallel_loop3A_1323] {strides = array<i32>} : memref<5x4x32x128xf32, #tpu.memory_space<vmem>>, vector<1x1x1x16xf32>,
      %parallel_loop3A_1325 = vector.shape_cast %parallel_loop3A_1324 : vector<1x1x1x16xf32> to vector<16xf32>
      %parallel_loop3A_1326 = arith.constant 3 : i32
      %parallel_loop3A_1327 = arith.index_cast %parallel_loop3A_1326 : i32 to index
      %parallel_loop3A_1328 = arith.index_cast %parallel_loop3A_1277 : i32 to index
      %parallel_loop3A_1329 = arith.constant 32 : index
      %parallel_loop3A_1330 = tpu.vector_load %arg5[%parallel_loop3A_1327, %parallel_loop3A_1328, %parallel_loop3A_1329] {strides = array<i32>} : memref<5x32x128xf32, #tpu.memory_space<vmem>>, vector<1x1x16xf32>,
      %parallel_loop3A_1331 = vector.shape_cast %parallel_loop3A_1330 : vector<1x1x16xf32> to vector<16xf32>
      %parallel_loop3A_1332 = vector.shape_cast %parallel_loop3A_1317 : vector<16xf32> to vector<1x1x16xf32>
      tpu.vector_store %arg5[%parallel_loop3A_1327, %parallel_loop3A_1328, %parallel_loop3A_1329], %parallel_loop3A_1332 {strides = array<i32>} : memref<5x32x128xf32, #tpu.memory_space<vmem>>, vector<1x1x16xf32>,
      %parallel_loop3A_1333 = arith.constant 3 : i32
      %parallel_loop3A_1334 = arith.index_cast %parallel_loop3A_1333 : i32 to index
      %parallel_loop3A_1335 = arith.index_cast %parallel_loop3A_1277 : i32 to index
      %parallel_loop3A_1336 = arith.constant 48 : index
      %parallel_loop3A_1337 = tpu.vector_load %arg5[%parallel_loop3A_1334, %parallel_loop3A_1335, %parallel_loop3A_1336] {strides = array<i32>} : memref<5x32x128xf32, #tpu.memory_space<vmem>>, vector<1x1x16xf32>,
      %parallel_loop3A_1338 = vector.shape_cast %parallel_loop3A_1337 : vector<1x1x16xf32> to vector<16xf32>
      %parallel_loop3A_1339 = vector.shape_cast %parallel_loop3A_1325 : vector<16xf32> to vector<1x1x16xf32>
      tpu.vector_store %arg5[%parallel_loop3A_1334, %parallel_loop3A_1335, %parallel_loop3A_1336], %parallel_loop3A_1339 {strides = array<i32>} : memref<5x32x128xf32, #tpu.memory_space<vmem>>, vector<1x1x16xf32>,
      %parallel_loop3A_1340 = arith.constant 3 : i32
      %parallel_loop3A_1341 = arith.constant 2 : i32
      %parallel_loop3A_1342 = arith.index_cast %parallel_loop3A_1340 : i32 to index
      %parallel_loop3A_1343 = arith.index_cast %parallel_loop3A_1341 : i32 to index
      %parallel_loop3A_1344 = arith.index_cast %parallel_loop3A_1277 : i32 to index
      %parallel_loop3A_1345 = arith.constant 64 : index
      %parallel_loop3A_1346 = tpu.vector_load %arg4[%parallel_loop3A_1342, %parallel_loop3A_1343, %parallel_loop3A_1344, %parallel_loop3A_1345] {strides = array<i32>} : memref<5x4x32x128xf32, #tpu.memory_space<vmem>>, vector<1x1x1x16xf32>,
      %parallel_loop3A_1347 = vector.shape_cast %parallel_loop3A_1346 : vector<1x1x1x16xf32> to vector<16xf32>
      %parallel_loop3A_1348 = arith.constant 3 : i32
      %parallel_loop3A_1349 = arith.constant 2 : i32
      %parallel_loop3A_1350 = arith.index_cast %parallel_loop3A_1348 : i32 to index
      %parallel_loop3A_1351 = arith.index_cast %parallel_loop3A_1349 : i32 to index
      %parallel_loop3A_1352 = arith.index_cast %parallel_loop3A_1277 : i32 to index
      %parallel_loop3A_1353 = arith.constant 80 : index
      %parallel_loop3A_1354 = tpu.vector_load %arg4[%parallel_loop3A_1350, %parallel_loop3A_1351, %parallel_loop3A_1352, %parallel_loop3A_1353] {strides = array<i32>} : memref<5x4x32x128xf32, #tpu.memory_space<vmem>>, vector<1x1x1x16xf32>,
      %parallel_loop3A_1355 = vector.shape_cast %parallel_loop3A_1354 : vector<1x1x1x16xf32> to vector<16xf32>
      %parallel_loop3A_1356 = arith.constant 3 : i32
      %parallel_loop3A_1357 = arith.index_cast %parallel_loop3A_1356 : i32 to index
      %parallel_loop3A_1358 = arith.index_cast %parallel_loop3A_1277 : i32 to index
      %parallel_loop3A_1359 = arith.constant 64 : index
      %parallel_loop3A_1360 = tpu.vector_load %arg5[%parallel_loop3A_1357, %parallel_loop3A_1358, %parallel_loop3A_1359] {strides = array<i32>} : memref<5x32x128xf32, #tpu.memory_space<vmem>>, vector<1x1x16xf32>,
      %parallel_loop3A_1361 = vector.shape_cast %parallel_loop3A_1360 : vector<1x1x16xf32> to vector<16xf32>
      %parallel_loop3A_1362 = vector.shape_cast %parallel_loop3A_1347 : vector<16xf32> to vector<1x1x16xf32>
      tpu.vector_store %arg5[%parallel_loop3A_1357, %parallel_loop3A_1358, %parallel_loop3A_1359], %parallel_loop3A_1362 {strides = array<i32>} : memref<5x32x128xf32, #tpu.memory_space<vmem>>, vector<1x1x16xf32>,
      %parallel_loop3A_1363 = arith.constant 3 : i32
      %parallel_loop3A_1364 = arith.index_cast %parallel_loop3A_1363 : i32 to index
      %parallel_loop3A_1365 = arith.index_cast %parallel_loop3A_1277 : i32 to index
      %parallel_loop3A_1366 = arith.constant 80 : index
      %parallel_loop3A_1367 = tpu.vector_load %arg5[%parallel_loop3A_1364, %parallel_loop3A_1365, %parallel_loop3A_1366] {strides = array<i32>} : memref<5x32x128xf32, #tpu.memory_space<vmem>>, vector<1x1x16xf32>,
      %parallel_loop3A_1368 = vector.shape_cast %parallel_loop3A_1367 : vector<1x1x16xf32> to vector<16xf32>
      %parallel_loop3A_1369 = vector.shape_cast %parallel_loop3A_1355 : vector<16xf32> to vector<1x1x16xf32>
      tpu.vector_store %arg5[%parallel_loop3A_1364, %parallel_loop3A_1365, %parallel_loop3A_1366], %parallel_loop3A_1369 {strides = array<i32>} : memref<5x32x128xf32, #tpu.memory_space<vmem>>, vector<1x1x16xf32>,
      %parallel_loop3A_1370 = arith.constant 3 : i32
      %parallel_loop3A_1371 = arith.constant 3 : i32
      %parallel_loop3A_1372 = arith.index_cast %parallel_loop3A_1370 : i32 to index
      %parallel_loop3A_1373 = arith.index_cast %parallel_loop3A_1371 : i32 to index
      %parallel_loop3A_1374 = arith.index_cast %parallel_loop3A_1277 : i32 to index
      %parallel_loop3A_1375 = arith.constant 32 : index
      %parallel_loop3A_1376 = tpu.vector_load %arg4[%parallel_loop3A_1372, %parallel_loop3A_1373, %parallel_loop3A_1374, %parallel_loop3A_1375] {strides = array<i32>} : memref<5x4x32x128xf32, #tpu.memory_space<vmem>>, vector<1x1x1x16xf32>,
      %parallel_loop3A_1377 = vector.shape_cast %parallel_loop3A_1376 : vector<1x1x1x16xf32> to vector<16xf32>
      %parallel_loop3A_1378 = arith.constant 3 : i32
      %parallel_loop3A_1379 = arith.constant 3 : i32
      %parallel_loop3A_1380 = arith.index_cast %parallel_loop3A_1378 : i32 to index
      %parallel_loop3A_1381 = arith.index_cast %parallel_loop3A_1379 : i32 to index
      %parallel_loop3A_1382 = arith.index_cast %parallel_loop3A_1277 : i32 to index
      %parallel_loop3A_1383 = arith.constant 48 : index
      %parallel_loop3A_1384 = tpu.vector_load %arg4[%parallel_loop3A_1380, %parallel_loop3A_1381, %parallel_loop3A_1382, %parallel_loop3A_1383] {strides = array<i32>} : memref<5x4x32x128xf32, #tpu.memory_space<vmem>>, vector<1x1x1x16xf32>,
      %parallel_loop3A_1385 = vector.shape_cast %parallel_loop3A_1384 : vector<1x1x1x16xf32> to vector<16xf32>
      %parallel_loop3A_1386 = arith.constant 3 : i32
      %parallel_loop3A_1387 = arith.index_cast %parallel_loop3A_1386 : i32 to index
      %parallel_loop3A_1388 = arith.index_cast %parallel_loop3A_1277 : i32 to index
      %parallel_loop3A_1389 = arith.constant 96 : index
      %parallel_loop3A_1390 = tpu.vector_load %arg5[%parallel_loop3A_1387, %parallel_loop3A_1388, %parallel_loop3A_1389] {strides = array<i32>} : memref<5x32x128xf32, #tpu.memory_space<vmem>>, vector<1x1x16xf32>,
      %parallel_loop3A_1391 = vector.shape_cast %parallel_loop3A_1390 : vector<1x1x16xf32> to vector<16xf32>
      %parallel_loop3A_1392 = vector.shape_cast %parallel_loop3A_1377 : vector<16xf32> to vector<1x1x16xf32>
      tpu.vector_store %arg5[%parallel_loop3A_1387, %parallel_loop3A_1388, %parallel_loop3A_1389], %parallel_loop3A_1392 {strides = array<i32>} : memref<5x32x128xf32, #tpu.memory_space<vmem>>, vector<1x1x16xf32>,
      %parallel_loop3A_1393 = arith.constant 3 : i32
      %parallel_loop3A_1394 = arith.index_cast %parallel_loop3A_1393 : i32 to index
      %parallel_loop3A_1395 = arith.index_cast %parallel_loop3A_1277 : i32 to index
      %parallel_loop3A_1396 = arith.constant 112 : index
      %parallel_loop3A_1397 = tpu.vector_load %arg5[%parallel_loop3A_1394, %parallel_loop3A_1395, %parallel_loop3A_1396] {strides = array<i32>} : memref<5x32x128xf32, #tpu.memory_space<vmem>>, vector<1x1x16xf32>,
      %parallel_loop3A_1398 = vector.shape_cast %parallel_loop3A_1397 : vector<1x1x16xf32> to vector<16xf32>
      %parallel_loop3A_1399 = vector.shape_cast %parallel_loop3A_1385 : vector<16xf32> to vector<1x1x16xf32>
      tpu.vector_store %arg5[%parallel_loop3A_1394, %parallel_loop3A_1395, %parallel_loop3A_1396], %parallel_loop3A_1399 {strides = array<i32>} : memref<5x32x128xf32, #tpu.memory_space<vmem>>, vector<1x1x16xf32>,
    } {sc.loop_unroll_factor = 4 : i64, sc.parallel_access}
    %add3A_915 = arith.constant 96 : i32
    %add3A_916 = arith.addi %mul3A_32, %add3A_915 : i32
    %multiple_of3A_917 = tpu.assume_multiple %add3A_916, 32 : i32
    %dma_start3A_918 = arith.constant 3 : i32
    %dma_start3A_919 = arith.constant 0 : i32
    %dma_start3A_920 = arith.constant 0 : i32
    %dma_start3A_921 = tpu.memref_slice %arg5[%dma_start3A_918, %dma_start3A_919, %dma_start3A_920] : memref<5x32x128xf32, #tpu.memory_space<vmem>> -> memref<1x32x128xf32, #tpu.memory_space<vmem>>
    %dma_start3A_922 = tpu.memref_squeeze %dma_start3A_921 : memref<1x32x128xf32, #tpu.memory_space<vmem>> -> memref<32x128xf32, #tpu.memory_space<vmem>>
    %dma_start3A_923 = tpu.memref_slice %arg3[%multiple_of3A_917, %multiple_of3A] : memref<1024x1024xf32, #tpu.memory_space<hbm>> -> memref<32x128xf32, #tpu.memory_space<hbm>>
    %dma_start3A_924 = tpu.memref_slice %arg3[%multiple_of3A_917, %multiple_of3A] : memref<1024x1024xf32, #tpu.memory_space<hbm>> -> memref<32x128xf32, #tpu.memory_space<hbm>>
    %dma_start3A_925 = arith.constant 0 : i32
    %dma_start3A_926 = arith.constant 0 : i32
    %dma_start3A_927 = tpu.memref_slice %arg5[%dma_start3A_918, %dma_start3A_925, %dma_start3A_926] : memref<5x32x128xf32, #tpu.memory_space<vmem>> -> memref<1x32x128xf32, #tpu.memory_space<vmem>>
    %dma_start3A_928 = tpu.memref_squeeze %dma_start3A_927 : memref<1x32x128xf32, #tpu.memory_space<vmem>> -> memref<32x128xf32, #tpu.memory_space<vmem>>
    tpu.enqueue_dma source(%dma_start3A_928 : memref<32x128xf32, #tpu.memory_space<vmem>>) target(%dma_start3A_924 : memref<32x128xf32, #tpu.memory_space<hbm>>) target_semaphore(%arg7 : memref<!tpu.dma_semaphore, #tpu.memory_space<semaphore_mem>>)
    %dma_wait3A_929 = arith.constant 4 : i32
    %dma_wait3A_930 = arith.constant 0 : i32
    %dma_wait3A_931 = arith.constant 0 : i32
    %dma_wait3A_932 = arith.constant 0 : i32
    %dma_wait3A_933 = tpu.memref_slice %arg4[%dma_wait3A_929, %dma_wait3A_930, %dma_wait3A_931, %dma_wait3A_932] : memref<5x4x32x128xf32, #tpu.memory_space<vmem>> -> memref<1x1x32x128xf32, #tpu.memory_space<vmem>>
    %dma_wait3A_934 = tpu.memref_squeeze %dma_wait3A_933 : memref<1x1x32x128xf32, #tpu.memory_space<vmem>> -> memref<32x128xf32, #tpu.memory_space<vmem>>
    %dma_wait3A_935 = tpu.memref_slice %arg2[%multiple_of3A_404, %multiple_of3A_411] : memref<1024x32000xf32, #tpu.memory_space<hbm>> -> memref<32x128xf32, #tpu.memory_space<hbm>>
    %dma_wait3A_936 = arith.constant 0 : i32
    %dma_wait3A_937 = arith.constant 0 : i32
    %dma_wait3A_938 = tpu.memref_slice %arg4[%dma_wait3A_929, %dma_wait3A_930, %dma_wait3A_936, %dma_wait3A_937] : memref<5x4x32x128xf32, #tpu.memory_space<vmem>> -> memref<1x1x32x128xf32, #tpu.memory_space<vmem>>
    %dma_wait3A_939 = tpu.memref_squeeze %dma_wait3A_938 : memref<1x1x32x128xf32, #tpu.memory_space<vmem>> -> memref<32x128xf32, #tpu.memory_space<vmem>>
    %dma_wait3A_940 = tpu.memref_slice %arg2[%multiple_of3A_404, %multiple_of3A_411] : memref<1024x32000xf32, #tpu.memory_space<hbm>> -> memref<32x128xf32, #tpu.memory_space<hbm>>
    tpu.wait_dma2 semaphore(%arg6 : memref<!tpu.dma_semaphore, #tpu.memory_space<semaphore_mem>>) src(%dma_wait3A_940 : memref<32x128xf32, #tpu.memory_space<hbm>>) dst(%dma_wait3A_939 : memref<32x128xf32, #tpu.memory_space<vmem>>)
    %dma_wait3A_941 = arith.constant 4 : i32
    %dma_wait3A_942 = arith.constant 1 : i32
    %dma_wait3A_943 = arith.constant 0 : i32
    %dma_wait3A_944 = arith.constant 0 : i32
    %dma_wait3A_945 = tpu.memref_slice %arg4[%dma_wait3A_941, %dma_wait3A_942, %dma_wait3A_943, %dma_wait3A_944] : memref<5x4x32x128xf32, #tpu.memory_space<vmem>> -> memref<1x1x32x128xf32, #tpu.memory_space<vmem>>
    %dma_wait3A_946 = tpu.memref_squeeze %dma_wait3A_945 : memref<1x1x32x128xf32, #tpu.memory_space<vmem>> -> memref<32x128xf32, #tpu.memory_space<vmem>>
    %dma_wait3A_947 = tpu.memref_slice %arg2[%multiple_of3A_404, %multiple_of3A_430] : memref<1024x32000xf32, #tpu.memory_space<hbm>> -> memref<32x128xf32, #tpu.memory_space<hbm>>
    %dma_wait3A_948 = arith.constant 0 : i32
    %dma_wait3A_949 = arith.constant 0 : i32
    %dma_wait3A_950 = tpu.memref_slice %arg4[%dma_wait3A_941, %dma_wait3A_942, %dma_wait3A_948, %dma_wait3A_949] : memref<5x4x32x128xf32, #tpu.memory_space<vmem>> -> memref<1x1x32x128xf32, #tpu.memory_space<vmem>>
    %dma_wait3A_951 = tpu.memref_squeeze %dma_wait3A_950 : memref<1x1x32x128xf32, #tpu.memory_space<vmem>> -> memref<32x128xf32, #tpu.memory_space<vmem>>
    %dma_wait3A_952 = tpu.memref_slice %arg2[%multiple_of3A_404, %multiple_of3A_430] : memref<1024x32000xf32, #tpu.memory_space<hbm>> -> memref<32x128xf32, #tpu.memory_space<hbm>>
    tpu.wait_dma2 semaphore(%arg6 : memref<!tpu.dma_semaphore, #tpu.memory_space<semaphore_mem>>) src(%dma_wait3A_952 : memref<32x128xf32, #tpu.memory_space<hbm>>) dst(%dma_wait3A_951 : memref<32x128xf32, #tpu.memory_space<vmem>>)
    %dma_wait3A_953 = arith.constant 4 : i32
    %dma_wait3A_954 = arith.constant 2 : i32
    %dma_wait3A_955 = arith.constant 0 : i32
    %dma_wait3A_956 = arith.constant 0 : i32
    %dma_wait3A_957 = tpu.memref_slice %arg4[%dma_wait3A_953, %dma_wait3A_954, %dma_wait3A_955, %dma_wait3A_956] : memref<5x4x32x128xf32, #tpu.memory_space<vmem>> -> memref<1x1x32x128xf32, #tpu.memory_space<vmem>>
    %dma_wait3A_958 = tpu.memref_squeeze %dma_wait3A_957 : memref<1x1x32x128xf32, #tpu.memory_space<vmem>> -> memref<32x128xf32, #tpu.memory_space<vmem>>
    %dma_wait3A_959 = tpu.memref_slice %arg2[%multiple_of3A_404, %multiple_of3A_449] : memref<1024x32000xf32, #tpu.memory_space<hbm>> -> memref<32x128xf32, #tpu.memory_space<hbm>>
    %dma_wait3A_960 = arith.constant 0 : i32
    %dma_wait3A_961 = arith.constant 0 : i32
    %dma_wait3A_962 = tpu.memref_slice %arg4[%dma_wait3A_953, %dma_wait3A_954, %dma_wait3A_960, %dma_wait3A_961] : memref<5x4x32x128xf32, #tpu.memory_space<vmem>> -> memref<1x1x32x128xf32, #tpu.memory_space<vmem>>
    %dma_wait3A_963 = tpu.memref_squeeze %dma_wait3A_962 : memref<1x1x32x128xf32, #tpu.memory_space<vmem>> -> memref<32x128xf32, #tpu.memory_space<vmem>>
    %dma_wait3A_964 = tpu.memref_slice %arg2[%multiple_of3A_404, %multiple_of3A_449] : memref<1024x32000xf32, #tpu.memory_space<hbm>> -> memref<32x128xf32, #tpu.memory_space<hbm>>
    tpu.wait_dma2 semaphore(%arg6 : memref<!tpu.dma_semaphore, #tpu.memory_space<semaphore_mem>>) src(%dma_wait3A_964 : memref<32x128xf32, #tpu.memory_space<hbm>>) dst(%dma_wait3A_963 : memref<32x128xf32, #tpu.memory_space<vmem>>)
    %dma_wait3A_965 = arith.constant 4 : i32
    %dma_wait3A_966 = arith.constant 3 : i32
    %dma_wait3A_967 = arith.constant 0 : i32
    %dma_wait3A_968 = arith.constant 0 : i32
    %dma_wait3A_969 = tpu.memref_slice %arg4[%dma_wait3A_965, %dma_wait3A_966, %dma_wait3A_967, %dma_wait3A_968] : memref<5x4x32x128xf32, #tpu.memory_space<vmem>> -> memref<1x1x32x128xf32, #tpu.memory_space<vmem>>
    %dma_wait3A_970 = tpu.memref_squeeze %dma_wait3A_969 : memref<1x1x32x128xf32, #tpu.memory_space<vmem>> -> memref<32x128xf32, #tpu.memory_space<vmem>>
    %dma_wait3A_971 = tpu.memref_slice %arg2[%multiple_of3A_404, %multiple_of3A_468] : memref<1024x32000xf32, #tpu.memory_space<hbm>> -> memref<32x128xf32, #tpu.memory_space<hbm>>
    %dma_wait3A_972 = arith.constant 0 : i32
    %dma_wait3A_973 = arith.constant 0 : i32
    %dma_wait3A_974 = tpu.memref_slice %arg4[%dma_wait3A_965, %dma_wait3A_966, %dma_wait3A_972, %dma_wait3A_973] : memref<5x4x32x128xf32, #tpu.memory_space<vmem>> -> memref<1x1x32x128xf32, #tpu.memory_space<vmem>>
    %dma_wait3A_975 = tpu.memref_squeeze %dma_wait3A_974 : memref<1x1x32x128xf32, #tpu.memory_space<vmem>> -> memref<32x128xf32, #tpu.memory_space<vmem>>
    %dma_wait3A_976 = tpu.memref_slice %arg2[%multiple_of3A_404, %multiple_of3A_468] : memref<1024x32000xf32, #tpu.memory_space<hbm>> -> memref<32x128xf32, #tpu.memory_space<hbm>>
    tpu.wait_dma2 semaphore(%arg6 : memref<!tpu.dma_semaphore, #tpu.memory_space<semaphore_mem>>) src(%dma_wait3A_976 : memref<32x128xf32, #tpu.memory_space<hbm>>) dst(%dma_wait3A_975 : memref<32x128xf32, #tpu.memory_space<vmem>>)
    %parallel_loop3A_977 = arith.constant 0 : i32
    %parallel_loop3A_978 = arith.constant 32 : i32
    %parallel_loop3A_979 = arith.constant 1 : i32
    scf.for %parallel_loop3A_1277 = %parallel_loop3A_977 to %parallel_loop3A_978 step %parallel_loop3A_979  : i32 {
      %parallel_loop3A_1278 = arith.constant 4 : i32
      %parallel_loop3A_1279 = arith.constant 0 : i32
      %parallel_loop3A_1280 = arith.index_cast %parallel_loop3A_1278 : i32 to index
      %parallel_loop3A_1281 = arith.index_cast %parallel_loop3A_1279 : i32 to index
      %parallel_loop3A_1282 = arith.index_cast %parallel_loop3A_1277 : i32 to index
      %parallel_loop3A_1283 = arith.constant 0 : index
      %parallel_loop3A_1284 = tpu.vector_load %arg4[%parallel_loop3A_1280, %parallel_loop3A_1281, %parallel_loop3A_1282, %parallel_loop3A_1283] {strides = array<i32>} : memref<5x4x32x128xf32, #tpu.memory_space<vmem>>, vector<1x1x1x16xf32>,
      %parallel_loop3A_1285 = vector.shape_cast %parallel_loop3A_1284 : vector<1x1x1x16xf32> to vector<16xf32>
      %parallel_loop3A_1286 = arith.constant 4 : i32
      %parallel_loop3A_1287 = arith.constant 0 : i32
      %parallel_loop3A_1288 = arith.index_cast %parallel_loop3A_1286 : i32 to index
      %parallel_loop3A_1289 = arith.index_cast %parallel_loop3A_1287 : i32 to index
      %parallel_loop3A_1290 = arith.index_cast %parallel_loop3A_1277 : i32 to index
      %parallel_loop3A_1291 = arith.constant 16 : index
      %parallel_loop3A_1292 = tpu.vector_load %arg4[%parallel_loop3A_1288, %parallel_loop3A_1289, %parallel_loop3A_1290, %parallel_loop3A_1291] {strides = array<i32>} : memref<5x4x32x128xf32, #tpu.memory_space<vmem>>, vector<1x1x1x16xf32>,
      %parallel_loop3A_1293 = vector.shape_cast %parallel_loop3A_1292 : vector<1x1x1x16xf32> to vector<16xf32>
      %parallel_loop3A_1294 = arith.mulf %parallel_loop3A_1285, %broadcast_in_dim3A : vector<16xf32>
      %parallel_loop3A_1295 = arith.mulf %parallel_loop3A_1293, %broadcast_in_dim3A : vector<16xf32>
      %parallel_loop3A_1296 = arith.constant 4 : i32
      %parallel_loop3A_1297 = arith.index_cast %parallel_loop3A_1296 : i32 to index
      %parallel_loop3A_1298 = arith.index_cast %parallel_loop3A_1277 : i32 to index
      %parallel_loop3A_1299 = arith.constant 0 : index
      %parallel_loop3A_1300 = tpu.vector_load %arg5[%parallel_loop3A_1297, %parallel_loop3A_1298, %parallel_loop3A_1299] {strides = array<i32>} : memref<5x32x128xf32, #tpu.memory_space<vmem>>, vector<1x1x16xf32>,
      %parallel_loop3A_1301 = vector.shape_cast %parallel_loop3A_1300 : vector<1x1x16xf32> to vector<16xf32>
      %parallel_loop3A_1302 = vector.shape_cast %parallel_loop3A_1294 : vector<16xf32> to vector<1x1x16xf32>
      tpu.vector_store %arg5[%parallel_loop3A_1297, %parallel_loop3A_1298, %parallel_loop3A_1299], %parallel_loop3A_1302 {strides = array<i32>} : memref<5x32x128xf32, #tpu.memory_space<vmem>>, vector<1x1x16xf32>,
      %parallel_loop3A_1303 = arith.constant 4 : i32
      %parallel_loop3A_1304 = arith.index_cast %parallel_loop3A_1303 : i32 to index
      %parallel_loop3A_1305 = arith.index_cast %parallel_loop3A_1277 : i32 to index
      %parallel_loop3A_1306 = arith.constant 16 : index
      %parallel_loop3A_1307 = tpu.vector_load %arg5[%parallel_loop3A_1304, %parallel_loop3A_1305, %parallel_loop3A_1306] {strides = array<i32>} : memref<5x32x128xf32, #tpu.memory_space<vmem>>, vector<1x1x16xf32>,
      %parallel_loop3A_1308 = vector.shape_cast %parallel_loop3A_1307 : vector<1x1x16xf32> to vector<16xf32>
      %parallel_loop3A_1309 = vector.shape_cast %parallel_loop3A_1295 : vector<16xf32> to vector<1x1x16xf32>
      tpu.vector_store %arg5[%parallel_loop3A_1304, %parallel_loop3A_1305, %parallel_loop3A_1306], %parallel_loop3A_1309 {strides = array<i32>} : memref<5x32x128xf32, #tpu.memory_space<vmem>>, vector<1x1x16xf32>,
      %parallel_loop3A_1310 = arith.constant 4 : i32
      %parallel_loop3A_1311 = arith.constant 1 : i32
      %parallel_loop3A_1312 = arith.index_cast %parallel_loop3A_1310 : i32 to index
      %parallel_loop3A_1313 = arith.index_cast %parallel_loop3A_1311 : i32 to index
      %parallel_loop3A_1314 = arith.index_cast %parallel_loop3A_1277 : i32 to index
      %parallel_loop3A_1315 = arith.constant 96 : index
      %parallel_loop3A_1316 = tpu.vector_load %arg4[%parallel_loop3A_1312, %parallel_loop3A_1313, %parallel_loop3A_1314, %parallel_loop3A_1315] {strides = array<i32>} : memref<5x4x32x128xf32, #tpu.memory_space<vmem>>, vector<1x1x1x16xf32>,
      %parallel_loop3A_1317 = vector.shape_cast %parallel_loop3A_1316 : vector<1x1x1x16xf32> to vector<16xf32>
      %parallel_loop3A_1318 = arith.constant 4 : i32
      %parallel_loop3A_1319 = arith.constant 1 : i32
      %parallel_loop3A_1320 = arith.index_cast %parallel_loop3A_1318 : i32 to index
      %parallel_loop3A_1321 = arith.index_cast %parallel_loop3A_1319 : i32 to index
      %parallel_loop3A_1322 = arith.index_cast %parallel_loop3A_1277 : i32 to index
      %parallel_loop3A_1323 = arith.constant 112 : index
      %parallel_loop3A_1324 = tpu.vector_load %arg4[%parallel_loop3A_1320, %parallel_loop3A_1321, %parallel_loop3A_1322, %parallel_loop3A_1323] {strides = array<i32>} : memref<5x4x32x128xf32, #tpu.memory_space<vmem>>, vector<1x1x1x16xf32>,
      %parallel_loop3A_1325 = vector.shape_cast %parallel_loop3A_1324 : vector<1x1x1x16xf32> to vector<16xf32>
      %parallel_loop3A_1326 = arith.constant 4 : i32
      %parallel_loop3A_1327 = arith.index_cast %parallel_loop3A_1326 : i32 to index
      %parallel_loop3A_1328 = arith.index_cast %parallel_loop3A_1277 : i32 to index
      %parallel_loop3A_1329 = arith.constant 32 : index
      %parallel_loop3A_1330 = tpu.vector_load %arg5[%parallel_loop3A_1327, %parallel_loop3A_1328, %parallel_loop3A_1329] {strides = array<i32>} : memref<5x32x128xf32, #tpu.memory_space<vmem>>, vector<1x1x16xf32>,
      %parallel_loop3A_1331 = vector.shape_cast %parallel_loop3A_1330 : vector<1x1x16xf32> to vector<16xf32>
      %parallel_loop3A_1332 = vector.shape_cast %parallel_loop3A_1317 : vector<16xf32> to vector<1x1x16xf32>
      tpu.vector_store %arg5[%parallel_loop3A_1327, %parallel_loop3A_1328, %parallel_loop3A_1329], %parallel_loop3A_1332 {strides = array<i32>} : memref<5x32x128xf32, #tpu.memory_space<vmem>>, vector<1x1x16xf32>,
      %parallel_loop3A_1333 = arith.constant 4 : i32
      %parallel_loop3A_1334 = arith.index_cast %parallel_loop3A_1333 : i32 to index
      %parallel_loop3A_1335 = arith.index_cast %parallel_loop3A_1277 : i32 to index
      %parallel_loop3A_1336 = arith.constant 48 : index
      %parallel_loop3A_1337 = tpu.vector_load %arg5[%parallel_loop3A_1334, %parallel_loop3A_1335, %parallel_loop3A_1336] {strides = array<i32>} : memref<5x32x128xf32, #tpu.memory_space<vmem>>, vector<1x1x16xf32>,
      %parallel_loop3A_1338 = vector.shape_cast %parallel_loop3A_1337 : vector<1x1x16xf32> to vector<16xf32>
      %parallel_loop3A_1339 = vector.shape_cast %parallel_loop3A_1325 : vector<16xf32> to vector<1x1x16xf32>
      tpu.vector_store %arg5[%parallel_loop3A_1334, %parallel_loop3A_1335, %parallel_loop3A_1336], %parallel_loop3A_1339 {strides = array<i32>} : memref<5x32x128xf32, #tpu.memory_space<vmem>>, vector<1x1x16xf32>,
      %parallel_loop3A_1340 = arith.constant 4 : i32
      %parallel_loop3A_1341 = arith.constant 2 : i32
      %parallel_loop3A_1342 = arith.index_cast %parallel_loop3A_1340 : i32 to index
      %parallel_loop3A_1343 = arith.index_cast %parallel_loop3A_1341 : i32 to index
      %parallel_loop3A_1344 = arith.index_cast %parallel_loop3A_1277 : i32 to index
      %parallel_loop3A_1345 = arith.constant 64 : index
      %parallel_loop3A_1346 = tpu.vector_load %arg4[%parallel_loop3A_1342, %parallel_loop3A_1343, %parallel_loop3A_1344, %parallel_loop3A_1345] {strides = array<i32>} : memref<5x4x32x128xf32, #tpu.memory_space<vmem>>, vector<1x1x1x16xf32>,
      %parallel_loop3A_1347 = vector.shape_cast %parallel_loop3A_1346 : vector<1x1x1x16xf32> to vector<16xf32>
      %parallel_loop3A_1348 = arith.constant 4 : i32
      %parallel_loop3A_1349 = arith.constant 2 : i32
      %parallel_loop3A_1350 = arith.index_cast %parallel_loop3A_1348 : i32 to index
      %parallel_loop3A_1351 = arith.index_cast %parallel_loop3A_1349 : i32 to index
      %parallel_loop3A_1352 = arith.index_cast %parallel_loop3A_1277 : i32 to index
      %parallel_loop3A_1353 = arith.constant 80 : index
      %parallel_loop3A_1354 = tpu.vector_load %arg4[%parallel_loop3A_1350, %parallel_loop3A_1351, %parallel_loop3A_1352, %parallel_loop3A_1353] {strides = array<i32>} : memref<5x4x32x128xf32, #tpu.memory_space<vmem>>, vector<1x1x1x16xf32>,
      %parallel_loop3A_1355 = vector.shape_cast %parallel_loop3A_1354 : vector<1x1x1x16xf32> to vector<16xf32>
      %parallel_loop3A_1356 = arith.constant 4 : i32
      %parallel_loop3A_1357 = arith.index_cast %parallel_loop3A_1356 : i32 to index
      %parallel_loop3A_1358 = arith.index_cast %parallel_loop3A_1277 : i32 to index
      %parallel_loop3A_1359 = arith.constant 64 : index
      %parallel_loop3A_1360 = tpu.vector_load %arg5[%parallel_loop3A_1357, %parallel_loop3A_1358, %parallel_loop3A_1359] {strides = array<i32>} : memref<5x32x128xf32, #tpu.memory_space<vmem>>, vector<1x1x16xf32>,
      %parallel_loop3A_1361 = vector.shape_cast %parallel_loop3A_1360 : vector<1x1x16xf32> to vector<16xf32>
      %parallel_loop3A_1362 = vector.shape_cast %parallel_loop3A_1347 : vector<16xf32> to vector<1x1x16xf32>
      tpu.vector_store %arg5[%parallel_loop3A_1357, %parallel_loop3A_1358, %parallel_loop3A_1359], %parallel_loop3A_1362 {strides = array<i32>} : memref<5x32x128xf32, #tpu.memory_space<vmem>>, vector<1x1x16xf32>,
      %parallel_loop3A_1363 = arith.constant 4 : i32
      %parallel_loop3A_1364 = arith.index_cast %parallel_loop3A_1363 : i32 to index
      %parallel_loop3A_1365 = arith.index_cast %parallel_loop3A_1277 : i32 to index
      %parallel_loop3A_1366 = arith.constant 80 : index
      %parallel_loop3A_1367 = tpu.vector_load %arg5[%parallel_loop3A_1364, %parallel_loop3A_1365, %parallel_loop3A_1366] {strides = array<i32>} : memref<5x32x128xf32, #tpu.memory_space<vmem>>, vector<1x1x16xf32>,
      %parallel_loop3A_1368 = vector.shape_cast %parallel_loop3A_1367 : vector<1x1x16xf32> to vector<16xf32>
      %parallel_loop3A_1369 = vector.shape_cast %parallel_loop3A_1355 : vector<16xf32> to vector<1x1x16xf32>
      tpu.vector_store %arg5[%parallel_loop3A_1364, %parallel_loop3A_1365, %parallel_loop3A_1366], %parallel_loop3A_1369 {strides = array<i32>} : memref<5x32x128xf32, #tpu.memory_space<vmem>>, vector<1x1x16xf32>,
      %parallel_loop3A_1370 = arith.constant 4 : i32
      %parallel_loop3A_1371 = arith.constant 3 : i32
      %parallel_loop3A_1372 = arith.index_cast %parallel_loop3A_1370 : i32 to index
      %parallel_loop3A_1373 = arith.index_cast %parallel_loop3A_1371 : i32 to index
      %parallel_loop3A_1374 = arith.index_cast %parallel_loop3A_1277 : i32 to index
      %parallel_loop3A_1375 = arith.constant 32 : index
      %parallel_loop3A_1376 = tpu.vector_load %arg4[%parallel_loop3A_1372, %parallel_loop3A_1373, %parallel_loop3A_1374, %parallel_loop3A_1375] {strides = array<i32>} : memref<5x4x32x128xf32, #tpu.memory_space<vmem>>, vector<1x1x1x16xf32>,
      %parallel_loop3A_1377 = vector.shape_cast %parallel_loop3A_1376 : vector<1x1x1x16xf32> to vector<16xf32>
      %parallel_loop3A_1378 = arith.constant 4 : i32
      %parallel_loop3A_1379 = arith.constant 3 : i32
      %parallel_loop3A_1380 = arith.index_cast %parallel_loop3A_1378 : i32 to index
      %parallel_loop3A_1381 = arith.index_cast %parallel_loop3A_1379 : i32 to index
      %parallel_loop3A_1382 = arith.index_cast %parallel_loop3A_1277 : i32 to index
      %parallel_loop3A_1383 = arith.constant 48 : index
      %parallel_loop3A_1384 = tpu.vector_load %arg4[%parallel_loop3A_1380, %parallel_loop3A_1381, %parallel_loop3A_1382, %parallel_loop3A_1383] {strides = array<i32>} : memref<5x4x32x128xf32, #tpu.memory_space<vmem>>, vector<1x1x1x16xf32>,
      %parallel_loop3A_1385 = vector.shape_cast %parallel_loop3A_1384 : vector<1x1x1x16xf32> to vector<16xf32>
      %parallel_loop3A_1386 = arith.constant 4 : i32
      %parallel_loop3A_1387 = arith.index_cast %parallel_loop3A_1386 : i32 to index
      %parallel_loop3A_1388 = arith.index_cast %parallel_loop3A_1277 : i32 to index
      %parallel_loop3A_1389 = arith.constant 96 : index
      %parallel_loop3A_1390 = tpu.vector_load %arg5[%parallel_loop3A_1387, %parallel_loop3A_1388, %parallel_loop3A_1389] {strides = array<i32>} : memref<5x32x128xf32, #tpu.memory_space<vmem>>, vector<1x1x16xf32>,
      %parallel_loop3A_1391 = vector.shape_cast %parallel_loop3A_1390 : vector<1x1x16xf32> to vector<16xf32>
      %parallel_loop3A_1392 = vector.shape_cast %parallel_loop3A_1377 : vector<16xf32> to vector<1x1x16xf32>
      tpu.vector_store %arg5[%parallel_loop3A_1387, %parallel_loop3A_1388, %parallel_loop3A_1389], %parallel_loop3A_1392 {strides = array<i32>} : memref<5x32x128xf32, #tpu.memory_space<vmem>>, vector<1x1x16xf32>,
      %parallel_loop3A_1393 = arith.constant 4 : i32
      %parallel_loop3A_1394 = arith.index_cast %parallel_loop3A_1393 : i32 to index
      %parallel_loop3A_1395 = arith.index_cast %parallel_loop3A_1277 : i32 to index
      %parallel_loop3A_1396 = arith.constant 112 : index
      %parallel_loop3A_1397 = tpu.vector_load %arg5[%parallel_loop3A_1394, %parallel_loop3A_1395, %parallel_loop3A_1396] {strides = array<i32>} : memref<5x32x128xf32, #tpu.memory_space<vmem>>, vector<1x1x16xf32>,
      %parallel_loop3A_1398 = vector.shape_cast %parallel_loop3A_1397 : vector<1x1x16xf32> to vector<16xf32>
      %parallel_loop3A_1399 = vector.shape_cast %parallel_loop3A_1385 : vector<16xf32> to vector<1x1x16xf32>
      tpu.vector_store %arg5[%parallel_loop3A_1394, %parallel_loop3A_1395, %parallel_loop3A_1396], %parallel_loop3A_1399 {strides = array<i32>} : memref<5x32x128xf32, #tpu.memory_space<vmem>>, vector<1x1x16xf32>,
    } {sc.loop_unroll_factor = 4 : i64, sc.parallel_access}
    %add3A_980 = arith.constant 128 : i32
    %add3A_981 = arith.addi %mul3A_32, %add3A_980 : i32
    %multiple_of3A_982 = tpu.assume_multiple %add3A_981, 32 : i32
    %dma_start3A_983 = arith.constant 4 : i32
    %dma_start3A_984 = arith.constant 0 : i32
    %dma_start3A_985 = arith.constant 0 : i32
    %dma_start3A_986 = tpu.memref_slice %arg5[%dma_start3A_983, %dma_start3A_984, %dma_start3A_985] : memref<5x32x128xf32, #tpu.memory_space<vmem>> -> memref<1x32x128xf32, #tpu.memory_space<vmem>>
    %dma_start3A_987 = tpu.memref_squeeze %dma_start3A_986 : memref<1x32x128xf32, #tpu.memory_space<vmem>> -> memref<32x128xf32, #tpu.memory_space<vmem>>
    %dma_start3A_988 = tpu.memref_slice %arg3[%multiple_of3A_982, %multiple_of3A] : memref<1024x1024xf32, #tpu.memory_space<hbm>> -> memref<32x128xf32, #tpu.memory_space<hbm>>
    %dma_start3A_989 = tpu.memref_slice %arg3[%multiple_of3A_982, %multiple_of3A] : memref<1024x1024xf32, #tpu.memory_space<hbm>> -> memref<32x128xf32, #tpu.memory_space<hbm>>
    %dma_start3A_990 = arith.constant 0 : i32
    %dma_start3A_991 = arith.constant 0 : i32
    %dma_start3A_992 = tpu.memref_slice %arg5[%dma_start3A_983, %dma_start3A_990, %dma_start3A_991] : memref<5x32x128xf32, #tpu.memory_space<vmem>> -> memref<1x32x128xf32, #tpu.memory_space<vmem>>
    %dma_start3A_993 = tpu.memref_squeeze %dma_start3A_992 : memref<1x32x128xf32, #tpu.memory_space<vmem>> -> memref<32x128xf32, #tpu.memory_space<vmem>>
    tpu.enqueue_dma source(%dma_start3A_993 : memref<32x128xf32, #tpu.memory_space<vmem>>) target(%dma_start3A_989 : memref<32x128xf32, #tpu.memory_space<hbm>>) target_semaphore(%arg7 : memref<!tpu.dma_semaphore, #tpu.memory_space<semaphore_mem>>)
    %dma_wait3A_994 = arith.constant 0 : i32
    %dma_wait3A_995 = arith.constant 0 : i32
    %dma_wait3A_996 = arith.constant 0 : i32
    %dma_wait3A_997 = arith.constant 0 : i32
    %dma_wait3A_998 = tpu.memref_slice %arg4[%dma_wait3A_994, %dma_wait3A_995, %dma_wait3A_996, %dma_wait3A_997] : memref<5x4x32x128xf32, #tpu.memory_space<vmem>> -> memref<1x1x32x128xf32, #tpu.memory_space<vmem>>
    %dma_wait3A_999 = tpu.memref_squeeze %dma_wait3A_998 : memref<1x1x32x128xf32, #tpu.memory_space<vmem>> -> memref<32x128xf32, #tpu.memory_space<vmem>>
    %dma_wait3A_1000 = tpu.memref_slice %arg2[%multiple_of3A_547, %multiple_of3A_554] : memref<1024x32000xf32, #tpu.memory_space<hbm>> -> memref<32x128xf32, #tpu.memory_space<hbm>>
    %dma_wait3A_1001 = arith.constant 0 : i32
    %dma_wait3A_1002 = arith.constant 0 : i32
    %dma_wait3A_1003 = tpu.memref_slice %arg4[%dma_wait3A_994, %dma_wait3A_995, %dma_wait3A_1001, %dma_wait3A_1002] : memref<5x4x32x128xf32, #tpu.memory_space<vmem>> -> memref<1x1x32x128xf32, #tpu.memory_space<vmem>>
    %dma_wait3A_1004 = tpu.memref_squeeze %dma_wait3A_1003 : memref<1x1x32x128xf32, #tpu.memory_space<vmem>> -> memref<32x128xf32, #tpu.memory_space<vmem>>
    %dma_wait3A_1005 = tpu.memref_slice %arg2[%multiple_of3A_547, %multiple_of3A_554] : memref<1024x32000xf32, #tpu.memory_space<hbm>> -> memref<32x128xf32, #tpu.memory_space<hbm>>
    tpu.wait_dma2 semaphore(%arg6 : memref<!tpu.dma_semaphore, #tpu.memory_space<semaphore_mem>>) src(%dma_wait3A_1005 : memref<32x128xf32, #tpu.memory_space<hbm>>) dst(%dma_wait3A_1004 : memref<32x128xf32, #tpu.memory_space<vmem>>)
    %dma_wait3A_1006 = arith.constant 0 : i32
    %dma_wait3A_1007 = arith.constant 1 : i32
    %dma_wait3A_1008 = arith.constant 0 : i32
    %dma_wait3A_1009 = arith.constant 0 : i32
    %dma_wait3A_1010 = tpu.memref_slice %arg4[%dma_wait3A_1006, %dma_wait3A_1007, %dma_wait3A_1008, %dma_wait3A_1009] : memref<5x4x32x128xf32, #tpu.memory_space<vmem>> -> memref<1x1x32x128xf32, #tpu.memory_space<vmem>>
    %dma_wait3A_1011 = tpu.memref_squeeze %dma_wait3A_1010 : memref<1x1x32x128xf32, #tpu.memory_space<vmem>> -> memref<32x128xf32, #tpu.memory_space<vmem>>
    %dma_wait3A_1012 = tpu.memref_slice %arg2[%multiple_of3A_547, %multiple_of3A_573] : memref<1024x32000xf32, #tpu.memory_space<hbm>> -> memref<32x128xf32, #tpu.memory_space<hbm>>
    %dma_wait3A_1013 = arith.constant 0 : i32
    %dma_wait3A_1014 = arith.constant 0 : i32
    %dma_wait3A_1015 = tpu.memref_slice %arg4[%dma_wait3A_1006, %dma_wait3A_1007, %dma_wait3A_1013, %dma_wait3A_1014] : memref<5x4x32x128xf32, #tpu.memory_space<vmem>> -> memref<1x1x32x128xf32, #tpu.memory_space<vmem>>
    %dma_wait3A_1016 = tpu.memref_squeeze %dma_wait3A_1015 : memref<1x1x32x128xf32, #tpu.memory_space<vmem>> -> memref<32x128xf32, #tpu.memory_space<vmem>>
    %dma_wait3A_1017 = tpu.memref_slice %arg2[%multiple_of3A_547, %multiple_of3A_573] : memref<1024x32000xf32, #tpu.memory_space<hbm>> -> memref<32x128xf32, #tpu.memory_space<hbm>>
    tpu.wait_dma2 semaphore(%arg6 : memref<!tpu.dma_semaphore, #tpu.memory_space<semaphore_mem>>) src(%dma_wait3A_1017 : memref<32x128xf32, #tpu.memory_space<hbm>>) dst(%dma_wait3A_1016 : memref<32x128xf32, #tpu.memory_space<vmem>>)
    %dma_wait3A_1018 = arith.constant 0 : i32
    %dma_wait3A_1019 = arith.constant 2 : i32
    %dma_wait3A_1020 = arith.constant 0 : i32
    %dma_wait3A_1021 = arith.constant 0 : i32
    %dma_wait3A_1022 = tpu.memref_slice %arg4[%dma_wait3A_1018, %dma_wait3A_1019, %dma_wait3A_1020, %dma_wait3A_1021] : memref<5x4x32x128xf32, #tpu.memory_space<vmem>> -> memref<1x1x32x128xf32, #tpu.memory_space<vmem>>
    %dma_wait3A_1023 = tpu.memref_squeeze %dma_wait3A_1022 : memref<1x1x32x128xf32, #tpu.memory_space<vmem>> -> memref<32x128xf32, #tpu.memory_space<vmem>>
    %dma_wait3A_1024 = tpu.memref_slice %arg2[%multiple_of3A_547, %multiple_of3A_592] : memref<1024x32000xf32, #tpu.memory_space<hbm>> -> memref<32x128xf32, #tpu.memory_space<hbm>>
    %dma_wait3A_1025 = arith.constant 0 : i32
    %dma_wait3A_1026 = arith.constant 0 : i32
    %dma_wait3A_1027 = tpu.memref_slice %arg4[%dma_wait3A_1018, %dma_wait3A_1019, %dma_wait3A_1025, %dma_wait3A_1026] : memref<5x4x32x128xf32, #tpu.memory_space<vmem>> -> memref<1x1x32x128xf32, #tpu.memory_space<vmem>>
    %dma_wait3A_1028 = tpu.memref_squeeze %dma_wait3A_1027 : memref<1x1x32x128xf32, #tpu.memory_space<vmem>> -> memref<32x128xf32, #tpu.memory_space<vmem>>
    %dma_wait3A_1029 = tpu.memref_slice %arg2[%multiple_of3A_547, %multiple_of3A_592] : memref<1024x32000xf32, #tpu.memory_space<hbm>> -> memref<32x128xf32, #tpu.memory_space<hbm>>
    tpu.wait_dma2 semaphore(%arg6 : memref<!tpu.dma_semaphore, #tpu.memory_space<semaphore_mem>>) src(%dma_wait3A_1029 : memref<32x128xf32, #tpu.memory_space<hbm>>) dst(%dma_wait3A_1028 : memref<32x128xf32, #tpu.memory_space<vmem>>)
    %dma_wait3A_1030 = arith.constant 0 : i32
    %dma_wait3A_1031 = arith.constant 3 : i32
    %dma_wait3A_1032 = arith.constant 0 : i32
    %dma_wait3A_1033 = arith.constant 0 : i32
    %dma_wait3A_1034 = tpu.memref_slice %arg4[%dma_wait3A_1030, %dma_wait3A_1031, %dma_wait3A_1032, %dma_wait3A_1033] : memref<5x4x32x128xf32, #tpu.memory_space<vmem>> -> memref<1x1x32x128xf32, #tpu.memory_space<vmem>>
    %dma_wait3A_1035 = tpu.memref_squeeze %dma_wait3A_1034 : memref<1x1x32x128xf32, #tpu.memory_space<vmem>> -> memref<32x128xf32, #tpu.memory_space<vmem>>
    %dma_wait3A_1036 = tpu.memref_slice %arg2[%multiple_of3A_547, %multiple_of3A_611] : memref<1024x32000xf32, #tpu.memory_space<hbm>> -> memref<32x128xf32, #tpu.memory_space<hbm>>
    %dma_wait3A_1037 = arith.constant 0 : i32
    %dma_wait3A_1038 = arith.constant 0 : i32
    %dma_wait3A_1039 = tpu.memref_slice %arg4[%dma_wait3A_1030, %dma_wait3A_1031, %dma_wait3A_1037, %dma_wait3A_1038] : memref<5x4x32x128xf32, #tpu.memory_space<vmem>> -> memref<1x1x32x128xf32, #tpu.memory_space<vmem>>
    %dma_wait3A_1040 = tpu.memref_squeeze %dma_wait3A_1039 : memref<1x1x32x128xf32, #tpu.memory_space<vmem>> -> memref<32x128xf32, #tpu.memory_space<vmem>>
    %dma_wait3A_1041 = tpu.memref_slice %arg2[%multiple_of3A_547, %multiple_of3A_611] : memref<1024x32000xf32, #tpu.memory_space<hbm>> -> memref<32x128xf32, #tpu.memory_space<hbm>>
    tpu.wait_dma2 semaphore(%arg6 : memref<!tpu.dma_semaphore, #tpu.memory_space<semaphore_mem>>) src(%dma_wait3A_1041 : memref<32x128xf32, #tpu.memory_space<hbm>>) dst(%dma_wait3A_1040 : memref<32x128xf32, #tpu.memory_space<vmem>>)
    %dma_wait3A_1042 = arith.constant 0 : i32
    %dma_wait3A_1043 = arith.constant 0 : i32
    %dma_wait3A_1044 = arith.constant 0 : i32
    %dma_wait3A_1045 = tpu.memref_slice %arg5[%dma_wait3A_1042, %dma_wait3A_1043, %dma_wait3A_1044] : memref<5x32x128xf32, #tpu.memory_space<vmem>> -> memref<1x32x128xf32, #tpu.memory_space<vmem>>
    %dma_wait3A_1046 = tpu.memref_squeeze %dma_wait3A_1045 : memref<1x32x128xf32, #tpu.memory_space<vmem>> -> memref<32x128xf32, #tpu.memory_space<vmem>>
    %dma_wait3A_1047 = tpu.memref_slice %arg3[%multiple_of3A_485, %multiple_of3A] : memref<1024x1024xf32, #tpu.memory_space<hbm>> -> memref<32x128xf32, #tpu.memory_space<hbm>>
    %dma_wait3A_1048 = tpu.memref_slice %arg3[%multiple_of3A_485, %multiple_of3A] : memref<1024x1024xf32, #tpu.memory_space<hbm>> -> memref<32x128xf32, #tpu.memory_space<hbm>>
    %dma_wait3A_1049 = arith.constant 0 : i32
    %dma_wait3A_1050 = arith.constant 0 : i32
    %dma_wait3A_1051 = tpu.memref_slice %arg5[%dma_wait3A_1042, %dma_wait3A_1049, %dma_wait3A_1050] : memref<5x32x128xf32, #tpu.memory_space<vmem>> -> memref<1x32x128xf32, #tpu.memory_space<vmem>>
    %dma_wait3A_1052 = tpu.memref_squeeze %dma_wait3A_1051 : memref<1x32x128xf32, #tpu.memory_space<vmem>> -> memref<32x128xf32, #tpu.memory_space<vmem>>
    tpu.wait_dma2 semaphore(%arg7 : memref<!tpu.dma_semaphore, #tpu.memory_space<semaphore_mem>>) src(%dma_wait3A_1052 : memref<32x128xf32, #tpu.memory_space<vmem>>) dst(%dma_wait3A_1048 : memref<32x128xf32, #tpu.memory_space<hbm>>)
    %parallel_loop3A_1053 = arith.constant 0 : i32
    %parallel_loop3A_1054 = arith.constant 32 : i32
    %parallel_loop3A_1055 = arith.constant 1 : i32
    scf.for %parallel_loop3A_1277 = %parallel_loop3A_1053 to %parallel_loop3A_1054 step %parallel_loop3A_1055  : i32 {
      %parallel_loop3A_1278 = arith.constant 0 : i32
      %parallel_loop3A_1279 = arith.constant 0 : i32
      %parallel_loop3A_1280 = arith.index_cast %parallel_loop3A_1278 : i32 to index
      %parallel_loop3A_1281 = arith.index_cast %parallel_loop3A_1279 : i32 to index
      %parallel_loop3A_1282 = arith.index_cast %parallel_loop3A_1277 : i32 to index
      %parallel_loop3A_1283 = arith.constant 0 : index
      %parallel_loop3A_1284 = tpu.vector_load %arg4[%parallel_loop3A_1280, %parallel_loop3A_1281, %parallel_loop3A_1282, %parallel_loop3A_1283] {strides = array<i32>} : memref<5x4x32x128xf32, #tpu.memory_space<vmem>>, vector<1x1x1x16xf32>,
      %parallel_loop3A_1285 = vector.shape_cast %parallel_loop3A_1284 : vector<1x1x1x16xf32> to vector<16xf32>
      %parallel_loop3A_1286 = arith.constant 0 : i32
      %parallel_loop3A_1287 = arith.constant 0 : i32
      %parallel_loop3A_1288 = arith.index_cast %parallel_loop3A_1286 : i32 to index
      %parallel_loop3A_1289 = arith.index_cast %parallel_loop3A_1287 : i32 to index
      %parallel_loop3A_1290 = arith.index_cast %parallel_loop3A_1277 : i32 to index
      %parallel_loop3A_1291 = arith.constant 16 : index
      %parallel_loop3A_1292 = tpu.vector_load %arg4[%parallel_loop3A_1288, %parallel_loop3A_1289, %parallel_loop3A_1290, %parallel_loop3A_1291] {strides = array<i32>} : memref<5x4x32x128xf32, #tpu.memory_space<vmem>>, vector<1x1x1x16xf32>,
      %parallel_loop3A_1293 = vector.shape_cast %parallel_loop3A_1292 : vector<1x1x1x16xf32> to vector<16xf32>
      %parallel_loop3A_1294 = arith.mulf %parallel_loop3A_1285, %broadcast_in_dim3A : vector<16xf32>
      %parallel_loop3A_1295 = arith.mulf %parallel_loop3A_1293, %broadcast_in_dim3A : vector<16xf32>
      %parallel_loop3A_1296 = arith.constant 0 : i32
      %parallel_loop3A_1297 = arith.index_cast %parallel_loop3A_1296 : i32 to index
      %parallel_loop3A_1298 = arith.index_cast %parallel_loop3A_1277 : i32 to index
      %parallel_loop3A_1299 = arith.constant 0 : index
      %parallel_loop3A_1300 = tpu.vector_load %arg5[%parallel_loop3A_1297, %parallel_loop3A_1298, %parallel_loop3A_1299] {strides = array<i32>} : memref<5x32x128xf32, #tpu.memory_space<vmem>>, vector<1x1x16xf32>,
      %parallel_loop3A_1301 = vector.shape_cast %parallel_loop3A_1300 : vector<1x1x16xf32> to vector<16xf32>
      %parallel_loop3A_1302 = vector.shape_cast %parallel_loop3A_1294 : vector<16xf32> to vector<1x1x16xf32>
      tpu.vector_store %arg5[%parallel_loop3A_1297, %parallel_loop3A_1298, %parallel_loop3A_1299], %parallel_loop3A_1302 {strides = array<i32>} : memref<5x32x128xf32, #tpu.memory_space<vmem>>, vector<1x1x16xf32>,
      %parallel_loop3A_1303 = arith.constant 0 : i32
      %parallel_loop3A_1304 = arith.index_cast %parallel_loop3A_1303 : i32 to index
      %parallel_loop3A_1305 = arith.index_cast %parallel_loop3A_1277 : i32 to index
      %parallel_loop3A_1306 = arith.constant 16 : index
      %parallel_loop3A_1307 = tpu.vector_load %arg5[%parallel_loop3A_1304, %parallel_loop3A_1305, %parallel_loop3A_1306] {strides = array<i32>} : memref<5x32x128xf32, #tpu.memory_space<vmem>>, vector<1x1x16xf32>,
      %parallel_loop3A_1308 = vector.shape_cast %parallel_loop3A_1307 : vector<1x1x16xf32> to vector<16xf32>
      %parallel_loop3A_1309 = vector.shape_cast %parallel_loop3A_1295 : vector<16xf32> to vector<1x1x16xf32>
      tpu.vector_store %arg5[%parallel_loop3A_1304, %parallel_loop3A_1305, %parallel_loop3A_1306], %parallel_loop3A_1309 {strides = array<i32>} : memref<5x32x128xf32, #tpu.memory_space<vmem>>, vector<1x1x16xf32>,
      %parallel_loop3A_1310 = arith.constant 0 : i32
      %parallel_loop3A_1311 = arith.constant 1 : i32
      %parallel_loop3A_1312 = arith.index_cast %parallel_loop3A_1310 : i32 to index
      %parallel_loop3A_1313 = arith.index_cast %parallel_loop3A_1311 : i32 to index
      %parallel_loop3A_1314 = arith.index_cast %parallel_loop3A_1277 : i32 to index
      %parallel_loop3A_1315 = arith.constant 96 : index
      %parallel_loop3A_1316 = tpu.vector_load %arg4[%parallel_loop3A_1312, %parallel_loop3A_1313, %parallel_loop3A_1314, %parallel_loop3A_1315] {strides = array<i32>} : memref<5x4x32x128xf32, #tpu.memory_space<vmem>>, vector<1x1x1x16xf32>,
      %parallel_loop3A_1317 = vector.shape_cast %parallel_loop3A_1316 : vector<1x1x1x16xf32> to vector<16xf32>
      %parallel_loop3A_1318 = arith.constant 0 : i32
      %parallel_loop3A_1319 = arith.constant 1 : i32
      %parallel_loop3A_1320 = arith.index_cast %parallel_loop3A_1318 : i32 to index
      %parallel_loop3A_1321 = arith.index_cast %parallel_loop3A_1319 : i32 to index
      %parallel_loop3A_1322 = arith.index_cast %parallel_loop3A_1277 : i32 to index
      %parallel_loop3A_1323 = arith.constant 112 : index
      %parallel_loop3A_1324 = tpu.vector_load %arg4[%parallel_loop3A_1320, %parallel_loop3A_1321, %parallel_loop3A_1322, %parallel_loop3A_1323] {strides = array<i32>} : memref<5x4x32x128xf32, #tpu.memory_space<vmem>>, vector<1x1x1x16xf32>,
      %parallel_loop3A_1325 = vector.shape_cast %parallel_loop3A_1324 : vector<1x1x1x16xf32> to vector<16xf32>
      %parallel_loop3A_1326 = arith.constant 0 : i32
      %parallel_loop3A_1327 = arith.index_cast %parallel_loop3A_1326 : i32 to index
      %parallel_loop3A_1328 = arith.index_cast %parallel_loop3A_1277 : i32 to index
      %parallel_loop3A_1329 = arith.constant 32 : index
      %parallel_loop3A_1330 = tpu.vector_load %arg5[%parallel_loop3A_1327, %parallel_loop3A_1328, %parallel_loop3A_1329] {strides = array<i32>} : memref<5x32x128xf32, #tpu.memory_space<vmem>>, vector<1x1x16xf32>,
      %parallel_loop3A_1331 = vector.shape_cast %parallel_loop3A_1330 : vector<1x1x16xf32> to vector<16xf32>
      %parallel_loop3A_1332 = vector.shape_cast %parallel_loop3A_1317 : vector<16xf32> to vector<1x1x16xf32>
      tpu.vector_store %arg5[%parallel_loop3A_1327, %parallel_loop3A_1328, %parallel_loop3A_1329], %parallel_loop3A_1332 {strides = array<i32>} : memref<5x32x128xf32, #tpu.memory_space<vmem>>, vector<1x1x16xf32>,
      %parallel_loop3A_1333 = arith.constant 0 : i32
      %parallel_loop3A_1334 = arith.index_cast %parallel_loop3A_1333 : i32 to index
      %parallel_loop3A_1335 = arith.index_cast %parallel_loop3A_1277 : i32 to index
      %parallel_loop3A_1336 = arith.constant 48 : index
      %parallel_loop3A_1337 = tpu.vector_load %arg5[%parallel_loop3A_1334, %parallel_loop3A_1335, %parallel_loop3A_1336] {strides = array<i32>} : memref<5x32x128xf32, #tpu.memory_space<vmem>>, vector<1x1x16xf32>,
      %parallel_loop3A_1338 = vector.shape_cast %parallel_loop3A_1337 : vector<1x1x16xf32> to vector<16xf32>
      %parallel_loop3A_1339 = vector.shape_cast %parallel_loop3A_1325 : vector<16xf32> to vector<1x1x16xf32>
      tpu.vector_store %arg5[%parallel_loop3A_1334, %parallel_loop3A_1335, %parallel_loop3A_1336], %parallel_loop3A_1339 {strides = array<i32>} : memref<5x32x128xf32, #tpu.memory_space<vmem>>, vector<1x1x16xf32>,
      %parallel_loop3A_1340 = arith.constant 0 : i32
      %parallel_loop3A_1341 = arith.constant 2 : i32
      %parallel_loop3A_1342 = arith.index_cast %parallel_loop3A_1340 : i32 to index
      %parallel_loop3A_1343 = arith.index_cast %parallel_loop3A_1341 : i32 to index
      %parallel_loop3A_1344 = arith.index_cast %parallel_loop3A_1277 : i32 to index
      %parallel_loop3A_1345 = arith.constant 64 : index
      %parallel_loop3A_1346 = tpu.vector_load %arg4[%parallel_loop3A_1342, %parallel_loop3A_1343, %parallel_loop3A_1344, %parallel_loop3A_1345] {strides = array<i32>} : memref<5x4x32x128xf32, #tpu.memory_space<vmem>>, vector<1x1x1x16xf32>,
      %parallel_loop3A_1347 = vector.shape_cast %parallel_loop3A_1346 : vector<1x1x1x16xf32> to vector<16xf32>
      %parallel_loop3A_1348 = arith.constant 0 : i32
      %parallel_loop3A_1349 = arith.constant 2 : i32
      %parallel_loop3A_1350 = arith.index_cast %parallel_loop3A_1348 : i32 to index
      %parallel_loop3A_1351 = arith.index_cast %parallel_loop3A_1349 : i32 to index
      %parallel_loop3A_1352 = arith.index_cast %parallel_loop3A_1277 : i32 to index
      %parallel_loop3A_1353 = arith.constant 80 : index
      %parallel_loop3A_1354 = tpu.vector_load %arg4[%parallel_loop3A_1350, %parallel_loop3A_1351, %parallel_loop3A_1352, %parallel_loop3A_1353] {strides = array<i32>} : memref<5x4x32x128xf32, #tpu.memory_space<vmem>>, vector<1x1x1x16xf32>,
      %parallel_loop3A_1355 = vector.shape_cast %parallel_loop3A_1354 : vector<1x1x1x16xf32> to vector<16xf32>
      %parallel_loop3A_1356 = arith.constant 0 : i32
      %parallel_loop3A_1357 = arith.index_cast %parallel_loop3A_1356 : i32 to index
      %parallel_loop3A_1358 = arith.index_cast %parallel_loop3A_1277 : i32 to index
      %parallel_loop3A_1359 = arith.constant 64 : index
      %parallel_loop3A_1360 = tpu.vector_load %arg5[%parallel_loop3A_1357, %parallel_loop3A_1358, %parallel_loop3A_1359] {strides = array<i32>} : memref<5x32x128xf32, #tpu.memory_space<vmem>>, vector<1x1x16xf32>,
      %parallel_loop3A_1361 = vector.shape_cast %parallel_loop3A_1360 : vector<1x1x16xf32> to vector<16xf32>
      %parallel_loop3A_1362 = vector.shape_cast %parallel_loop3A_1347 : vector<16xf32> to vector<1x1x16xf32>
      tpu.vector_store %arg5[%parallel_loop3A_1357, %parallel_loop3A_1358, %parallel_loop3A_1359], %parallel_loop3A_1362 {strides = array<i32>} : memref<5x32x128xf32, #tpu.memory_space<vmem>>, vector<1x1x16xf32>,
      %parallel_loop3A_1363 = arith.constant 0 : i32
      %parallel_loop3A_1364 = arith.index_cast %parallel_loop3A_1363 : i32 to index
      %parallel_loop3A_1365 = arith.index_cast %parallel_loop3A_1277 : i32 to index
      %parallel_loop3A_1366 = arith.constant 80 : index
      %parallel_loop3A_1367 = tpu.vector_load %arg5[%parallel_loop3A_1364, %parallel_loop3A_1365, %parallel_loop3A_1366] {strides = array<i32>} : memref<5x32x128xf32, #tpu.memory_space<vmem>>, vector<1x1x16xf32>,
      %parallel_loop3A_1368 = vector.shape_cast %parallel_loop3A_1367 : vector<1x1x16xf32> to vector<16xf32>
      %parallel_loop3A_1369 = vector.shape_cast %parallel_loop3A_1355 : vector<16xf32> to vector<1x1x16xf32>
      tpu.vector_store %arg5[%parallel_loop3A_1364, %parallel_loop3A_1365, %parallel_loop3A_1366], %parallel_loop3A_1369 {strides = array<i32>} : memref<5x32x128xf32, #tpu.memory_space<vmem>>, vector<1x1x16xf32>,
      %parallel_loop3A_1370 = arith.constant 0 : i32
      %parallel_loop3A_1371 = arith.constant 3 : i32
      %parallel_loop3A_1372 = arith.index_cast %parallel_loop3A_1370 : i32 to index
      %parallel_loop3A_1373 = arith.index_cast %parallel_loop3A_1371 : i32 to index
      %parallel_loop3A_1374 = arith.index_cast %parallel_loop3A_1277 : i32 to index
      %parallel_loop3A_1375 = arith.constant 32 : index
      %parallel_loop3A_1376 = tpu.vector_load %arg4[%parallel_loop3A_1372, %parallel_loop3A_1373, %parallel_loop3A_1374, %parallel_loop3A_1375] {strides = array<i32>} : memref<5x4x32x128xf32, #tpu.memory_space<vmem>>, vector<1x1x1x16xf32>,
      %parallel_loop3A_1377 = vector.shape_cast %parallel_loop3A_1376 : vector<1x1x1x16xf32> to vector<16xf32>
      %parallel_loop3A_1378 = arith.constant 0 : i32
      %parallel_loop3A_1379 = arith.constant 3 : i32
      %parallel_loop3A_1380 = arith.index_cast %parallel_loop3A_1378 : i32 to index
      %parallel_loop3A_1381 = arith.index_cast %parallel_loop3A_1379 : i32 to index
      %parallel_loop3A_1382 = arith.index_cast %parallel_loop3A_1277 : i32 to index
      %parallel_loop3A_1383 = arith.constant 48 : index
      %parallel_loop3A_1384 = tpu.vector_load %arg4[%parallel_loop3A_1380, %parallel_loop3A_1381, %parallel_loop3A_1382, %parallel_loop3A_1383] {strides = array<i32>} : memref<5x4x32x128xf32, #tpu.memory_space<vmem>>, vector<1x1x1x16xf32>,
      %parallel_loop3A_1385 = vector.shape_cast %parallel_loop3A_1384 : vector<1x1x1x16xf32> to vector<16xf32>
      %parallel_loop3A_1386 = arith.constant 0 : i32
      %parallel_loop3A_1387 = arith.index_cast %parallel_loop3A_1386 : i32 to index
      %parallel_loop3A_1388 = arith.index_cast %parallel_loop3A_1277 : i32 to index
      %parallel_loop3A_1389 = arith.constant 96 : index
      %parallel_loop3A_1390 = tpu.vector_load %arg5[%parallel_loop3A_1387, %parallel_loop3A_1388, %parallel_loop3A_1389] {strides = array<i32>} : memref<5x32x128xf32, #tpu.memory_space<vmem>>, vector<1x1x16xf32>,
      %parallel_loop3A_1391 = vector.shape_cast %parallel_loop3A_1390 : vector<1x1x16xf32> to vector<16xf32>
      %parallel_loop3A_1392 = vector.shape_cast %parallel_loop3A_1377 : vector<16xf32> to vector<1x1x16xf32>
      tpu.vector_store %arg5[%parallel_loop3A_1387, %parallel_loop3A_1388, %parallel_loop3A_1389], %parallel_loop3A_1392 {strides = array<i32>} : memref<5x32x128xf32, #tpu.memory_space<vmem>>, vector<1x1x16xf32>,
      %parallel_loop3A_1393 = arith.constant 0 : i32
      %parallel_loop3A_1394 = arith.index_cast %parallel_loop3A_1393 : i32 to index
      %parallel_loop3A_1395 = arith.index_cast %parallel_loop3A_1277 : i32 to index
      %parallel_loop3A_1396 = arith.constant 112 : index
      %parallel_loop3A_1397 = tpu.vector_load %arg5[%parallel_loop3A_1394, %parallel_loop3A_1395, %parallel_loop3A_1396] {strides = array<i32>} : memref<5x32x128xf32, #tpu.memory_space<vmem>>, vector<1x1x16xf32>,
      %parallel_loop3A_1398 = vector.shape_cast %parallel_loop3A_1397 : vector<1x1x16xf32> to vector<16xf32>
      %parallel_loop3A_1399 = vector.shape_cast %parallel_loop3A_1385 : vector<16xf32> to vector<1x1x16xf32>
      tpu.vector_store %arg5[%parallel_loop3A_1394, %parallel_loop3A_1395, %parallel_loop3A_1396], %parallel_loop3A_1399 {strides = array<i32>} : memref<5x32x128xf32, #tpu.memory_space<vmem>>, vector<1x1x16xf32>,
    } {sc.loop_unroll_factor = 4 : i64, sc.parallel_access}
    %add3A_1056 = arith.constant 160 : i32
    %add3A_1057 = arith.addi %mul3A_32, %add3A_1056 : i32
    %multiple_of3A_1058 = tpu.assume_multiple %add3A_1057, 32 : i32
    %dma_start3A_1059 = arith.constant 0 : i32
    %dma_start3A_1060 = arith.constant 0 : i32
    %dma_start3A_1061 = arith.constant 0 : i32
    %dma_start3A_1062 = tpu.memref_slice %arg5[%dma_start3A_1059, %dma_start3A_1060, %dma_start3A_1061] : memref<5x32x128xf32, #tpu.memory_space<vmem>> -> memref<1x32x128xf32, #tpu.memory_space<vmem>>
    %dma_start3A_1063 = tpu.memref_squeeze %dma_start3A_1062 : memref<1x32x128xf32, #tpu.memory_space<vmem>> -> memref<32x128xf32, #tpu.memory_space<vmem>>
    %dma_start3A_1064 = tpu.memref_slice %arg3[%multiple_of3A_1058, %multiple_of3A] : memref<1024x1024xf32, #tpu.memory_space<hbm>> -> memref<32x128xf32, #tpu.memory_space<hbm>>
    %dma_start3A_1065 = tpu.memref_slice %arg3[%multiple_of3A_1058, %multiple_of3A] : memref<1024x1024xf32, #tpu.memory_space<hbm>> -> memref<32x128xf32, #tpu.memory_space<hbm>>
    %dma_start3A_1066 = arith.constant 0 : i32
    %dma_start3A_1067 = arith.constant 0 : i32
    %dma_start3A_1068 = tpu.memref_slice %arg5[%dma_start3A_1059, %dma_start3A_1066, %dma_start3A_1067] : memref<5x32x128xf32, #tpu.memory_space<vmem>> -> memref<1x32x128xf32, #tpu.memory_space<vmem>>
    %dma_start3A_1069 = tpu.memref_squeeze %dma_start3A_1068 : memref<1x32x128xf32, #tpu.memory_space<vmem>> -> memref<32x128xf32, #tpu.memory_space<vmem>>
    tpu.enqueue_dma source(%dma_start3A_1069 : memref<32x128xf32, #tpu.memory_space<vmem>>) target(%dma_start3A_1065 : memref<32x128xf32, #tpu.memory_space<hbm>>) target_semaphore(%arg7 : memref<!tpu.dma_semaphore, #tpu.memory_space<semaphore_mem>>)
    %dma_wait3A_1070 = arith.constant 1 : i32
    %dma_wait3A_1071 = arith.constant 0 : i32
    %dma_wait3A_1072 = arith.constant 0 : i32
    %dma_wait3A_1073 = arith.constant 0 : i32
    %dma_wait3A_1074 = tpu.memref_slice %arg4[%dma_wait3A_1070, %dma_wait3A_1071, %dma_wait3A_1072, %dma_wait3A_1073] : memref<5x4x32x128xf32, #tpu.memory_space<vmem>> -> memref<1x1x32x128xf32, #tpu.memory_space<vmem>>
    %dma_wait3A_1075 = tpu.memref_squeeze %dma_wait3A_1074 : memref<1x1x32x128xf32, #tpu.memory_space<vmem>> -> memref<32x128xf32, #tpu.memory_space<vmem>>
    %dma_wait3A_1076 = tpu.memref_slice %arg2[%multiple_of3A_691, %multiple_of3A_698] : memref<1024x32000xf32, #tpu.memory_space<hbm>> -> memref<32x128xf32, #tpu.memory_space<hbm>>
    %dma_wait3A_1077 = arith.constant 0 : i32
    %dma_wait3A_1078 = arith.constant 0 : i32
    %dma_wait3A_1079 = tpu.memref_slice %arg4[%dma_wait3A_1070, %dma_wait3A_1071, %dma_wait3A_1077, %dma_wait3A_1078] : memref<5x4x32x128xf32, #tpu.memory_space<vmem>> -> memref<1x1x32x128xf32, #tpu.memory_space<vmem>>
    %dma_wait3A_1080 = tpu.memref_squeeze %dma_wait3A_1079 : memref<1x1x32x128xf32, #tpu.memory_space<vmem>> -> memref<32x128xf32, #tpu.memory_space<vmem>>
    %dma_wait3A_1081 = tpu.memref_slice %arg2[%multiple_of3A_691, %multiple_of3A_698] : memref<1024x32000xf32, #tpu.memory_space<hbm>> -> memref<32x128xf32, #tpu.memory_space<hbm>>
    tpu.wait_dma2 semaphore(%arg6 : memref<!tpu.dma_semaphore, #tpu.memory_space<semaphore_mem>>) src(%dma_wait3A_1081 : memref<32x128xf32, #tpu.memory_space<hbm>>) dst(%dma_wait3A_1080 : memref<32x128xf32, #tpu.memory_space<vmem>>)
    %dma_wait3A_1082 = arith.constant 1 : i32
    %dma_wait3A_1083 = arith.constant 1 : i32
    %dma_wait3A_1084 = arith.constant 0 : i32
    %dma_wait3A_1085 = arith.constant 0 : i32
    %dma_wait3A_1086 = tpu.memref_slice %arg4[%dma_wait3A_1082, %dma_wait3A_1083, %dma_wait3A_1084, %dma_wait3A_1085] : memref<5x4x32x128xf32, #tpu.memory_space<vmem>> -> memref<1x1x32x128xf32, #tpu.memory_space<vmem>>
    %dma_wait3A_1087 = tpu.memref_squeeze %dma_wait3A_1086 : memref<1x1x32x128xf32, #tpu.memory_space<vmem>> -> memref<32x128xf32, #tpu.memory_space<vmem>>
    %dma_wait3A_1088 = tpu.memref_slice %arg2[%multiple_of3A_691, %multiple_of3A_717] : memref<1024x32000xf32, #tpu.memory_space<hbm>> -> memref<32x128xf32, #tpu.memory_space<hbm>>
    %dma_wait3A_1089 = arith.constant 0 : i32
    %dma_wait3A_1090 = arith.constant 0 : i32
    %dma_wait3A_1091 = tpu.memref_slice %arg4[%dma_wait3A_1082, %dma_wait3A_1083, %dma_wait3A_1089, %dma_wait3A_1090] : memref<5x4x32x128xf32, #tpu.memory_space<vmem>> -> memref<1x1x32x128xf32, #tpu.memory_space<vmem>>
    %dma_wait3A_1092 = tpu.memref_squeeze %dma_wait3A_1091 : memref<1x1x32x128xf32, #tpu.memory_space<vmem>> -> memref<32x128xf32, #tpu.memory_space<vmem>>
    %dma_wait3A_1093 = tpu.memref_slice %arg2[%multiple_of3A_691, %multiple_of3A_717] : memref<1024x32000xf32, #tpu.memory_space<hbm>> -> memref<32x128xf32, #tpu.memory_space<hbm>>
    tpu.wait_dma2 semaphore(%arg6 : memref<!tpu.dma_semaphore, #tpu.memory_space<semaphore_mem>>) src(%dma_wait3A_1093 : memref<32x128xf32, #tpu.memory_space<hbm>>) dst(%dma_wait3A_1092 : memref<32x128xf32, #tpu.memory_space<vmem>>)
    %dma_wait3A_1094 = arith.constant 1 : i32
    %dma_wait3A_1095 = arith.constant 2 : i32
    %dma_wait3A_1096 = arith.constant 0 : i32
    %dma_wait3A_1097 = arith.constant 0 : i32
    %dma_wait3A_1098 = tpu.memref_slice %arg4[%dma_wait3A_1094, %dma_wait3A_1095, %dma_wait3A_1096, %dma_wait3A_1097] : memref<5x4x32x128xf32, #tpu.memory_space<vmem>> -> memref<1x1x32x128xf32, #tpu.memory_space<vmem>>
    %dma_wait3A_1099 = tpu.memref_squeeze %dma_wait3A_1098 : memref<1x1x32x128xf32, #tpu.memory_space<vmem>> -> memref<32x128xf32, #tpu.memory_space<vmem>>
    %dma_wait3A_1100 = tpu.memref_slice %arg2[%multiple_of3A_691, %multiple_of3A_736] : memref<1024x32000xf32, #tpu.memory_space<hbm>> -> memref<32x128xf32, #tpu.memory_space<hbm>>
    %dma_wait3A_1101 = arith.constant 0 : i32
    %dma_wait3A_1102 = arith.constant 0 : i32
    %dma_wait3A_1103 = tpu.memref_slice %arg4[%dma_wait3A_1094, %dma_wait3A_1095, %dma_wait3A_1101, %dma_wait3A_1102] : memref<5x4x32x128xf32, #tpu.memory_space<vmem>> -> memref<1x1x32x128xf32, #tpu.memory_space<vmem>>
    %dma_wait3A_1104 = tpu.memref_squeeze %dma_wait3A_1103 : memref<1x1x32x128xf32, #tpu.memory_space<vmem>> -> memref<32x128xf32, #tpu.memory_space<vmem>>
    %dma_wait3A_1105 = tpu.memref_slice %arg2[%multiple_of3A_691, %multiple_of3A_736] : memref<1024x32000xf32, #tpu.memory_space<hbm>> -> memref<32x128xf32, #tpu.memory_space<hbm>>
    tpu.wait_dma2 semaphore(%arg6 : memref<!tpu.dma_semaphore, #tpu.memory_space<semaphore_mem>>) src(%dma_wait3A_1105 : memref<32x128xf32, #tpu.memory_space<hbm>>) dst(%dma_wait3A_1104 : memref<32x128xf32, #tpu.memory_space<vmem>>)
    %dma_wait3A_1106 = arith.constant 1 : i32
    %dma_wait3A_1107 = arith.constant 3 : i32
    %dma_wait3A_1108 = arith.constant 0 : i32
    %dma_wait3A_1109 = arith.constant 0 : i32
    %dma_wait3A_1110 = tpu.memref_slice %arg4[%dma_wait3A_1106, %dma_wait3A_1107, %dma_wait3A_1108, %dma_wait3A_1109] : memref<5x4x32x128xf32, #tpu.memory_space<vmem>> -> memref<1x1x32x128xf32, #tpu.memory_space<vmem>>
    %dma_wait3A_1111 = tpu.memref_squeeze %dma_wait3A_1110 : memref<1x1x32x128xf32, #tpu.memory_space<vmem>> -> memref<32x128xf32, #tpu.memory_space<vmem>>
    %dma_wait3A_1112 = tpu.memref_slice %arg2[%multiple_of3A_691, %multiple_of3A_755] : memref<1024x32000xf32, #tpu.memory_space<hbm>> -> memref<32x128xf32, #tpu.memory_space<hbm>>
    %dma_wait3A_1113 = arith.constant 0 : i32
    %dma_wait3A_1114 = arith.constant 0 : i32
    %dma_wait3A_1115 = tpu.memref_slice %arg4[%dma_wait3A_1106, %dma_wait3A_1107, %dma_wait3A_1113, %dma_wait3A_1114] : memref<5x4x32x128xf32, #tpu.memory_space<vmem>> -> memref<1x1x32x128xf32, #tpu.memory_space<vmem>>
    %dma_wait3A_1116 = tpu.memref_squeeze %dma_wait3A_1115 : memref<1x1x32x128xf32, #tpu.memory_space<vmem>> -> memref<32x128xf32, #tpu.memory_space<vmem>>
    %dma_wait3A_1117 = tpu.memref_slice %arg2[%multiple_of3A_691, %multiple_of3A_755] : memref<1024x32000xf32, #tpu.memory_space<hbm>> -> memref<32x128xf32, #tpu.memory_space<hbm>>
    tpu.wait_dma2 semaphore(%arg6 : memref<!tpu.dma_semaphore, #tpu.memory_space<semaphore_mem>>) src(%dma_wait3A_1117 : memref<32x128xf32, #tpu.memory_space<hbm>>) dst(%dma_wait3A_1116 : memref<32x128xf32, #tpu.memory_space<vmem>>)
    %dma_wait3A_1118 = arith.constant 1 : i32
    %dma_wait3A_1119 = arith.constant 0 : i32
    %dma_wait3A_1120 = arith.constant 0 : i32
    %dma_wait3A_1121 = tpu.memref_slice %arg5[%dma_wait3A_1118, %dma_wait3A_1119, %dma_wait3A_1120] : memref<5x32x128xf32, #tpu.memory_space<vmem>> -> memref<1x32x128xf32, #tpu.memory_space<vmem>>
    %dma_wait3A_1122 = tpu.memref_squeeze %dma_wait3A_1121 : memref<1x32x128xf32, #tpu.memory_space<vmem>> -> memref<32x128xf32, #tpu.memory_space<vmem>>
    %dma_wait3A_1123 = tpu.memref_slice %arg3[%multiple_of3A_629, %multiple_of3A] : memref<1024x1024xf32, #tpu.memory_space<hbm>> -> memref<32x128xf32, #tpu.memory_space<hbm>>
    %dma_wait3A_1124 = tpu.memref_slice %arg3[%multiple_of3A_629, %multiple_of3A] : memref<1024x1024xf32, #tpu.memory_space<hbm>> -> memref<32x128xf32, #tpu.memory_space<hbm>>
    %dma_wait3A_1125 = arith.constant 0 : i32
    %dma_wait3A_1126 = arith.constant 0 : i32
    %dma_wait3A_1127 = tpu.memref_slice %arg5[%dma_wait3A_1118, %dma_wait3A_1125, %dma_wait3A_1126] : memref<5x32x128xf32, #tpu.memory_space<vmem>> -> memref<1x32x128xf32, #tpu.memory_space<vmem>>
    %dma_wait3A_1128 = tpu.memref_squeeze %dma_wait3A_1127 : memref<1x32x128xf32, #tpu.memory_space<vmem>> -> memref<32x128xf32, #tpu.memory_space<vmem>>
    tpu.wait_dma2 semaphore(%arg7 : memref<!tpu.dma_semaphore, #tpu.memory_space<semaphore_mem>>) src(%dma_wait3A_1128 : memref<32x128xf32, #tpu.memory_space<vmem>>) dst(%dma_wait3A_1124 : memref<32x128xf32, #tpu.memory_space<hbm>>)
    %parallel_loop3A_1129 = arith.constant 0 : i32
    %parallel_loop3A_1130 = arith.constant 32 : i32
    %parallel_loop3A_1131 = arith.constant 1 : i32
    scf.for %parallel_loop3A_1277 = %parallel_loop3A_1129 to %parallel_loop3A_1130 step %parallel_loop3A_1131  : i32 {
      %parallel_loop3A_1278 = arith.constant 1 : i32
      %parallel_loop3A_1279 = arith.constant 0 : i32
      %parallel_loop3A_1280 = arith.index_cast %parallel_loop3A_1278 : i32 to index
      %parallel_loop3A_1281 = arith.index_cast %parallel_loop3A_1279 : i32 to index
      %parallel_loop3A_1282 = arith.index_cast %parallel_loop3A_1277 : i32 to index
      %parallel_loop3A_1283 = arith.constant 0 : index
      %parallel_loop3A_1284 = tpu.vector_load %arg4[%parallel_loop3A_1280, %parallel_loop3A_1281, %parallel_loop3A_1282, %parallel_loop3A_1283] {strides = array<i32>} : memref<5x4x32x128xf32, #tpu.memory_space<vmem>>, vector<1x1x1x16xf32>,
      %parallel_loop3A_1285 = vector.shape_cast %parallel_loop3A_1284 : vector<1x1x1x16xf32> to vector<16xf32>
      %parallel_loop3A_1286 = arith.constant 1 : i32
      %parallel_loop3A_1287 = arith.constant 0 : i32
      %parallel_loop3A_1288 = arith.index_cast %parallel_loop3A_1286 : i32 to index
      %parallel_loop3A_1289 = arith.index_cast %parallel_loop3A_1287 : i32 to index
      %parallel_loop3A_1290 = arith.index_cast %parallel_loop3A_1277 : i32 to index
      %parallel_loop3A_1291 = arith.constant 16 : index
      %parallel_loop3A_1292 = tpu.vector_load %arg4[%parallel_loop3A_1288, %parallel_loop3A_1289, %parallel_loop3A_1290, %parallel_loop3A_1291] {strides = array<i32>} : memref<5x4x32x128xf32, #tpu.memory_space<vmem>>, vector<1x1x1x16xf32>,
      %parallel_loop3A_1293 = vector.shape_cast %parallel_loop3A_1292 : vector<1x1x1x16xf32> to vector<16xf32>
      %parallel_loop3A_1294 = arith.mulf %parallel_loop3A_1285, %broadcast_in_dim3A : vector<16xf32>
      %parallel_loop3A_1295 = arith.mulf %parallel_loop3A_1293, %broadcast_in_dim3A : vector<16xf32>
      %parallel_loop3A_1296 = arith.constant 1 : i32
      %parallel_loop3A_1297 = arith.index_cast %parallel_loop3A_1296 : i32 to index
      %parallel_loop3A_1298 = arith.index_cast %parallel_loop3A_1277 : i32 to index
      %parallel_loop3A_1299 = arith.constant 0 : index
      %parallel_loop3A_1300 = tpu.vector_load %arg5[%parallel_loop3A_1297, %parallel_loop3A_1298, %parallel_loop3A_1299] {strides = array<i32>} : memref<5x32x128xf32, #tpu.memory_space<vmem>>, vector<1x1x16xf32>,
      %parallel_loop3A_1301 = vector.shape_cast %parallel_loop3A_1300 : vector<1x1x16xf32> to vector<16xf32>
      %parallel_loop3A_1302 = vector.shape_cast %parallel_loop3A_1294 : vector<16xf32> to vector<1x1x16xf32>
      tpu.vector_store %arg5[%parallel_loop3A_1297, %parallel_loop3A_1298, %parallel_loop3A_1299], %parallel_loop3A_1302 {strides = array<i32>} : memref<5x32x128xf32, #tpu.memory_space<vmem>>, vector<1x1x16xf32>,
      %parallel_loop3A_1303 = arith.constant 1 : i32
      %parallel_loop3A_1304 = arith.index_cast %parallel_loop3A_1303 : i32 to index
      %parallel_loop3A_1305 = arith.index_cast %parallel_loop3A_1277 : i32 to index
      %parallel_loop3A_1306 = arith.constant 16 : index
      %parallel_loop3A_1307 = tpu.vector_load %arg5[%parallel_loop3A_1304, %parallel_loop3A_1305, %parallel_loop3A_1306] {strides = array<i32>} : memref<5x32x128xf32, #tpu.memory_space<vmem>>, vector<1x1x16xf32>,
      %parallel_loop3A_1308 = vector.shape_cast %parallel_loop3A_1307 : vector<1x1x16xf32> to vector<16xf32>
      %parallel_loop3A_1309 = vector.shape_cast %parallel_loop3A_1295 : vector<16xf32> to vector<1x1x16xf32>
      tpu.vector_store %arg5[%parallel_loop3A_1304, %parallel_loop3A_1305, %parallel_loop3A_1306], %parallel_loop3A_1309 {strides = array<i32>} : memref<5x32x128xf32, #tpu.memory_space<vmem>>, vector<1x1x16xf32>,
      %parallel_loop3A_1310 = arith.constant 1 : i32
      %parallel_loop3A_1311 = arith.constant 1 : i32
      %parallel_loop3A_1312 = arith.index_cast %parallel_loop3A_1310 : i32 to index
      %parallel_loop3A_1313 = arith.index_cast %parallel_loop3A_1311 : i32 to index
      %parallel_loop3A_1314 = arith.index_cast %parallel_loop3A_1277 : i32 to index
      %parallel_loop3A_1315 = arith.constant 96 : index
      %parallel_loop3A_1316 = tpu.vector_load %arg4[%parallel_loop3A_1312, %parallel_loop3A_1313, %parallel_loop3A_1314, %parallel_loop3A_1315] {strides = array<i32>} : memref<5x4x32x128xf32, #tpu.memory_space<vmem>>, vector<1x1x1x16xf32>,
      %parallel_loop3A_1317 = vector.shape_cast %parallel_loop3A_1316 : vector<1x1x1x16xf32> to vector<16xf32>
      %parallel_loop3A_1318 = arith.constant 1 : i32
      %parallel_loop3A_1319 = arith.constant 1 : i32
      %parallel_loop3A_1320 = arith.index_cast %parallel_loop3A_1318 : i32 to index
      %parallel_loop3A_1321 = arith.index_cast %parallel_loop3A_1319 : i32 to index
      %parallel_loop3A_1322 = arith.index_cast %parallel_loop3A_1277 : i32 to index
      %parallel_loop3A_1323 = arith.constant 112 : index
      %parallel_loop3A_1324 = tpu.vector_load %arg4[%parallel_loop3A_1320, %parallel_loop3A_1321, %parallel_loop3A_1322, %parallel_loop3A_1323] {strides = array<i32>} : memref<5x4x32x128xf32, #tpu.memory_space<vmem>>, vector<1x1x1x16xf32>,
      %parallel_loop3A_1325 = vector.shape_cast %parallel_loop3A_1324 : vector<1x1x1x16xf32> to vector<16xf32>
      %parallel_loop3A_1326 = arith.constant 1 : i32
      %parallel_loop3A_1327 = arith.index_cast %parallel_loop3A_1326 : i32 to index
      %parallel_loop3A_1328 = arith.index_cast %parallel_loop3A_1277 : i32 to index
      %parallel_loop3A_1329 = arith.constant 32 : index
      %parallel_loop3A_1330 = tpu.vector_load %arg5[%parallel_loop3A_1327, %parallel_loop3A_1328, %parallel_loop3A_1329] {strides = array<i32>} : memref<5x32x128xf32, #tpu.memory_space<vmem>>, vector<1x1x16xf32>,
      %parallel_loop3A_1331 = vector.shape_cast %parallel_loop3A_1330 : vector<1x1x16xf32> to vector<16xf32>
      %parallel_loop3A_1332 = vector.shape_cast %parallel_loop3A_1317 : vector<16xf32> to vector<1x1x16xf32>
      tpu.vector_store %arg5[%parallel_loop3A_1327, %parallel_loop3A_1328, %parallel_loop3A_1329], %parallel_loop3A_1332 {strides = array<i32>} : memref<5x32x128xf32, #tpu.memory_space<vmem>>, vector<1x1x16xf32>,
      %parallel_loop3A_1333 = arith.constant 1 : i32
      %parallel_loop3A_1334 = arith.index_cast %parallel_loop3A_1333 : i32 to index
      %parallel_loop3A_1335 = arith.index_cast %parallel_loop3A_1277 : i32 to index
      %parallel_loop3A_1336 = arith.constant 48 : index
      %parallel_loop3A_1337 = tpu.vector_load %arg5[%parallel_loop3A_1334, %parallel_loop3A_1335, %parallel_loop3A_1336] {strides = array<i32>} : memref<5x32x128xf32, #tpu.memory_space<vmem>>, vector<1x1x16xf32>,
      %parallel_loop3A_1338 = vector.shape_cast %parallel_loop3A_1337 : vector<1x1x16xf32> to vector<16xf32>
      %parallel_loop3A_1339 = vector.shape_cast %parallel_loop3A_1325 : vector<16xf32> to vector<1x1x16xf32>
      tpu.vector_store %arg5[%parallel_loop3A_1334, %parallel_loop3A_1335, %parallel_loop3A_1336], %parallel_loop3A_1339 {strides = array<i32>} : memref<5x32x128xf32, #tpu.memory_space<vmem>>, vector<1x1x16xf32>,
      %parallel_loop3A_1340 = arith.constant 1 : i32
      %parallel_loop3A_1341 = arith.constant 2 : i32
      %parallel_loop3A_1342 = arith.index_cast %parallel_loop3A_1340 : i32 to index
      %parallel_loop3A_1343 = arith.index_cast %parallel_loop3A_1341 : i32 to index
      %parallel_loop3A_1344 = arith.index_cast %parallel_loop3A_1277 : i32 to index
      %parallel_loop3A_1345 = arith.constant 64 : index
      %parallel_loop3A_1346 = tpu.vector_load %arg4[%parallel_loop3A_1342, %parallel_loop3A_1343, %parallel_loop3A_1344, %parallel_loop3A_1345] {strides = array<i32>} : memref<5x4x32x128xf32, #tpu.memory_space<vmem>>, vector<1x1x1x16xf32>,
      %parallel_loop3A_1347 = vector.shape_cast %parallel_loop3A_1346 : vector<1x1x1x16xf32> to vector<16xf32>
      %parallel_loop3A_1348 = arith.constant 1 : i32
      %parallel_loop3A_1349 = arith.constant 2 : i32
      %parallel_loop3A_1350 = arith.index_cast %parallel_loop3A_1348 : i32 to index
      %parallel_loop3A_1351 = arith.index_cast %parallel_loop3A_1349 : i32 to index
      %parallel_loop3A_1352 = arith.index_cast %parallel_loop3A_1277 : i32 to index
      %parallel_loop3A_1353 = arith.constant 80 : index
      %parallel_loop3A_1354 = tpu.vector_load %arg4[%parallel_loop3A_1350, %parallel_loop3A_1351, %parallel_loop3A_1352, %parallel_loop3A_1353] {strides = array<i32>} : memref<5x4x32x128xf32, #tpu.memory_space<vmem>>, vector<1x1x1x16xf32>,
      %parallel_loop3A_1355 = vector.shape_cast %parallel_loop3A_1354 : vector<1x1x1x16xf32> to vector<16xf32>
      %parallel_loop3A_1356 = arith.constant 1 : i32
      %parallel_loop3A_1357 = arith.index_cast %parallel_loop3A_1356 : i32 to index
      %parallel_loop3A_1358 = arith.index_cast %parallel_loop3A_1277 : i32 to index
      %parallel_loop3A_1359 = arith.constant 64 : index
      %parallel_loop3A_1360 = tpu.vector_load %arg5[%parallel_loop3A_1357, %parallel_loop3A_1358, %parallel_loop3A_1359] {strides = array<i32>} : memref<5x32x128xf32, #tpu.memory_space<vmem>>, vector<1x1x16xf32>,
      %parallel_loop3A_1361 = vector.shape_cast %parallel_loop3A_1360 : vector<1x1x16xf32> to vector<16xf32>
      %parallel_loop3A_1362 = vector.shape_cast %parallel_loop3A_1347 : vector<16xf32> to vector<1x1x16xf32>
      tpu.vector_store %arg5[%parallel_loop3A_1357, %parallel_loop3A_1358, %parallel_loop3A_1359], %parallel_loop3A_1362 {strides = array<i32>} : memref<5x32x128xf32, #tpu.memory_space<vmem>>, vector<1x1x16xf32>,
      %parallel_loop3A_1363 = arith.constant 1 : i32
      %parallel_loop3A_1364 = arith.index_cast %parallel_loop3A_1363 : i32 to index
      %parallel_loop3A_1365 = arith.index_cast %parallel_loop3A_1277 : i32 to index
      %parallel_loop3A_1366 = arith.constant 80 : index
      %parallel_loop3A_1367 = tpu.vector_load %arg5[%parallel_loop3A_1364, %parallel_loop3A_1365, %parallel_loop3A_1366] {strides = array<i32>} : memref<5x32x128xf32, #tpu.memory_space<vmem>>, vector<1x1x16xf32>,
      %parallel_loop3A_1368 = vector.shape_cast %parallel_loop3A_1367 : vector<1x1x16xf32> to vector<16xf32>
      %parallel_loop3A_1369 = vector.shape_cast %parallel_loop3A_1355 : vector<16xf32> to vector<1x1x16xf32>
      tpu.vector_store %arg5[%parallel_loop3A_1364, %parallel_loop3A_1365, %parallel_loop3A_1366], %parallel_loop3A_1369 {strides = array<i32>} : memref<5x32x128xf32, #tpu.memory_space<vmem>>, vector<1x1x16xf32>,
      %parallel_loop3A_1370 = arith.constant 1 : i32
      %parallel_loop3A_1371 = arith.constant 3 : i32
      %parallel_loop3A_1372 = arith.index_cast %parallel_loop3A_1370 : i32 to index
      %parallel_loop3A_1373 = arith.index_cast %parallel_loop3A_1371 : i32 to index
      %parallel_loop3A_1374 = arith.index_cast %parallel_loop3A_1277 : i32 to index
      %parallel_loop3A_1375 = arith.constant 32 : index
      %parallel_loop3A_1376 = tpu.vector_load %arg4[%parallel_loop3A_1372, %parallel_loop3A_1373, %parallel_loop3A_1374, %parallel_loop3A_1375] {strides = array<i32>} : memref<5x4x32x128xf32, #tpu.memory_space<vmem>>, vector<1x1x1x16xf32>,
      %parallel_loop3A_1377 = vector.shape_cast %parallel_loop3A_1376 : vector<1x1x1x16xf32> to vector<16xf32>
      %parallel_loop3A_1378 = arith.constant 1 : i32
      %parallel_loop3A_1379 = arith.constant 3 : i32
      %parallel_loop3A_1380 = arith.index_cast %parallel_loop3A_1378 : i32 to index
      %parallel_loop3A_1381 = arith.index_cast %parallel_loop3A_1379 : i32 to index
      %parallel_loop3A_1382 = arith.index_cast %parallel_loop3A_1277 : i32 to index
      %parallel_loop3A_1383 = arith.constant 48 : index
      %parallel_loop3A_1384 = tpu.vector_load %arg4[%parallel_loop3A_1380, %parallel_loop3A_1381, %parallel_loop3A_1382, %parallel_loop3A_1383] {strides = array<i32>} : memref<5x4x32x128xf32, #tpu.memory_space<vmem>>, vector<1x1x1x16xf32>,
      %parallel_loop3A_1385 = vector.shape_cast %parallel_loop3A_1384 : vector<1x1x1x16xf32> to vector<16xf32>
      %parallel_loop3A_1386 = arith.constant 1 : i32
      %parallel_loop3A_1387 = arith.index_cast %parallel_loop3A_1386 : i32 to index
      %parallel_loop3A_1388 = arith.index_cast %parallel_loop3A_1277 : i32 to index
      %parallel_loop3A_1389 = arith.constant 96 : index
      %parallel_loop3A_1390 = tpu.vector_load %arg5[%parallel_loop3A_1387, %parallel_loop3A_1388, %parallel_loop3A_1389] {strides = array<i32>} : memref<5x32x128xf32, #tpu.memory_space<vmem>>, vector<1x1x16xf32>,
      %parallel_loop3A_1391 = vector.shape_cast %parallel_loop3A_1390 : vector<1x1x16xf32> to vector<16xf32>
      %parallel_loop3A_1392 = vector.shape_cast %parallel_loop3A_1377 : vector<16xf32> to vector<1x1x16xf32>
      tpu.vector_store %arg5[%parallel_loop3A_1387, %parallel_loop3A_1388, %parallel_loop3A_1389], %parallel_loop3A_1392 {strides = array<i32>} : memref<5x32x128xf32, #tpu.memory_space<vmem>>, vector<1x1x16xf32>,
      %parallel_loop3A_1393 = arith.constant 1 : i32
      %parallel_loop3A_1394 = arith.index_cast %parallel_loop3A_1393 : i32 to index
      %parallel_loop3A_1395 = arith.index_cast %parallel_loop3A_1277 : i32 to index
      %parallel_loop3A_1396 = arith.constant 112 : index
      %parallel_loop3A_1397 = tpu.vector_load %arg5[%parallel_loop3A_1394, %parallel_loop3A_1395, %parallel_loop3A_1396] {strides = array<i32>} : memref<5x32x128xf32, #tpu.memory_space<vmem>>, vector<1x1x16xf32>,
      %parallel_loop3A_1398 = vector.shape_cast %parallel_loop3A_1397 : vector<1x1x16xf32> to vector<16xf32>
      %parallel_loop3A_1399 = vector.shape_cast %parallel_loop3A_1385 : vector<16xf32> to vector<1x1x16xf32>
      tpu.vector_store %arg5[%parallel_loop3A_1394, %parallel_loop3A_1395, %parallel_loop3A_1396], %parallel_loop3A_1399 {strides = array<i32>} : memref<5x32x128xf32, #tpu.memory_space<vmem>>, vector<1x1x16xf32>,
    } {sc.loop_unroll_factor = 4 : i64, sc.parallel_access}
    %add3A_1132 = arith.constant 192 : i32
    %add3A_1133 = arith.addi %mul3A_32, %add3A_1132 : i32
    %multiple_of3A_1134 = tpu.assume_multiple %add3A_1133, 32 : i32
    %dma_start3A_1135 = arith.constant 1 : i32
    %dma_start3A_1136 = arith.constant 0 : i32
    %dma_start3A_1137 = arith.constant 0 : i32
    %dma_start3A_1138 = tpu.memref_slice %arg5[%dma_start3A_1135, %dma_start3A_1136, %dma_start3A_1137] : memref<5x32x128xf32, #tpu.memory_space<vmem>> -> memref<1x32x128xf32, #tpu.memory_space<vmem>>
    %dma_start3A_1139 = tpu.memref_squeeze %dma_start3A_1138 : memref<1x32x128xf32, #tpu.memory_space<vmem>> -> memref<32x128xf32, #tpu.memory_space<vmem>>
    %dma_start3A_1140 = tpu.memref_slice %arg3[%multiple_of3A_1134, %multiple_of3A] : memref<1024x1024xf32, #tpu.memory_space<hbm>> -> memref<32x128xf32, #tpu.memory_space<hbm>>
    %dma_start3A_1141 = tpu.memref_slice %arg3[%multiple_of3A_1134, %multiple_of3A] : memref<1024x1024xf32, #tpu.memory_space<hbm>> -> memref<32x128xf32, #tpu.memory_space<hbm>>
    %dma_start3A_1142 = arith.constant 0 : i32
    %dma_start3A_1143 = arith.constant 0 : i32
    %dma_start3A_1144 = tpu.memref_slice %arg5[%dma_start3A_1135, %dma_start3A_1142, %dma_start3A_1143] : memref<5x32x128xf32, #tpu.memory_space<vmem>> -> memref<1x32x128xf32, #tpu.memory_space<vmem>>
    %dma_start3A_1145 = tpu.memref_squeeze %dma_start3A_1144 : memref<1x32x128xf32, #tpu.memory_space<vmem>> -> memref<32x128xf32, #tpu.memory_space<vmem>>
    tpu.enqueue_dma source(%dma_start3A_1145 : memref<32x128xf32, #tpu.memory_space<vmem>>) target(%dma_start3A_1141 : memref<32x128xf32, #tpu.memory_space<hbm>>) target_semaphore(%arg7 : memref<!tpu.dma_semaphore, #tpu.memory_space<semaphore_mem>>)
    %dma_wait3A_1146 = arith.constant 2 : i32
    %dma_wait3A_1147 = arith.constant 0 : i32
    %dma_wait3A_1148 = arith.constant 0 : i32
    %dma_wait3A_1149 = arith.constant 0 : i32
    %dma_wait3A_1150 = tpu.memref_slice %arg4[%dma_wait3A_1146, %dma_wait3A_1147, %dma_wait3A_1148, %dma_wait3A_1149] : memref<5x4x32x128xf32, #tpu.memory_space<vmem>> -> memref<1x1x32x128xf32, #tpu.memory_space<vmem>>
    %dma_wait3A_1151 = tpu.memref_squeeze %dma_wait3A_1150 : memref<1x1x32x128xf32, #tpu.memory_space<vmem>> -> memref<32x128xf32, #tpu.memory_space<vmem>>
    %dma_wait3A_1152 = tpu.memref_slice %arg2[%multiple_of3A_835, %multiple_of3A_842] : memref<1024x32000xf32, #tpu.memory_space<hbm>> -> memref<32x128xf32, #tpu.memory_space<hbm>>
    %dma_wait3A_1153 = arith.constant 0 : i32
    %dma_wait3A_1154 = arith.constant 0 : i32
    %dma_wait3A_1155 = tpu.memref_slice %arg4[%dma_wait3A_1146, %dma_wait3A_1147, %dma_wait3A_1153, %dma_wait3A_1154] : memref<5x4x32x128xf32, #tpu.memory_space<vmem>> -> memref<1x1x32x128xf32, #tpu.memory_space<vmem>>
    %dma_wait3A_1156 = tpu.memref_squeeze %dma_wait3A_1155 : memref<1x1x32x128xf32, #tpu.memory_space<vmem>> -> memref<32x128xf32, #tpu.memory_space<vmem>>
    %dma_wait3A_1157 = tpu.memref_slice %arg2[%multiple_of3A_835, %multiple_of3A_842] : memref<1024x32000xf32, #tpu.memory_space<hbm>> -> memref<32x128xf32, #tpu.memory_space<hbm>>
    tpu.wait_dma2 semaphore(%arg6 : memref<!tpu.dma_semaphore, #tpu.memory_space<semaphore_mem>>) src(%dma_wait3A_1157 : memref<32x128xf32, #tpu.memory_space<hbm>>) dst(%dma_wait3A_1156 : memref<32x128xf32, #tpu.memory_space<vmem>>)
    %dma_wait3A_1158 = arith.constant 2 : i32
    %dma_wait3A_1159 = arith.constant 1 : i32
    %dma_wait3A_1160 = arith.constant 0 : i32
    %dma_wait3A_1161 = arith.constant 0 : i32
    %dma_wait3A_1162 = tpu.memref_slice %arg4[%dma_wait3A_1158, %dma_wait3A_1159, %dma_wait3A_1160, %dma_wait3A_1161] : memref<5x4x32x128xf32, #tpu.memory_space<vmem>> -> memref<1x1x32x128xf32, #tpu.memory_space<vmem>>
    %dma_wait3A_1163 = tpu.memref_squeeze %dma_wait3A_1162 : memref<1x1x32x128xf32, #tpu.memory_space<vmem>> -> memref<32x128xf32, #tpu.memory_space<vmem>>
    %dma_wait3A_1164 = tpu.memref_slice %arg2[%multiple_of3A_835, %multiple_of3A_861] : memref<1024x32000xf32, #tpu.memory_space<hbm>> -> memref<32x128xf32, #tpu.memory_space<hbm>>
    %dma_wait3A_1165 = arith.constant 0 : i32
    %dma_wait3A_1166 = arith.constant 0 : i32
    %dma_wait3A_1167 = tpu.memref_slice %arg4[%dma_wait3A_1158, %dma_wait3A_1159, %dma_wait3A_1165, %dma_wait3A_1166] : memref<5x4x32x128xf32, #tpu.memory_space<vmem>> -> memref<1x1x32x128xf32, #tpu.memory_space<vmem>>
    %dma_wait3A_1168 = tpu.memref_squeeze %dma_wait3A_1167 : memref<1x1x32x128xf32, #tpu.memory_space<vmem>> -> memref<32x128xf32, #tpu.memory_space<vmem>>
    %dma_wait3A_1169 = tpu.memref_slice %arg2[%multiple_of3A_835, %multiple_of3A_861] : memref<1024x32000xf32, #tpu.memory_space<hbm>> -> memref<32x128xf32, #tpu.memory_space<hbm>>
    tpu.wait_dma2 semaphore(%arg6 : memref<!tpu.dma_semaphore, #tpu.memory_space<semaphore_mem>>) src(%dma_wait3A_1169 : memref<32x128xf32, #tpu.memory_space<hbm>>) dst(%dma_wait3A_1168 : memref<32x128xf32, #tpu.memory_space<vmem>>)
    %dma_wait3A_1170 = arith.constant 2 : i32
    %dma_wait3A_1171 = arith.constant 2 : i32
    %dma_wait3A_1172 = arith.constant 0 : i32
    %dma_wait3A_1173 = arith.constant 0 : i32
    %dma_wait3A_1174 = tpu.memref_slice %arg4[%dma_wait3A_1170, %dma_wait3A_1171, %dma_wait3A_1172, %dma_wait3A_1173] : memref<5x4x32x128xf32, #tpu.memory_space<vmem>> -> memref<1x1x32x128xf32, #tpu.memory_space<vmem>>
    %dma_wait3A_1175 = tpu.memref_squeeze %dma_wait3A_1174 : memref<1x1x32x128xf32, #tpu.memory_space<vmem>> -> memref<32x128xf32, #tpu.memory_space<vmem>>
    %dma_wait3A_1176 = tpu.memref_slice %arg2[%multiple_of3A_835, %multiple_of3A_880] : memref<1024x32000xf32, #tpu.memory_space<hbm>> -> memref<32x128xf32, #tpu.memory_space<hbm>>
    %dma_wait3A_1177 = arith.constant 0 : i32
    %dma_wait3A_1178 = arith.constant 0 : i32
    %dma_wait3A_1179 = tpu.memref_slice %arg4[%dma_wait3A_1170, %dma_wait3A_1171, %dma_wait3A_1177, %dma_wait3A_1178] : memref<5x4x32x128xf32, #tpu.memory_space<vmem>> -> memref<1x1x32x128xf32, #tpu.memory_space<vmem>>
    %dma_wait3A_1180 = tpu.memref_squeeze %dma_wait3A_1179 : memref<1x1x32x128xf32, #tpu.memory_space<vmem>> -> memref<32x128xf32, #tpu.memory_space<vmem>>
    %dma_wait3A_1181 = tpu.memref_slice %arg2[%multiple_of3A_835, %multiple_of3A_880] : memref<1024x32000xf32, #tpu.memory_space<hbm>> -> memref<32x128xf32, #tpu.memory_space<hbm>>
    tpu.wait_dma2 semaphore(%arg6 : memref<!tpu.dma_semaphore, #tpu.memory_space<semaphore_mem>>) src(%dma_wait3A_1181 : memref<32x128xf32, #tpu.memory_space<hbm>>) dst(%dma_wait3A_1180 : memref<32x128xf32, #tpu.memory_space<vmem>>)
    %dma_wait3A_1182 = arith.constant 2 : i32
    %dma_wait3A_1183 = arith.constant 3 : i32
    %dma_wait3A_1184 = arith.constant 0 : i32
    %dma_wait3A_1185 = arith.constant 0 : i32
    %dma_wait3A_1186 = tpu.memref_slice %arg4[%dma_wait3A_1182, %dma_wait3A_1183, %dma_wait3A_1184, %dma_wait3A_1185] : memref<5x4x32x128xf32, #tpu.memory_space<vmem>> -> memref<1x1x32x128xf32, #tpu.memory_space<vmem>>
    %dma_wait3A_1187 = tpu.memref_squeeze %dma_wait3A_1186 : memref<1x1x32x128xf32, #tpu.memory_space<vmem>> -> memref<32x128xf32, #tpu.memory_space<vmem>>
    %dma_wait3A_1188 = tpu.memref_slice %arg2[%multiple_of3A_835, %multiple_of3A_899] : memref<1024x32000xf32, #tpu.memory_space<hbm>> -> memref<32x128xf32, #tpu.memory_space<hbm>>
    %dma_wait3A_1189 = arith.constant 0 : i32
    %dma_wait3A_1190 = arith.constant 0 : i32
    %dma_wait3A_1191 = tpu.memref_slice %arg4[%dma_wait3A_1182, %dma_wait3A_1183, %dma_wait3A_1189, %dma_wait3A_1190] : memref<5x4x32x128xf32, #tpu.memory_space<vmem>> -> memref<1x1x32x128xf32, #tpu.memory_space<vmem>>
    %dma_wait3A_1192 = tpu.memref_squeeze %dma_wait3A_1191 : memref<1x1x32x128xf32, #tpu.memory_space<vmem>> -> memref<32x128xf32, #tpu.memory_space<vmem>>
    %dma_wait3A_1193 = tpu.memref_slice %arg2[%multiple_of3A_835, %multiple_of3A_899] : memref<1024x32000xf32, #tpu.memory_space<hbm>> -> memref<32x128xf32, #tpu.memory_space<hbm>>
    tpu.wait_dma2 semaphore(%arg6 : memref<!tpu.dma_semaphore, #tpu.memory_space<semaphore_mem>>) src(%dma_wait3A_1193 : memref<32x128xf32, #tpu.memory_space<hbm>>) dst(%dma_wait3A_1192 : memref<32x128xf32, #tpu.memory_space<vmem>>)
    %dma_wait3A_1194 = arith.constant 2 : i32
    %dma_wait3A_1195 = arith.constant 0 : i32
    %dma_wait3A_1196 = arith.constant 0 : i32
    %dma_wait3A_1197 = tpu.memref_slice %arg5[%dma_wait3A_1194, %dma_wait3A_1195, %dma_wait3A_1196] : memref<5x32x128xf32, #tpu.memory_space<vmem>> -> memref<1x32x128xf32, #tpu.memory_space<vmem>>
    %dma_wait3A_1198 = tpu.memref_squeeze %dma_wait3A_1197 : memref<1x32x128xf32, #tpu.memory_space<vmem>> -> memref<32x128xf32, #tpu.memory_space<vmem>>
    %dma_wait3A_1199 = tpu.memref_slice %arg3[%multiple_of3A_773, %multiple_of3A] : memref<1024x1024xf32, #tpu.memory_space<hbm>> -> memref<32x128xf32, #tpu.memory_space<hbm>>
    %dma_wait3A_1200 = tpu.memref_slice %arg3[%multiple_of3A_773, %multiple_of3A] : memref<1024x1024xf32, #tpu.memory_space<hbm>> -> memref<32x128xf32, #tpu.memory_space<hbm>>
    %dma_wait3A_1201 = arith.constant 0 : i32
    %dma_wait3A_1202 = arith.constant 0 : i32
    %dma_wait3A_1203 = tpu.memref_slice %arg5[%dma_wait3A_1194, %dma_wait3A_1201, %dma_wait3A_1202] : memref<5x32x128xf32, #tpu.memory_space<vmem>> -> memref<1x32x128xf32, #tpu.memory_space<vmem>>
    %dma_wait3A_1204 = tpu.memref_squeeze %dma_wait3A_1203 : memref<1x32x128xf32, #tpu.memory_space<vmem>> -> memref<32x128xf32, #tpu.memory_space<vmem>>
    tpu.wait_dma2 semaphore(%arg7 : memref<!tpu.dma_semaphore, #tpu.memory_space<semaphore_mem>>) src(%dma_wait3A_1204 : memref<32x128xf32, #tpu.memory_space<vmem>>) dst(%dma_wait3A_1200 : memref<32x128xf32, #tpu.memory_space<hbm>>)
    %parallel_loop3A_1205 = arith.constant 0 : i32
    %parallel_loop3A_1206 = arith.constant 32 : i32
    %parallel_loop3A_1207 = arith.constant 1 : i32
    scf.for %parallel_loop3A_1277 = %parallel_loop3A_1205 to %parallel_loop3A_1206 step %parallel_loop3A_1207  : i32 {
      %parallel_loop3A_1278 = arith.constant 2 : i32
      %parallel_loop3A_1279 = arith.constant 0 : i32
      %parallel_loop3A_1280 = arith.index_cast %parallel_loop3A_1278 : i32 to index
      %parallel_loop3A_1281 = arith.index_cast %parallel_loop3A_1279 : i32 to index
      %parallel_loop3A_1282 = arith.index_cast %parallel_loop3A_1277 : i32 to index
      %parallel_loop3A_1283 = arith.constant 0 : index
      %parallel_loop3A_1284 = tpu.vector_load %arg4[%parallel_loop3A_1280, %parallel_loop3A_1281, %parallel_loop3A_1282, %parallel_loop3A_1283] {strides = array<i32>} : memref<5x4x32x128xf32, #tpu.memory_space<vmem>>, vector<1x1x1x16xf32>,
      %parallel_loop3A_1285 = vector.shape_cast %parallel_loop3A_1284 : vector<1x1x1x16xf32> to vector<16xf32>
      %parallel_loop3A_1286 = arith.constant 2 : i32
      %parallel_loop3A_1287 = arith.constant 0 : i32
      %parallel_loop3A_1288 = arith.index_cast %parallel_loop3A_1286 : i32 to index
      %parallel_loop3A_1289 = arith.index_cast %parallel_loop3A_1287 : i32 to index
      %parallel_loop3A_1290 = arith.index_cast %parallel_loop3A_1277 : i32 to index
      %parallel_loop3A_1291 = arith.constant 16 : index
      %parallel_loop3A_1292 = tpu.vector_load %arg4[%parallel_loop3A_1288, %parallel_loop3A_1289, %parallel_loop3A_1290, %parallel_loop3A_1291] {strides = array<i32>} : memref<5x4x32x128xf32, #tpu.memory_space<vmem>>, vector<1x1x1x16xf32>,
      %parallel_loop3A_1293 = vector.shape_cast %parallel_loop3A_1292 : vector<1x1x1x16xf32> to vector<16xf32>
      %parallel_loop3A_1294 = arith.mulf %parallel_loop3A_1285, %broadcast_in_dim3A : vector<16xf32>
      %parallel_loop3A_1295 = arith.mulf %parallel_loop3A_1293, %broadcast_in_dim3A : vector<16xf32>
      %parallel_loop3A_1296 = arith.constant 2 : i32
      %parallel_loop3A_1297 = arith.index_cast %parallel_loop3A_1296 : i32 to index
      %parallel_loop3A_1298 = arith.index_cast %parallel_loop3A_1277 : i32 to index
      %parallel_loop3A_1299 = arith.constant 0 : index
      %parallel_loop3A_1300 = tpu.vector_load %arg5[%parallel_loop3A_1297, %parallel_loop3A_1298, %parallel_loop3A_1299] {strides = array<i32>} : memref<5x32x128xf32, #tpu.memory_space<vmem>>, vector<1x1x16xf32>,
      %parallel_loop3A_1301 = vector.shape_cast %parallel_loop3A_1300 : vector<1x1x16xf32> to vector<16xf32>
      %parallel_loop3A_1302 = vector.shape_cast %parallel_loop3A_1294 : vector<16xf32> to vector<1x1x16xf32>
      tpu.vector_store %arg5[%parallel_loop3A_1297, %parallel_loop3A_1298, %parallel_loop3A_1299], %parallel_loop3A_1302 {strides = array<i32>} : memref<5x32x128xf32, #tpu.memory_space<vmem>>, vector<1x1x16xf32>,
      %parallel_loop3A_1303 = arith.constant 2 : i32
      %parallel_loop3A_1304 = arith.index_cast %parallel_loop3A_1303 : i32 to index
      %parallel_loop3A_1305 = arith.index_cast %parallel_loop3A_1277 : i32 to index
      %parallel_loop3A_1306 = arith.constant 16 : index
      %parallel_loop3A_1307 = tpu.vector_load %arg5[%parallel_loop3A_1304, %parallel_loop3A_1305, %parallel_loop3A_1306] {strides = array<i32>} : memref<5x32x128xf32, #tpu.memory_space<vmem>>, vector<1x1x16xf32>,
      %parallel_loop3A_1308 = vector.shape_cast %parallel_loop3A_1307 : vector<1x1x16xf32> to vector<16xf32>
      %parallel_loop3A_1309 = vector.shape_cast %parallel_loop3A_1295 : vector<16xf32> to vector<1x1x16xf32>
      tpu.vector_store %arg5[%parallel_loop3A_1304, %parallel_loop3A_1305, %parallel_loop3A_1306], %parallel_loop3A_1309 {strides = array<i32>} : memref<5x32x128xf32, #tpu.memory_space<vmem>>, vector<1x1x16xf32>,
      %parallel_loop3A_1310 = arith.constant 2 : i32
      %parallel_loop3A_1311 = arith.constant 1 : i32
      %parallel_loop3A_1312 = arith.index_cast %parallel_loop3A_1310 : i32 to index
      %parallel_loop3A_1313 = arith.index_cast %parallel_loop3A_1311 : i32 to index
      %parallel_loop3A_1314 = arith.index_cast %parallel_loop3A_1277 : i32 to index
      %parallel_loop3A_1315 = arith.constant 96 : index
      %parallel_loop3A_1316 = tpu.vector_load %arg4[%parallel_loop3A_1312, %parallel_loop3A_1313, %parallel_loop3A_1314, %parallel_loop3A_1315] {strides = array<i32>} : memref<5x4x32x128xf32, #tpu.memory_space<vmem>>, vector<1x1x1x16xf32>,
      %parallel_loop3A_1317 = vector.shape_cast %parallel_loop3A_1316 : vector<1x1x1x16xf32> to vector<16xf32>
      %parallel_loop3A_1318 = arith.constant 2 : i32
      %parallel_loop3A_1319 = arith.constant 1 : i32
      %parallel_loop3A_1320 = arith.index_cast %parallel_loop3A_1318 : i32 to index
      %parallel_loop3A_1321 = arith.index_cast %parallel_loop3A_1319 : i32 to index
      %parallel_loop3A_1322 = arith.index_cast %parallel_loop3A_1277 : i32 to index
      %parallel_loop3A_1323 = arith.constant 112 : index
      %parallel_loop3A_1324 = tpu.vector_load %arg4[%parallel_loop3A_1320, %parallel_loop3A_1321, %parallel_loop3A_1322, %parallel_loop3A_1323] {strides = array<i32>} : memref<5x4x32x128xf32, #tpu.memory_space<vmem>>, vector<1x1x1x16xf32>,
      %parallel_loop3A_1325 = vector.shape_cast %parallel_loop3A_1324 : vector<1x1x1x16xf32> to vector<16xf32>
      %parallel_loop3A_1326 = arith.constant 2 : i32
      %parallel_loop3A_1327 = arith.index_cast %parallel_loop3A_1326 : i32 to index
      %parallel_loop3A_1328 = arith.index_cast %parallel_loop3A_1277 : i32 to index
      %parallel_loop3A_1329 = arith.constant 32 : index
      %parallel_loop3A_1330 = tpu.vector_load %arg5[%parallel_loop3A_1327, %parallel_loop3A_1328, %parallel_loop3A_1329] {strides = array<i32>} : memref<5x32x128xf32, #tpu.memory_space<vmem>>, vector<1x1x16xf32>,
      %parallel_loop3A_1331 = vector.shape_cast %parallel_loop3A_1330 : vector<1x1x16xf32> to vector<16xf32>
      %parallel_loop3A_1332 = vector.shape_cast %parallel_loop3A_1317 : vector<16xf32> to vector<1x1x16xf32>
      tpu.vector_store %arg5[%parallel_loop3A_1327, %parallel_loop3A_1328, %parallel_loop3A_1329], %parallel_loop3A_1332 {strides = array<i32>} : memref<5x32x128xf32, #tpu.memory_space<vmem>>, vector<1x1x16xf32>,
      %parallel_loop3A_1333 = arith.constant 2 : i32
      %parallel_loop3A_1334 = arith.index_cast %parallel_loop3A_1333 : i32 to index
      %parallel_loop3A_1335 = arith.index_cast %parallel_loop3A_1277 : i32 to index
      %parallel_loop3A_1336 = arith.constant 48 : index
      %parallel_loop3A_1337 = tpu.vector_load %arg5[%parallel_loop3A_1334, %parallel_loop3A_1335, %parallel_loop3A_1336] {strides = array<i32>} : memref<5x32x128xf32, #tpu.memory_space<vmem>>, vector<1x1x16xf32>,
      %parallel_loop3A_1338 = vector.shape_cast %parallel_loop3A_1337 : vector<1x1x16xf32> to vector<16xf32>
      %parallel_loop3A_1339 = vector.shape_cast %parallel_loop3A_1325 : vector<16xf32> to vector<1x1x16xf32>
      tpu.vector_store %arg5[%parallel_loop3A_1334, %parallel_loop3A_1335, %parallel_loop3A_1336], %parallel_loop3A_1339 {strides = array<i32>} : memref<5x32x128xf32, #tpu.memory_space<vmem>>, vector<1x1x16xf32>,
      %parallel_loop3A_1340 = arith.constant 2 : i32
      %parallel_loop3A_1341 = arith.constant 2 : i32
      %parallel_loop3A_1342 = arith.index_cast %parallel_loop3A_1340 : i32 to index
      %parallel_loop3A_1343 = arith.index_cast %parallel_loop3A_1341 : i32 to index
      %parallel_loop3A_1344 = arith.index_cast %parallel_loop3A_1277 : i32 to index
      %parallel_loop3A_1345 = arith.constant 64 : index
      %parallel_loop3A_1346 = tpu.vector_load %arg4[%parallel_loop3A_1342, %parallel_loop3A_1343, %parallel_loop3A_1344, %parallel_loop3A_1345] {strides = array<i32>} : memref<5x4x32x128xf32, #tpu.memory_space<vmem>>, vector<1x1x1x16xf32>,
      %parallel_loop3A_1347 = vector.shape_cast %parallel_loop3A_1346 : vector<1x1x1x16xf32> to vector<16xf32>
      %parallel_loop3A_1348 = arith.constant 2 : i32
      %parallel_loop3A_1349 = arith.constant 2 : i32
      %parallel_loop3A_1350 = arith.index_cast %parallel_loop3A_1348 : i32 to index
      %parallel_loop3A_1351 = arith.index_cast %parallel_loop3A_1349 : i32 to index
      %parallel_loop3A_1352 = arith.index_cast %parallel_loop3A_1277 : i32 to index
      %parallel_loop3A_1353 = arith.constant 80 : index
      %parallel_loop3A_1354 = tpu.vector_load %arg4[%parallel_loop3A_1350, %parallel_loop3A_1351, %parallel_loop3A_1352, %parallel_loop3A_1353] {strides = array<i32>} : memref<5x4x32x128xf32, #tpu.memory_space<vmem>>, vector<1x1x1x16xf32>,
      %parallel_loop3A_1355 = vector.shape_cast %parallel_loop3A_1354 : vector<1x1x1x16xf32> to vector<16xf32>
      %parallel_loop3A_1356 = arith.constant 2 : i32
      %parallel_loop3A_1357 = arith.index_cast %parallel_loop3A_1356 : i32 to index
      %parallel_loop3A_1358 = arith.index_cast %parallel_loop3A_1277 : i32 to index
      %parallel_loop3A_1359 = arith.constant 64 : index
      %parallel_loop3A_1360 = tpu.vector_load %arg5[%parallel_loop3A_1357, %parallel_loop3A_1358, %parallel_loop3A_1359] {strides = array<i32>} : memref<5x32x128xf32, #tpu.memory_space<vmem>>, vector<1x1x16xf32>,
      %parallel_loop3A_1361 = vector.shape_cast %parallel_loop3A_1360 : vector<1x1x16xf32> to vector<16xf32>
      %parallel_loop3A_1362 = vector.shape_cast %parallel_loop3A_1347 : vector<16xf32> to vector<1x1x16xf32>
      tpu.vector_store %arg5[%parallel_loop3A_1357, %parallel_loop3A_1358, %parallel_loop3A_1359], %parallel_loop3A_1362 {strides = array<i32>} : memref<5x32x128xf32, #tpu.memory_space<vmem>>, vector<1x1x16xf32>,
      %parallel_loop3A_1363 = arith.constant 2 : i32
      %parallel_loop3A_1364 = arith.index_cast %parallel_loop3A_1363 : i32 to index
      %parallel_loop3A_1365 = arith.index_cast %parallel_loop3A_1277 : i32 to index
      %parallel_loop3A_1366 = arith.constant 80 : index
      %parallel_loop3A_1367 = tpu.vector_load %arg5[%parallel_loop3A_1364, %parallel_loop3A_1365, %parallel_loop3A_1366] {strides = array<i32>} : memref<5x32x128xf32, #tpu.memory_space<vmem>>, vector<1x1x16xf32>,
      %parallel_loop3A_1368 = vector.shape_cast %parallel_loop3A_1367 : vector<1x1x16xf32> to vector<16xf32>
      %parallel_loop3A_1369 = vector.shape_cast %parallel_loop3A_1355 : vector<16xf32> to vector<1x1x16xf32>
      tpu.vector_store %arg5[%parallel_loop3A_1364, %parallel_loop3A_1365, %parallel_loop3A_1366], %parallel_loop3A_1369 {strides = array<i32>} : memref<5x32x128xf32, #tpu.memory_space<vmem>>, vector<1x1x16xf32>,
      %parallel_loop3A_1370 = arith.constant 2 : i32
      %parallel_loop3A_1371 = arith.constant 3 : i32
      %parallel_loop3A_1372 = arith.index_cast %parallel_loop3A_1370 : i32 to index
      %parallel_loop3A_1373 = arith.index_cast %parallel_loop3A_1371 : i32 to index
      %parallel_loop3A_1374 = arith.index_cast %parallel_loop3A_1277 : i32 to index
      %parallel_loop3A_1375 = arith.constant 32 : index
      %parallel_loop3A_1376 = tpu.vector_load %arg4[%parallel_loop3A_1372, %parallel_loop3A_1373, %parallel_loop3A_1374, %parallel_loop3A_1375] {strides = array<i32>} : memref<5x4x32x128xf32, #tpu.memory_space<vmem>>, vector<1x1x1x16xf32>,
      %parallel_loop3A_1377 = vector.shape_cast %parallel_loop3A_1376 : vector<1x1x1x16xf32> to vector<16xf32>
      %parallel_loop3A_1378 = arith.constant 2 : i32
      %parallel_loop3A_1379 = arith.constant 3 : i32
      %parallel_loop3A_1380 = arith.index_cast %parallel_loop3A_1378 : i32 to index
      %parallel_loop3A_1381 = arith.index_cast %parallel_loop3A_1379 : i32 to index
      %parallel_loop3A_1382 = arith.index_cast %parallel_loop3A_1277 : i32 to index
      %parallel_loop3A_1383 = arith.constant 48 : index
      %parallel_loop3A_1384 = tpu.vector_load %arg4[%parallel_loop3A_1380, %parallel_loop3A_1381, %parallel_loop3A_1382, %parallel_loop3A_1383] {strides = array<i32>} : memref<5x4x32x128xf32, #tpu.memory_space<vmem>>, vector<1x1x1x16xf32>,
      %parallel_loop3A_1385 = vector.shape_cast %parallel_loop3A_1384 : vector<1x1x1x16xf32> to vector<16xf32>
      %parallel_loop3A_1386 = arith.constant 2 : i32
      %parallel_loop3A_1387 = arith.index_cast %parallel_loop3A_1386 : i32 to index
      %parallel_loop3A_1388 = arith.index_cast %parallel_loop3A_1277 : i32 to index
      %parallel_loop3A_1389 = arith.constant 96 : index
      %parallel_loop3A_1390 = tpu.vector_load %arg5[%parallel_loop3A_1387, %parallel_loop3A_1388, %parallel_loop3A_1389] {strides = array<i32>} : memref<5x32x128xf32, #tpu.memory_space<vmem>>, vector<1x1x16xf32>,
      %parallel_loop3A_1391 = vector.shape_cast %parallel_loop3A_1390 : vector<1x1x16xf32> to vector<16xf32>
      %parallel_loop3A_1392 = vector.shape_cast %parallel_loop3A_1377 : vector<16xf32> to vector<1x1x16xf32>
      tpu.vector_store %arg5[%parallel_loop3A_1387, %parallel_loop3A_1388, %parallel_loop3A_1389], %parallel_loop3A_1392 {strides = array<i32>} : memref<5x32x128xf32, #tpu.memory_space<vmem>>, vector<1x1x16xf32>,
      %parallel_loop3A_1393 = arith.constant 2 : i32
      %parallel_loop3A_1394 = arith.index_cast %parallel_loop3A_1393 : i32 to index
      %parallel_loop3A_1395 = arith.index_cast %parallel_loop3A_1277 : i32 to index
      %parallel_loop3A_1396 = arith.constant 112 : index
      %parallel_loop3A_1397 = tpu.vector_load %arg5[%parallel_loop3A_1394, %parallel_loop3A_1395, %parallel_loop3A_1396] {strides = array<i32>} : memref<5x32x128xf32, #tpu.memory_space<vmem>>, vector<1x1x16xf32>,
      %parallel_loop3A_1398 = vector.shape_cast %parallel_loop3A_1397 : vector<1x1x16xf32> to vector<16xf32>
      %parallel_loop3A_1399 = vector.shape_cast %parallel_loop3A_1385 : vector<16xf32> to vector<1x1x16xf32>
      tpu.vector_store %arg5[%parallel_loop3A_1394, %parallel_loop3A_1395, %parallel_loop3A_1396], %parallel_loop3A_1399 {strides = array<i32>} : memref<5x32x128xf32, #tpu.memory_space<vmem>>, vector<1x1x16xf32>,
    } {sc.loop_unroll_factor = 4 : i64, sc.parallel_access}
    %add3A_1208 = arith.constant 224 : i32
    %add3A_1209 = arith.addi %mul3A_32, %add3A_1208 : i32
    %multiple_of3A_1210 = tpu.assume_multiple %add3A_1209, 32 : i32
    %dma_start3A_1211 = arith.constant 2 : i32
    %dma_start3A_1212 = arith.constant 0 : i32
    %dma_start3A_1213 = arith.constant 0 : i32
    %dma_start3A_1214 = tpu.memref_slice %arg5[%dma_start3A_1211, %dma_start3A_1212, %dma_start3A_1213] : memref<5x32x128xf32, #tpu.memory_space<vmem>> -> memref<1x32x128xf32, #tpu.memory_space<vmem>>
    %dma_start3A_1215 = tpu.memref_squeeze %dma_start3A_1214 : memref<1x32x128xf32, #tpu.memory_space<vmem>> -> memref<32x128xf32, #tpu.memory_space<vmem>>
    %dma_start3A_1216 = tpu.memref_slice %arg3[%multiple_of3A_1210, %multiple_of3A] : memref<1024x1024xf32, #tpu.memory_space<hbm>> -> memref<32x128xf32, #tpu.memory_space<hbm>>
    %dma_start3A_1217 = tpu.memref_slice %arg3[%multiple_of3A_1210, %multiple_of3A] : memref<1024x1024xf32, #tpu.memory_space<hbm>> -> memref<32x128xf32, #tpu.memory_space<hbm>>
    %dma_start3A_1218 = arith.constant 0 : i32
    %dma_start3A_1219 = arith.constant 0 : i32
    %dma_start3A_1220 = tpu.memref_slice %arg5[%dma_start3A_1211, %dma_start3A_1218, %dma_start3A_1219] : memref<5x32x128xf32, #tpu.memory_space<vmem>> -> memref<1x32x128xf32, #tpu.memory_space<vmem>>
    %dma_start3A_1221 = tpu.memref_squeeze %dma_start3A_1220 : memref<1x32x128xf32, #tpu.memory_space<vmem>> -> memref<32x128xf32, #tpu.memory_space<vmem>>
    tpu.enqueue_dma source(%dma_start3A_1221 : memref<32x128xf32, #tpu.memory_space<vmem>>) target(%dma_start3A_1217 : memref<32x128xf32, #tpu.memory_space<hbm>>) target_semaphore(%arg7 : memref<!tpu.dma_semaphore, #tpu.memory_space<semaphore_mem>>)
    %dma_wait3A_1222 = arith.constant 0 : i32
    %dma_wait3A_1223 = arith.constant 0 : i32
    %dma_wait3A_1224 = arith.constant 0 : i32
    %dma_wait3A_1225 = tpu.memref_slice %arg5[%dma_wait3A_1222, %dma_wait3A_1223, %dma_wait3A_1224] : memref<5x32x128xf32, #tpu.memory_space<vmem>> -> memref<1x32x128xf32, #tpu.memory_space<vmem>>
    %dma_wait3A_1226 = tpu.memref_squeeze %dma_wait3A_1225 : memref<1x32x128xf32, #tpu.memory_space<vmem>> -> memref<32x128xf32, #tpu.memory_space<vmem>>
    %dma_wait3A_1227 = tpu.memref_slice %arg3[%multiple_of3A_1058, %multiple_of3A] : memref<1024x1024xf32, #tpu.memory_space<hbm>> -> memref<32x128xf32, #tpu.memory_space<hbm>>
    %dma_wait3A_1228 = tpu.memref_slice %arg3[%multiple_of3A_1058, %multiple_of3A] : memref<1024x1024xf32, #tpu.memory_space<hbm>> -> memref<32x128xf32, #tpu.memory_space<hbm>>
    %dma_wait3A_1229 = arith.constant 0 : i32
    %dma_wait3A_1230 = arith.constant 0 : i32
    %dma_wait3A_1231 = tpu.memref_slice %arg5[%dma_wait3A_1222, %dma_wait3A_1229, %dma_wait3A_1230] : memref<5x32x128xf32, #tpu.memory_space<vmem>> -> memref<1x32x128xf32, #tpu.memory_space<vmem>>
    %dma_wait3A_1232 = tpu.memref_squeeze %dma_wait3A_1231 : memref<1x32x128xf32, #tpu.memory_space<vmem>> -> memref<32x128xf32, #tpu.memory_space<vmem>>
    tpu.wait_dma2 semaphore(%arg7 : memref<!tpu.dma_semaphore, #tpu.memory_space<semaphore_mem>>) src(%dma_wait3A_1232 : memref<32x128xf32, #tpu.memory_space<vmem>>) dst(%dma_wait3A_1228 : memref<32x128xf32, #tpu.memory_space<hbm>>)
    %dma_wait3A_1233 = arith.constant 1 : i32
    %dma_wait3A_1234 = arith.constant 0 : i32
    %dma_wait3A_1235 = arith.constant 0 : i32
    %dma_wait3A_1236 = tpu.memref_slice %arg5[%dma_wait3A_1233, %dma_wait3A_1234, %dma_wait3A_1235] : memref<5x32x128xf32, #tpu.memory_space<vmem>> -> memref<1x32x128xf32, #tpu.memory_space<vmem>>
    %dma_wait3A_1237 = tpu.memref_squeeze %dma_wait3A_1236 : memref<1x32x128xf32, #tpu.memory_space<vmem>> -> memref<32x128xf32, #tpu.memory_space<vmem>>
    %dma_wait3A_1238 = tpu.memref_slice %arg3[%multiple_of3A_1134, %multiple_of3A] : memref<1024x1024xf32, #tpu.memory_space<hbm>> -> memref<32x128xf32, #tpu.memory_space<hbm>>
    %dma_wait3A_1239 = tpu.memref_slice %arg3[%multiple_of3A_1134, %multiple_of3A] : memref<1024x1024xf32, #tpu.memory_space<hbm>> -> memref<32x128xf32, #tpu.memory_space<hbm>>
    %dma_wait3A_1240 = arith.constant 0 : i32
    %dma_wait3A_1241 = arith.constant 0 : i32
    %dma_wait3A_1242 = tpu.memref_slice %arg5[%dma_wait3A_1233, %dma_wait3A_1240, %dma_wait3A_1241] : memref<5x32x128xf32, #tpu.memory_space<vmem>> -> memref<1x32x128xf32, #tpu.memory_space<vmem>>
    %dma_wait3A_1243 = tpu.memref_squeeze %dma_wait3A_1242 : memref<1x32x128xf32, #tpu.memory_space<vmem>> -> memref<32x128xf32, #tpu.memory_space<vmem>>
    tpu.wait_dma2 semaphore(%arg7 : memref<!tpu.dma_semaphore, #tpu.memory_space<semaphore_mem>>) src(%dma_wait3A_1243 : memref<32x128xf32, #tpu.memory_space<vmem>>) dst(%dma_wait3A_1239 : memref<32x128xf32, #tpu.memory_space<hbm>>)
    %dma_wait3A_1244 = arith.constant 2 : i32
    %dma_wait3A_1245 = arith.constant 0 : i32
    %dma_wait3A_1246 = arith.constant 0 : i32
    %dma_wait3A_1247 = tpu.memref_slice %arg5[%dma_wait3A_1244, %dma_wait3A_1245, %dma_wait3A_1246] : memref<5x32x128xf32, #tpu.memory_space<vmem>> -> memref<1x32x128xf32, #tpu.memory_space<vmem>>
    %dma_wait3A_1248 = tpu.memref_squeeze %dma_wait3A_1247 : memref<1x32x128xf32, #tpu.memory_space<vmem>> -> memref<32x128xf32, #tpu.memory_space<vmem>>
    %dma_wait3A_1249 = tpu.memref_slice %arg3[%multiple_of3A_1210, %multiple_of3A] : memref<1024x1024xf32, #tpu.memory_space<hbm>> -> memref<32x128xf32, #tpu.memory_space<hbm>>
    %dma_wait3A_1250 = tpu.memref_slice %arg3[%multiple_of3A_1210, %multiple_of3A] : memref<1024x1024xf32, #tpu.memory_space<hbm>> -> memref<32x128xf32, #tpu.memory_space<hbm>>
    %dma_wait3A_1251 = arith.constant 0 : i32
    %dma_wait3A_1252 = arith.constant 0 : i32
    %dma_wait3A_1253 = tpu.memref_slice %arg5[%dma_wait3A_1244, %dma_wait3A_1251, %dma_wait3A_1252] : memref<5x32x128xf32, #tpu.memory_space<vmem>> -> memref<1x32x128xf32, #tpu.memory_space<vmem>>
    %dma_wait3A_1254 = tpu.memref_squeeze %dma_wait3A_1253 : memref<1x32x128xf32, #tpu.memory_space<vmem>> -> memref<32x128xf32, #tpu.memory_space<vmem>>
    tpu.wait_dma2 semaphore(%arg7 : memref<!tpu.dma_semaphore, #tpu.memory_space<semaphore_mem>>) src(%dma_wait3A_1254 : memref<32x128xf32, #tpu.memory_space<vmem>>) dst(%dma_wait3A_1250 : memref<32x128xf32, #tpu.memory_space<hbm>>)
    %dma_wait3A_1255 = arith.constant 3 : i32
    %dma_wait3A_1256 = arith.constant 0 : i32
    %dma_wait3A_1257 = arith.constant 0 : i32
    %dma_wait3A_1258 = tpu.memref_slice %arg5[%dma_wait3A_1255, %dma_wait3A_1256, %dma_wait3A_1257] : memref<5x32x128xf32, #tpu.memory_space<vmem>> -> memref<1x32x128xf32, #tpu.memory_space<vmem>>
    %dma_wait3A_1259 = tpu.memref_squeeze %dma_wait3A_1258 : memref<1x32x128xf32, #tpu.memory_space<vmem>> -> memref<32x128xf32, #tpu.memory_space<vmem>>
    %dma_wait3A_1260 = tpu.memref_slice %arg3[%multiple_of3A_917, %multiple_of3A] : memref<1024x1024xf32, #tpu.memory_space<hbm>> -> memref<32x128xf32, #tpu.memory_space<hbm>>
    %dma_wait3A_1261 = tpu.memref_slice %arg3[%multiple_of3A_917, %multiple_of3A] : memref<1024x1024xf32, #tpu.memory_space<hbm>> -> memref<32x128xf32, #tpu.memory_space<hbm>>
    %dma_wait3A_1262 = arith.constant 0 : i32
    %dma_wait3A_1263 = arith.constant 0 : i32
    %dma_wait3A_1264 = tpu.memref_slice %arg5[%dma_wait3A_1255, %dma_wait3A_1262, %dma_wait3A_1263] : memref<5x32x128xf32, #tpu.memory_space<vmem>> -> memref<1x32x128xf32, #tpu.memory_space<vmem>>
    %dma_wait3A_1265 = tpu.memref_squeeze %dma_wait3A_1264 : memref<1x32x128xf32, #tpu.memory_space<vmem>> -> memref<32x128xf32, #tpu.memory_space<vmem>>
    tpu.wait_dma2 semaphore(%arg7 : memref<!tpu.dma_semaphore, #tpu.memory_space<semaphore_mem>>) src(%dma_wait3A_1265 : memref<32x128xf32, #tpu.memory_space<vmem>>) dst(%dma_wait3A_1261 : memref<32x128xf32, #tpu.memory_space<hbm>>)
    %dma_wait3A_1266 = arith.constant 4 : i32
    %dma_wait3A_1267 = arith.constant 0 : i32
    %dma_wait3A_1268 = arith.constant 0 : i32
    %dma_wait3A_1269 = tpu.memref_slice %arg5[%dma_wait3A_1266, %dma_wait3A_1267, %dma_wait3A_1268] : memref<5x32x128xf32, #tpu.memory_space<vmem>> -> memref<1x32x128xf32, #tpu.memory_space<vmem>>
    %dma_wait3A_1270 = tpu.memref_squeeze %dma_wait3A_1269 : memref<1x32x128xf32, #tpu.memory_space<vmem>> -> memref<32x128xf32, #tpu.memory_space<vmem>>
    %dma_wait3A_1271 = tpu.memref_slice %arg3[%multiple_of3A_982, %multiple_of3A] : memref<1024x1024xf32, #tpu.memory_space<hbm>> -> memref<32x128xf32, #tpu.memory_space<hbm>>
    %dma_wait3A_1272 = tpu.memref_slice %arg3[%multiple_of3A_982, %multiple_of3A] : memref<1024x1024xf32, #tpu.memory_space<hbm>> -> memref<32x128xf32, #tpu.memory_space<hbm>>
    %dma_wait3A_1273 = arith.constant 0 : i32
    %dma_wait3A_1274 = arith.constant 0 : i32
    %dma_wait3A_1275 = tpu.memref_slice %arg5[%dma_wait3A_1266, %dma_wait3A_1273, %dma_wait3A_1274] : memref<5x32x128xf32, #tpu.memory_space<vmem>> -> memref<1x32x128xf32, #tpu.memory_space<vmem>>
    %dma_wait3A_1276 = tpu.memref_squeeze %dma_wait3A_1275 : memref<1x32x128xf32, #tpu.memory_space<vmem>> -> memref<32x128xf32, #tpu.memory_space<vmem>>
    tpu.wait_dma2 semaphore(%arg7 : memref<!tpu.dma_semaphore, #tpu.memory_space<semaphore_mem>>) src(%dma_wait3A_1276 : memref<32x128xf32, #tpu.memory_space<vmem>>) dst(%dma_wait3A_1272 : memref<32x128xf32, #tpu.memory_space<hbm>>)
    return
  }
}

</mosaic_0001>

<sc_bundles>
// kernel: kernel.3.cloned.1.call-start
scs
__scs_entry_jumppad:
0x0: {  	(pc) =	sbr.rel $0x88, $3  }
0x1: {  	(tag) =	ssettag $0x0;
	lr =	simm.s32 $0x1  }
0x2: {  	[smem:$0x3FA0] =	sst lr;
	_ =	strace $0xD0000000  }
0x3: {  	_ = 	snop  }
0x4: {  	_ = 	snop  }
0x5: {  	_ = 	snop  }
0x6: {  	_ = 	snop  }
0x7: {  	_ = 	snop  }
__scs_overlays_trampoline_lowered:
0x8: {  	[smem:$0x3FAF] =	sst s0  }
0x9: {  	[smem:$0x3FB0] =	sst s1  }
0xa: {  	[smem:$0x3FB1] =	sst s2  }
0xb: {  	[smem:$0x3FB2] =	sst s3  }
0xc: {  	[smem:$0x3FB3] =	sst s4  }
0xd: {  	[smem:$0x3FB4] =	sst s5  }
0xe: {  	[smem:$0x3FB5] =	sst s6  }
0xf: {  	[smem:$0x3FB6] =	sst s7  }
0x10: {  	[smem:$0x3FB7] =	sst s8  }
0x11: {  	[smem:$0x3FB8] =	sst s9;
	s0 =	simm.s32 @!p0 $0x0  }
0x12: {  	s1 =	sld [smem:$0x3F9E];
	s0 =	simm.s32 @p0 $0x1  }
0x13: {  	[smem:$0x3FB9] =	sst s0;
	s0 =	simm.s32 @!p1 $0x0  }
0x14: {  	s2 =	sld [smem:$0x3F9D];
	s0 =	simm.s32 @p1 $0x1  }
0x15: {  	[smem:$0x3FBA] =	sst s0;
	s0 =	simm.s32 @!p2 $0x0  }
0x16: {  	s3 =	sld [smem:$0x3FDB];
	s0 =	simm.s32 @p2 $0x1  }
0x17: {  	s4 =	simm.s32 $0x1BF5;
	[smem:$0x3FBC] =	sst s0  }
0x18: {  	s0 =	sld [smem:$0x3F9F];
	_ =	swait.ge [sflag:s4], $0x0  }
0x19: {  	s7 =	sld [smem:$0x3FA0]  }
0x1a: {  	s8 =	sadd.s32 $0xFFFFE003, lr  }
0x1b: {  	s9 =	sadd.s32 $0xFFFFFEF7, lr;
	s5 =	simm.s32 $0xFFFFFFFF;
	p2 =	slt.u32 s8, $0xFFFFF086  }
0x1c: {  	p1 =	slt.u32 s9, $0xF7A;
	s5 =	simm.s32 @!p2 $0x0  }
0x1d: {  	s5 =	simm.s32 @p1 $0x1;
	p0 =	seq.s32 s7, s2  }
0x1e: {  	s7 =	smul.u32 @!p0 $0xF7A, s2;
	p2 =	seq.s32 @!p0 s5, $0x0  }
0x1f: {  	s9 =	smul.u32 $0xF7A, s1;
	s8 =	simm.s32 @!p0 $0x1BF5;
	p2 =	por !p2, p0  }
0x20: {  	[sflag:s8] =	ssyncset.s32 @!p0 $0xFFFFF086;
	s6 =	sadd.s32 @!p0 s3, s7;
	s7 =	simm.s32 @!p0 $0x108  }
0x21: {  	s3 =	sadd.s32 s3, s9;
	s6 =	sadd.s32 @!p0 $0x88, s6;
	s7 =	simm.s32 @p2 $0x1082  }
0x22: {  	[simem:s7], [sflag:s8] =	dma.local @!p0 [hbm:s6], $0xF7A  }
0x23: {  	s9 =	sor.u32 $0xD0000000, s2;
	s6 =	simm.s32 $0x108;
	_ =	swait.ge @!p0 [sflag:s8], $0x0  }
0x24: {  	s3 =	sadd.s32 $0x88, s3;
	s6 =	simm.s32 @!p1 $0x1082;
	[sflag:s4] =	ssyncset.s32 $0xFFFFF086  }
0x25: {  	[simem:s6], [sflag:s4] =	dma.local [hbm:s3], $0xF7A  }
0x26: {  	[smem:$0x3FA0] =	sst s1;
	(tag) =	ssettag s2;
	_ =	strace s9  }
0x27: {  	s1 =	sld [smem:$0x3FB0]  }
0x28: {  	s2 =	sld [smem:$0x3FB1]  }
0x29: {  	s4 =	sld [smem:$0x3FB3]  }
0x2a: {  	p0 =	seq.s32 s5, $0x0;
	s5 =	sld [smem:$0x3FB4]  }
0x2b: {  	s6 =	sld [smem:$0x3FB5]  }
0x2c: {  	s7 =	sld [smem:$0x3FB6]  }
0x2d: {  	s3 =	simm.s32 $0x108;
	s8 =	sld [smem:$0x3FB7]  }
0x2e: {  	s3 =	simm.s32 @!p0 $0x1082;
	s9 =	sld [smem:$0x3FB8]  }
0x2f: {  	lr =	sadd.s32 s0, s3;
	s0 =	sld [smem:$0x3FAF]  }
0x30: {  	s3 =	sld [smem:$0x3FB2]  }
0x31: {  	[smem:$0x3FBB] =	sst s10  }
0x32: {  	s10 =	sld [smem:$0x3FB9];
	_ =	sdelay $0x3  }
0x33: {  	p0 =	seq.s32 s10, $0x1;
	s10 =	sld [smem:$0x3FBB];
	_ =	sdelay $0x3  }
0x34: {  	[smem:$0x3FBB] =	sst s10  }
0x35: {  	s10 =	sld [smem:$0x3FBA];
	_ =	sdelay $0x3  }
0x36: {  	p1 =	seq.s32 s10, $0x1;
	s10 =	sld [smem:$0x3FBB];
	_ =	sdelay $0x3  }
0x37: {  	[smem:$0x3FBB] =	sst s10  }
0x38: {  	s10 =	sld [smem:$0x3FBC]  }
0x39: {  	_ = 	snop;
	(pc) =	sbr.ind lr, $3  }
0x3a: {  	_ = 	snop  }
0x3b: {  	_ = 	snop  }
0x3c: {  	p2 =	seq.s32 s10, $0x1;
	s10 =	sld [smem:$0x3FBB]  }
0x3d: {  	_ =	shalt  }
0x3e: {  	_ =	shalt  }
0x3f: {  	_ =	shalt  }
0x40: {  	_ =	shalt  }
0x41: {  	_ =	shalt  }
0x42: {  	_ =	shalt  }
0x43: {  	_ =	shalt  }
0x44: {  	_ =	shalt  }
0x45: {  	_ =	shalt  }
0x46: {  	_ =	shalt  }
0x47: {  	_ =	shalt  }
0x48: {  	_ =	shalt  }
0x49: {  	_ =	shalt  }
0x4a: {  	_ =	shalt  }
0x4b: {  	_ =	shalt  }
0x4c: {  	_ =	shalt  }
0x4d: {  	_ =	shalt  }
0x4e: {  	_ =	shalt  }
0x4f: {  	_ =	shalt  }
0x50: {  	_ =	shalt  }
0x51: {  	_ =	shalt  }
0x52: {  	_ =	shalt  }
0x53: {  	_ =	shalt  }
0x54: {  	_ =	shalt  }
0x55: {  	_ =	shalt  }
0x56: {  	_ =	shalt  }
0x57: {  	_ =	shalt  }
0x58: {  	_ =	shalt  }
0x59: {  	_ =	shalt  }
0x5a: {  	_ =	shalt  }
0x5b: {  	_ =	shalt  }
0x5c: {  	_ =	shalt  }
0x5d: {  	_ =	shalt  }
0x5e: {  	_ =	shalt  }
0x5f: {  	_ =	shalt  }
0x60: {  	_ =	shalt  }
0x61: {  	_ =	shalt  }
0x62: {  	_ =	shalt  }
0x63: {  	_ =	shalt  }
0x64: {  	_ =	shalt  }
0x65: {  	_ =	shalt  }
0x66: {  	_ =	shalt  }
0x67: {  	_ =	shalt  }
0x68: {  	_ =	shalt  }
0x69: {  	_ =	shalt  }
0x6a: {  	_ =	shalt  }
0x6b: {  	_ =	shalt  }
0x6c: {  	_ =	shalt  }
0x6d: {  	_ =	shalt  }
0x6e: {  	_ =	shalt  }
0x6f: {  	_ =	shalt  }
0x70: {  	_ =	shalt  }
0x71: {  	_ =	shalt  }
0x72: {  	_ =	shalt  }
0x73: {  	_ =	shalt  }
0x74: {  	_ =	shalt  }
0x75: {  	_ =	shalt  }
0x76: {  	_ =	shalt  }
0x77: {  	_ =	shalt  }
0x78: {  	_ =	shalt  }
0x79: {  	_ =	shalt  }
0x7a: {  	_ =	shalt  }
0x7b: {  	_ =	shalt  }
0x7c: {  	_ =	shalt  }
0x7d: {  	_ =	shalt  }
0x7e: {  	_ =	shalt  }
0x7f: {  	_ =	shalt  }
0x80: {  	_ =	shalt  }
0x81: {  	_ =	shalt  }
0x82: {  	_ =	shalt  }
0x83: {  	_ =	shalt  }
0x84: {  	_ =	shalt  }
0x85: {  	_ =	shalt  }
0x86: {  	_ =	shalt  }
0x87: {  	_ =	shalt  }
.Lfunc_end0:
.L_simem_size_0:
called_computation_lowered:
.L_overlay_start_0:
0x88: {  	s2 =	sld [smem:$0x3FD9]  }
0x89: {  	s3 =	sld [smem:$0x3FFE];
	_ =	sdelay $0x1  }
0x8a: {  	s1 =	srdreg.scid  }
0x8b: {  	s0 =	sand.u32 $0x1, s1  }
0x8c: {  	s18 =	sshll.u32 s0, $0xA;
	s2 =	sadd.s32 s3, s2  }
0x8d: {  	s2 =	sadd.s32 s2, s18  }
0x8e: {  	[smem:$0x3FC7] =	sst s2  }
0x8f: {  	_ = 	snop  }
0x90: {  	s2 =	sld [smem:$0x3FC9]  }
0x91: {  	s19 =	sld [smem:$0x3FD0];
	(tm) =	ssettm $0x1  }
0x92: {  	s4 =	sld [smem:$0x3FFB];
	_ =	sdelay $0x3  }
0x93: {  	_ =	strace s4  }
0x94: {  	s4 =	sld [smem:$0x3FFC];
	_ =	sdelay $0x3  }
0x95: {  	_ =	strace s4  }
0x96: {  	s4 =	sld [smem:$0x3FFD];
	_ =	sdelay $0x3  }
0x97: {  	_ =	strace s4  }
0x98: {  	_ =	strace $0x8FFFFFFF  }
0x99: {  	s20 =	sld [smem:$0x3FDB];
	_ =	sdelay $0x1  }
0x9a: {  	s5 =	simm.s32 $_scs_section_size  }
0x9b: {  	s6 =	simm.s32 $_size__tile_overlayer_lowered;
	s7 =	simm.s32 $_tile_overlayer_lowered  }
0x9c: {  	s23 =	simm.s32 $0x1BFF;
	s22 =	sshll.u32 s7, $0x1;
	s4 =	sadd.s32 s5, s20  }
0x9d: {  	s8 =	simm.s32 $0x0;
	s21 =	sshll.u32 s6, $0x1;
	s6 =	sadd.s32 s22, s4  }
0x9e: {  	[timem:s8], [sflag:s23] =	dma.local [hbm:s6], s21  }
0x9f: {  	_ =	swait.ge [sflag:s23], s21  }
0xa0: {  	s5 =	ssub.s32 $0x0, s21;
	[sflag:s23] =	ssyncset.done $0x0  }
0xa1: {  	[sflag:s23] =	ssyncadd.s32 s5;
	_ =	sdelay $0x1  }
0xa2: {  	s24 =	simm.s32 $0x1B8B  }
0xa3: {  	_ =	swait.ge [sflag:s24], $0x1  }
0xa4: {  	[sflag:s24] =	ssyncset.done $0x0  }
0xa5: {  	s25 =	simm.s32 $0x1B8E;
	[sflag:s24] =	ssyncadd.s32 $0xFFFFFFFF  }
0xa6: {  	s26 =	simm.s32 $execute0_lowered;
	[smem:$0x3FD2] =	sst s25  }
0xa7: {  	s5 =	sshll.u32 s26, $0x1;
	_ =	strace $0x80000046;
	[dreg:$0x1] =	wrdreg $0xFFFFFFFF  }
0xa8: {  	s28 =	simm.s32 $_size_execute0_lowered;
	s4 =	sadd.s32 s4, s5;
	[dreg:$0x0] =	wrdreg $0x0  }
0xa9: {  	s5 =	sshll.u32 s28, $0x1;
	[dreg:$0x2] =	wrdreg s4  }
0xaa: {  	[dreg:$0x3] =	wrdreg s5  }
0xab: {  	[dreg:$0x4] =	wrdreg $0xC0  }
0xac: {  	_ =	task [dreg:s8], $0x5FFFF  }
0xad: {  	[dreg:$0x1] =	wrdreg $0xFFFFFFFF  }
0xae: {  	[dreg:$0x0] =	wrdreg $0x60  }
0xaf: {  	[dreg:$0x2] =	wrdreg s2  }
0xb0: {  	[dreg:$0x3] =	wrdreg s19  }
0xb1: {  	[dreg:$0x4] =	wrdreg $0x9  }
0xb2: {  	_ =	task.clear_ibuf [dreg:s8], $0x5FFFF;
	_ =	strace $0x90000046  }
0xb3: {  	s29 =	simm.s32 $0x9;
	_ =	strace $0x80000048  }
0xb4: {  	_ =	swait.ge [sflag:s29], $0x1  }
0xb5: {  	[sflag:s29] =	ssyncadd.s32 $0xFFFFFFFF  }
0xb6: {  	_ =	strace $0x90000048  }
0xb7: {  	_ =	sfence  }
0xb8: {  	s30 =	sld [smem:$0x0];
	_ =	sdelay $0x2  }
0xb9: {  	s31 =	sshll.u32 s1, $0xD;
	s1 =	sshrl.u32 s1, $0x2  }
0xba: {  	s3 =	sand.u32 $0x4000, s31;
	s1 =	sadd.s32 s1, s30  }
0xbb: {  	s0 =	sor.u32 s3, s0;
	s1 =	sshll.u32 s1, $0x11  }
0xbc: {  	s0 =	sor.u32 s1, s0  }
0xbd: {  	s0 =	sadd.s32 $0x8F2B, s0  }
0xbe: {  	[sflag:s0] =	ssyncadd.remote.s32 $0x1  }
0xbf: {  	_ =	sfence.sel $0xFFFF  }
0xc0: {  	[dreg:$0x0] =	wrdreg $0xFFFFFFFF;
	(pc) =	sbr.abs _section_cstart, $3  }
0xc1: {  	[dreg:$0x1] =	wrdreg $0xFFFFFFFF  }
0xc2: {  	_ =	task.clear_ibuf [dreg:s8], $0x2FFFF;
	_ =	strace $0x9FFFFFFF  }
0xc3: {  	(tm) =	ssettm $0x7FFFFFFF  }
tec
execute0_lowered:
.L_overlay_start_1:
0x0: {  	(tag) =	ssettag $0x1  }
0x1: {  	s2 =	stileid.u32  }
0x2: {  	s0 =	srdreg.scid;
	s1 =	sshll.u32 s2, $0x1  }
0x3: {  	s0 =	sand.u32 $0x1, s0;
	s5 =	sshrl.u32 s2, $0x2;
	s1 =	sand.u32 $0x6, s1  }
0x4: {  	s26 =	ssub.s32 $0x2, s0;
	s3 =	smul.u32 $0x7D0000, s5;
	s8 =	sshll.u32 s5, $0x5  }
0x5: {  	s7 =	sor.u32 s0, s1;
	s31 =	sshrl.u32 s26, $0x1;
	s2 =	sor.u32 $0x4, s8  }
0x6: {  	s10 =	smul.u32 $0x7C00, s7;
	s0 =	ssub.s32 s26, s31;
	[smem:$0x7F8] =	sst s2  }
0x7: {  	s4 =	smul.u32 $0x3E800, s2;
	[smem:$0x7FD] =	sst s0  }
0x8: {  	s0 =	sadd.s32 s3, s10;
	s11 =	sadd.s32 $0x1C00, s10;
	s13 =	sadd.s32 $0x3C00, s10  }
0x9: {  	s18 =	sadd.s32 $0x5C00, s10;
	s21 =	sadd.s32 s10, s4;
	s17 =	sadd.s32 s3, s11  }
0xa: {  	s19 =	sadd.s32 s3, s13;
	s20 =	sadd.s32 s3, s18;
	s3 =	sor.u32 $0x8, s8  }
0xb: {  	s22 =	sadd.s32 s4, s11;
	s23 =	sadd.s32 s4, s13;
	s6 =	smul.u32 $0x3E800, s3  }
0xc: {  	s24 =	sadd.s32 s4, s18;
	s4 =	sor.u32 $0xC, s8;
	[smem:$0x7F9] =	sst s3  }
0xd: {  	[smem:$0x7FA] =	sst s4;
	s9 =	smul.u32 $0x3E800, s4;
	s25 =	sadd.s32 s10, s6  }
0xe: {  	s26 =	sadd.s32 s6, s11;
	s28 =	sadd.s32 s6, s13;
	s29 =	sadd.s32 s6, s18  }
0xf: {  	s6 =	sor.u32 $0x10, s8;
	s30 =	sadd.s32 s10, s9;
	s31 =	sadd.s32 s9, s11  }
0x10: {  	s2 =	sadd.s32 s9, s13;
	s3 =	sadd.s32 s9, s18;
	s9 =	sor.u32 $0x14, s8  }
0x11: {  	s16 =	sshrl.u32 s0, $0x3;
	[smem:$0x7FB] =	sst s6;
	s15 =	smul.u32 $0x3E800, s9  }
0x12: {  	s19 =	sshrl.u32 s19, $0x3;
	s12 =	smul.u32 $0x3E800, s6;
	[smem:$0x7FC] =	sst s9  }
0x13: {  	s9 =	sor.u32 $0x18, s8;
	s8 =	sor.u32 $0x1C, s8;
	s0 =	sadd.s32 s10, s15  }
0x14: {  	s25 =	sshrl.u32 s25, $0x3;
	s1 =	sadd.s32 s15, s11;
	[smem:$0x7EC] =	sst s0  }
0x15: {  	s0 =	smul.u32 $0x3E800, s9;
	[smem:$0x7ED] =	sst s1;
	s1 =	sadd.s32 s15, s13  }
0x16: {  	s14 =	sadd.s32 s10, s12;
	s15 =	sadd.s32 s15, s18;
	[smem:$0x7EE] =	sst s1  }
0x17: {  	s6 =	sadd.s32 s12, s11;
	[smem:$0x7EF] =	sst s15;
	s15 =	sadd.s32 s10, s0  }
0x18: {  	s4 =	sadd.s32 s12, s13;
	[smem:$0x7F0] =	sst s15;
	s15 =	sadd.s32 s0, s11  }
0x19: {  	s1 =	smul.u32 $0x3E800, s8;
	[smem:$0x7F1] =	sst s15;
	s15 =	sadd.s32 s0, s13  }
0x1a: {  	s12 =	sadd.s32 s12, s18;
	s0 =	sadd.s32 s0, s18;
	[smem:$0x7F2] =	sst s15  }
0x1b: {  	s11 =	sadd.s32 s1, s11;
	[smem:$0x7F3] =	sst s0;
	s0 =	sadd.s32 s10, s1  }
0x1c: {  	s15 =	sadd.s32 s1, s13;
	s10 =	rddreg [dreg:$0x0];
	s13 =	sadd.s32 s1, s18  }
0x1d: {  	s18 =	sshrl.u32 s17, $0x3;
	[smem:$0x7F5] =	sst s15;
	s16 =	sadd.s32 s10, s16  }
0x1e: {  	s15 =	sshrl.u32 s20, $0x3;
	s1 =	sadd.s32 s10, s18;
	[dreg:$0x3] =	wrdreg s16  }
0x1f: {  	[dreg:$0x4] =	wrdreg s1;
	s16 =	sadd.s32 s10, s19;
	s18 =	sadd.s32 s10, s15  }
0x20: {  	s15 =	sadd.s32 s10, s25;
	s25 =	sshrl.u32 s14, $0x3;
	s14 =	sld [smem:$0x7ED]  }
0x21: {  	s20 =	sshrl.u32 s22, $0x3;
	[dreg:$0x5] =	wrdreg s16  }
0x22: {  	s22 =	sadd.s32 s10, s20;
	[dreg:$0x6] =	wrdreg s18  }
0x23: {  	[dreg:$0x8] =	wrdreg s22  }
0x24: {  	s0 =	sshrl.u32 s0, $0x3;
	[dreg:$0xb] =	wrdreg s15;
	s22 =	sshrl.u32 s31, $0x3  }
0x25: {  	s31 =	sshrl.u32 s4, $0x3;
	s4 =	sshrl.u32 s12, $0x3;
	s12 =	sld [smem:$0x7EC]  }
0x26: {  	s19 =	sshrl.u32 s21, $0x3;
	s0 =	sadd.s32 s10, s0;
	s15 =	sld [smem:$0x7EE]  }
0x27: {  	s21 =	sshrl.u32 s23, $0x3;
	s1 =	sadd.s32 s10, s19;
	[dreg:$0x1f] =	wrdreg s0  }
0x28: {  	s26 =	sshrl.u32 s26, $0x3;
	s23 =	sadd.s32 s10, s21;
	[dreg:$0x7] =	wrdreg s1  }
0x29: {  	s16 =	sadd.s32 s10, s26;
	[dreg:$0x9] =	wrdreg s23  }
0x2a: {  	s24 =	sshrl.u32 s24, $0x3;
	s18 =	sshrl.u32 s29, $0x3;
	[dreg:$0xc] =	wrdreg s16  }
0x2b: {  	s19 =	sshrl.u32 s30, $0x3;
	s20 =	sadd.s32 s10, s18;
	s18 =	sld [smem:$0x7F0]  }
0x2c: {  	s1 =	sadd.s32 s10, s24;
	s21 =	sadd.s32 s10, s19;
	s19 =	sld [smem:$0x7F1]  }
0x2d: {  	[dreg:$0xa] =	wrdreg s1  }
0x2e: {  	s2 =	sshrl.u32 s2, $0x3;
	[dreg:$0xe] =	wrdreg s20  }
0x2f: {  	s3 =	sshrl.u32 s3, $0x3;
	s23 =	sadd.s32 s10, s2;
	[dreg:$0xf] =	wrdreg s21  }
0x30: {  	s26 =	sshrl.u32 s6, $0x3;
	s24 =	sadd.s32 s10, s3;
	[dreg:$0x11] =	wrdreg s23  }
0x31: {  	s2 =	sadd.s32 s10, s26;
	[dreg:$0x12] =	wrdreg s24  }
0x32: {  	s3 =	sadd.s32 s10, s31;
	[dreg:$0x14] =	wrdreg s2  }
0x33: {  	s17 =	sshrl.u32 s28, $0x3;
	[dreg:$0x15] =	wrdreg s3  }
0x34: {  	s1 =	sadd.s32 s10, s17;
	s17 =	sld [smem:$0x7EF]  }
0x35: {  	s21 =	sld [smem:$0x7F2]  }
0x36: {  	s24 =	sld [smem:$0x7F5]  }
0x37: {  	s23 =	sshrl.u32 s11, $0x3;
	s11 =	sld [smem:$0x7FA]  }
0x38: {  	[dreg:$0xd] =	wrdreg s1  }
0x39: {  	p0 =	seq.s32 s7, $0x0;
	s1 =	sadd.s32 s10, s22;
	s22 =	sld [smem:$0x7F3]  }
0x3a: {  	s6 =	sshll.u32 s5, $0x12;
	s3 =	sshrl.u32 s12, $0x3;
	s12 =	sld [smem:$0x7FB]  }
0x3b: {  	s2 =	sshll.u32 s7, $0xA;
	s0 =	sadd.s32 s10, s23;
	[dreg:$0x10] =	wrdreg s1  }
0x3c: {  	s28 =	simm.s32 $0x16000;
	s7 =	sor.u32 s6, s2;
	[smem:$0x7F4] =	sst s0  }
0x3d: {  	s29 =	simm.s32 $0x2;
	s31 =	sshrl.u32 s7, $0x3;
	s7 =	sld [smem:$0x7F8]  }
0x3e: {  	s1 =	sadd.s32 s10, s25;
	s25 =	sshrl.u32 s13, $0x3;
	s13 =	sld [smem:$0x7FC]  }
0x3f: {  	s30 =	simm.s32 $0x0;
	s3 =	sadd.s32 s10, s3;
	[dreg:$0x13] =	wrdreg s1  }
0x40: {  	s1 =	sadd.s32 s10, s4;
	[dreg:$0x17] =	wrdreg s3;
	s3 =	sshrl.u32 s14, $0x3  }
0x41: {  	s4 =	sshrl.u32 s15, $0x3;
	s0 =	sshrl.u32 s24, $0x3;
	s26 =	sadd.s32 s10, s25  }
0x42: {  	s14 =	sshll.u32 s9, $0xD;
	[dreg:$0x16] =	wrdreg s1;
	s3 =	sadd.s32 s10, s3  }
0x43: {  	s16 =	sadd.s32 s10, s4;
	s4 =	sshrl.u32 s19, $0x3;
	[smem:$0x7F7] =	sst s26  }
0x44: {  	s0 =	sadd.s32 s10, s0;
	s5 =	sshll.u32 s12, $0xD;
	[dreg:$0x18] =	wrdreg s3  }
0x45: {  	s12 =	simm.s32 $0x3E800;
	[dreg:$0x19] =	wrdreg s16;
	s3 =	sshrl.u32 s17, $0x3  }
0x46: {  	s20 =	sadd.s32 s10, s4;
	[smem:$0x7F6] =	sst s0;
	s1 =	sshll.u32 s7, $0xD  }
0x47: {  	s4 =	sshll.u32 s11, $0xD;
	s6 =	sshll.u32 s13, $0xD;
	s15 =	sor.u32 s2, s5  }
0x48: {  	s7 =	sor.u32 s2, s14;
	s16 =	sshll.u32 s8, $0xD;
	s17 =	rddreg [dreg:$0x1]  }
0x49: {  	s11 =	simm.s32 $0x400;
	s14 =	simm.s32 $0x2000;
	s3 =	sadd.s32 s10, s3  }
0x4a: {  	[dreg:$0x1c] =	wrdreg s20;
	s1 =	sor.u32 s2, s1;
	s4 =	sor.u32 s2, s4  }
0x4b: {  	s6 =	sor.u32 s2, s6;
	s19 =	sor.u32 s2, s16;
	s23 =	sshrl.u32 s15, $0x3  }
0x4c: {  	s25 =	sshrl.u32 s7, $0x3;
	s16 =	simm.s32 $0x4000;
	[dreg:$0x1a] =	wrdreg s3  }
0x4d: {  	s3 =	sshrl.u32 s18, $0x3;
	s18 =	simm.s32 $0x0;
	s20 =	sshrl.u32 s1, $0x3  }
0x4e: {  	s24 =	sshrl.u32 s6, $0x3;
	s6 =	sadd.s32 s17, s23;
	s8 =	sadd.s32 s17, s25  }
0x4f: {  	s26 =	sshrl.u32 s19, $0x3;
	s1 =	simm.f32 $0.0e+00;
	s3 =	sadd.s32 s10, s3  }
0x50: {  	s19 =	simm.s32 $0x7000;
	[dreg:$0x1b] =	wrdreg s3;
	s3 =	sshrl.u32 s21, $0x3  }
0x51: {  	s23 =	simm.s32 $0xB000;
	[smem:$0x7FF] =	sst s18;
	s3 =	sadd.s32 s10, s3  }
0x52: {  	s25 =	simm.s32 $0x14000;
	[dreg:$0x1d] =	wrdreg s3;
	s3 =	sshrl.u32 s22, $0x3  }
0x53: {  	s7 =	sadd.s32 s17, s24;
	s3 =	sadd.s32 s10, s3;
	s10 =	sld [smem:$0x7F9]  }
0x54: {  	s9 =	sadd.s32 s17, s26;
	s1 =	simm.s32 @!p0 $0x3F800000;
	s18 =	simm.s32 $0x6000  }
0x55: {  	s24 =	simm.s32 $0x1;
	s26 =	simm.s32 $0x15000;
	[dreg:$0x1e] =	wrdreg s3  }
0x56: {  	s22 =	sshrl.u32 s4, $0x3;
	_ =	strace $0x80000047;
	s3 =	sshll.u32 s10, $0xD  }
0x57: {  	s3 =	sor.u32 s2, s3;
	s2 =	sadd.s32 s17, s31;
	s31 =	sld [smem:$0x7FD]  }
0x58: {  	s5 =	sadd.s32 s17, s22;
	s22 =	simm.s32 $0xA000;
	s21 =	sshrl.u32 s3, $0x3  }
0x59: {  	s3 =	sadd.s32 s17, s20;
	s20 =	simm.s32 $0x8000;
	s4 =	sadd.s32 s17, s21  }
0x5a: {  	v0 =	vmov s1;
	s17 =	simm.s32 $0x5000;
	s21 =	simm.s32 $0x9000;
	s10 =	smax.u32 s31, $0x1  }
.LBB2_1:
0x5b: {  	s0 =	rddreg [dreg:$0x3];
	s1 =	simm.s32 $0x0  }
0x5c: {  	[tilespmem:s1], [sflag:$0x1] =	stream.strided.gather [hbm4b:s0+s11], $0x1000, s12, s11, $0x38;
	[tilespmem:$0x19000] =	vst v63  }
0x5d: {  	s13 =	simm.s32 $0x1000;
	s1 =	rddreg [dreg:$0x4]  }
0x5e: {  	[tilespmem:s13], [sflag:$0x1] =	stream.strided.gather [hbm4b:s1+s11], $0x1000, s12, s11, $0x38;
	[tilespmem:$0x19000] =	vst v63  }
0x5f: {  	s15 =	rddreg [dreg:$0x5]  }
0x60: {  	[tilespmem:s14], [sflag:$0x1] =	stream.strided.gather [hbm4b:s15+s11], $0x1000, s12, s11, $0x38;
	[tilespmem:$0x19000] =	vst v63  }
0x61: {  	s1 =	rddreg [dreg:$0x6];
	s13 =	simm.s32 $0x3000  }
0x62: {  	[tilespmem:s13], [sflag:$0x1] =	stream.strided.gather [hbm4b:s1+s11], $0x1000, s12, s11, $0x38;
	[tilespmem:$0x19000] =	vst v63  }
0x63: {  	s15 =	rddreg [dreg:$0x7]  }
0x64: {  	[tilespmem:s16], [sflag:$0x1] =	stream.strided.gather [hbm4b:s15+s11], $0x1000, s12, s11, $0x38;
	[tilespmem:$0x19000] =	vst v63  }
0x65: {  	s1 =	rddreg [dreg:$0x8]  }
0x66: {  	[tilespmem:s17], [sflag:$0x1] =	stream.strided.gather [hbm4b:s1+s11], $0x1000, s12, s11, $0x38;
	[tilespmem:$0x19000] =	vst v63  }
0x67: {  	s13 =	rddreg [dreg:$0x9]  }
0x68: {  	[tilespmem:s18], [sflag:$0x1] =	stream.strided.gather [hbm4b:s13+s11], $0x1000, s12, s11, $0x38;
	[tilespmem:$0x19000] =	vst v63  }
0x69: {  	s15 =	rddreg [dreg:$0xa]  }
0x6a: {  	[tilespmem:s19], [sflag:$0x1] =	stream.strided.gather [hbm4b:s15+s11], $0x1000, s12, s11, $0x38;
	[tilespmem:$0x19000] =	vst v63  }
0x6b: {  	s1 =	rddreg [dreg:$0xb]  }
0x6c: {  	[tilespmem:s20], [sflag:$0x1] =	stream.strided.gather [hbm4b:s1+s11], $0x1000, s12, s11, $0x38;
	[tilespmem:$0x19000] =	vst v63  }
0x6d: {  	s13 =	rddreg [dreg:$0xc]  }
0x6e: {  	[tilespmem:s21], [sflag:$0x1] =	stream.strided.gather [hbm4b:s13+s11], $0x1000, s12, s11, $0x38;
	[tilespmem:$0x19000] =	vst v63  }
0x6f: {  	s15 =	rddreg [dreg:$0xd]  }
0x70: {  	[tilespmem:s22], [sflag:$0x1] =	stream.strided.gather [hbm4b:s15+s11], $0x1000, s12, s11, $0x38;
	[tilespmem:$0x19000] =	vst v63  }
0x71: {  	s1 =	rddreg [dreg:$0xe]  }
0x72: {  	[tilespmem:s23], [sflag:$0x1] =	stream.strided.gather [hbm4b:s1+s11], $0x1000, s12, s11, $0x38;
	[tilespmem:$0x19000] =	vst v63  }
0x73: {  	s13 =	rddreg [dreg:$0xf];
	s15 =	simm.s32 $0xC000  }
0x74: {  	[tilespmem:s15], [sflag:$0x1] =	stream.strided.gather [hbm4b:s13+s11], $0x1000, s12, s11, $0x38;
	[tilespmem:$0x19000] =	vst v63  }
0x75: {  	s13 =	rddreg [dreg:$0x10];
	s15 =	simm.s32 $0xD000  }
0x76: {  	[tilespmem:s15], [sflag:$0x1] =	stream.strided.gather [hbm4b:s13+s11], $0x1000, s12, s11, $0x38;
	[tilespmem:$0x19000] =	vst v63  }
0x77: {  	s13 =	rddreg [dreg:$0x11];
	s15 =	simm.s32 $0xE000  }
0x78: {  	[tilespmem:s15], [sflag:$0x1] =	stream.strided.gather [hbm4b:s13+s11], $0x1000, s12, s11, $0x38;
	[tilespmem:$0x19000] =	vst v63  }
0x79: {  	s13 =	rddreg [dreg:$0x12];
	s15 =	simm.s32 $0xF000  }
0x7a: {  	[tilespmem:s15], [sflag:$0x1] =	stream.strided.gather [hbm4b:s13+s11], $0x1000, s12, s11, $0x38;
	[tilespmem:$0x19000] =	vst v63  }
0x7b: {  	_ =	swait.ge [sflag:s24], $0x1000  }
0x7c: {  	[sflag:s24] =	ssyncset.done $0x0  }
0x7d: {  	[sflag:s24] =	ssyncadd.s32 $0xFFFFF000  }
0x7e: {  	_ =	swait.ge [sflag:s24], $0x1000  }
0x7f: {  	[sflag:s24] =	ssyncset.done $0x0  }
0x80: {  	[sflag:s24] =	ssyncadd.s32 $0xFFFFF000  }
0x81: {  	_ =	swait.ge [sflag:s24], $0x1000  }
0x82: {  	[sflag:s24] =	ssyncset.done $0x0  }
0x83: {  	[sflag:s24] =	ssyncadd.s32 $0xFFFFF000  }
0x84: {  	_ =	swait.ge [sflag:s24], $0x1000  }
0x85: {  	[sflag:s24] =	ssyncset.done $0x0  }
0x86: {  	s15 =	simm.s32 $0x10000;
	s13 =	rddreg [dreg:$0x13];
	[sflag:s24] =	ssyncadd.s32 $0xFFFFF000  }
0x87: {  	[tilespmem:s15], [sflag:$0x1] =	stream.strided.gather [hbm4b:s13+s11], $0x1000, s12, s11, $0x38;
	[tilespmem:$0x19000] =	vst v63  }
0x88: {  	s13 =	rddreg [dreg:$0x14];
	s15 =	simm.s32 $0x11000  }
0x89: {  	[tilespmem:s15], [sflag:$0x1] =	stream.strided.gather [hbm4b:s13+s11], $0x1000, s12, s11, $0x38;
	[tilespmem:$0x19000] =	vst v63  }
0x8a: {  	s13 =	rddreg [dreg:$0x15];
	s15 =	simm.s32 $0x12000  }
0x8b: {  	[tilespmem:s15], [sflag:$0x1] =	stream.strided.gather [hbm4b:s13+s11], $0x1000, s12, s11, $0x38;
	[tilespmem:$0x19000] =	vst v63  }
0x8c: {  	s13 =	rddreg [dreg:$0x16];
	s15 =	simm.s32 $0x13000  }
0x8d: {  	[tilespmem:s15], [sflag:$0x1] =	stream.strided.gather [hbm4b:s13+s11], $0x1000, s12, s11, $0x38;
	[tilespmem:$0x19000] =	vst v63  }
0x8e: {  	s13 =	simm.s32 $0x2040  }
0x8f: {  	v1 =	vld [tilespmem:s13+$0xFFFFE140]  }
0x90: {  	v2 =	vld [tilespmem:s13+$0xFFFFE150]  }
0x91: {  	v3 =	vld [tilespmem:s13+$0xFFFFDFD0]  }
0x92: {  	v4 =	vld [tilespmem:s13+$0xFFFFE040]  }
0x93: {  	v5 =	vld [tilespmem:s13+$0xFFFFE050]  }
0x94: {  	v6 =	vld [tilespmem:s13+$0xFFFFE0C0];
	v1 =	vmul.f32 v1, v0  }
0x95: {  	s31 =	simm.s32 $0x14100;
	v7 =	vld [tilespmem:s13+$0xFFFFE0D0];
	v2 =	vmul.f32 v2, v0  }
0x96: {  	v3 =	vmul.f32 v3, v0;
	[tilespmem:s31+$0x80] =	vst v1  }
0x97: {  	v4 =	vmul.f32 v4, v0;
	v1 =	vld [tilespmem:s13+$0xFFFFDFC0];
	[tilespmem:s31+$0x90] =	vst v2  }
0x98: {  	[tilespmem:s31+$0xFFFFFF10] =	vst v3;
	v2 =	vmul.f32 v5, v0;
	v3 =	vld [tilespmem:s13+$0xFFFFF1A0]  }
0x99: {  	[tilespmem:s31+$0xFFFFFF80] =	vst v4;
	v4 =	vmul.f32 v6, v0;
	v5 =	vld [tilespmem:s13+$0xFFFFF1B0]  }
0x9a: {  	[tilespmem:s31+$0xFFFFFF90] =	vst v2;
	v2 =	vmul.f32 v7, v0  }
0x9b: {  	[tilespmem:s31+$0x0] =	vst v4;
	v6 =	vld [tilespmem:s13+$0xFFFFF0A0]  }
0x9c: {  	v4 =	vld [tilespmem:s13+$0xFFFFF0B0];
	[tilespmem:s31+$0x10] =	vst v2  }
0x9d: {  	v1 =	vmul.f32 v1, v0;
	v2 =	vld [tilespmem:s13+$0xFFFFF120];
	[tilespmem:s31+$0xA0] =	vst v3  }
0x9e: {  	v3 =	vld [tilespmem:s13+$0xFFFFF130];
	[tilespmem:s31+$0xB0] =	vst v5  }
0x9f: {  	[tilespmem:s31+$0xFFFFFF00] =	vst v1;
	v1 =	vld [tilespmem:s13+$0x180]  }
0xa0: {  	v5 =	vld [tilespmem:s13+$0x190];
	[tilespmem:s31+$0xFFFFFFA0] =	vst v6  }
0xa1: {  	v6 =	vld [tilespmem:s13+$0xFFFFF020];
	[tilespmem:s31+$0xFFFFFFB0] =	vst v4  }
0xa2: {  	v4 =	vld [tilespmem:s13+$0xFFFFF030];
	[tilespmem:s31+$0x20] =	vst v2  }
0xa3: {  	v2 =	vld [tilespmem:s13+$0x80];
	[tilespmem:s31+$0x30] =	vst v3  }
0xa4: {  	v3 =	vld [tilespmem:s13+$0x90];
	[tilespmem:s31+$0xC0] =	vst v1  }
0xa5: {  	v1 =	vld [tilespmem:s13+$0x100];
	[tilespmem:s31+$0xD0] =	vst v5  }
0xa6: {  	[tilespmem:s31+$0xFFFFFF20] =	vst v6;
	v5 =	vld [tilespmem:s13+$0x1170]  }
0xa7: {  	[tilespmem:s31+$0xFFFFFF30] =	vst v4;
	v4 =	vld [tilespmem:s13+$0x110]  }
0xa8: {  	v6 =	vld [tilespmem:s13+$0x0];
	[tilespmem:s31+$0xFFFFFFC0] =	vst v2  }
0xa9: {  	v2 =	vld [tilespmem:s13+$0x10];
	[tilespmem:s31+$0xFFFFFFD0] =	vst v3  }
0xaa: {  	v3 =	vld [tilespmem:s13+$0x1060]  }
0xab: {  	[tilespmem:s31+$0x40] =	vst v1;
	v1 =	vld [tilespmem:s13+$0x1160]  }
0xac: {  	v7 =	vld [tilespmem:s13+$0x1070];
	[tilespmem:s31+$0x50] =	vst v4  }
0xad: {  	v4 =	vld [tilespmem:s13+$0x10E0]  }
0xae: {  	s0 =	simm.s32 $0x2240;
	[tilespmem:s31+$0xF0] =	vst v5;
	v5 =	vld [tilespmem:s13+$0x10F0]  }
0xaf: {  	[tilespmem:s31+$0xFFFFFF40] =	vst v6;
	v6 =	vld [tilespmem:s0+$0xFFFFE140]  }
0xb0: {  	[tilespmem:s31+$0xFFFFFF50] =	vst v2;
	v2 =	vld [tilespmem:s0+$0xFFFFE150]  }
0xb1: {  	v8 =	vld [tilespmem:s0+$0xFFFFDFD0];
	[tilespmem:s31+$0xFFFFFFE0] =	vst v3  }
0xb2: {  	v3 =	vld [tilespmem:s0+$0xFFFFE040];
	[tilespmem:s31+$0xFFFFFFF0] =	vst v7  }
0xb3: {  	v7 =	vld [tilespmem:s0+$0xFFFFE050];
	[tilespmem:s31+$0xE0] =	vst v1  }
0xb4: {  	[tilespmem:s31+$0x60] =	vst v4;
	v4 =	vld [tilespmem:s0+$0xFFFFE0C0];
	v6 =	vmul.f32 v6, v0  }
0xb5: {  	s1 =	simm.s32 $0x14300;
	[tilespmem:s31+$0x70] =	vst v5;
	v5 =	vld [tilespmem:s0+$0xFFFFE0D0];
	v2 =	vmul.f32 v2, v0  }
0xb6: {  	v9 =	vld [tilespmem:s0+$0xFFFFDFC0];
	v8 =	vmul.f32 v8, v0;
	[tilespmem:s1+$0x80] =	vst v6  }
0xb7: {  	v1 =	vld [tilespmem:s13+$0xFE0];
	v3 =	vmul.f32 v3, v0;
	[tilespmem:s1+$0x90] =	vst v2  }
0xb8: {  	[tilespmem:s1+$0xFFFFFF10] =	vst v8;
	v2 =	vmul.f32 v7, v0;
	v6 =	vld [tilespmem:s0+$0xFFFFF1A0]  }
0xb9: {  	[tilespmem:s1+$0xFFFFFF80] =	vst v3;
	v3 =	vmul.f32 v4, v0;
	v4 =	vld [tilespmem:s0+$0xFFFFF1B0]  }
0xba: {  	[tilespmem:s1+$0xFFFFFF90] =	vst v2;
	v5 =	vmul.f32 v5, v0;
	v2 =	vld [tilespmem:s13+$0xFF0]  }
0xbb: {  	v7 =	vld [tilespmem:s0+$0xFFFFF0A0];
	[tilespmem:s1+$0x0] =	vst v3  }
0xbc: {  	v3 =	vld [tilespmem:s0+$0xFFFFF0B0];
	[tilespmem:s1+$0x10] =	vst v5  }
0xbd: {  	v5 =	vmul.f32 v9, v0;
	v8 =	vld [tilespmem:s0+$0xFFFFF120];
	[tilespmem:s1+$0xA0] =	vst v6  }
0xbe: {  	v6 =	vld [tilespmem:s0+$0xFFFFF130];
	[tilespmem:s1+$0xB0] =	vst v4  }
0xbf: {  	[tilespmem:s1+$0xFFFFFF00] =	vst v5;
	v4 =	vld [tilespmem:s0+$0x180]  }
0xc0: {  	[tilespmem:s1+$0xFFFFFFA0] =	vst v7;
	v5 =	vld [tilespmem:s0+$0x190]  }
0xc1: {  	v7 =	vld [tilespmem:s0+$0xFFFFF020];
	[tilespmem:s1+$0xFFFFFFB0] =	vst v3  }
0xc2: {  	v3 =	vld [tilespmem:s0+$0xFFFFF030];
	[tilespmem:s1+$0x20] =	vst v8  }
0xc3: {  	v8 =	vld [tilespmem:s0+$0x80];
	[tilespmem:s1+$0x30] =	vst v6  }
0xc4: {  	v6 =	vld [tilespmem:s0+$0x90];
	[tilespmem:s1+$0xC0] =	vst v4  }
0xc5: {  	v4 =	vld [tilespmem:s0+$0x100];
	[tilespmem:s1+$0xD0] =	vst v5  }
0xc6: {  	[tilespmem:s1+$0xFFFFFF20] =	vst v7;
	v7 =	vld [tilespmem:s0+$0x110]  }
0xc7: {  	v5 =	vld [tilespmem:s0+$0x1170];
	[tilespmem:s1+$0xFFFFFF30] =	vst v3  }
0xc8: {  	v63 =	vld [tilespmem:s0+$0x0];
	[tilespmem:s1+$0xFFFFFFC0] =	vst v8  }
0xc9: {  	v8 =	vld [tilespmem:s0+$0x10];
	[tilespmem:s1+$0xFFFFFFD0] =	vst v6  }
0xca: {  	v3 =	vld [tilespmem:s0+$0x1160];
	[tilespmem:s1+$0x40] =	vst v4  }
0xcb: {  	v4 =	vld [tilespmem:s0+$0x1060];
	[tilespmem:s1+$0x50] =	vst v7  }
0xcc: {  	[tilespmem:s1+$0xF0] =	vst v5;
	v5 =	vld [tilespmem:s0+$0x1070]  }
0xcd: {  	v6 =	vld [tilespmem:s0+$0x10E0];
	[tilespmem:s1+$0xFFFFFF40] =	vst v63  }
0xce: {  	s15 =	simm.s32 $0x2440;
	s13 =	simm.s32 $0x4;
	v7 =	vld [tilespmem:s0+$0x10F0];
	[tilespmem:s1+$0xFFFFFF50] =	vst v8  }
.LBB2_2:
0xcf: {  	v8 =	vld [tilespmem:s15+$0xFFFFE140];
	[tilespmem:s31+$0xFFFFFF60] =	vst v1  }
0xd0: {  	v1 =	vld [tilespmem:s15+$0xFFFFE150];
	[tilespmem:s31+$0xFFFFFF70] =	vst v2;
	s31 =	smov.u32 s1  }
0xd1: {  	v2 =	vld [tilespmem:s15+$0xFFFFDFD0];
	[tilespmem:s1+$0xFFFFFFE0] =	vst v4  }
0xd2: {  	s13 =	sadd.s32 $0x4, s13;
	v4 =	vld [tilespmem:s15+$0xFFFFE040];
	[tilespmem:s1+$0xFFFFFFF0] =	vst v5  }
0xd3: {  	p0 =	slt.u32 s13, $0x1C;
	v5 =	vld [tilespmem:s15+$0xFFFFE050];
	[tilespmem:s1+$0x60] =	vst v6  }
0xd4: {  	v6 =	vld [tilespmem:s15+$0xFFFFE0C0];
	v8 =	vmul.f32 v8, v0;
	[tilespmem:s1+$0x70] =	vst v7  }
0xd5: {  	s1 =	sadd.s32 $0x200, s1;
	v7 =	vld [tilespmem:s15+$0xFFFFE0D0];
	v1 =	vmul.f32 v1, v0;
	[tilespmem:s31+$0xE0] =	vst v3  }
0xd6: {  	v3 =	vld [tilespmem:s15+$0xFFFFDFC0];
	v2 =	vmul.f32 v2, v0;
	[tilespmem:s1+$0x80] =	vst v8  }
0xd7: {  	v4 =	vmul.f32 v4, v0;
	[tilespmem:s1+$0x90] =	vst v1;
	v1 =	vld [tilespmem:s0+$0xFE0]  }
0xd8: {  	[tilespmem:s1+$0xFFFFFF10] =	vst v2;
	v2 =	vmul.f32 v5, v0;
	v5 =	vld [tilespmem:s15+$0xFFFFF1A0]  }
0xd9: {  	[tilespmem:s1+$0xFFFFFF80] =	vst v4;
	v4 =	vmul.f32 v6, v0;
	v6 =	vld [tilespmem:s15+$0xFFFFF1B0]  }
0xda: {  	[tilespmem:s1+$0xFFFFFF90] =	vst v2;
	v7 =	vmul.f32 v7, v0;
	v2 =	vld [tilespmem:s0+$0xFF0];
	s0 =	smov.u32 s15  }
0xdb: {  	v3 =	vmul.f32 v3, v0;
	v8 =	vld [tilespmem:s15+$0xFFFFF0A0];
	[tilespmem:s1+$0x0] =	vst v4  }
0xdc: {  	v4 =	vld [tilespmem:s15+$0xFFFFF0B0];
	[tilespmem:s1+$0x10] =	vst v7  }
0xdd: {  	v7 =	vld [tilespmem:s15+$0xFFFFF120];
	[tilespmem:s1+$0xA0] =	vst v5  }
0xde: {  	v5 =	vld [tilespmem:s15+$0xFFFFF130];
	[tilespmem:s1+$0xB0] =	vst v6  }
0xdf: {  	[tilespmem:s1+$0xFFFFFF00] =	vst v3;
	v3 =	vld [tilespmem:s15+$0x180]  }
0xe0: {  	[tilespmem:s1+$0xFFFFFFA0] =	vst v8;
	v6 =	vld [tilespmem:s15+$0x190]  }
0xe1: {  	v8 =	vld [tilespmem:s15+$0xFFFFF020];
	[tilespmem:s1+$0xFFFFFFB0] =	vst v4  }
0xe2: {  	v4 =	vld [tilespmem:s15+$0xFFFFF030];
	[tilespmem:s1+$0x20] =	vst v7  }
0xe3: {  	v7 =	vld [tilespmem:s15+$0x80];
	[tilespmem:s1+$0x30] =	vst v5  }
0xe4: {  	v5 =	vld [tilespmem:s15+$0x90];
	[tilespmem:s1+$0xC0] =	vst v3  }
0xe5: {  	v3 =	vld [tilespmem:s15+$0x100];
	[tilespmem:s1+$0xD0] =	vst v6  }
0xe6: {  	[tilespmem:s1+$0xFFFFFF20] =	vst v8;
	v6 =	vld [tilespmem:s15+$0x1170]  }
0xe7: {  	[tilespmem:s1+$0xFFFFFF30] =	vst v4;
	v8 =	vld [tilespmem:s15+$0x110]  }
0xe8: {  	v9 =	vld [tilespmem:s15+$0x0];
	[tilespmem:s1+$0xFFFFFFC0] =	vst v7  }
0xe9: {  	v7 =	vld [tilespmem:s15+$0x10];
	[tilespmem:s1+$0xFFFFFFD0] =	vst v5  }
.Ltmp0:
0xea: {  	v4 =	vld [tilespmem:s15+$0x1060];
	[tilespmem:s1+$0x40] =	vst v3;
	(pc) =	sbr.rel @p0 .LBB2_2-.Ltmp0, $4  }
0xeb: {  	v3 =	vld [tilespmem:s15+$0x1160];
	[tilespmem:s1+$0xF0] =	vst v6  }
0xec: {  	v5 =	vld [tilespmem:s15+$0x1070];
	[tilespmem:s1+$0x50] =	vst v8  }
0xed: {  	[tilespmem:s1+$0xFFFFFF40] =	vst v9;
	v6 =	vld [tilespmem:s15+$0x10E0]  }
0xee: {  	s15 =	sadd.s32 $0x200, s15;
	[tilespmem:s1+$0xFFFFFF50] =	vst v7;
	v7 =	vld [tilespmem:s0+$0x10F0]  }
0xef: {  	[tilespmem:s31+$0xFFFFFF60] =	vst v1  }
0xf0: {  	[tilespmem:s31+$0xFFFFFF70] =	vst v2  }
0xf1: {  	[tilespmem:s1+$0xFFFFFFE0] =	vst v4;
	v1 =	vld [tilespmem:s0+$0xFE0]  }
0xf2: {  	v2 =	vld [tilespmem:s0+$0xFF0];
	[tilespmem:s1+$0xE0] =	vst v3  }
0xf3: {  	[tilespmem:s1+$0xFFFFFFF0] =	vst v5  }
0xf4: {  	[tilespmem:s1+$0x60] =	vst v6  }
0xf5: {  	[tilespmem:s1+$0x70] =	vst v7  }
0xf6: {  	[tilespmem:s1+$0xFFFFFF60] =	vst v1  }
0xf7: {  	[tilespmem:s1+$0xFFFFFF70] =	vst v2  }
0xf8: {  	[hbm4b:s2+s11] =	stream.strided.scatter [tilespmem:s25], [sflag:$0x2], $0x1000, s14, s11, $0x38;
	[tilespmem:$0x19000] =	vst v63  }
0xf9: {  	_ =	swait.ge [sflag:s24], $0x1000  }
0xfa: {  	[sflag:s24] =	ssyncset.done $0x0  }
0xfb: {  	[sflag:s24] =	ssyncadd.s32 $0xFFFFF000  }
0xfc: {  	_ =	swait.ge [sflag:s24], $0x1000  }
0xfd: {  	[sflag:s24] =	ssyncset.done $0x0  }
0xfe: {  	[sflag:s24] =	ssyncadd.s32 $0xFFFFF000  }
0xff: {  	_ =	swait.ge [sflag:s24], $0x1000  }
0x100: {  	[sflag:s24] =	ssyncset.done $0x0  }
0x101: {  	[sflag:s24] =	ssyncadd.s32 $0xFFFFF000  }
0x102: {  	_ =	swait.ge [sflag:s24], $0x1000  }
0x103: {  	[sflag:s24] =	ssyncset.done $0x0  }
0x104: {  	s1 =	simm.s32 $0x0;
	s13 =	rddreg [dreg:$0x17];
	[sflag:s24] =	ssyncadd.s32 $0xFFFFF000  }
0x105: {  	[tilespmem:s1], [sflag:$0x1] =	stream.strided.gather [hbm4b:s13+s11], $0x1000, s12, s11, $0x38;
	[tilespmem:$0x19000] =	vst v63  }
0x106: {  	s31 =	simm.s32 $0x1000;
	s15 =	rddreg [dreg:$0x18]  }
0x107: {  	[tilespmem:s31], [sflag:$0x1] =	stream.strided.gather [hbm4b:s15+s11], $0x1000, s12, s11, $0x38;
	[tilespmem:$0x19000] =	vst v63  }
0x108: {  	s13 =	rddreg [dreg:$0x19]  }
0x109: {  	[tilespmem:s14], [sflag:$0x1] =	stream.strided.gather [hbm4b:s13+s11], $0x1000, s12, s11, $0x38;
	[tilespmem:$0x19000] =	vst v63  }
0x10a: {  	s0 =	simm.s32 $0x0;
	s15 =	rddreg [dreg:$0x1a];
	s31 =	simm.s32 $0x3000  }
0x10b: {  	[tilespmem:s31], [sflag:$0x1] =	stream.strided.gather [hbm4b:s15+s11], $0x1000, s12, s11, $0x38;
	[tilespmem:$0x19000] =	vst v63  }
0x10c: {  	v1 =	vld [tilespmem:s0+$0x4000]  }
0x10d: {  	v3 =	vld [tilespmem:s0+$0x4010]  }
0x10e: {  	v9 =	vld [tilespmem:s0+$0x6140]  }
0x10f: {  	v10 =	vld [tilespmem:s0+$0x6150]  }
0x110: {  	v4 =	vld [tilespmem:s0+$0x4080]  }
0x111: {  	v2 =	vld [tilespmem:s0+$0x4190]  }
0x112: {  	v5 =	vld [tilespmem:s0+$0x4090]  }
0x113: {  	v6 =	vld [tilespmem:s0+$0x4100];
	v1 =	vmul.f32 v1, v0;
	[tilespmem:s0+$0x15140] =	vst v9  }
0x114: {  	v7 =	vld [tilespmem:s0+$0x4110];
	v3 =	vmul.f32 v3, v0;
	[tilespmem:s0+$0x15150] =	vst v10  }
0x115: {  	v8 =	vld [tilespmem:s0+$0x4180];
	v4 =	vmul.f32 v4, v0;
	[tilespmem:s0+$0x15000] =	vst v1  }
0x116: {  	v1 =	vmul.f32 v2, v0;
	v2 =	vld [tilespmem:s0+$0x5060];
	[tilespmem:s0+$0x15010] =	vst v3  }
0x117: {  	v3 =	vmul.f32 v5, v0;
	v5 =	vld [tilespmem:s0+$0x6040];
	[tilespmem:s0+$0x15080] =	vst v4  }
0x118: {  	v4 =	vmul.f32 v6, v0;
	v6 =	vld [tilespmem:s0+$0x6050];
	[tilespmem:s0+$0x15190] =	vst v1  }
0x119: {  	v1 =	vld [tilespmem:s0+$0x5070];
	[tilespmem:s0+$0x15090] =	vst v3;
	v3 =	vmul.f32 v7, v0  }
0x11a: {  	v7 =	vld [tilespmem:s0+$0x7020];
	[tilespmem:s0+$0x15100] =	vst v4;
	v4 =	vmul.f32 v8, v0  }
0x11b: {  	v8 =	vld [tilespmem:s0+$0x7030];
	[tilespmem:s0+$0x15110] =	vst v3  }
0x11c: {  	v3 =	vld [tilespmem:s0+$0x50E0];
	[tilespmem:s0+$0x15180] =	vst v4  }
0x11d: {  	v4 =	vld [tilespmem:s0+$0x60D0];
	[tilespmem:s0+$0x15020] =	vst v2  }
0x11e: {  	v2 =	vld [tilespmem:s0+$0x50F0];
	[tilespmem:s0+$0x15040] =	vst v5  }
0x11f: {  	[tilespmem:s0+$0x15050] =	vst v6;
	v5 =	vld [tilespmem:s0+$0x70A0]  }
0x120: {  	v6 =	vld [tilespmem:s0+$0x70B0];
	[tilespmem:s0+$0x15030] =	vst v1  }
0x121: {  	v1 =	vld [tilespmem:s0+$0x60C0];
	[tilespmem:s0+$0x15060] =	vst v7  }
0x122: {  	[tilespmem:s0+$0x15070] =	vst v8;
	v7 =	vld [tilespmem:s0+$0x5160]  }
0x123: {  	v8 =	vld [tilespmem:s0+$0x5170];
	[tilespmem:s0+$0x150A0] =	vst v3  }
0x124: {  	[tilespmem:s0+$0x150D0] =	vst v4;
	v3 =	vld [tilespmem:s0+$0x7120]  }
0x125: {  	v4 =	vld [tilespmem:s0+$0x51F0];
	[tilespmem:s0+$0x150B0] =	vst v2  }
0x126: {  	[tilespmem:s0+$0x150E0] =	vst v5;
	v2 =	vld [tilespmem:s0+$0x51E0]  }
0x127: {  	[tilespmem:s0+$0x150C0] =	vst v1;
	v1 =	vld [tilespmem:s0+$0x7130]  }
0x128: {  	[tilespmem:s0+$0x150F0] =	vst v6;
	v5 =	vld [tilespmem:s0+$0x61C0]  }
0x129: {  	v6 =	vld [tilespmem:s0+$0x61D0];
	[tilespmem:s0+$0x15120] =	vst v7  }
0x12a: {  	s1 =	simm.s32 $0x0;
	s13 =	simm.s32 $0x800;
	[tilespmem:s0+$0x15130] =	vst v8;
	v7 =	vld [tilespmem:s0+$0x71A0]  }
.LBB2_4:
0x12b: {  	s15 =	sshra.s32 s13, $0x2;
	s1 =	sadd.s32 $0x4, s1;
	[tilespmem:s0+$0x15160] =	vst v3;
	v3 =	vld [tilespmem:s0+$0x71B0]  }
0x12c: {  	v8 =	vld [tilespmem:s15+$0x4190];
	p0 =	slt.u32 s1, $0x1C;
	[tilespmem:s0+$0x15170] =	vst v1  }
0x12d: {  	v1 =	vld [tilespmem:s15+$0x4000];
	[tilespmem:s0+$0x151A0] =	vst v2  }
0x12e: {  	v2 =	vld [tilespmem:s15+$0x4010];
	[tilespmem:s0+$0x151B0] =	vst v4  }
0x12f: {  	v4 =	vld [tilespmem:s15+$0x4080];
	[tilespmem:s0+$0x151C0] =	vst v5  }
0x130: {  	v5 =	vld [tilespmem:s15+$0x4090];
	[tilespmem:s0+$0x151D0] =	vst v6  }
0x131: {  	v6 =	vld [tilespmem:s15+$0x4100];
	v8 =	vmul.f32 v8, v0;
	[tilespmem:s0+$0x151E0] =	vst v7  }
0x132: {  	v1 =	vmul.f32 v1, v0;
	v7 =	vld [tilespmem:s15+$0x4110];
	[tilespmem:s0+$0x151F0] =	vst v3;
	s0 =	smov.u32 s15  }
0x133: {  	v2 =	vmul.f32 v2, v0;
	v3 =	vld [tilespmem:s0+$0x4180];
	[tilespmem:s0+$0x15190] =	vst v8  }
0x134: {  	[tilespmem:s0+$0x15000] =	vst v1;
	v1 =	vld [tilespmem:s0+$0x5060];
	v4 =	vmul.f32 v4, v0  }
0x135: {  	[tilespmem:s0+$0x15010] =	vst v2;
	v2 =	vld [tilespmem:s0+$0x5070];
	v5 =	vmul.f32 v5, v0  }
0x136: {  	v8 =	vld [tilespmem:s0+$0x6040];
	[tilespmem:s0+$0x15080] =	vst v4;
	v4 =	vmul.f32 v6, v0  }
0x137: {  	v6 =	vld [tilespmem:s0+$0x6050];
	[tilespmem:s0+$0x15090] =	vst v5;
	v5 =	vmul.f32 v7, v0  }
0x138: {  	v7 =	vld [tilespmem:s0+$0x7020];
	[tilespmem:s0+$0x15100] =	vst v4;
	v3 =	vmul.f32 v3, v0  }
0x139: {  	v4 =	vld [tilespmem:s0+$0x7030];
	[tilespmem:s0+$0x15110] =	vst v5  }
0x13a: {  	v5 =	vld [tilespmem:s0+$0x50E0];
	[tilespmem:s0+$0x15180] =	vst v3  }
0x13b: {  	[tilespmem:s0+$0x15020] =	vst v1;
	v1 =	vld [tilespmem:s0+$0x50F0]  }
0x13c: {  	[tilespmem:s0+$0x15030] =	vst v2;
	v2 =	vld [tilespmem:s0+$0x60C0]  }
0x13d: {  	[tilespmem:s0+$0x15040] =	vst v8;
	v3 =	vld [tilespmem:s0+$0x60D0]  }
0x13e: {  	[tilespmem:s0+$0x15050] =	vst v6;
	v6 =	vld [tilespmem:s0+$0x70A0]  }
0x13f: {  	[tilespmem:s0+$0x15060] =	vst v7;
	v7 =	vld [tilespmem:s0+$0x70B0]  }
0x140: {  	[tilespmem:s0+$0x15070] =	vst v4;
	v4 =	vld [tilespmem:s0+$0x5160]  }
0x141: {  	[tilespmem:s0+$0x150A0] =	vst v5;
	v5 =	vld [tilespmem:s0+$0x5170]  }
0x142: {  	[tilespmem:s0+$0x150B0] =	vst v1;
	v8 =	vld [tilespmem:s0+$0x6140]  }
0x143: {  	[tilespmem:s0+$0x150C0] =	vst v2;
	v9 =	vld [tilespmem:s0+$0x6150]  }
0x144: {  	[tilespmem:s0+$0x150D0] =	vst v3;
	v3 =	vld [tilespmem:s0+$0x7120]  }
0x145: {  	[tilespmem:s0+$0x150E0] =	vst v6;
	v1 =	vld [tilespmem:s0+$0x7130]  }
.Ltmp1:
0x146: {  	[tilespmem:s0+$0x150F0] =	vst v7;
	v2 =	vld [tilespmem:s0+$0x51E0];
	(pc) =	sbr.rel @p0 .LBB2_4-.Ltmp1, $4  }
0x147: {  	[tilespmem:s0+$0x15120] =	vst v4;
	v4 =	vld [tilespmem:s0+$0x51F0]  }
0x148: {  	[tilespmem:s0+$0x15130] =	vst v5;
	v5 =	vld [tilespmem:s0+$0x61C0]  }
0x149: {  	[tilespmem:s0+$0x15140] =	vst v8;
	v6 =	vld [tilespmem:s0+$0x61D0]  }
0x14a: {  	s13 =	sadd.s32 $0x800, s13;
	[tilespmem:s0+$0x15150] =	vst v9;
	v7 =	vld [tilespmem:s0+$0x71A0]  }
0x14b: {  	[tilespmem:s0+$0x15160] =	vst v3  }
0x14c: {  	[tilespmem:s0+$0x15170] =	vst v1  }
0x14d: {  	v3 =	vld [tilespmem:s0+$0x71B0];
	[tilespmem:s0+$0x151A0] =	vst v2  }
0x14e: {  	[tilespmem:s0+$0x151B0] =	vst v4  }
0x14f: {  	[tilespmem:s0+$0x151C0] =	vst v5  }
0x150: {  	[tilespmem:s0+$0x151D0] =	vst v6  }
0x151: {  	[tilespmem:s0+$0x151E0] =	vst v7  }
0x152: {  	[tilespmem:s0+$0x151F0] =	vst v3  }
0x153: {  	[hbm4b:s3+s11] =	stream.strided.scatter [tilespmem:s26], [sflag:$0x2], $0x1000, s14, s11, $0x38;
	[tilespmem:$0x19000] =	vst v63  }
0x154: {  	_ =	swait.ge [sflag:s24], $0x1000  }
0x155: {  	[sflag:s24] =	ssyncset.done $0x0  }
0x156: {  	[sflag:s24] =	ssyncadd.s32 $0xFFFFF000  }
0x157: {  	_ =	swait.ge [sflag:s24], $0x1000  }
0x158: {  	[sflag:s24] =	ssyncset.done $0x0  }
0x159: {  	[sflag:s24] =	ssyncadd.s32 $0xFFFFF000  }
0x15a: {  	_ =	swait.ge [sflag:s24], $0x1000  }
0x15b: {  	[sflag:s24] =	ssyncset.done $0x0  }
0x15c: {  	[sflag:s24] =	ssyncadd.s32 $0xFFFFF000  }
0x15d: {  	_ =	swait.ge [sflag:s24], $0x1000  }
0x15e: {  	[sflag:s24] =	ssyncset.done $0x0  }
0x15f: {  	s1 =	rddreg [dreg:$0x1b];
	[sflag:s24] =	ssyncadd.s32 $0xFFFFF000  }
0x160: {  	[tilespmem:s16], [sflag:$0x1] =	stream.strided.gather [hbm4b:s1+s11], $0x1000, s12, s11, $0x38;
	[tilespmem:$0x19000] =	vst v63  }
0x161: {  	s13 =	rddreg [dreg:$0x1c]  }
0x162: {  	[tilespmem:s17], [sflag:$0x1] =	stream.strided.gather [hbm4b:s13+s11], $0x1000, s12, s11, $0x38;
	[tilespmem:$0x19000] =	vst v63  }
0x163: {  	s15 =	rddreg [dreg:$0x1d]  }
0x164: {  	[tilespmem:s18], [sflag:$0x1] =	stream.strided.gather [hbm4b:s15+s11], $0x1000, s12, s11, $0x38;
	[tilespmem:$0x19000] =	vst v63  }
0x165: {  	s0 =	simm.s32 $0x0;
	s31 =	rddreg [dreg:$0x1e]  }
0x166: {  	[tilespmem:s19], [sflag:$0x1] =	stream.strided.gather [hbm4b:s31+s11], $0x1000, s12, s11, $0x38;
	[tilespmem:$0x19000] =	vst v63  }
0x167: {  	v1 =	vld [tilespmem:s0+$0x8000]  }
0x168: {  	v3 =	vld [tilespmem:s0+$0x8010]  }
0x169: {  	v9 =	vld [tilespmem:s0+$0xA140]  }
0x16a: {  	v10 =	vld [tilespmem:s0+$0xA150]  }
0x16b: {  	v4 =	vld [tilespmem:s0+$0x8080]  }
0x16c: {  	v2 =	vld [tilespmem:s0+$0x8190]  }
0x16d: {  	v5 =	vld [tilespmem:s0+$0x8090]  }
0x16e: {  	v6 =	vld [tilespmem:s0+$0x8100];
	v1 =	vmul.f32 v1, v0;
	[tilespmem:s0+$0x16140] =	vst v9  }
0x16f: {  	v7 =	vld [tilespmem:s0+$0x8110];
	v3 =	vmul.f32 v3, v0;
	[tilespmem:s0+$0x16150] =	vst v10  }
0x170: {  	v8 =	vld [tilespmem:s0+$0x8180];
	v4 =	vmul.f32 v4, v0;
	[tilespmem:s0+$0x16000] =	vst v1  }
0x171: {  	v1 =	vmul.f32 v2, v0;
	v2 =	vld [tilespmem:s0+$0x9060];
	[tilespmem:s0+$0x16010] =	vst v3  }
0x172: {  	v3 =	vmul.f32 v5, v0;
	v5 =	vld [tilespmem:s0+$0xA040];
	[tilespmem:s0+$0x16080] =	vst v4  }
0x173: {  	v4 =	vmul.f32 v6, v0;
	v6 =	vld [tilespmem:s0+$0xA050];
	[tilespmem:s0+$0x16190] =	vst v1  }
0x174: {  	v1 =	vld [tilespmem:s0+$0x9070];
	[tilespmem:s0+$0x16090] =	vst v3;
	v3 =	vmul.f32 v7, v0  }
0x175: {  	v7 =	vld [tilespmem:s0+$0xB020];
	[tilespmem:s0+$0x16100] =	vst v4;
	v4 =	vmul.f32 v8, v0  }
0x176: {  	v8 =	vld [tilespmem:s0+$0xB030];
	[tilespmem:s0+$0x16110] =	vst v3  }
0x177: {  	v3 =	vld [tilespmem:s0+$0x90E0];
	[tilespmem:s0+$0x16180] =	vst v4  }
0x178: {  	v4 =	vld [tilespmem:s0+$0xA0D0];
	[tilespmem:s0+$0x16020] =	vst v2  }
0x179: {  	v2 =	vld [tilespmem:s0+$0x90F0];
	[tilespmem:s0+$0x16040] =	vst v5  }
0x17a: {  	[tilespmem:s0+$0x16050] =	vst v6;
	v5 =	vld [tilespmem:s0+$0xB0A0]  }
0x17b: {  	v6 =	vld [tilespmem:s0+$0xB0B0];
	[tilespmem:s0+$0x16030] =	vst v1  }
0x17c: {  	v1 =	vld [tilespmem:s0+$0xA0C0];
	[tilespmem:s0+$0x16060] =	vst v7  }
0x17d: {  	[tilespmem:s0+$0x16070] =	vst v8;
	v7 =	vld [tilespmem:s0+$0x9160]  }
0x17e: {  	v8 =	vld [tilespmem:s0+$0x9170];
	[tilespmem:s0+$0x160A0] =	vst v3  }
0x17f: {  	[tilespmem:s0+$0x160D0] =	vst v4;
	v3 =	vld [tilespmem:s0+$0xB120]  }
0x180: {  	v4 =	vld [tilespmem:s0+$0x91F0];
	[tilespmem:s0+$0x160B0] =	vst v2  }
0x181: {  	[tilespmem:s0+$0x160E0] =	vst v5;
	v2 =	vld [tilespmem:s0+$0x91E0]  }
0x182: {  	[tilespmem:s0+$0x160C0] =	vst v1;
	v1 =	vld [tilespmem:s0+$0xB130]  }
0x183: {  	[tilespmem:s0+$0x160F0] =	vst v6;
	v5 =	vld [tilespmem:s0+$0xA1C0]  }
0x184: {  	v6 =	vld [tilespmem:s0+$0xA1D0];
	[tilespmem:s0+$0x16120] =	vst v7  }
0x185: {  	s1 =	simm.s32 $0x0;
	s13 =	simm.s32 $0x800;
	[tilespmem:s0+$0x16130] =	vst v8;
	v7 =	vld [tilespmem:s0+$0xB1A0]  }
.LBB2_6:
0x186: {  	s15 =	sshra.s32 s13, $0x2;
	s1 =	sadd.s32 $0x4, s1;
	[tilespmem:s0+$0x16160] =	vst v3;
	v3 =	vld [tilespmem:s0+$0xB1B0]  }
0x187: {  	v8 =	vld [tilespmem:s15+$0x8190];
	p0 =	slt.u32 s1, $0x1C;
	[tilespmem:s0+$0x16170] =	vst v1  }
0x188: {  	v1 =	vld [tilespmem:s15+$0x8000];
	[tilespmem:s0+$0x161A0] =	vst v2  }
0x189: {  	v2 =	vld [tilespmem:s15+$0x8010];
	[tilespmem:s0+$0x161B0] =	vst v4  }
0x18a: {  	v4 =	vld [tilespmem:s15+$0x8080];
	[tilespmem:s0+$0x161C0] =	vst v5  }
0x18b: {  	v5 =	vld [tilespmem:s15+$0x8090];
	[tilespmem:s0+$0x161D0] =	vst v6  }
0x18c: {  	v6 =	vld [tilespmem:s15+$0x8100];
	v8 =	vmul.f32 v8, v0;
	[tilespmem:s0+$0x161E0] =	vst v7  }
0x18d: {  	v1 =	vmul.f32 v1, v0;
	v7 =	vld [tilespmem:s15+$0x8110];
	[tilespmem:s0+$0x161F0] =	vst v3;
	s0 =	smov.u32 s15  }
0x18e: {  	v2 =	vmul.f32 v2, v0;
	v3 =	vld [tilespmem:s0+$0x8180];
	[tilespmem:s0+$0x16190] =	vst v8  }
0x18f: {  	[tilespmem:s0+$0x16000] =	vst v1;
	v1 =	vld [tilespmem:s0+$0x9060];
	v4 =	vmul.f32 v4, v0  }
0x190: {  	[tilespmem:s0+$0x16010] =	vst v2;
	v2 =	vld [tilespmem:s0+$0x9070];
	v5 =	vmul.f32 v5, v0  }
0x191: {  	v8 =	vld [tilespmem:s0+$0xA040];
	[tilespmem:s0+$0x16080] =	vst v4;
	v4 =	vmul.f32 v6, v0  }
0x192: {  	v6 =	vld [tilespmem:s0+$0xA050];
	[tilespmem:s0+$0x16090] =	vst v5;
	v5 =	vmul.f32 v7, v0  }
0x193: {  	v7 =	vld [tilespmem:s0+$0xB020];
	[tilespmem:s0+$0x16100] =	vst v4;
	v3 =	vmul.f32 v3, v0  }
0x194: {  	v4 =	vld [tilespmem:s0+$0xB030];
	[tilespmem:s0+$0x16110] =	vst v5  }
0x195: {  	v5 =	vld [tilespmem:s0+$0x90E0];
	[tilespmem:s0+$0x16180] =	vst v3  }
0x196: {  	[tilespmem:s0+$0x16020] =	vst v1;
	v1 =	vld [tilespmem:s0+$0x90F0]  }
0x197: {  	[tilespmem:s0+$0x16030] =	vst v2;
	v2 =	vld [tilespmem:s0+$0xA0C0]  }
0x198: {  	[tilespmem:s0+$0x16040] =	vst v8;
	v3 =	vld [tilespmem:s0+$0xA0D0]  }
0x199: {  	[tilespmem:s0+$0x16050] =	vst v6;
	v6 =	vld [tilespmem:s0+$0xB0A0]  }
0x19a: {  	[tilespmem:s0+$0x16060] =	vst v7;
	v7 =	vld [tilespmem:s0+$0xB0B0]  }
0x19b: {  	[tilespmem:s0+$0x16070] =	vst v4;
	v4 =	vld [tilespmem:s0+$0x9160]  }
0x19c: {  	[tilespmem:s0+$0x160A0] =	vst v5;
	v5 =	vld [tilespmem:s0+$0x9170]  }
0x19d: {  	[tilespmem:s0+$0x160B0] =	vst v1;
	v8 =	vld [tilespmem:s0+$0xA140]  }
0x19e: {  	[tilespmem:s0+$0x160C0] =	vst v2;
	v9 =	vld [tilespmem:s0+$0xA150]  }
0x19f: {  	[tilespmem:s0+$0x160D0] =	vst v3;
	v3 =	vld [tilespmem:s0+$0xB120]  }
0x1a0: {  	[tilespmem:s0+$0x160E0] =	vst v6;
	v1 =	vld [tilespmem:s0+$0xB130]  }
.Ltmp2:
0x1a1: {  	[tilespmem:s0+$0x160F0] =	vst v7;
	v2 =	vld [tilespmem:s0+$0x91E0];
	(pc) =	sbr.rel @p0 .LBB2_6-.Ltmp2, $4  }
0x1a2: {  	[tilespmem:s0+$0x16120] =	vst v4;
	v4 =	vld [tilespmem:s0+$0x91F0]  }
0x1a3: {  	[tilespmem:s0+$0x16130] =	vst v5;
	v5 =	vld [tilespmem:s0+$0xA1C0]  }
0x1a4: {  	[tilespmem:s0+$0x16140] =	vst v8;
	v6 =	vld [tilespmem:s0+$0xA1D0]  }
0x1a5: {  	s13 =	sadd.s32 $0x800, s13;
	[tilespmem:s0+$0x16150] =	vst v9;
	v7 =	vld [tilespmem:s0+$0xB1A0]  }
0x1a6: {  	[tilespmem:s0+$0x16160] =	vst v3  }
0x1a7: {  	[tilespmem:s0+$0x16170] =	vst v1  }
0x1a8: {  	v3 =	vld [tilespmem:s0+$0xB1B0];
	[tilespmem:s0+$0x161A0] =	vst v2  }
0x1a9: {  	[tilespmem:s0+$0x161B0] =	vst v4  }
0x1aa: {  	[tilespmem:s0+$0x161C0] =	vst v5  }
0x1ab: {  	[tilespmem:s0+$0x161D0] =	vst v6  }
0x1ac: {  	[tilespmem:s0+$0x161E0] =	vst v7  }
0x1ad: {  	[tilespmem:s0+$0x161F0] =	vst v3  }
0x1ae: {  	[hbm4b:s4+s11] =	stream.strided.scatter [tilespmem:s28], [sflag:$0x2], $0x1000, s14, s11, $0x38;
	[tilespmem:$0x19000] =	vst v63  }
0x1af: {  	_ =	swait.ge [sflag:s24], $0x1000  }
0x1b0: {  	[sflag:s24] =	ssyncset.done $0x0  }
0x1b1: {  	[sflag:s24] =	ssyncadd.s32 $0xFFFFF000  }
0x1b2: {  	_ =	swait.ge [sflag:s24], $0x1000  }
0x1b3: {  	[sflag:s24] =	ssyncset.done $0x0  }
0x1b4: {  	[sflag:s24] =	ssyncadd.s32 $0xFFFFF000  }
0x1b5: {  	_ =	swait.ge [sflag:s24], $0x1000  }
0x1b6: {  	[sflag:s24] =	ssyncset.done $0x0  }
0x1b7: {  	[sflag:s24] =	ssyncadd.s32 $0xFFFFF000  }
0x1b8: {  	_ =	swait.ge [sflag:s24], $0x1000  }
0x1b9: {  	[sflag:s24] =	ssyncset.done $0x0;
	s1 =	rddreg [dreg:$0x1f]  }
0x1ba: {  	s13 =	sld [smem:$0x7F4];
	[sflag:s24] =	ssyncadd.s32 $0xFFFFF000  }
0x1bb: {  	[tilespmem:s20], [sflag:$0x1] =	stream.strided.gather [hbm4b:s1+s11], $0x1000, s12, s11, $0x38;
	[tilespmem:$0x19000] =	vst v63  }
0x1bc: {  	s15 =	sld [smem:$0x7F6]  }
0x1bd: {  	[tilespmem:s21], [sflag:$0x1] =	stream.strided.gather [hbm4b:s13+s11], $0x1000, s12, s11, $0x38;
	[tilespmem:$0x19000] =	vst v63  }
0x1be: {  	s31 =	sld [smem:$0x7F7]  }
0x1bf: {  	[tilespmem:s22], [sflag:$0x1] =	stream.strided.gather [hbm4b:s15+s11], $0x1000, s12, s11, $0x38;
	[tilespmem:$0x19000] =	vst v63  }
0x1c0: {  	s0 =	simm.s32 $0x0  }
0x1c1: {  	[tilespmem:s23], [sflag:$0x1] =	stream.strided.gather [hbm4b:s31+s11], $0x1000, s12, s11, $0x38;
	[tilespmem:$0x19000] =	vst v63  }
0x1c2: {  	v1 =	vld [tilespmem:s0+$0xC000]  }
0x1c3: {  	v3 =	vld [tilespmem:s0+$0xC010]  }
0x1c4: {  	v9 =	vld [tilespmem:s0+$0xE140]  }
0x1c5: {  	v10 =	vld [tilespmem:s0+$0xE150]  }
0x1c6: {  	v4 =	vld [tilespmem:s0+$0xC080]  }
0x1c7: {  	v2 =	vld [tilespmem:s0+$0xC190]  }
0x1c8: {  	v5 =	vld [tilespmem:s0+$0xC090]  }
0x1c9: {  	v6 =	vld [tilespmem:s0+$0xC100];
	v1 =	vmul.f32 v1, v0;
	[tilespmem:s0+$0x17140] =	vst v9  }
0x1ca: {  	v7 =	vld [tilespmem:s0+$0xC110];
	v3 =	vmul.f32 v3, v0;
	[tilespmem:s0+$0x17150] =	vst v10  }
0x1cb: {  	v8 =	vld [tilespmem:s0+$0xC180];
	v4 =	vmul.f32 v4, v0;
	[tilespmem:s0+$0x17000] =	vst v1  }
0x1cc: {  	v1 =	vmul.f32 v2, v0;
	v2 =	vld [tilespmem:s0+$0xD060];
	[tilespmem:s0+$0x17010] =	vst v3  }
0x1cd: {  	v3 =	vmul.f32 v5, v0;
	v5 =	vld [tilespmem:s0+$0xE040];
	[tilespmem:s0+$0x17080] =	vst v4  }
0x1ce: {  	v4 =	vmul.f32 v6, v0;
	v6 =	vld [tilespmem:s0+$0xE050];
	[tilespmem:s0+$0x17190] =	vst v1  }
0x1cf: {  	v1 =	vld [tilespmem:s0+$0xD070];
	[tilespmem:s0+$0x17090] =	vst v3;
	v3 =	vmul.f32 v7, v0  }
0x1d0: {  	v7 =	vld [tilespmem:s0+$0xF020];
	[tilespmem:s0+$0x17100] =	vst v4;
	v4 =	vmul.f32 v8, v0  }
0x1d1: {  	v8 =	vld [tilespmem:s0+$0xF030];
	[tilespmem:s0+$0x17110] =	vst v3  }
0x1d2: {  	v3 =	vld [tilespmem:s0+$0xD0E0];
	[tilespmem:s0+$0x17180] =	vst v4  }
0x1d3: {  	v4 =	vld [tilespmem:s0+$0xE0D0];
	[tilespmem:s0+$0x17020] =	vst v2  }
0x1d4: {  	v2 =	vld [tilespmem:s0+$0xD0F0];
	[tilespmem:s0+$0x17040] =	vst v5  }
0x1d5: {  	[tilespmem:s0+$0x17050] =	vst v6;
	v5 =	vld [tilespmem:s0+$0xF0A0]  }
0x1d6: {  	v6 =	vld [tilespmem:s0+$0xF0B0];
	[tilespmem:s0+$0x17030] =	vst v1  }
0x1d7: {  	v1 =	vld [tilespmem:s0+$0xE0C0];
	[tilespmem:s0+$0x17060] =	vst v7  }
0x1d8: {  	[tilespmem:s0+$0x17070] =	vst v8;
	v7 =	vld [tilespmem:s0+$0xD160]  }
0x1d9: {  	v8 =	vld [tilespmem:s0+$0xD170];
	[tilespmem:s0+$0x170A0] =	vst v3  }
0x1da: {  	[tilespmem:s0+$0x170D0] =	vst v4;
	v3 =	vld [tilespmem:s0+$0xF120]  }
0x1db: {  	v4 =	vld [tilespmem:s0+$0xD1F0];
	[tilespmem:s0+$0x170B0] =	vst v2  }
0x1dc: {  	[tilespmem:s0+$0x170E0] =	vst v5;
	v2 =	vld [tilespmem:s0+$0xD1E0]  }
0x1dd: {  	[tilespmem:s0+$0x170C0] =	vst v1;
	v1 =	vld [tilespmem:s0+$0xF130]  }
0x1de: {  	[tilespmem:s0+$0x170F0] =	vst v6;
	v5 =	vld [tilespmem:s0+$0xE1C0]  }
0x1df: {  	v6 =	vld [tilespmem:s0+$0xE1D0];
	[tilespmem:s0+$0x17120] =	vst v7  }
0x1e0: {  	s1 =	simm.s32 $0x0;
	s13 =	simm.s32 $0x800;
	[tilespmem:s0+$0x17130] =	vst v8;
	v7 =	vld [tilespmem:s0+$0xF1A0]  }
.LBB2_8:
0x1e1: {  	s15 =	sshra.s32 s13, $0x2;
	s1 =	sadd.s32 $0x4, s1;
	[tilespmem:s0+$0x17160] =	vst v3;
	v3 =	vld [tilespmem:s0+$0xF1B0]  }
0x1e2: {  	v8 =	vld [tilespmem:s15+$0xC190];
	p0 =	slt.u32 s1, $0x1C;
	[tilespmem:s0+$0x17170] =	vst v1  }
0x1e3: {  	v1 =	vld [tilespmem:s15+$0xC000];
	[tilespmem:s0+$0x171A0] =	vst v2  }
0x1e4: {  	v2 =	vld [tilespmem:s15+$0xC010];
	[tilespmem:s0+$0x171B0] =	vst v4  }
0x1e5: {  	v4 =	vld [tilespmem:s15+$0xC080];
	[tilespmem:s0+$0x171C0] =	vst v5  }
0x1e6: {  	v5 =	vld [tilespmem:s15+$0xC090];
	[tilespmem:s0+$0x171D0] =	vst v6  }
0x1e7: {  	v6 =	vld [tilespmem:s15+$0xC100];
	v8 =	vmul.f32 v8, v0;
	[tilespmem:s0+$0x171E0] =	vst v7  }
0x1e8: {  	v1 =	vmul.f32 v1, v0;
	v7 =	vld [tilespmem:s15+$0xC110];
	[tilespmem:s0+$0x171F0] =	vst v3;
	s0 =	smov.u32 s15  }
0x1e9: {  	v2 =	vmul.f32 v2, v0;
	v3 =	vld [tilespmem:s0+$0xC180];
	[tilespmem:s0+$0x17190] =	vst v8  }
0x1ea: {  	[tilespmem:s0+$0x17000] =	vst v1;
	v1 =	vld [tilespmem:s0+$0xD060];
	v4 =	vmul.f32 v4, v0  }
0x1eb: {  	[tilespmem:s0+$0x17010] =	vst v2;
	v2 =	vld [tilespmem:s0+$0xD070];
	v5 =	vmul.f32 v5, v0  }
0x1ec: {  	v8 =	vld [tilespmem:s0+$0xE040];
	[tilespmem:s0+$0x17080] =	vst v4;
	v4 =	vmul.f32 v6, v0  }
0x1ed: {  	v6 =	vld [tilespmem:s0+$0xE050];
	[tilespmem:s0+$0x17090] =	vst v5;
	v5 =	vmul.f32 v7, v0  }
0x1ee: {  	v7 =	vld [tilespmem:s0+$0xF020];
	[tilespmem:s0+$0x17100] =	vst v4;
	v3 =	vmul.f32 v3, v0  }
0x1ef: {  	v4 =	vld [tilespmem:s0+$0xF030];
	[tilespmem:s0+$0x17110] =	vst v5  }
0x1f0: {  	v5 =	vld [tilespmem:s0+$0xD0E0];
	[tilespmem:s0+$0x17180] =	vst v3  }
0x1f1: {  	[tilespmem:s0+$0x17020] =	vst v1;
	v1 =	vld [tilespmem:s0+$0xD0F0]  }
0x1f2: {  	[tilespmem:s0+$0x17030] =	vst v2;
	v2 =	vld [tilespmem:s0+$0xE0C0]  }
0x1f3: {  	[tilespmem:s0+$0x17040] =	vst v8;
	v3 =	vld [tilespmem:s0+$0xE0D0]  }
0x1f4: {  	[tilespmem:s0+$0x17050] =	vst v6;
	v6 =	vld [tilespmem:s0+$0xF0A0]  }
0x1f5: {  	[tilespmem:s0+$0x17060] =	vst v7;
	v7 =	vld [tilespmem:s0+$0xF0B0]  }
0x1f6: {  	[tilespmem:s0+$0x17070] =	vst v4;
	v4 =	vld [tilespmem:s0+$0xD160]  }
0x1f7: {  	[tilespmem:s0+$0x170A0] =	vst v5;
	v5 =	vld [tilespmem:s0+$0xD170]  }
0x1f8: {  	[tilespmem:s0+$0x170B0] =	vst v1;
	v8 =	vld [tilespmem:s0+$0xE140]  }
0x1f9: {  	[tilespmem:s0+$0x170C0] =	vst v2;
	v9 =	vld [tilespmem:s0+$0xE150]  }
0x1fa: {  	[tilespmem:s0+$0x170D0] =	vst v3;
	v3 =	vld [tilespmem:s0+$0xF120]  }
0x1fb: {  	[tilespmem:s0+$0x170E0] =	vst v6;
	v1 =	vld [tilespmem:s0+$0xF130]  }
.Ltmp3:
0x1fc: {  	[tilespmem:s0+$0x170F0] =	vst v7;
	v2 =	vld [tilespmem:s0+$0xD1E0];
	(pc) =	sbr.rel @p0 .LBB2_8-.Ltmp3, $4  }
0x1fd: {  	[tilespmem:s0+$0x17120] =	vst v4;
	v4 =	vld [tilespmem:s0+$0xD1F0]  }
0x1fe: {  	[tilespmem:s0+$0x17130] =	vst v5;
	v5 =	vld [tilespmem:s0+$0xE1C0]  }
0x1ff: {  	[tilespmem:s0+$0x17140] =	vst v8;
	v6 =	vld [tilespmem:s0+$0xE1D0]  }
0x200: {  	s13 =	sadd.s32 $0x800, s13;
	[tilespmem:s0+$0x17150] =	vst v9;
	v7 =	vld [tilespmem:s0+$0xF1A0]  }
0x201: {  	[tilespmem:s0+$0x17160] =	vst v3  }
0x202: {  	[tilespmem:s0+$0x17170] =	vst v1  }
0x203: {  	v3 =	vld [tilespmem:s0+$0xF1B0];
	[tilespmem:s0+$0x171A0] =	vst v2  }
0x204: {  	[tilespmem:s0+$0x171B0] =	vst v4  }
0x205: {  	[tilespmem:s0+$0x171C0] =	vst v5  }
0x206: {  	[tilespmem:s0+$0x171D0] =	vst v6  }
0x207: {  	[tilespmem:s0+$0x171E0] =	vst v7  }
0x208: {  	s31 =	simm.s32 $0x17000;
	[tilespmem:s0+$0x171F0] =	vst v3  }
0x209: {  	[hbm4b:s5+s11] =	stream.strided.scatter [tilespmem:s31], [sflag:$0x2], $0x1000, s14, s11, $0x38;
	[tilespmem:$0x19000] =	vst v63  }
0x20a: {  	_ =	swait.ge [sflag:s24], $0x1000  }
0x20b: {  	[sflag:s24] =	ssyncset.done $0x0  }
0x20c: {  	[sflag:s24] =	ssyncadd.s32 $0xFFFFF000  }
0x20d: {  	_ =	swait.ge [sflag:s24], $0x1000  }
0x20e: {  	[sflag:s24] =	ssyncset.done $0x0  }
0x20f: {  	[sflag:s24] =	ssyncadd.s32 $0xFFFFF000  }
0x210: {  	_ =	swait.ge [sflag:s24], $0x1000  }
0x211: {  	[sflag:s24] =	ssyncset.done $0x0  }
0x212: {  	[sflag:s24] =	ssyncadd.s32 $0xFFFFF000  }
0x213: {  	_ =	swait.ge [sflag:s24], $0x1000  }
0x214: {  	[sflag:s24] =	ssyncset.done $0x0  }
0x215: {  	s0 =	simm.s32 $0x0;
	[sflag:s24] =	ssyncadd.s32 $0xFFFFF000  }
0x216: {  	v1 =	vld [tilespmem:s0+$0x10000]  }
0x217: {  	v3 =	vld [tilespmem:s0+$0x10010]  }
0x218: {  	v9 =	vld [tilespmem:s0+$0x12140]  }
0x219: {  	v10 =	vld [tilespmem:s0+$0x12150]  }
0x21a: {  	v4 =	vld [tilespmem:s0+$0x10080]  }
0x21b: {  	v2 =	vld [tilespmem:s0+$0x10190]  }
0x21c: {  	v5 =	vld [tilespmem:s0+$0x10090]  }
0x21d: {  	v6 =	vld [tilespmem:s0+$0x10100];
	v1 =	vmul.f32 v1, v0;
	[tilespmem:s0+$0x18140] =	vst v9  }
0x21e: {  	v7 =	vld [tilespmem:s0+$0x10110];
	v3 =	vmul.f32 v3, v0;
	[tilespmem:s0+$0x18150] =	vst v10  }
0x21f: {  	v8 =	vld [tilespmem:s0+$0x10180];
	v4 =	vmul.f32 v4, v0;
	[tilespmem:s0+$0x18000] =	vst v1  }
0x220: {  	v1 =	vmul.f32 v2, v0;
	v2 =	vld [tilespmem:s0+$0x11060];
	[tilespmem:s0+$0x18010] =	vst v3  }
0x221: {  	v3 =	vmul.f32 v5, v0;
	v5 =	vld [tilespmem:s0+$0x12040];
	[tilespmem:s0+$0x18080] =	vst v4  }
0x222: {  	v4 =	vmul.f32 v6, v0;
	v6 =	vld [tilespmem:s0+$0x12050];
	[tilespmem:s0+$0x18190] =	vst v1  }
0x223: {  	v1 =	vld [tilespmem:s0+$0x11070];
	[tilespmem:s0+$0x18090] =	vst v3;
	v3 =	vmul.f32 v7, v0  }
0x224: {  	v7 =	vld [tilespmem:s0+$0x13020];
	[tilespmem:s0+$0x18100] =	vst v4;
	v4 =	vmul.f32 v8, v0  }
0x225: {  	v8 =	vld [tilespmem:s0+$0x13030];
	[tilespmem:s0+$0x18110] =	vst v3  }
0x226: {  	v3 =	vld [tilespmem:s0+$0x110E0];
	[tilespmem:s0+$0x18180] =	vst v4  }
0x227: {  	v4 =	vld [tilespmem:s0+$0x120D0];
	[tilespmem:s0+$0x18020] =	vst v2  }
0x228: {  	v2 =	vld [tilespmem:s0+$0x110F0];
	[tilespmem:s0+$0x18040] =	vst v5  }
0x229: {  	[tilespmem:s0+$0x18050] =	vst v6;
	v5 =	vld [tilespmem:s0+$0x130A0]  }
0x22a: {  	v6 =	vld [tilespmem:s0+$0x130B0];
	[tilespmem:s0+$0x18030] =	vst v1  }
0x22b: {  	v1 =	vld [tilespmem:s0+$0x120C0];
	[tilespmem:s0+$0x18060] =	vst v7  }
0x22c: {  	[tilespmem:s0+$0x18070] =	vst v8;
	v7 =	vld [tilespmem:s0+$0x11160]  }
0x22d: {  	v8 =	vld [tilespmem:s0+$0x11170];
	[tilespmem:s0+$0x180A0] =	vst v3  }
0x22e: {  	[tilespmem:s0+$0x180D0] =	vst v4;
	v3 =	vld [tilespmem:s0+$0x13120]  }
0x22f: {  	v4 =	vld [tilespmem:s0+$0x111F0];
	[tilespmem:s0+$0x180B0] =	vst v2  }
0x230: {  	[tilespmem:s0+$0x180E0] =	vst v5;
	v2 =	vld [tilespmem:s0+$0x111E0]  }
0x231: {  	[tilespmem:s0+$0x180C0] =	vst v1;
	v1 =	vld [tilespmem:s0+$0x13130]  }
0x232: {  	[tilespmem:s0+$0x180F0] =	vst v6;
	v5 =	vld [tilespmem:s0+$0x121C0]  }
0x233: {  	v6 =	vld [tilespmem:s0+$0x121D0];
	[tilespmem:s0+$0x18120] =	vst v7  }
0x234: {  	s1 =	simm.s32 $0x0;
	s13 =	simm.s32 $0x800;
	[tilespmem:s0+$0x18130] =	vst v8;
	v7 =	vld [tilespmem:s0+$0x131A0]  }
.LBB2_10:
0x235: {  	s15 =	sshra.s32 s13, $0x2;
	s1 =	sadd.s32 $0x4, s1;
	[tilespmem:s0+$0x18160] =	vst v3;
	v3 =	vld [tilespmem:s0+$0x131B0]  }
0x236: {  	v8 =	vld [tilespmem:s15+$0x10190];
	p0 =	slt.u32 s1, $0x1C;
	[tilespmem:s0+$0x18170] =	vst v1  }
0x237: {  	v1 =	vld [tilespmem:s15+$0x10000];
	[tilespmem:s0+$0x181A0] =	vst v2  }
0x238: {  	v2 =	vld [tilespmem:s15+$0x10010];
	[tilespmem:s0+$0x181B0] =	vst v4  }
0x239: {  	v4 =	vld [tilespmem:s15+$0x10080];
	[tilespmem:s0+$0x181C0] =	vst v5  }
0x23a: {  	v5 =	vld [tilespmem:s15+$0x10090];
	[tilespmem:s0+$0x181D0] =	vst v6  }
0x23b: {  	v6 =	vld [tilespmem:s15+$0x10100];
	v8 =	vmul.f32 v8, v0;
	[tilespmem:s0+$0x181E0] =	vst v7  }
0x23c: {  	v1 =	vmul.f32 v1, v0;
	v7 =	vld [tilespmem:s15+$0x10110];
	[tilespmem:s0+$0x181F0] =	vst v3;
	s0 =	smov.u32 s15  }
0x23d: {  	v2 =	vmul.f32 v2, v0;
	v3 =	vld [tilespmem:s0+$0x10180];
	[tilespmem:s0+$0x18190] =	vst v8  }
0x23e: {  	[tilespmem:s0+$0x18000] =	vst v1;
	v1 =	vld [tilespmem:s0+$0x11060];
	v4 =	vmul.f32 v4, v0  }
0x23f: {  	[tilespmem:s0+$0x18010] =	vst v2;
	v2 =	vld [tilespmem:s0+$0x11070];
	v5 =	vmul.f32 v5, v0  }
0x240: {  	v8 =	vld [tilespmem:s0+$0x12040];
	[tilespmem:s0+$0x18080] =	vst v4;
	v4 =	vmul.f32 v6, v0  }
0x241: {  	v6 =	vld [tilespmem:s0+$0x12050];
	[tilespmem:s0+$0x18090] =	vst v5;
	v5 =	vmul.f32 v7, v0  }
0x242: {  	v7 =	vld [tilespmem:s0+$0x13020];
	[tilespmem:s0+$0x18100] =	vst v4;
	v3 =	vmul.f32 v3, v0  }
0x243: {  	v4 =	vld [tilespmem:s0+$0x13030];
	[tilespmem:s0+$0x18110] =	vst v5  }
0x244: {  	v5 =	vld [tilespmem:s0+$0x110E0];
	[tilespmem:s0+$0x18180] =	vst v3  }
0x245: {  	[tilespmem:s0+$0x18020] =	vst v1;
	v1 =	vld [tilespmem:s0+$0x110F0]  }
0x246: {  	[tilespmem:s0+$0x18030] =	vst v2;
	v2 =	vld [tilespmem:s0+$0x120C0]  }
0x247: {  	[tilespmem:s0+$0x18040] =	vst v8;
	v3 =	vld [tilespmem:s0+$0x120D0]  }
0x248: {  	[tilespmem:s0+$0x18050] =	vst v6;
	v6 =	vld [tilespmem:s0+$0x130A0]  }
0x249: {  	[tilespmem:s0+$0x18060] =	vst v7;
	v7 =	vld [tilespmem:s0+$0x130B0]  }
0x24a: {  	[tilespmem:s0+$0x18070] =	vst v4;
	v4 =	vld [tilespmem:s0+$0x11160]  }
0x24b: {  	[tilespmem:s0+$0x180A0] =	vst v5;
	v5 =	vld [tilespmem:s0+$0x11170]  }
0x24c: {  	[tilespmem:s0+$0x180B0] =	vst v1;
	v8 =	vld [tilespmem:s0+$0x12140]  }
0x24d: {  	[tilespmem:s0+$0x180C0] =	vst v2;
	v9 =	vld [tilespmem:s0+$0x12150]  }
0x24e: {  	[tilespmem:s0+$0x180D0] =	vst v3;
	v3 =	vld [tilespmem:s0+$0x13120]  }
0x24f: {  	[tilespmem:s0+$0x180E0] =	vst v6;
	v1 =	vld [tilespmem:s0+$0x13130]  }
.Ltmp4:
0x250: {  	[tilespmem:s0+$0x180F0] =	vst v7;
	v2 =	vld [tilespmem:s0+$0x111E0];
	(pc) =	sbr.rel @p0 .LBB2_10-.Ltmp4, $4  }
0x251: {  	[tilespmem:s0+$0x18120] =	vst v4;
	v4 =	vld [tilespmem:s0+$0x111F0]  }
0x252: {  	[tilespmem:s0+$0x18130] =	vst v5;
	v5 =	vld [tilespmem:s0+$0x121C0]  }
0x253: {  	[tilespmem:s0+$0x18140] =	vst v8;
	v6 =	vld [tilespmem:s0+$0x121D0]  }
0x254: {  	s13 =	sadd.s32 $0x800, s13;
	[tilespmem:s0+$0x18150] =	vst v9;
	v7 =	vld [tilespmem:s0+$0x131A0]  }
0x255: {  	[tilespmem:s0+$0x18160] =	vst v3  }
0x256: {  	[tilespmem:s0+$0x18170] =	vst v1  }
0x257: {  	v3 =	vld [tilespmem:s0+$0x131B0];
	[tilespmem:s0+$0x181A0] =	vst v2  }
0x258: {  	[tilespmem:s0+$0x181B0] =	vst v4  }
0x259: {  	[tilespmem:s0+$0x181C0] =	vst v5  }
0x25a: {  	[tilespmem:s0+$0x181D0] =	vst v6  }
0x25b: {  	[tilespmem:s0+$0x181E0] =	vst v7  }
0x25c: {  	s15 =	simm.s32 $0x18000;
	[tilespmem:s0+$0x181F0] =	vst v3  }
0x25d: {  	[hbm4b:s6+s11] =	stream.strided.scatter [tilespmem:s15], [sflag:$0x2], $0x1000, s14, s11, $0x38;
	[tilespmem:$0x19000] =	vst v63  }
0x25e: {  	_ =	swait.ge [sflag:s24], $0x1000  }
0x25f: {  	[sflag:s24] =	ssyncset.done $0x0  }
0x260: {  	[sflag:s24] =	ssyncadd.s32 $0xFFFFF000  }
0x261: {  	_ =	swait.ge [sflag:s24], $0x1000  }
0x262: {  	[sflag:s24] =	ssyncset.done $0x0  }
0x263: {  	[sflag:s24] =	ssyncadd.s32 $0xFFFFF000  }
0x264: {  	_ =	swait.ge [sflag:s24], $0x1000  }
0x265: {  	[sflag:s24] =	ssyncset.done $0x0  }
0x266: {  	[sflag:s24] =	ssyncadd.s32 $0xFFFFF000  }
0x267: {  	_ =	swait.ge [sflag:s24], $0x1000  }
0x268: {  	[sflag:s24] =	ssyncset.done $0x0  }
0x269: {  	[sflag:s24] =	ssyncadd.s32 $0xFFFFF000  }
0x26a: {  	_ =	swait.ge [sflag:s29], $0x1000  }
0x26b: {  	[sflag:s29] =	ssyncset.done $0x0  }
0x26c: {  	s13 =	simm.s32 $0x2040;
	[sflag:s29] =	ssyncadd.s32 $0xFFFFF000  }
0x26d: {  	v1 =	vld [tilespmem:s13+$0xFFFFE140]  }
0x26e: {  	v2 =	vld [tilespmem:s13+$0xFFFFE150]  }
0x26f: {  	v3 =	vld [tilespmem:s13+$0xFFFFDFD0]  }
0x270: {  	v4 =	vld [tilespmem:s13+$0xFFFFE040]  }
0x271: {  	v5 =	vld [tilespmem:s13+$0xFFFFE050]  }
0x272: {  	v6 =	vld [tilespmem:s13+$0xFFFFE0C0];
	v1 =	vmul.f32 v1, v0  }
0x273: {  	s31 =	simm.s32 $0x14100;
	v7 =	vld [tilespmem:s13+$0xFFFFE0D0];
	v2 =	vmul.f32 v2, v0  }
0x274: {  	v3 =	vmul.f32 v3, v0;
	[tilespmem:s31+$0x80] =	vst v1  }
0x275: {  	v4 =	vmul.f32 v4, v0;
	v1 =	vld [tilespmem:s13+$0xFFFFDFC0];
	[tilespmem:s31+$0x90] =	vst v2  }
0x276: {  	[tilespmem:s31+$0xFFFFFF10] =	vst v3;
	v2 =	vmul.f32 v5, v0;
	v3 =	vld [tilespmem:s13+$0xFFFFF1A0]  }
0x277: {  	[tilespmem:s31+$0xFFFFFF80] =	vst v4;
	v4 =	vmul.f32 v6, v0;
	v5 =	vld [tilespmem:s13+$0xFFFFF1B0]  }
0x278: {  	[tilespmem:s31+$0xFFFFFF90] =	vst v2;
	v2 =	vmul.f32 v7, v0  }
0x279: {  	[tilespmem:s31+$0x0] =	vst v4;
	v6 =	vld [tilespmem:s13+$0xFFFFF0A0]  }
0x27a: {  	v4 =	vld [tilespmem:s13+$0xFFFFF0B0];
	[tilespmem:s31+$0x10] =	vst v2  }
0x27b: {  	v1 =	vmul.f32 v1, v0;
	v2 =	vld [tilespmem:s13+$0xFFFFF120];
	[tilespmem:s31+$0xA0] =	vst v3  }
0x27c: {  	v3 =	vld [tilespmem:s13+$0xFFFFF130];
	[tilespmem:s31+$0xB0] =	vst v5  }
0x27d: {  	[tilespmem:s31+$0xFFFFFF00] =	vst v1;
	v1 =	vld [tilespmem:s13+$0x180]  }
0x27e: {  	v5 =	vld [tilespmem:s13+$0x190];
	[tilespmem:s31+$0xFFFFFFA0] =	vst v6  }
0x27f: {  	v6 =	vld [tilespmem:s13+$0xFFFFF020];
	[tilespmem:s31+$0xFFFFFFB0] =	vst v4  }
0x280: {  	v4 =	vld [tilespmem:s13+$0xFFFFF030];
	[tilespmem:s31+$0x20] =	vst v2  }
0x281: {  	v2 =	vld [tilespmem:s13+$0x80];
	[tilespmem:s31+$0x30] =	vst v3  }
0x282: {  	v3 =	vld [tilespmem:s13+$0x90];
	[tilespmem:s31+$0xC0] =	vst v1  }
0x283: {  	v1 =	vld [tilespmem:s13+$0x100];
	[tilespmem:s31+$0xD0] =	vst v5  }
0x284: {  	[tilespmem:s31+$0xFFFFFF20] =	vst v6;
	v5 =	vld [tilespmem:s13+$0x1170]  }
0x285: {  	[tilespmem:s31+$0xFFFFFF30] =	vst v4;
	v4 =	vld [tilespmem:s13+$0x110]  }
0x286: {  	v6 =	vld [tilespmem:s13+$0x0];
	[tilespmem:s31+$0xFFFFFFC0] =	vst v2  }
0x287: {  	v2 =	vld [tilespmem:s13+$0x10];
	[tilespmem:s31+$0xFFFFFFD0] =	vst v3  }
0x288: {  	v3 =	vld [tilespmem:s13+$0x1060]  }
0x289: {  	[tilespmem:s31+$0x40] =	vst v1;
	v1 =	vld [tilespmem:s13+$0x1160]  }
0x28a: {  	v7 =	vld [tilespmem:s13+$0x1070];
	[tilespmem:s31+$0x50] =	vst v4  }
0x28b: {  	v4 =	vld [tilespmem:s13+$0x10E0]  }
0x28c: {  	s0 =	simm.s32 $0x2240;
	[tilespmem:s31+$0xF0] =	vst v5;
	v5 =	vld [tilespmem:s13+$0x10F0]  }
0x28d: {  	[tilespmem:s31+$0xFFFFFF40] =	vst v6;
	v6 =	vld [tilespmem:s0+$0xFFFFE140]  }
0x28e: {  	[tilespmem:s31+$0xFFFFFF50] =	vst v2;
	v2 =	vld [tilespmem:s0+$0xFFFFE150]  }
0x28f: {  	v8 =	vld [tilespmem:s0+$0xFFFFDFD0];
	[tilespmem:s31+$0xFFFFFFE0] =	vst v3  }
0x290: {  	v3 =	vld [tilespmem:s0+$0xFFFFE040];
	[tilespmem:s31+$0xFFFFFFF0] =	vst v7  }
0x291: {  	v7 =	vld [tilespmem:s0+$0xFFFFE050];
	[tilespmem:s31+$0xE0] =	vst v1  }
0x292: {  	[tilespmem:s31+$0x60] =	vst v4;
	v4 =	vld [tilespmem:s0+$0xFFFFE0C0];
	v6 =	vmul.f32 v6, v0  }
0x293: {  	s1 =	simm.s32 $0x14300;
	[tilespmem:s31+$0x70] =	vst v5;
	v5 =	vld [tilespmem:s0+$0xFFFFE0D0];
	v2 =	vmul.f32 v2, v0  }
0x294: {  	v9 =	vld [tilespmem:s0+$0xFFFFDFC0];
	v8 =	vmul.f32 v8, v0;
	[tilespmem:s1+$0x80] =	vst v6  }
0x295: {  	v1 =	vld [tilespmem:s13+$0xFE0];
	v3 =	vmul.f32 v3, v0;
	[tilespmem:s1+$0x90] =	vst v2  }
0x296: {  	[tilespmem:s1+$0xFFFFFF10] =	vst v8;
	v2 =	vmul.f32 v7, v0;
	v6 =	vld [tilespmem:s0+$0xFFFFF1A0]  }
0x297: {  	[tilespmem:s1+$0xFFFFFF80] =	vst v3;
	v3 =	vmul.f32 v4, v0;
	v4 =	vld [tilespmem:s0+$0xFFFFF1B0]  }
0x298: {  	[tilespmem:s1+$0xFFFFFF90] =	vst v2;
	v5 =	vmul.f32 v5, v0;
	v2 =	vld [tilespmem:s13+$0xFF0]  }
0x299: {  	v7 =	vld [tilespmem:s0+$0xFFFFF0A0];
	[tilespmem:s1+$0x0] =	vst v3  }
0x29a: {  	v3 =	vld [tilespmem:s0+$0xFFFFF0B0];
	[tilespmem:s1+$0x10] =	vst v5  }
0x29b: {  	v5 =	vmul.f32 v9, v0;
	v8 =	vld [tilespmem:s0+$0xFFFFF120];
	[tilespmem:s1+$0xA0] =	vst v6  }
0x29c: {  	v6 =	vld [tilespmem:s0+$0xFFFFF130];
	[tilespmem:s1+$0xB0] =	vst v4  }
0x29d: {  	[tilespmem:s1+$0xFFFFFF00] =	vst v5;
	v4 =	vld [tilespmem:s0+$0x180]  }
0x29e: {  	[tilespmem:s1+$0xFFFFFFA0] =	vst v7;
	v5 =	vld [tilespmem:s0+$0x190]  }
0x29f: {  	v7 =	vld [tilespmem:s0+$0xFFFFF020];
	[tilespmem:s1+$0xFFFFFFB0] =	vst v3  }
0x2a0: {  	v3 =	vld [tilespmem:s0+$0xFFFFF030];
	[tilespmem:s1+$0x20] =	vst v8  }
0x2a1: {  	v8 =	vld [tilespmem:s0+$0x80];
	[tilespmem:s1+$0x30] =	vst v6  }
0x2a2: {  	v6 =	vld [tilespmem:s0+$0x90];
	[tilespmem:s1+$0xC0] =	vst v4  }
0x2a3: {  	v4 =	vld [tilespmem:s0+$0x100];
	[tilespmem:s1+$0xD0] =	vst v5  }
0x2a4: {  	[tilespmem:s1+$0xFFFFFF20] =	vst v7;
	v7 =	vld [tilespmem:s0+$0x110]  }
0x2a5: {  	v5 =	vld [tilespmem:s0+$0x1170];
	[tilespmem:s1+$0xFFFFFF30] =	vst v3  }
0x2a6: {  	v63 =	vld [tilespmem:s0+$0x0];
	[tilespmem:s1+$0xFFFFFFC0] =	vst v8  }
0x2a7: {  	v8 =	vld [tilespmem:s0+$0x10];
	[tilespmem:s1+$0xFFFFFFD0] =	vst v6  }
0x2a8: {  	v3 =	vld [tilespmem:s0+$0x1160];
	[tilespmem:s1+$0x40] =	vst v4  }
0x2a9: {  	v4 =	vld [tilespmem:s0+$0x1060];
	[tilespmem:s1+$0x50] =	vst v7  }
0x2aa: {  	[tilespmem:s1+$0xF0] =	vst v5;
	v5 =	vld [tilespmem:s0+$0x1070]  }
0x2ab: {  	v6 =	vld [tilespmem:s0+$0x10E0];
	[tilespmem:s1+$0xFFFFFF40] =	vst v63  }
0x2ac: {  	s15 =	simm.s32 $0x2440;
	s13 =	simm.s32 $0x4;
	v7 =	vld [tilespmem:s0+$0x10F0];
	[tilespmem:s1+$0xFFFFFF50] =	vst v8  }
.LBB2_12:
0x2ad: {  	v8 =	vld [tilespmem:s15+$0xFFFFE140];
	[tilespmem:s31+$0xFFFFFF60] =	vst v1  }
0x2ae: {  	v1 =	vld [tilespmem:s15+$0xFFFFE150];
	[tilespmem:s31+$0xFFFFFF70] =	vst v2;
	s31 =	smov.u32 s1  }
0x2af: {  	v2 =	vld [tilespmem:s15+$0xFFFFDFD0];
	[tilespmem:s1+$0xFFFFFFE0] =	vst v4  }
0x2b0: {  	s13 =	sadd.s32 $0x4, s13;
	v4 =	vld [tilespmem:s15+$0xFFFFE040];
	[tilespmem:s1+$0xFFFFFFF0] =	vst v5  }
0x2b1: {  	p0 =	slt.u32 s13, $0x1C;
	v5 =	vld [tilespmem:s15+$0xFFFFE050];
	[tilespmem:s1+$0x60] =	vst v6  }
0x2b2: {  	v6 =	vld [tilespmem:s15+$0xFFFFE0C0];
	v8 =	vmul.f32 v8, v0;
	[tilespmem:s1+$0x70] =	vst v7  }
0x2b3: {  	s1 =	sadd.s32 $0x200, s1;
	v7 =	vld [tilespmem:s15+$0xFFFFE0D0];
	v1 =	vmul.f32 v1, v0;
	[tilespmem:s31+$0xE0] =	vst v3  }
0x2b4: {  	v3 =	vld [tilespmem:s15+$0xFFFFDFC0];
	v2 =	vmul.f32 v2, v0;
	[tilespmem:s1+$0x80] =	vst v8  }
0x2b5: {  	v4 =	vmul.f32 v4, v0;
	[tilespmem:s1+$0x90] =	vst v1;
	v1 =	vld [tilespmem:s0+$0xFE0]  }
0x2b6: {  	[tilespmem:s1+$0xFFFFFF10] =	vst v2;
	v2 =	vmul.f32 v5, v0;
	v5 =	vld [tilespmem:s15+$0xFFFFF1A0]  }
0x2b7: {  	[tilespmem:s1+$0xFFFFFF80] =	vst v4;
	v4 =	vmul.f32 v6, v0;
	v6 =	vld [tilespmem:s15+$0xFFFFF1B0]  }
0x2b8: {  	[tilespmem:s1+$0xFFFFFF90] =	vst v2;
	v7 =	vmul.f32 v7, v0;
	v2 =	vld [tilespmem:s0+$0xFF0];
	s0 =	smov.u32 s15  }
0x2b9: {  	v3 =	vmul.f32 v3, v0;
	v8 =	vld [tilespmem:s15+$0xFFFFF0A0];
	[tilespmem:s1+$0x0] =	vst v4  }
0x2ba: {  	v4 =	vld [tilespmem:s15+$0xFFFFF0B0];
	[tilespmem:s1+$0x10] =	vst v7  }
0x2bb: {  	v7 =	vld [tilespmem:s15+$0xFFFFF120];
	[tilespmem:s1+$0xA0] =	vst v5  }
0x2bc: {  	v5 =	vld [tilespmem:s15+$0xFFFFF130];
	[tilespmem:s1+$0xB0] =	vst v6  }
0x2bd: {  	[tilespmem:s1+$0xFFFFFF00] =	vst v3;
	v3 =	vld [tilespmem:s15+$0x180]  }
0x2be: {  	[tilespmem:s1+$0xFFFFFFA0] =	vst v8;
	v6 =	vld [tilespmem:s15+$0x190]  }
0x2bf: {  	v8 =	vld [tilespmem:s15+$0xFFFFF020];
	[tilespmem:s1+$0xFFFFFFB0] =	vst v4  }
0x2c0: {  	v4 =	vld [tilespmem:s15+$0xFFFFF030];
	[tilespmem:s1+$0x20] =	vst v7  }
0x2c1: {  	v7 =	vld [tilespmem:s15+$0x80];
	[tilespmem:s1+$0x30] =	vst v5  }
0x2c2: {  	v5 =	vld [tilespmem:s15+$0x90];
	[tilespmem:s1+$0xC0] =	vst v3  }
0x2c3: {  	v3 =	vld [tilespmem:s15+$0x100];
	[tilespmem:s1+$0xD0] =	vst v6  }
0x2c4: {  	[tilespmem:s1+$0xFFFFFF20] =	vst v8;
	v6 =	vld [tilespmem:s15+$0x1170]  }
0x2c5: {  	[tilespmem:s1+$0xFFFFFF30] =	vst v4;
	v8 =	vld [tilespmem:s15+$0x110]  }
0x2c6: {  	v9 =	vld [tilespmem:s15+$0x0];
	[tilespmem:s1+$0xFFFFFFC0] =	vst v7  }
0x2c7: {  	v7 =	vld [tilespmem:s15+$0x10];
	[tilespmem:s1+$0xFFFFFFD0] =	vst v5  }
.Ltmp5:
0x2c8: {  	v4 =	vld [tilespmem:s15+$0x1060];
	[tilespmem:s1+$0x40] =	vst v3;
	(pc) =	sbr.rel @p0 .LBB2_12-.Ltmp5, $4  }
0x2c9: {  	v3 =	vld [tilespmem:s15+$0x1160];
	[tilespmem:s1+$0xF0] =	vst v6  }
0x2ca: {  	v5 =	vld [tilespmem:s15+$0x1070];
	[tilespmem:s1+$0x50] =	vst v8  }
0x2cb: {  	[tilespmem:s1+$0xFFFFFF40] =	vst v9;
	v6 =	vld [tilespmem:s15+$0x10E0]  }
0x2cc: {  	s15 =	sadd.s32 $0x200, s15;
	[tilespmem:s1+$0xFFFFFF50] =	vst v7;
	v7 =	vld [tilespmem:s0+$0x10F0]  }
0x2cd: {  	[tilespmem:s31+$0xFFFFFF60] =	vst v1  }
0x2ce: {  	[tilespmem:s31+$0xFFFFFF70] =	vst v2  }
0x2cf: {  	[tilespmem:s1+$0xFFFFFFE0] =	vst v4;
	v1 =	vld [tilespmem:s0+$0xFE0]  }
0x2d0: {  	v2 =	vld [tilespmem:s0+$0xFF0];
	[tilespmem:s1+$0xE0] =	vst v3  }
0x2d1: {  	[tilespmem:s1+$0xFFFFFFF0] =	vst v5  }
0x2d2: {  	[tilespmem:s1+$0x60] =	vst v6  }
0x2d3: {  	[tilespmem:s1+$0x70] =	vst v7  }
0x2d4: {  	[tilespmem:s1+$0xFFFFFF60] =	vst v1  }
0x2d5: {  	[tilespmem:s1+$0xFFFFFF70] =	vst v2  }
0x2d6: {  	[hbm4b:s7+s11] =	stream.strided.scatter [tilespmem:s25], [sflag:$0x2], $0x1000, s14, s11, $0x38;
	[tilespmem:$0x19000] =	vst v63  }
0x2d7: {  	_ =	swait.ge [sflag:s24], $0x1000  }
0x2d8: {  	[sflag:s24] =	ssyncset.done $0x0  }
0x2d9: {  	[sflag:s24] =	ssyncadd.s32 $0xFFFFF000  }
0x2da: {  	_ =	swait.ge [sflag:s24], $0x1000  }
0x2db: {  	[sflag:s24] =	ssyncset.done $0x0  }
0x2dc: {  	[sflag:s24] =	ssyncadd.s32 $0xFFFFF000  }
0x2dd: {  	_ =	swait.ge [sflag:s24], $0x1000  }
0x2de: {  	[sflag:s24] =	ssyncset.done $0x0  }
0x2df: {  	[sflag:s24] =	ssyncadd.s32 $0xFFFFF000  }
0x2e0: {  	_ =	swait.ge [sflag:s24], $0x1000  }
0x2e1: {  	[sflag:s24] =	ssyncset.done $0x0  }
0x2e2: {  	[sflag:s24] =	ssyncadd.s32 $0xFFFFF000  }
0x2e3: {  	_ =	swait.ge [sflag:s29], $0x1000  }
0x2e4: {  	[sflag:s29] =	ssyncset.done $0x0  }
0x2e5: {  	s0 =	simm.s32 $0x0;
	[sflag:s29] =	ssyncadd.s32 $0xFFFFF000  }
0x2e6: {  	v1 =	vld [tilespmem:s0+$0x4000]  }
0x2e7: {  	v3 =	vld [tilespmem:s0+$0x4010]  }
0x2e8: {  	v9 =	vld [tilespmem:s0+$0x6140]  }
0x2e9: {  	v10 =	vld [tilespmem:s0+$0x6150]  }
0x2ea: {  	v4 =	vld [tilespmem:s0+$0x4080]  }
0x2eb: {  	v2 =	vld [tilespmem:s0+$0x4190]  }
0x2ec: {  	v5 =	vld [tilespmem:s0+$0x4090]  }
0x2ed: {  	v6 =	vld [tilespmem:s0+$0x4100];
	v1 =	vmul.f32 v1, v0;
	[tilespmem:s0+$0x15140] =	vst v9  }
0x2ee: {  	v7 =	vld [tilespmem:s0+$0x4110];
	v3 =	vmul.f32 v3, v0;
	[tilespmem:s0+$0x15150] =	vst v10  }
0x2ef: {  	v8 =	vld [tilespmem:s0+$0x4180];
	v4 =	vmul.f32 v4, v0;
	[tilespmem:s0+$0x15000] =	vst v1  }
0x2f0: {  	v1 =	vmul.f32 v2, v0;
	v2 =	vld [tilespmem:s0+$0x5060];
	[tilespmem:s0+$0x15010] =	vst v3  }
0x2f1: {  	v3 =	vmul.f32 v5, v0;
	v5 =	vld [tilespmem:s0+$0x6040];
	[tilespmem:s0+$0x15080] =	vst v4  }
0x2f2: {  	v4 =	vmul.f32 v6, v0;
	v6 =	vld [tilespmem:s0+$0x6050];
	[tilespmem:s0+$0x15190] =	vst v1  }
0x2f3: {  	v1 =	vld [tilespmem:s0+$0x5070];
	[tilespmem:s0+$0x15090] =	vst v3;
	v3 =	vmul.f32 v7, v0  }
0x2f4: {  	v7 =	vld [tilespmem:s0+$0x7020];
	[tilespmem:s0+$0x15100] =	vst v4;
	v4 =	vmul.f32 v8, v0  }
0x2f5: {  	v8 =	vld [tilespmem:s0+$0x7030];
	[tilespmem:s0+$0x15110] =	vst v3  }
0x2f6: {  	v3 =	vld [tilespmem:s0+$0x50E0];
	[tilespmem:s0+$0x15180] =	vst v4  }
0x2f7: {  	v4 =	vld [tilespmem:s0+$0x60D0];
	[tilespmem:s0+$0x15020] =	vst v2  }
0x2f8: {  	v2 =	vld [tilespmem:s0+$0x50F0];
	[tilespmem:s0+$0x15040] =	vst v5  }
0x2f9: {  	[tilespmem:s0+$0x15050] =	vst v6;
	v5 =	vld [tilespmem:s0+$0x70A0]  }
0x2fa: {  	v6 =	vld [tilespmem:s0+$0x70B0];
	[tilespmem:s0+$0x15030] =	vst v1  }
0x2fb: {  	v1 =	vld [tilespmem:s0+$0x60C0];
	[tilespmem:s0+$0x15060] =	vst v7  }
0x2fc: {  	[tilespmem:s0+$0x15070] =	vst v8;
	v7 =	vld [tilespmem:s0+$0x5160]  }
0x2fd: {  	v8 =	vld [tilespmem:s0+$0x5170];
	[tilespmem:s0+$0x150A0] =	vst v3  }
0x2fe: {  	[tilespmem:s0+$0x150D0] =	vst v4;
	v3 =	vld [tilespmem:s0+$0x7120]  }
0x2ff: {  	v4 =	vld [tilespmem:s0+$0x51F0];
	[tilespmem:s0+$0x150B0] =	vst v2  }
0x300: {  	[tilespmem:s0+$0x150E0] =	vst v5;
	v2 =	vld [tilespmem:s0+$0x51E0]  }
0x301: {  	[tilespmem:s0+$0x150C0] =	vst v1;
	v1 =	vld [tilespmem:s0+$0x7130]  }
0x302: {  	[tilespmem:s0+$0x150F0] =	vst v6;
	v5 =	vld [tilespmem:s0+$0x61C0]  }
0x303: {  	v6 =	vld [tilespmem:s0+$0x61D0];
	[tilespmem:s0+$0x15120] =	vst v7  }
0x304: {  	s13 =	simm.s32 $0x800;
	s1 =	simm.s32 $0x0;
	[tilespmem:s0+$0x15130] =	vst v8;
	v7 =	vld [tilespmem:s0+$0x71A0]  }
.LBB2_14:
0x305: {  	s15 =	sshra.s32 s13, $0x2;
	s1 =	sadd.s32 $0x4, s1;
	[tilespmem:s0+$0x15160] =	vst v3;
	v3 =	vld [tilespmem:s0+$0x71B0]  }
0x306: {  	v8 =	vld [tilespmem:s15+$0x4190];
	p0 =	slt.u32 s1, $0x1C;
	[tilespmem:s0+$0x15170] =	vst v1  }
0x307: {  	v1 =	vld [tilespmem:s15+$0x4000];
	[tilespmem:s0+$0x151A0] =	vst v2  }
0x308: {  	v2 =	vld [tilespmem:s15+$0x4010];
	[tilespmem:s0+$0x151B0] =	vst v4  }
0x309: {  	v4 =	vld [tilespmem:s15+$0x4080];
	[tilespmem:s0+$0x151C0] =	vst v5  }
0x30a: {  	v5 =	vld [tilespmem:s15+$0x4090];
	[tilespmem:s0+$0x151D0] =	vst v6  }
0x30b: {  	v6 =	vld [tilespmem:s15+$0x4100];
	v8 =	vmul.f32 v8, v0;
	[tilespmem:s0+$0x151E0] =	vst v7  }
0x30c: {  	v1 =	vmul.f32 v1, v0;
	v7 =	vld [tilespmem:s15+$0x4110];
	[tilespmem:s0+$0x151F0] =	vst v3;
	s0 =	smov.u32 s15  }
0x30d: {  	v2 =	vmul.f32 v2, v0;
	v3 =	vld [tilespmem:s0+$0x4180];
	[tilespmem:s0+$0x15190] =	vst v8  }
0x30e: {  	[tilespmem:s0+$0x15000] =	vst v1;
	v1 =	vld [tilespmem:s0+$0x5060];
	v4 =	vmul.f32 v4, v0  }
0x30f: {  	[tilespmem:s0+$0x15010] =	vst v2;
	v2 =	vld [tilespmem:s0+$0x5070];
	v5 =	vmul.f32 v5, v0  }
0x310: {  	v8 =	vld [tilespmem:s0+$0x6040];
	[tilespmem:s0+$0x15080] =	vst v4;
	v4 =	vmul.f32 v6, v0  }
0x311: {  	v6 =	vld [tilespmem:s0+$0x6050];
	[tilespmem:s0+$0x15090] =	vst v5;
	v5 =	vmul.f32 v7, v0  }
0x312: {  	v7 =	vld [tilespmem:s0+$0x7020];
	[tilespmem:s0+$0x15100] =	vst v4;
	v3 =	vmul.f32 v3, v0  }
0x313: {  	v4 =	vld [tilespmem:s0+$0x7030];
	[tilespmem:s0+$0x15110] =	vst v5  }
0x314: {  	v5 =	vld [tilespmem:s0+$0x50E0];
	[tilespmem:s0+$0x15180] =	vst v3  }
0x315: {  	[tilespmem:s0+$0x15020] =	vst v1;
	v1 =	vld [tilespmem:s0+$0x50F0]  }
0x316: {  	[tilespmem:s0+$0x15030] =	vst v2;
	v2 =	vld [tilespmem:s0+$0x60C0]  }
0x317: {  	[tilespmem:s0+$0x15040] =	vst v8;
	v3 =	vld [tilespmem:s0+$0x60D0]  }
0x318: {  	[tilespmem:s0+$0x15050] =	vst v6;
	v6 =	vld [tilespmem:s0+$0x70A0]  }
0x319: {  	[tilespmem:s0+$0x15060] =	vst v7;
	v7 =	vld [tilespmem:s0+$0x70B0]  }
0x31a: {  	[tilespmem:s0+$0x15070] =	vst v4;
	v4 =	vld [tilespmem:s0+$0x5160]  }
0x31b: {  	[tilespmem:s0+$0x150A0] =	vst v5;
	v5 =	vld [tilespmem:s0+$0x5170]  }
0x31c: {  	[tilespmem:s0+$0x150B0] =	vst v1;
	v8 =	vld [tilespmem:s0+$0x6140]  }
0x31d: {  	[tilespmem:s0+$0x150C0] =	vst v2;
	v9 =	vld [tilespmem:s0+$0x6150]  }
0x31e: {  	[tilespmem:s0+$0x150D0] =	vst v3;
	v3 =	vld [tilespmem:s0+$0x7120]  }
0x31f: {  	[tilespmem:s0+$0x150E0] =	vst v6;
	v1 =	vld [tilespmem:s0+$0x7130]  }
.Ltmp6:
0x320: {  	[tilespmem:s0+$0x150F0] =	vst v7;
	v2 =	vld [tilespmem:s0+$0x51E0];
	(pc) =	sbr.rel @p0 .LBB2_14-.Ltmp6, $4  }
0x321: {  	[tilespmem:s0+$0x15120] =	vst v4;
	v4 =	vld [tilespmem:s0+$0x51F0]  }
0x322: {  	[tilespmem:s0+$0x15130] =	vst v5;
	v5 =	vld [tilespmem:s0+$0x61C0]  }
0x323: {  	[tilespmem:s0+$0x15140] =	vst v8;
	v6 =	vld [tilespmem:s0+$0x61D0]  }
0x324: {  	s13 =	sadd.s32 $0x800, s13;
	[tilespmem:s0+$0x15150] =	vst v9;
	v7 =	vld [tilespmem:s0+$0x71A0]  }
0x325: {  	[tilespmem:s0+$0x15160] =	vst v3  }
0x326: {  	[tilespmem:s0+$0x15170] =	vst v1  }
0x327: {  	v3 =	vld [tilespmem:s0+$0x71B0];
	[tilespmem:s0+$0x151A0] =	vst v2  }
0x328: {  	[tilespmem:s0+$0x151B0] =	vst v4  }
0x329: {  	[tilespmem:s0+$0x151C0] =	vst v5  }
0x32a: {  	[tilespmem:s0+$0x151D0] =	vst v6  }
0x32b: {  	[tilespmem:s0+$0x151E0] =	vst v7  }
0x32c: {  	[tilespmem:s0+$0x151F0] =	vst v3  }
0x32d: {  	[hbm4b:s8+s11] =	stream.strided.scatter [tilespmem:s26], [sflag:$0x2], $0x1000, s14, s11, $0x38;
	[tilespmem:$0x19000] =	vst v63  }
0x32e: {  	_ =	swait.ge [sflag:s24], $0x1000  }
0x32f: {  	[sflag:s24] =	ssyncset.done $0x0  }
0x330: {  	[sflag:s24] =	ssyncadd.s32 $0xFFFFF000  }
0x331: {  	_ =	swait.ge [sflag:s24], $0x1000  }
0x332: {  	[sflag:s24] =	ssyncset.done $0x0  }
0x333: {  	[sflag:s24] =	ssyncadd.s32 $0xFFFFF000  }
0x334: {  	_ =	swait.ge [sflag:s24], $0x1000  }
0x335: {  	[sflag:s24] =	ssyncset.done $0x0  }
0x336: {  	[sflag:s24] =	ssyncadd.s32 $0xFFFFF000  }
0x337: {  	_ =	swait.ge [sflag:s24], $0x1000  }
0x338: {  	[sflag:s24] =	ssyncset.done $0x0  }
0x339: {  	[sflag:s24] =	ssyncadd.s32 $0xFFFFF000  }
0x33a: {  	_ =	swait.ge [sflag:s29], $0x1000  }
0x33b: {  	[sflag:s29] =	ssyncset.done $0x0  }
0x33c: {  	s0 =	simm.s32 $0x0;
	[sflag:s29] =	ssyncadd.s32 $0xFFFFF000  }
0x33d: {  	v1 =	vld [tilespmem:s0+$0x8000]  }
0x33e: {  	v3 =	vld [tilespmem:s0+$0x8010]  }
0x33f: {  	v9 =	vld [tilespmem:s0+$0xA140]  }
0x340: {  	v10 =	vld [tilespmem:s0+$0xA150]  }
0x341: {  	v4 =	vld [tilespmem:s0+$0x8080]  }
0x342: {  	v2 =	vld [tilespmem:s0+$0x8190]  }
0x343: {  	v5 =	vld [tilespmem:s0+$0x8090]  }
0x344: {  	v6 =	vld [tilespmem:s0+$0x8100];
	v1 =	vmul.f32 v1, v0;
	[tilespmem:s0+$0x16140] =	vst v9  }
0x345: {  	v7 =	vld [tilespmem:s0+$0x8110];
	v3 =	vmul.f32 v3, v0;
	[tilespmem:s0+$0x16150] =	vst v10  }
0x346: {  	v8 =	vld [tilespmem:s0+$0x8180];
	v4 =	vmul.f32 v4, v0;
	[tilespmem:s0+$0x16000] =	vst v1  }
0x347: {  	v1 =	vmul.f32 v2, v0;
	v2 =	vld [tilespmem:s0+$0x9060];
	[tilespmem:s0+$0x16010] =	vst v3  }
0x348: {  	v3 =	vmul.f32 v5, v0;
	v5 =	vld [tilespmem:s0+$0xA040];
	[tilespmem:s0+$0x16080] =	vst v4  }
0x349: {  	v4 =	vmul.f32 v6, v0;
	v6 =	vld [tilespmem:s0+$0xA050];
	[tilespmem:s0+$0x16190] =	vst v1  }
0x34a: {  	v1 =	vld [tilespmem:s0+$0x9070];
	[tilespmem:s0+$0x16090] =	vst v3;
	v3 =	vmul.f32 v7, v0  }
0x34b: {  	v7 =	vld [tilespmem:s0+$0xB020];
	[tilespmem:s0+$0x16100] =	vst v4;
	v4 =	vmul.f32 v8, v0  }
0x34c: {  	v8 =	vld [tilespmem:s0+$0xB030];
	[tilespmem:s0+$0x16110] =	vst v3  }
0x34d: {  	v3 =	vld [tilespmem:s0+$0x90E0];
	[tilespmem:s0+$0x16180] =	vst v4  }
0x34e: {  	v4 =	vld [tilespmem:s0+$0xA0D0];
	[tilespmem:s0+$0x16020] =	vst v2  }
0x34f: {  	v2 =	vld [tilespmem:s0+$0x90F0];
	[tilespmem:s0+$0x16040] =	vst v5  }
0x350: {  	[tilespmem:s0+$0x16050] =	vst v6;
	v5 =	vld [tilespmem:s0+$0xB0A0]  }
0x351: {  	v6 =	vld [tilespmem:s0+$0xB0B0];
	[tilespmem:s0+$0x16030] =	vst v1  }
0x352: {  	v1 =	vld [tilespmem:s0+$0xA0C0];
	[tilespmem:s0+$0x16060] =	vst v7  }
0x353: {  	[tilespmem:s0+$0x16070] =	vst v8;
	v7 =	vld [tilespmem:s0+$0x9160]  }
0x354: {  	v8 =	vld [tilespmem:s0+$0x9170];
	[tilespmem:s0+$0x160A0] =	vst v3  }
0x355: {  	[tilespmem:s0+$0x160D0] =	vst v4;
	v3 =	vld [tilespmem:s0+$0xB120]  }
0x356: {  	v4 =	vld [tilespmem:s0+$0x91F0];
	[tilespmem:s0+$0x160B0] =	vst v2  }
0x357: {  	[tilespmem:s0+$0x160E0] =	vst v5;
	v2 =	vld [tilespmem:s0+$0x91E0]  }
0x358: {  	[tilespmem:s0+$0x160C0] =	vst v1;
	v1 =	vld [tilespmem:s0+$0xB130]  }
0x359: {  	[tilespmem:s0+$0x160F0] =	vst v6;
	v5 =	vld [tilespmem:s0+$0xA1C0]  }
0x35a: {  	v6 =	vld [tilespmem:s0+$0xA1D0];
	[tilespmem:s0+$0x16120] =	vst v7  }
0x35b: {  	s1 =	simm.s32 $0x0;
	s13 =	simm.s32 $0x800;
	[tilespmem:s0+$0x16130] =	vst v8;
	v7 =	vld [tilespmem:s0+$0xB1A0]  }
.LBB2_16:
0x35c: {  	s15 =	sshra.s32 s13, $0x2;
	s1 =	sadd.s32 $0x4, s1;
	[tilespmem:s0+$0x16160] =	vst v3;
	v3 =	vld [tilespmem:s0+$0xB1B0]  }
0x35d: {  	v8 =	vld [tilespmem:s15+$0x8190];
	p0 =	slt.u32 s1, $0x1C;
	[tilespmem:s0+$0x16170] =	vst v1  }
0x35e: {  	v1 =	vld [tilespmem:s15+$0x8000];
	[tilespmem:s0+$0x161A0] =	vst v2  }
0x35f: {  	v2 =	vld [tilespmem:s15+$0x8010];
	[tilespmem:s0+$0x161B0] =	vst v4  }
0x360: {  	v4 =	vld [tilespmem:s15+$0x8080];
	[tilespmem:s0+$0x161C0] =	vst v5  }
0x361: {  	v5 =	vld [tilespmem:s15+$0x8090];
	[tilespmem:s0+$0x161D0] =	vst v6  }
0x362: {  	v6 =	vld [tilespmem:s15+$0x8100];
	v8 =	vmul.f32 v8, v0;
	[tilespmem:s0+$0x161E0] =	vst v7  }
0x363: {  	v1 =	vmul.f32 v1, v0;
	v7 =	vld [tilespmem:s15+$0x8110];
	[tilespmem:s0+$0x161F0] =	vst v3;
	s0 =	smov.u32 s15  }
0x364: {  	v2 =	vmul.f32 v2, v0;
	v3 =	vld [tilespmem:s0+$0x8180];
	[tilespmem:s0+$0x16190] =	vst v8  }
0x365: {  	[tilespmem:s0+$0x16000] =	vst v1;
	v1 =	vld [tilespmem:s0+$0x9060];
	v4 =	vmul.f32 v4, v0  }
0x366: {  	[tilespmem:s0+$0x16010] =	vst v2;
	v2 =	vld [tilespmem:s0+$0x9070];
	v5 =	vmul.f32 v5, v0  }
0x367: {  	v8 =	vld [tilespmem:s0+$0xA040];
	[tilespmem:s0+$0x16080] =	vst v4;
	v4 =	vmul.f32 v6, v0  }
0x368: {  	v6 =	vld [tilespmem:s0+$0xA050];
	[tilespmem:s0+$0x16090] =	vst v5;
	v5 =	vmul.f32 v7, v0  }
0x369: {  	v7 =	vld [tilespmem:s0+$0xB020];
	[tilespmem:s0+$0x16100] =	vst v4;
	v3 =	vmul.f32 v3, v0  }
0x36a: {  	v4 =	vld [tilespmem:s0+$0xB030];
	[tilespmem:s0+$0x16110] =	vst v5  }
0x36b: {  	v5 =	vld [tilespmem:s0+$0x90E0];
	[tilespmem:s0+$0x16180] =	vst v3  }
0x36c: {  	[tilespmem:s0+$0x16020] =	vst v1;
	v1 =	vld [tilespmem:s0+$0x90F0]  }
0x36d: {  	[tilespmem:s0+$0x16030] =	vst v2;
	v2 =	vld [tilespmem:s0+$0xA0C0]  }
0x36e: {  	[tilespmem:s0+$0x16040] =	vst v8;
	v3 =	vld [tilespmem:s0+$0xA0D0]  }
0x36f: {  	[tilespmem:s0+$0x16050] =	vst v6;
	v6 =	vld [tilespmem:s0+$0xB0A0]  }
0x370: {  	[tilespmem:s0+$0x16060] =	vst v7;
	v7 =	vld [tilespmem:s0+$0xB0B0]  }
0x371: {  	[tilespmem:s0+$0x16070] =	vst v4;
	v4 =	vld [tilespmem:s0+$0x9160]  }
0x372: {  	[tilespmem:s0+$0x160A0] =	vst v5;
	v5 =	vld [tilespmem:s0+$0x9170]  }
0x373: {  	[tilespmem:s0+$0x160B0] =	vst v1;
	v8 =	vld [tilespmem:s0+$0xA140]  }
0x374: {  	[tilespmem:s0+$0x160C0] =	vst v2;
	v9 =	vld [tilespmem:s0+$0xA150]  }
0x375: {  	[tilespmem:s0+$0x160D0] =	vst v3;
	v3 =	vld [tilespmem:s0+$0xB120]  }
0x376: {  	[tilespmem:s0+$0x160E0] =	vst v6;
	v1 =	vld [tilespmem:s0+$0xB130]  }
.Ltmp7:
0x377: {  	[tilespmem:s0+$0x160F0] =	vst v7;
	v2 =	vld [tilespmem:s0+$0x91E0];
	(pc) =	sbr.rel @p0 .LBB2_16-.Ltmp7, $4  }
0x378: {  	[tilespmem:s0+$0x16120] =	vst v4;
	v4 =	vld [tilespmem:s0+$0x91F0]  }
0x379: {  	[tilespmem:s0+$0x16130] =	vst v5;
	v5 =	vld [tilespmem:s0+$0xA1C0]  }
0x37a: {  	[tilespmem:s0+$0x16140] =	vst v8;
	v6 =	vld [tilespmem:s0+$0xA1D0]  }
0x37b: {  	s13 =	sadd.s32 $0x800, s13;
	[tilespmem:s0+$0x16150] =	vst v9;
	v7 =	vld [tilespmem:s0+$0xB1A0]  }
0x37c: {  	[tilespmem:s0+$0x16160] =	vst v3  }
0x37d: {  	[tilespmem:s0+$0x16170] =	vst v1  }
0x37e: {  	v3 =	vld [tilespmem:s0+$0xB1B0];
	[tilespmem:s0+$0x161A0] =	vst v2  }
0x37f: {  	[tilespmem:s0+$0x161B0] =	vst v4  }
0x380: {  	[tilespmem:s0+$0x161C0] =	vst v5  }
0x381: {  	[tilespmem:s0+$0x161D0] =	vst v6  }
0x382: {  	[tilespmem:s0+$0x161E0] =	vst v7  }
0x383: {  	[tilespmem:s0+$0x161F0] =	vst v3  }
0x384: {  	[hbm4b:s9+s11] =	stream.strided.scatter [tilespmem:s28], [sflag:$0x2], $0x1000, s14, s11, $0x38;
	[tilespmem:$0x19000] =	vst v63  }
0x385: {  	_ =	swait.ge [sflag:s29], $0x1000  }
0x386: {  	[sflag:s29] =	ssyncset.done $0x0  }
0x387: {  	[sflag:s29] =	ssyncadd.s32 $0xFFFFF000  }
0x388: {  	_ =	swait.ge [sflag:s29], $0x1000  }
0x389: {  	[sflag:s29] =	ssyncset.done $0x0  }
0x38a: {  	[sflag:s29] =	ssyncadd.s32 $0xFFFFF000  }
0x38b: {  	_ =	swait.ge [sflag:s29], $0x1000  }
0x38c: {  	[sflag:s29] =	ssyncset.done $0x0  }
0x38d: {  	s30 =	sadd.s32 $0x1, s30;
	[sflag:s29] =	ssyncadd.s32 $0xFFFFF000  }
0x38e: {  	p0 =	sne.s32 s30, s10;
	_ =	swait.ge [sflag:s29], $0x1000  }
.Ltmp8:
0x38f: {  	[sflag:s29] =	ssyncset.done $0x0;
	(pc) =	sbr.rel @p0 .LBB2_1-.Ltmp8, $4  }
0x390: {  	[sflag:s29] =	ssyncadd.s32 $0xFFFFF000  }
0x391: {  	_ =	swait.ge [sflag:s29], $0x1000  }
0x392: {  	[sflag:s29] =	ssyncset.done $0x0  }
0x393: {  	[sflag:s29] =	ssyncadd.s32 $0xFFFFF000  }
0x394: {  	_ =	sfence.sel $0x180000  }
0x395: {  	[bflag:$0x0] =	sbarrier.arrive $0xFFFF  }
0x396: {  	_ =	strace $0x90000047  }
0x397: {  	s0 =	stileid.u32;
	[bflag:$0x2] =	sbarrier.arrive $0xFFFF  }
0x398: {  	p0 =	sne.s32 s0, $0x0;
	s0 =	rddreg [dreg:$0x2]  }
0x399: {  	s0 =	sadd.s32 @!p0 $0x100000, s0  }
0x39a: {  	[sflag:s0] =	ssyncadd.tile.s32 @!p0 $0x1;
	_ =	shalt  }
.Lfunc_end2:
_tile_overlayer_lowered:
.L_overlay_start_2:
0x39b: {  	(tag) =	ssettag $0x2  }
0x39c: {  	s0 =	rddreg [dreg:$0x0];
	s2 =	stileid.u32  }
0x39d: {  	s1 =	rddreg [dreg:$0x1];
	p0 =	sne.s32 s2, $0x0  }
0x39e: {  	s3 =	rddreg [dreg:$0x2];
	[bflag:$0x3] =	sbarrier.arrive $0xFFFF;
	s2 =	simm.s32 @!p0 $0x1C03  }
0x39f: {  	[timem:s3], [sflag:s2] =	dma.local @!p0 [hbm:s0], s1  }
0x3a0: {  	s0 =	simm.s32 @!p0 $0x3  }
0x3a1: {  	_ =	swait.ge @!p0 [sflag:s0], s1  }
0x3a2: {  	s1 =	ssub.s32 @!p0 $0x0, s1;
	[sflag:s0] =	ssyncset.done @!p0 $0x0  }
0x3a3: {  	[sflag:s0] =	ssyncadd.s32 @!p0 s1  }
0x3a4: {  	[bflag:$0x3] =	sbarrier.arrive $0xFFFF  }
0x3a5: {  	_ =	shalt  }

</sc_bundles>
